<compile_context>
chip_gen: v7x
topology: tpu7x:2x2x1
jax: 0.10.2.dev20260603
libtpu: 0.0.44.dev20260713+nightly
codegen_flags: <defaults>
</compile_context>

<pallas_src>
import functools

import jax
import jax.numpy as jnp
from jax import lax
from jax.experimental import pallas as pl
from jax.experimental.pallas import tpu as pltpu
from jax.experimental.pallas import tpu_sc as plsc

_GAMMA = 12.0
_B = 16384
_D = 128
_NW = 32
_BPW = _B // _NW
_C = 128
_SIZES = (32, 96, 128, 128, 96, 32)
_OFFS = (0, 32, 128, 256, 384, 480)
_NCHUNK = len(_SIZES)
_NSEG = _D // 16
_PSTRIDE = 17
_NSLOT = 3

_mesh = plsc.VectorSubcoreMesh(core_axis_name="c", subcore_axis_name="s")


@functools.partial(
    pl.kernel,
    mesh=_mesh,
    out_type=jax.ShapeDtypeStruct((_B,), jnp.float32),
    compiler_params=pltpu.CompilerParams(needs_layout_passes=False),
    scratch_types=[
        pltpu.VMEM((_NCHUNK, _C), jnp.int32),
        pltpu.VMEM((_NCHUNK, _C), jnp.int32),
        pltpu.VMEM((_NCHUNK, _C), jnp.int32),
        pltpu.VMEM((_NSLOT, _C, _D), jnp.float32),
        pltpu.VMEM((_NSLOT, _C, _D), jnp.float32),
        pltpu.VMEM(((_C // 16) * 16 * _PSTRIDE,), jnp.float32),
        pltpu.VMEM((_BPW,), jnp.float32),
        pltpu.SemaphoreType.DMA,
        [pltpu.SemaphoreType.DMA] * _NSLOT,
        [pltpu.SemaphoreType.DMA] * _NSLOT,
    ],
)
def _kge_score(hidx_hbm, ridx_hbm, tidx_hbm, ent_hbm, rel_hbm, out_hbm,
               hi_v, ri_v, ti_v, x_v, t_v, p_v, score_v,
               isem, rsems, gsems):
    wid = lax.axis_index("s") * 2 + lax.axis_index("c")
    base = pl.multiple_of(wid * _BPW, _BPW)
    iota16 = lax.iota(jnp.int32, 16)

    idx_cp = {}
    rel_cp = {}
    ht_cp = {}

    def start_idx(ci):
        sz = _SIZES[ci]
        off = pl.multiple_of(base + _OFFS[ci], 8)
        idx_cp[ci] = [
            pltpu.async_copy(src.at[pl.ds(off, sz)],
                             dst.at[ci, pl.ds(0, sz)], isem)
            for src, dst in ((hidx_hbm, hi_v), (ridx_hbm, ri_v),
                             (tidx_hbm, ti_v))
        ]

    def start_rel(ci):
        slot = ci % _NSLOT
        sz = _SIZES[ci]
        for cp in idx_cp[ci]:
            cp.wait()
        rel_cp[ci] = pltpu.async_copy(
            rel_hbm.at[ri_v.at[ci, pl.ds(0, sz)]],
            x_v.at[slot, pl.ds(0, sz)], rsems[slot])

    def start_head_tail(ci):
        slot = ci % _NSLOT
        sz = _SIZES[ci]
        rel_cp[ci].wait()
        ht_cp[ci] = [
            pltpu.async_copy(
                ent_hbm.at[hi_v.at[ci, pl.ds(0, sz)]],
                x_v.at[slot, pl.ds(0, sz)], gsems[slot], add=True),
            pltpu.async_copy(
                ent_hbm.at[ti_v.at[ci, pl.ds(0, sz)]],
                t_v.at[slot, pl.ds(0, sz)], gsems[slot]),
        ]

    def compute(ci):
        slot = ci % _NSLOT
        sz = _SIZES[ci]

        def row_body(i, carry):
            for k in range(2):
                row = i * 2 + k
                g = row >> 4
                rr = row & 15
                acc = jnp.zeros((16,), jnp.float32)
                for j in range(_NSEG):
                    xseg = x_v[slot, row, pl.ds(j * 16, 16)]
                    tseg = t_v[slot, row, pl.ds(j * 16, 16)]
                    acc = acc + jnp.abs(xseg - tseg)
                pbase = g * (16 * _PSTRIDE) + rr
                plsc.store_scatter(p_v, [iota16 * _PSTRIDE + pbase], acc)
            return carry

        def group_body(g, carry):
            gbase = g * (16 * _PSTRIDE)
            tot = jnp.zeros((16,), jnp.float32)
            for j in range(16):
                tot = tot + plsc.load_gather(
                    p_v, [iota16 + (gbase + j * _PSTRIDE)])
            score_v[pl.ds(_OFFS[ci] + g * 16, 16)] = _GAMMA - tot
            return carry

        lax.fori_loop(0, sz // 2, row_body, 0)
        lax.fori_loop(0, sz // 16, group_body, 0)

    for ci in range(_NCHUNK):
        start_idx(ci)
    start_rel(0)
    start_head_tail(0)
    start_rel(1)
    for ci in range(_NCHUNK):
        for cp in ht_cp[ci]:
            cp.wait()
        if ci + 1 < _NCHUNK:
            start_head_tail(ci + 1)
        if ci + 2 < _NCHUNK:
            start_rel(ci + 2)
        compute(ci)

    pltpu.sync_copy(score_v, out_hbm.at[pl.ds(base, _BPW)])


def kernel(sample, ent_emb, rel_emb, time_emb):
    del time_emb
    hidx = sample[:, 0]
    ridx = sample[:, 1]
    tidx = sample[:, 2]
    score = _kge_score(hidx, ridx, tidx, ent_emb, rel_emb)
    return score[:, None]

# --- scband reference (transcript-rebuilt; emitter-appended) ---
"""Pipeline reference for scband-kgemodel-386547057413 (READ-ONLY COPY).

The authoritative reference and input builder live on the scoring server;
editing this copy changes nothing except your own understanding.
"""

import jax, jax.numpy as jnp
import numpy as np

GAMMA = 12.0  # args.gamma

def setup_inputs(seed: int = 0) -> dict:
    key = jax.random.key(seed)
    k1, k2, k3, k4 = jax.random.split(key, 4)
    sample = jax.random.randint(k1, (16384, 4), 0, 100000, dtype=jnp.int32)
    ent_emb = jax.random.normal(k2, (100000, 128), dtype=jnp.float32)
    rel_emb = jax.random.normal(k3, (100000, 128), dtype=jnp.float32)
    time_emb = jax.random.normal(k4, (100000, 128), dtype=jnp.float32)
    return {"sample": sample, "ent_emb": ent_emb, "rel_emb": rel_emb, "time_emb": time_emb}

def reference(sample, ent_emb, rel_emb, time_emb):
    # mode='single', model_name='TransE'
    head = jnp.take(ent_emb, sample[:, 0], axis=0)[:, None, :]
    relation = jnp.take(rel_emb, sample[:, 1], axis=0)[:, None, :]
    time = jnp.take(time_emb, sample[:, 3], axis=0)[:, None, :]  # gathered, unused by TransE score
    tail = jnp.take(ent_emb, sample[:, 2], axis=0)[:, None, :]
    score = GAMMA - jnp.sum(jnp.abs(head + relation - tail), axis=2)  # L1 norm over dim 2
    return score  # original returns (score, None); reg is None for TransE

if __name__ == "__main__":
    import jax
    _d = setup_inputs()
    print(jax.jit(kernel)(*tuple(_d.values())))

</pallas_src>

<mosaic_0001>
#map = affine_map<(d0, d1) -> (0)>
#map1 = affine_map<(d0, d1) -> (0, 0)>
module attributes {stable_mosaic.version = 14 : i64} {
  func.func @_kge_score(%arg0: i32, %arg1: i32, %arg2: memref<16384xi32, #tpu.memory_space<hbm>>, %arg3: memref<16384xi32, #tpu.memory_space<hbm>>, %arg4: memref<16384xi32, #tpu.memory_space<hbm>>, %arg5: memref<100000x128xf32, #tpu.memory_space<hbm>>, %arg6: memref<100000x128xf32, #tpu.memory_space<hbm>>, %arg7: memref<16384xf32, #tpu.memory_space<hbm>>, %arg8: memref<6x128xi32, #tpu.memory_space<vmem>>, %arg9: memref<6x128xi32, #tpu.memory_space<vmem>>, %arg10: memref<6x128xi32, #tpu.memory_space<vmem>>, %arg11: memref<3x128x128xf32, #tpu.memory_space<vmem>>, %arg12: memref<3x128x128xf32, #tpu.memory_space<vmem>>, %arg13: memref<2176xf32, #tpu.memory_space<vmem>>, %arg14: memref<512xf32, #tpu.memory_space<vmem>>, %arg15: memref<!tpu.dma_semaphore, #tpu.memory_space<semaphore_mem>>, %arg16: memref<!tpu.dma_semaphore, #tpu.memory_space<semaphore_mem>>, %arg17: memref<!tpu.dma_semaphore, #tpu.memory_space<semaphore_mem>>, %arg18: memref<!tpu.dma_semaphore, #tpu.memory_space<semaphore_mem>>, %arg19: memref<!tpu.dma_semaphore, #tpu.memory_space<semaphore_mem>>, %arg20: memref<!tpu.dma_semaphore, #tpu.memory_space<semaphore_mem>>, %arg21: memref<!tpu.dma_semaphore, #tpu.memory_space<semaphore_mem>>) attributes {dimension_semantics = [#tpu.dimension_semantics<core_parallel>, #tpu.dimension_semantics<subcore_parallel>], iteration_bounds = array<i64: 2, 16>, scalar_prefetch = 0 : i64, scratch_operands = 14 : i64, tpu.core_type = #tpu.core_type<sc_vector_subcore>, window_params = [{transform_indices = #map}, {transform_indices = #map}, {transform_indices = #map}, {transform_indices = #map1}, {transform_indices = #map1}, {transform_indices = #map}]} {
    %mul3A = arith.constant 2 : i32
    %mul3A_0 = arith.muli %arg1, %mul3A : i32
    %add3A = arith.addi %mul3A_0, %arg0 : i32
    %mul3A_1 = arith.constant 512 : i32
    %mul3A_2 = arith.muli %add3A, %mul3A_1 : i32
    %multiple_of3A = tpu.assume_multiple %mul3A_2, 512 : i32
    %iota3A = tpu.iota {dimensions = array<i32: 0>} : vector<16xi32>
    %add3A_3 = arith.constant 0 : i32
    %add3A_4 = arith.addi %multiple_of3A, %add3A_3 : i32
    %multiple_of3A_5 = tpu.assume_multiple %add3A_4, 8 : i32
    %dma_start3A = arith.constant 0 : i32
    %dma_start3A_6 = arith.constant 0 : i32
    %dma_start3A_7 = tpu.memref_slice %arg8[%dma_start3A, %dma_start3A_6] : memref<6x128xi32, #tpu.memory_space<vmem>> -> memref<1x32xi32, #tpu.memory_space<vmem>>
    %dma_start3A_8 = tpu.memref_squeeze %dma_start3A_7 : memref<1x32xi32, #tpu.memory_space<vmem>> -> memref<32xi32, #tpu.memory_space<vmem>>
    %dma_start3A_9 = tpu.memref_slice %arg2[%multiple_of3A_5] : memref<16384xi32, #tpu.memory_space<hbm>> -> memref<32xi32, #tpu.memory_space<hbm>>
    %dma_start3A_10 = arith.constant 0 : i32
    %dma_start3A_11 = tpu.memref_slice %arg8[%dma_start3A, %dma_start3A_10] : memref<6x128xi32, #tpu.memory_space<vmem>> -> memref<1x32xi32, #tpu.memory_space<vmem>>
    %dma_start3A_12 = tpu.memref_squeeze %dma_start3A_11 : memref<1x32xi32, #tpu.memory_space<vmem>> -> memref<32xi32, #tpu.memory_space<vmem>>
    %dma_start3A_13 = tpu.memref_slice %arg2[%multiple_of3A_5] : memref<16384xi32, #tpu.memory_space<hbm>> -> memref<32xi32, #tpu.memory_space<hbm>>
    tpu.enqueue_dma source(%dma_start3A_13 : memref<32xi32, #tpu.memory_space<hbm>>) target(%dma_start3A_12 : memref<32xi32, #tpu.memory_space<vmem>>) target_semaphore(%arg15 : memref<!tpu.dma_semaphore, #tpu.memory_space<semaphore_mem>>)
    %dma_start3A_14 = arith.constant 0 : i32
    %dma_start3A_15 = arith.constant 0 : i32
    %dma_start3A_16 = tpu.memref_slice %arg9[%dma_start3A_14, %dma_start3A_15] : memref<6x128xi32, #tpu.memory_space<vmem>> -> memref<1x32xi32, #tpu.memory_space<vmem>>
    %dma_start3A_17 = tpu.memref_squeeze %dma_start3A_16 : memref<1x32xi32, #tpu.memory_space<vmem>> -> memref<32xi32, #tpu.memory_space<vmem>>
    %dma_start3A_18 = tpu.memref_slice %arg3[%multiple_of3A_5] : memref<16384xi32, #tpu.memory_space<hbm>> -> memref<32xi32, #tpu.memory_space<hbm>>
    %dma_start3A_19 = arith.constant 0 : i32
    %dma_start3A_20 = tpu.memref_slice %arg9[%dma_start3A_14, %dma_start3A_19] : memref<6x128xi32, #tpu.memory_space<vmem>> -> memref<1x32xi32, #tpu.memory_space<vmem>>
    %dma_start3A_21 = tpu.memref_squeeze %dma_start3A_20 : memref<1x32xi32, #tpu.memory_space<vmem>> -> memref<32xi32, #tpu.memory_space<vmem>>
    %dma_start3A_22 = tpu.memref_slice %arg3[%multiple_of3A_5] : memref<16384xi32, #tpu.memory_space<hbm>> -> memref<32xi32, #tpu.memory_space<hbm>>
    tpu.enqueue_dma source(%dma_start3A_22 : memref<32xi32, #tpu.memory_space<hbm>>) target(%dma_start3A_21 : memref<32xi32, #tpu.memory_space<vmem>>) target_semaphore(%arg15 : memref<!tpu.dma_semaphore, #tpu.memory_space<semaphore_mem>>)
    %dma_start3A_23 = arith.constant 0 : i32
    %dma_start3A_24 = arith.constant 0 : i32
    %dma_start3A_25 = tpu.memref_slice %arg10[%dma_start3A_23, %dma_start3A_24] : memref<6x128xi32, #tpu.memory_space<vmem>> -> memref<1x32xi32, #tpu.memory_space<vmem>>
    %dma_start3A_26 = tpu.memref_squeeze %dma_start3A_25 : memref<1x32xi32, #tpu.memory_space<vmem>> -> memref<32xi32, #tpu.memory_space<vmem>>
    %dma_start3A_27 = tpu.memref_slice %arg4[%multiple_of3A_5] : memref<16384xi32, #tpu.memory_space<hbm>> -> memref<32xi32, #tpu.memory_space<hbm>>
    %dma_start3A_28 = arith.constant 0 : i32
    %dma_start3A_29 = tpu.memref_slice %arg10[%dma_start3A_23, %dma_start3A_28] : memref<6x128xi32, #tpu.memory_space<vmem>> -> memref<1x32xi32, #tpu.memory_space<vmem>>
    %dma_start3A_30 = tpu.memref_squeeze %dma_start3A_29 : memref<1x32xi32, #tpu.memory_space<vmem>> -> memref<32xi32, #tpu.memory_space<vmem>>
    %dma_start3A_31 = tpu.memref_slice %arg4[%multiple_of3A_5] : memref<16384xi32, #tpu.memory_space<hbm>> -> memref<32xi32, #tpu.memory_space<hbm>>
    tpu.enqueue_dma source(%dma_start3A_31 : memref<32xi32, #tpu.memory_space<hbm>>) target(%dma_start3A_30 : memref<32xi32, #tpu.memory_space<vmem>>) target_semaphore(%arg15 : memref<!tpu.dma_semaphore, #tpu.memory_space<semaphore_mem>>)
    %add3A_32 = arith.constant 32 : i32
    %add3A_33 = arith.addi %multiple_of3A, %add3A_32 : i32
    %multiple_of3A_34 = tpu.assume_multiple %add3A_33, 8 : i32
    %dma_start3A_35 = arith.constant 1 : i32
    %dma_start3A_36 = arith.constant 0 : i32
    %dma_start3A_37 = tpu.memref_slice %arg8[%dma_start3A_35, %dma_start3A_36] : memref<6x128xi32, #tpu.memory_space<vmem>> -> memref<1x96xi32, #tpu.memory_space<vmem>>
    %dma_start3A_38 = tpu.memref_squeeze %dma_start3A_37 : memref<1x96xi32, #tpu.memory_space<vmem>> -> memref<96xi32, #tpu.memory_space<vmem>>
    %dma_start3A_39 = tpu.memref_slice %arg2[%multiple_of3A_34] : memref<16384xi32, #tpu.memory_space<hbm>> -> memref<96xi32, #tpu.memory_space<hbm>>
    %dma_start3A_40 = arith.constant 0 : i32
    %dma_start3A_41 = tpu.memref_slice %arg8[%dma_start3A_35, %dma_start3A_40] : memref<6x128xi32, #tpu.memory_space<vmem>> -> memref<1x96xi32, #tpu.memory_space<vmem>>
    %dma_start3A_42 = tpu.memref_squeeze %dma_start3A_41 : memref<1x96xi32, #tpu.memory_space<vmem>> -> memref<96xi32, #tpu.memory_space<vmem>>
    %dma_start3A_43 = tpu.memref_slice %arg2[%multiple_of3A_34] : memref<16384xi32, #tpu.memory_space<hbm>> -> memref<96xi32, #tpu.memory_space<hbm>>
    tpu.enqueue_dma source(%dma_start3A_43 : memref<96xi32, #tpu.memory_space<hbm>>) target(%dma_start3A_42 : memref<96xi32, #tpu.memory_space<vmem>>) target_semaphore(%arg15 : memref<!tpu.dma_semaphore, #tpu.memory_space<semaphore_mem>>)
    %dma_start3A_44 = arith.constant 1 : i32
    %dma_start3A_45 = arith.constant 0 : i32
    %dma_start3A_46 = tpu.memref_slice %arg9[%dma_start3A_44, %dma_start3A_45] : memref<6x128xi32, #tpu.memory_space<vmem>> -> memref<1x96xi32, #tpu.memory_space<vmem>>
    %dma_start3A_47 = tpu.memref_squeeze %dma_start3A_46 : memref<1x96xi32, #tpu.memory_space<vmem>> -> memref<96xi32, #tpu.memory_space<vmem>>
    %dma_start3A_48 = tpu.memref_slice %arg3[%multiple_of3A_34] : memref<16384xi32, #tpu.memory_space<hbm>> -> memref<96xi32, #tpu.memory_space<hbm>>
    %dma_start3A_49 = arith.constant 0 : i32
    %dma_start3A_50 = tpu.memref_slice %arg9[%dma_start3A_44, %dma_start3A_49] : memref<6x128xi32, #tpu.memory_space<vmem>> -> memref<1x96xi32, #tpu.memory_space<vmem>>
    %dma_start3A_51 = tpu.memref_squeeze %dma_start3A_50 : memref<1x96xi32, #tpu.memory_space<vmem>> -> memref<96xi32, #tpu.memory_space<vmem>>
    %dma_start3A_52 = tpu.memref_slice %arg3[%multiple_of3A_34] : memref<16384xi32, #tpu.memory_space<hbm>> -> memref<96xi32, #tpu.memory_space<hbm>>
    tpu.enqueue_dma source(%dma_start3A_52 : memref<96xi32, #tpu.memory_space<hbm>>) target(%dma_start3A_51 : memref<96xi32, #tpu.memory_space<vmem>>) target_semaphore(%arg15 : memref<!tpu.dma_semaphore, #tpu.memory_space<semaphore_mem>>)
    %dma_start3A_53 = arith.constant 1 : i32
    %dma_start3A_54 = arith.constant 0 : i32
    %dma_start3A_55 = tpu.memref_slice %arg10[%dma_start3A_53, %dma_start3A_54] : memref<6x128xi32, #tpu.memory_space<vmem>> -> memref<1x96xi32, #tpu.memory_space<vmem>>
    %dma_start3A_56 = tpu.memref_squeeze %dma_start3A_55 : memref<1x96xi32, #tpu.memory_space<vmem>> -> memref<96xi32, #tpu.memory_space<vmem>>
    %dma_start3A_57 = tpu.memref_slice %arg4[%multiple_of3A_34] : memref<16384xi32, #tpu.memory_space<hbm>> -> memref<96xi32, #tpu.memory_space<hbm>>
    %dma_start3A_58 = arith.constant 0 : i32
    %dma_start3A_59 = tpu.memref_slice %arg10[%dma_start3A_53, %dma_start3A_58] : memref<6x128xi32, #tpu.memory_space<vmem>> -> memref<1x96xi32, #tpu.memory_space<vmem>>
    %dma_start3A_60 = tpu.memref_squeeze %dma_start3A_59 : memref<1x96xi32, #tpu.memory_space<vmem>> -> memref<96xi32, #tpu.memory_space<vmem>>
    %dma_start3A_61 = tpu.memref_slice %arg4[%multiple_of3A_34] : memref<16384xi32, #tpu.memory_space<hbm>> -> memref<96xi32, #tpu.memory_space<hbm>>
    tpu.enqueue_dma source(%dma_start3A_61 : memref<96xi32, #tpu.memory_space<hbm>>) target(%dma_start3A_60 : memref<96xi32, #tpu.memory_space<vmem>>) target_semaphore(%arg15 : memref<!tpu.dma_semaphore, #tpu.memory_space<semaphore_mem>>)
    %add3A_62 = arith.constant 128 : i32
    %add3A_63 = arith.addi %multiple_of3A, %add3A_62 : i32
    %multiple_of3A_64 = tpu.assume_multiple %add3A_63, 8 : i32
    %dma_start3A_65 = arith.constant 2 : i32
    %dma_start3A_66 = arith.constant 0 : i32
    %dma_start3A_67 = tpu.memref_slice %arg8[%dma_start3A_65, %dma_start3A_66] : memref<6x128xi32, #tpu.memory_space<vmem>> -> memref<1x128xi32, #tpu.memory_space<vmem>>
    %dma_start3A_68 = tpu.memref_squeeze %dma_start3A_67 : memref<1x128xi32, #tpu.memory_space<vmem>> -> memref<128xi32, #tpu.memory_space<vmem>>
    %dma_start3A_69 = tpu.memref_slice %arg2[%multiple_of3A_64] : memref<16384xi32, #tpu.memory_space<hbm>> -> memref<128xi32, #tpu.memory_space<hbm>>
    %dma_start3A_70 = arith.constant 0 : i32
    %dma_start3A_71 = tpu.memref_slice %arg8[%dma_start3A_65, %dma_start3A_70] : memref<6x128xi32, #tpu.memory_space<vmem>> -> memref<1x128xi32, #tpu.memory_space<vmem>>
    %dma_start3A_72 = tpu.memref_squeeze %dma_start3A_71 : memref<1x128xi32, #tpu.memory_space<vmem>> -> memref<128xi32, #tpu.memory_space<vmem>>
    %dma_start3A_73 = tpu.memref_slice %arg2[%multiple_of3A_64] : memref<16384xi32, #tpu.memory_space<hbm>> -> memref<128xi32, #tpu.memory_space<hbm>>
    tpu.enqueue_dma source(%dma_start3A_73 : memref<128xi32, #tpu.memory_space<hbm>>) target(%dma_start3A_72 : memref<128xi32, #tpu.memory_space<vmem>>) target_semaphore(%arg15 : memref<!tpu.dma_semaphore, #tpu.memory_space<semaphore_mem>>)
    %dma_start3A_74 = arith.constant 2 : i32
    %dma_start3A_75 = arith.constant 0 : i32
    %dma_start3A_76 = tpu.memref_slice %arg9[%dma_start3A_74, %dma_start3A_75] : memref<6x128xi32, #tpu.memory_space<vmem>> -> memref<1x128xi32, #tpu.memory_space<vmem>>
    %dma_start3A_77 = tpu.memref_squeeze %dma_start3A_76 : memref<1x128xi32, #tpu.memory_space<vmem>> -> memref<128xi32, #tpu.memory_space<vmem>>
    %dma_start3A_78 = tpu.memref_slice %arg3[%multiple_of3A_64] : memref<16384xi32, #tpu.memory_space<hbm>> -> memref<128xi32, #tpu.memory_space<hbm>>
    %dma_start3A_79 = arith.constant 0 : i32
    %dma_start3A_80 = tpu.memref_slice %arg9[%dma_start3A_74, %dma_start3A_79] : memref<6x128xi32, #tpu.memory_space<vmem>> -> memref<1x128xi32, #tpu.memory_space<vmem>>
    %dma_start3A_81 = tpu.memref_squeeze %dma_start3A_80 : memref<1x128xi32, #tpu.memory_space<vmem>> -> memref<128xi32, #tpu.memory_space<vmem>>
    %dma_start3A_82 = tpu.memref_slice %arg3[%multiple_of3A_64] : memref<16384xi32, #tpu.memory_space<hbm>> -> memref<128xi32, #tpu.memory_space<hbm>>
    tpu.enqueue_dma source(%dma_start3A_82 : memref<128xi32, #tpu.memory_space<hbm>>) target(%dma_start3A_81 : memref<128xi32, #tpu.memory_space<vmem>>) target_semaphore(%arg15 : memref<!tpu.dma_semaphore, #tpu.memory_space<semaphore_mem>>)
    %dma_start3A_83 = arith.constant 2 : i32
    %dma_start3A_84 = arith.constant 0 : i32
    %dma_start3A_85 = tpu.memref_slice %arg10[%dma_start3A_83, %dma_start3A_84] : memref<6x128xi32, #tpu.memory_space<vmem>> -> memref<1x128xi32, #tpu.memory_space<vmem>>
    %dma_start3A_86 = tpu.memref_squeeze %dma_start3A_85 : memref<1x128xi32, #tpu.memory_space<vmem>> -> memref<128xi32, #tpu.memory_space<vmem>>
    %dma_start3A_87 = tpu.memref_slice %arg4[%multiple_of3A_64] : memref<16384xi32, #tpu.memory_space<hbm>> -> memref<128xi32, #tpu.memory_space<hbm>>
    %dma_start3A_88 = arith.constant 0 : i32
    %dma_start3A_89 = tpu.memref_slice %arg10[%dma_start3A_83, %dma_start3A_88] : memref<6x128xi32, #tpu.memory_space<vmem>> -> memref<1x128xi32, #tpu.memory_space<vmem>>
    %dma_start3A_90 = tpu.memref_squeeze %dma_start3A_89 : memref<1x128xi32, #tpu.memory_space<vmem>> -> memref<128xi32, #tpu.memory_space<vmem>>
    %dma_start3A_91 = tpu.memref_slice %arg4[%multiple_of3A_64] : memref<16384xi32, #tpu.memory_space<hbm>> -> memref<128xi32, #tpu.memory_space<hbm>>
    tpu.enqueue_dma source(%dma_start3A_91 : memref<128xi32, #tpu.memory_space<hbm>>) target(%dma_start3A_90 : memref<128xi32, #tpu.memory_space<vmem>>) target_semaphore(%arg15 : memref<!tpu.dma_semaphore, #tpu.memory_space<semaphore_mem>>)
    %add3A_92 = arith.constant 256 : i32
    %add3A_93 = arith.addi %multiple_of3A, %add3A_92 : i32
    %multiple_of3A_94 = tpu.assume_multiple %add3A_93, 8 : i32
    %dma_start3A_95 = arith.constant 3 : i32
    %dma_start3A_96 = arith.constant 0 : i32
    %dma_start3A_97 = tpu.memref_slice %arg8[%dma_start3A_95, %dma_start3A_96] : memref<6x128xi32, #tpu.memory_space<vmem>> -> memref<1x128xi32, #tpu.memory_space<vmem>>
    %dma_start3A_98 = tpu.memref_squeeze %dma_start3A_97 : memref<1x128xi32, #tpu.memory_space<vmem>> -> memref<128xi32, #tpu.memory_space<vmem>>
    %dma_start3A_99 = tpu.memref_slice %arg2[%multiple_of3A_94] : memref<16384xi32, #tpu.memory_space<hbm>> -> memref<128xi32, #tpu.memory_space<hbm>>
    %dma_start3A_100 = arith.constant 0 : i32
    %dma_start3A_101 = tpu.memref_slice %arg8[%dma_start3A_95, %dma_start3A_100] : memref<6x128xi32, #tpu.memory_space<vmem>> -> memref<1x128xi32, #tpu.memory_space<vmem>>
    %dma_start3A_102 = tpu.memref_squeeze %dma_start3A_101 : memref<1x128xi32, #tpu.memory_space<vmem>> -> memref<128xi32, #tpu.memory_space<vmem>>
    %dma_start3A_103 = tpu.memref_slice %arg2[%multiple_of3A_94] : memref<16384xi32, #tpu.memory_space<hbm>> -> memref<128xi32, #tpu.memory_space<hbm>>
    tpu.enqueue_dma source(%dma_start3A_103 : memref<128xi32, #tpu.memory_space<hbm>>) target(%dma_start3A_102 : memref<128xi32, #tpu.memory_space<vmem>>) target_semaphore(%arg15 : memref<!tpu.dma_semaphore, #tpu.memory_space<semaphore_mem>>)
    %dma_start3A_104 = arith.constant 3 : i32
    %dma_start3A_105 = arith.constant 0 : i32
    %dma_start3A_106 = tpu.memref_slice %arg9[%dma_start3A_104, %dma_start3A_105] : memref<6x128xi32, #tpu.memory_space<vmem>> -> memref<1x128xi32, #tpu.memory_space<vmem>>
    %dma_start3A_107 = tpu.memref_squeeze %dma_start3A_106 : memref<1x128xi32, #tpu.memory_space<vmem>> -> memref<128xi32, #tpu.memory_space<vmem>>
    %dma_start3A_108 = tpu.memref_slice %arg3[%multiple_of3A_94] : memref<16384xi32, #tpu.memory_space<hbm>> -> memref<128xi32, #tpu.memory_space<hbm>>
    %dma_start3A_109 = arith.constant 0 : i32
    %dma_start3A_110 = tpu.memref_slice %arg9[%dma_start3A_104, %dma_start3A_109] : memref<6x128xi32, #tpu.memory_space<vmem>> -> memref<1x128xi32, #tpu.memory_space<vmem>>
    %dma_start3A_111 = tpu.memref_squeeze %dma_start3A_110 : memref<1x128xi32, #tpu.memory_space<vmem>> -> memref<128xi32, #tpu.memory_space<vmem>>
    %dma_start3A_112 = tpu.memref_slice %arg3[%multiple_of3A_94] : memref<16384xi32, #tpu.memory_space<hbm>> -> memref<128xi32, #tpu.memory_space<hbm>>
    tpu.enqueue_dma source(%dma_start3A_112 : memref<128xi32, #tpu.memory_space<hbm>>) target(%dma_start3A_111 : memref<128xi32, #tpu.memory_space<vmem>>) target_semaphore(%arg15 : memref<!tpu.dma_semaphore, #tpu.memory_space<semaphore_mem>>)
    %dma_start3A_113 = arith.constant 3 : i32
    %dma_start3A_114 = arith.constant 0 : i32
    %dma_start3A_115 = tpu.memref_slice %arg10[%dma_start3A_113, %dma_start3A_114] : memref<6x128xi32, #tpu.memory_space<vmem>> -> memref<1x128xi32, #tpu.memory_space<vmem>>
    %dma_start3A_116 = tpu.memref_squeeze %dma_start3A_115 : memref<1x128xi32, #tpu.memory_space<vmem>> -> memref<128xi32, #tpu.memory_space<vmem>>
    %dma_start3A_117 = tpu.memref_slice %arg4[%multiple_of3A_94] : memref<16384xi32, #tpu.memory_space<hbm>> -> memref<128xi32, #tpu.memory_space<hbm>>
    %dma_start3A_118 = arith.constant 0 : i32
    %dma_start3A_119 = tpu.memref_slice %arg10[%dma_start3A_113, %dma_start3A_118] : memref<6x128xi32, #tpu.memory_space<vmem>> -> memref<1x128xi32, #tpu.memory_space<vmem>>
    %dma_start3A_120 = tpu.memref_squeeze %dma_start3A_119 : memref<1x128xi32, #tpu.memory_space<vmem>> -> memref<128xi32, #tpu.memory_space<vmem>>
    %dma_start3A_121 = tpu.memref_slice %arg4[%multiple_of3A_94] : memref<16384xi32, #tpu.memory_space<hbm>> -> memref<128xi32, #tpu.memory_space<hbm>>
    tpu.enqueue_dma source(%dma_start3A_121 : memref<128xi32, #tpu.memory_space<hbm>>) target(%dma_start3A_120 : memref<128xi32, #tpu.memory_space<vmem>>) target_semaphore(%arg15 : memref<!tpu.dma_semaphore, #tpu.memory_space<semaphore_mem>>)
    %add3A_122 = arith.constant 384 : i32
    %add3A_123 = arith.addi %multiple_of3A, %add3A_122 : i32
    %multiple_of3A_124 = tpu.assume_multiple %add3A_123, 8 : i32
    %dma_start3A_125 = arith.constant 4 : i32
    %dma_start3A_126 = arith.constant 0 : i32
    %dma_start3A_127 = tpu.memref_slice %arg8[%dma_start3A_125, %dma_start3A_126] : memref<6x128xi32, #tpu.memory_space<vmem>> -> memref<1x96xi32, #tpu.memory_space<vmem>>
    %dma_start3A_128 = tpu.memref_squeeze %dma_start3A_127 : memref<1x96xi32, #tpu.memory_space<vmem>> -> memref<96xi32, #tpu.memory_space<vmem>>
    %dma_start3A_129 = tpu.memref_slice %arg2[%multiple_of3A_124] : memref<16384xi32, #tpu.memory_space<hbm>> -> memref<96xi32, #tpu.memory_space<hbm>>
    %dma_start3A_130 = arith.constant 0 : i32
    %dma_start3A_131 = tpu.memref_slice %arg8[%dma_start3A_125, %dma_start3A_130] : memref<6x128xi32, #tpu.memory_space<vmem>> -> memref<1x96xi32, #tpu.memory_space<vmem>>
    %dma_start3A_132 = tpu.memref_squeeze %dma_start3A_131 : memref<1x96xi32, #tpu.memory_space<vmem>> -> memref<96xi32, #tpu.memory_space<vmem>>
    %dma_start3A_133 = tpu.memref_slice %arg2[%multiple_of3A_124] : memref<16384xi32, #tpu.memory_space<hbm>> -> memref<96xi32, #tpu.memory_space<hbm>>
    tpu.enqueue_dma source(%dma_start3A_133 : memref<96xi32, #tpu.memory_space<hbm>>) target(%dma_start3A_132 : memref<96xi32, #tpu.memory_space<vmem>>) target_semaphore(%arg15 : memref<!tpu.dma_semaphore, #tpu.memory_space<semaphore_mem>>)
    %dma_start3A_134 = arith.constant 4 : i32
    %dma_start3A_135 = arith.constant 0 : i32
    %dma_start3A_136 = tpu.memref_slice %arg9[%dma_start3A_134, %dma_start3A_135] : memref<6x128xi32, #tpu.memory_space<vmem>> -> memref<1x96xi32, #tpu.memory_space<vmem>>
    %dma_start3A_137 = tpu.memref_squeeze %dma_start3A_136 : memref<1x96xi32, #tpu.memory_space<vmem>> -> memref<96xi32, #tpu.memory_space<vmem>>
    %dma_start3A_138 = tpu.memref_slice %arg3[%multiple_of3A_124] : memref<16384xi32, #tpu.memory_space<hbm>> -> memref<96xi32, #tpu.memory_space<hbm>>
    %dma_start3A_139 = arith.constant 0 : i32
    %dma_start3A_140 = tpu.memref_slice %arg9[%dma_start3A_134, %dma_start3A_139] : memref<6x128xi32, #tpu.memory_space<vmem>> -> memref<1x96xi32, #tpu.memory_space<vmem>>
    %dma_start3A_141 = tpu.memref_squeeze %dma_start3A_140 : memref<1x96xi32, #tpu.memory_space<vmem>> -> memref<96xi32, #tpu.memory_space<vmem>>
    %dma_start3A_142 = tpu.memref_slice %arg3[%multiple_of3A_124] : memref<16384xi32, #tpu.memory_space<hbm>> -> memref<96xi32, #tpu.memory_space<hbm>>
    tpu.enqueue_dma source(%dma_start3A_142 : memref<96xi32, #tpu.memory_space<hbm>>) target(%dma_start3A_141 : memref<96xi32, #tpu.memory_space<vmem>>) target_semaphore(%arg15 : memref<!tpu.dma_semaphore, #tpu.memory_space<semaphore_mem>>)
    %dma_start3A_143 = arith.constant 4 : i32
    %dma_start3A_144 = arith.constant 0 : i32
    %dma_start3A_145 = tpu.memref_slice %arg10[%dma_start3A_143, %dma_start3A_144] : memref<6x128xi32, #tpu.memory_space<vmem>> -> memref<1x96xi32, #tpu.memory_space<vmem>>
    %dma_start3A_146 = tpu.memref_squeeze %dma_start3A_145 : memref<1x96xi32, #tpu.memory_space<vmem>> -> memref<96xi32, #tpu.memory_space<vmem>>
    %dma_start3A_147 = tpu.memref_slice %arg4[%multiple_of3A_124] : memref<16384xi32, #tpu.memory_space<hbm>> -> memref<96xi32, #tpu.memory_space<hbm>>
    %dma_start3A_148 = arith.constant 0 : i32
    %dma_start3A_149 = tpu.memref_slice %arg10[%dma_start3A_143, %dma_start3A_148] : memref<6x128xi32, #tpu.memory_space<vmem>> -> memref<1x96xi32, #tpu.memory_space<vmem>>
    %dma_start3A_150 = tpu.memref_squeeze %dma_start3A_149 : memref<1x96xi32, #tpu.memory_space<vmem>> -> memref<96xi32, #tpu.memory_space<vmem>>
    %dma_start3A_151 = tpu.memref_slice %arg4[%multiple_of3A_124] : memref<16384xi32, #tpu.memory_space<hbm>> -> memref<96xi32, #tpu.memory_space<hbm>>
    tpu.enqueue_dma source(%dma_start3A_151 : memref<96xi32, #tpu.memory_space<hbm>>) target(%dma_start3A_150 : memref<96xi32, #tpu.memory_space<vmem>>) target_semaphore(%arg15 : memref<!tpu.dma_semaphore, #tpu.memory_space<semaphore_mem>>)
    %add3A_152 = arith.constant 480 : i32
    %add3A_153 = arith.addi %multiple_of3A, %add3A_152 : i32
    %multiple_of3A_154 = tpu.assume_multiple %add3A_153, 8 : i32
    %dma_start3A_155 = arith.constant 5 : i32
    %dma_start3A_156 = arith.constant 0 : i32
    %dma_start3A_157 = tpu.memref_slice %arg8[%dma_start3A_155, %dma_start3A_156] : memref<6x128xi32, #tpu.memory_space<vmem>> -> memref<1x32xi32, #tpu.memory_space<vmem>>
    %dma_start3A_158 = tpu.memref_squeeze %dma_start3A_157 : memref<1x32xi32, #tpu.memory_space<vmem>> -> memref<32xi32, #tpu.memory_space<vmem>>
    %dma_start3A_159 = tpu.memref_slice %arg2[%multiple_of3A_154] : memref<16384xi32, #tpu.memory_space<hbm>> -> memref<32xi32, #tpu.memory_space<hbm>>
    %dma_start3A_160 = arith.constant 0 : i32
    %dma_start3A_161 = tpu.memref_slice %arg8[%dma_start3A_155, %dma_start3A_160] : memref<6x128xi32, #tpu.memory_space<vmem>> -> memref<1x32xi32, #tpu.memory_space<vmem>>
    %dma_start3A_162 = tpu.memref_squeeze %dma_start3A_161 : memref<1x32xi32, #tpu.memory_space<vmem>> -> memref<32xi32, #tpu.memory_space<vmem>>
    %dma_start3A_163 = tpu.memref_slice %arg2[%multiple_of3A_154] : memref<16384xi32, #tpu.memory_space<hbm>> -> memref<32xi32, #tpu.memory_space<hbm>>
    tpu.enqueue_dma source(%dma_start3A_163 : memref<32xi32, #tpu.memory_space<hbm>>) target(%dma_start3A_162 : memref<32xi32, #tpu.memory_space<vmem>>) target_semaphore(%arg15 : memref<!tpu.dma_semaphore, #tpu.memory_space<semaphore_mem>>)
    %dma_start3A_164 = arith.constant 5 : i32
    %dma_start3A_165 = arith.constant 0 : i32
    %dma_start3A_166 = tpu.memref_slice %arg9[%dma_start3A_164, %dma_start3A_165] : memref<6x128xi32, #tpu.memory_space<vmem>> -> memref<1x32xi32, #tpu.memory_space<vmem>>
    %dma_start3A_167 = tpu.memref_squeeze %dma_start3A_166 : memref<1x32xi32, #tpu.memory_space<vmem>> -> memref<32xi32, #tpu.memory_space<vmem>>
    %dma_start3A_168 = tpu.memref_slice %arg3[%multiple_of3A_154] : memref<16384xi32, #tpu.memory_space<hbm>> -> memref<32xi32, #tpu.memory_space<hbm>>
    %dma_start3A_169 = arith.constant 0 : i32
    %dma_start3A_170 = tpu.memref_slice %arg9[%dma_start3A_164, %dma_start3A_169] : memref<6x128xi32, #tpu.memory_space<vmem>> -> memref<1x32xi32, #tpu.memory_space<vmem>>
    %dma_start3A_171 = tpu.memref_squeeze %dma_start3A_170 : memref<1x32xi32, #tpu.memory_space<vmem>> -> memref<32xi32, #tpu.memory_space<vmem>>
    %dma_start3A_172 = tpu.memref_slice %arg3[%multiple_of3A_154] : memref<16384xi32, #tpu.memory_space<hbm>> -> memref<32xi32, #tpu.memory_space<hbm>>
    tpu.enqueue_dma source(%dma_start3A_172 : memref<32xi32, #tpu.memory_space<hbm>>) target(%dma_start3A_171 : memref<32xi32, #tpu.memory_space<vmem>>) target_semaphore(%arg15 : memref<!tpu.dma_semaphore, #tpu.memory_space<semaphore_mem>>)
    %dma_start3A_173 = arith.constant 5 : i32
    %dma_start3A_174 = arith.constant 0 : i32
    %dma_start3A_175 = tpu.memref_slice %arg10[%dma_start3A_173, %dma_start3A_174] : memref<6x128xi32, #tpu.memory_space<vmem>> -> memref<1x32xi32, #tpu.memory_space<vmem>>
    %dma_start3A_176 = tpu.memref_squeeze %dma_start3A_175 : memref<1x32xi32, #tpu.memory_space<vmem>> -> memref<32xi32, #tpu.memory_space<vmem>>
    %dma_start3A_177 = tpu.memref_slice %arg4[%multiple_of3A_154] : memref<16384xi32, #tpu.memory_space<hbm>> -> memref<32xi32, #tpu.memory_space<hbm>>
    %dma_start3A_178 = arith.constant 0 : i32
    %dma_start3A_179 = tpu.memref_slice %arg10[%dma_start3A_173, %dma_start3A_178] : memref<6x128xi32, #tpu.memory_space<vmem>> -> memref<1x32xi32, #tpu.memory_space<vmem>>
    %dma_start3A_180 = tpu.memref_squeeze %dma_start3A_179 : memref<1x32xi32, #tpu.memory_space<vmem>> -> memref<32xi32, #tpu.memory_space<vmem>>
    %dma_start3A_181 = tpu.memref_slice %arg4[%multiple_of3A_154] : memref<16384xi32, #tpu.memory_space<hbm>> -> memref<32xi32, #tpu.memory_space<hbm>>
    tpu.enqueue_dma source(%dma_start3A_181 : memref<32xi32, #tpu.memory_space<hbm>>) target(%dma_start3A_180 : memref<32xi32, #tpu.memory_space<vmem>>) target_semaphore(%arg15 : memref<!tpu.dma_semaphore, #tpu.memory_space<semaphore_mem>>)
    %dma_wait3A = arith.constant 0 : i32
    %dma_wait3A_182 = arith.constant 0 : i32
    %dma_wait3A_183 = tpu.memref_slice %arg8[%dma_wait3A, %dma_wait3A_182] : memref<6x128xi32, #tpu.memory_space<vmem>> -> memref<1x32xi32, #tpu.memory_space<vmem>>
    %dma_wait3A_184 = tpu.memref_squeeze %dma_wait3A_183 : memref<1x32xi32, #tpu.memory_space<vmem>> -> memref<32xi32, #tpu.memory_space<vmem>>
    %dma_wait3A_185 = tpu.memref_slice %arg2[%multiple_of3A_5] : memref<16384xi32, #tpu.memory_space<hbm>> -> memref<32xi32, #tpu.memory_space<hbm>>
    %dma_wait3A_186 = arith.constant 0 : i32
    %dma_wait3A_187 = tpu.memref_slice %arg8[%dma_wait3A, %dma_wait3A_186] : memref<6x128xi32, #tpu.memory_space<vmem>> -> memref<1x32xi32, #tpu.memory_space<vmem>>
    %dma_wait3A_188 = tpu.memref_squeeze %dma_wait3A_187 : memref<1x32xi32, #tpu.memory_space<vmem>> -> memref<32xi32, #tpu.memory_space<vmem>>
    %dma_wait3A_189 = tpu.memref_slice %arg2[%multiple_of3A_5] : memref<16384xi32, #tpu.memory_space<hbm>> -> memref<32xi32, #tpu.memory_space<hbm>>
    tpu.wait_dma2 semaphore(%arg15 : memref<!tpu.dma_semaphore, #tpu.memory_space<semaphore_mem>>) src(%dma_wait3A_189 : memref<32xi32, #tpu.memory_space<hbm>>) dst(%dma_wait3A_188 : memref<32xi32, #tpu.memory_space<vmem>>)
    %dma_wait3A_190 = arith.constant 0 : i32
    %dma_wait3A_191 = arith.constant 0 : i32
    %dma_wait3A_192 = tpu.memref_slice %arg9[%dma_wait3A_190, %dma_wait3A_191] : memref<6x128xi32, #tpu.memory_space<vmem>> -> memref<1x32xi32, #tpu.memory_space<vmem>>
    %dma_wait3A_193 = tpu.memref_squeeze %dma_wait3A_192 : memref<1x32xi32, #tpu.memory_space<vmem>> -> memref<32xi32, #tpu.memory_space<vmem>>
    %dma_wait3A_194 = tpu.memref_slice %arg3[%multiple_of3A_5] : memref<16384xi32, #tpu.memory_space<hbm>> -> memref<32xi32, #tpu.memory_space<hbm>>
    %dma_wait3A_195 = arith.constant 0 : i32
    %dma_wait3A_196 = tpu.memref_slice %arg9[%dma_wait3A_190, %dma_wait3A_195] : memref<6x128xi32, #tpu.memory_space<vmem>> -> memref<1x32xi32, #tpu.memory_space<vmem>>
    %dma_wait3A_197 = tpu.memref_squeeze %dma_wait3A_196 : memref<1x32xi32, #tpu.memory_space<vmem>> -> memref<32xi32, #tpu.memory_space<vmem>>
    %dma_wait3A_198 = tpu.memref_slice %arg3[%multiple_of3A_5] : memref<16384xi32, #tpu.memory_space<hbm>> -> memref<32xi32, #tpu.memory_space<hbm>>
    tpu.wait_dma2 semaphore(%arg15 : memref<!tpu.dma_semaphore, #tpu.memory_space<semaphore_mem>>) src(%dma_wait3A_198 : memref<32xi32, #tpu.memory_space<hbm>>) dst(%dma_wait3A_197 : memref<32xi32, #tpu.memory_space<vmem>>)
    %dma_wait3A_199 = arith.constant 0 : i32
    %dma_wait3A_200 = arith.constant 0 : i32
    %dma_wait3A_201 = tpu.memref_slice %arg10[%dma_wait3A_199, %dma_wait3A_200] : memref<6x128xi32, #tpu.memory_space<vmem>> -> memref<1x32xi32, #tpu.memory_space<vmem>>
    %dma_wait3A_202 = tpu.memref_squeeze %dma_wait3A_201 : memref<1x32xi32, #tpu.memory_space<vmem>> -> memref<32xi32, #tpu.memory_space<vmem>>
    %dma_wait3A_203 = tpu.memref_slice %arg4[%multiple_of3A_5] : memref<16384xi32, #tpu.memory_space<hbm>> -> memref<32xi32, #tpu.memory_space<hbm>>
    %dma_wait3A_204 = arith.constant 0 : i32
    %dma_wait3A_205 = tpu.memref_slice %arg10[%dma_wait3A_199, %dma_wait3A_204] : memref<6x128xi32, #tpu.memory_space<vmem>> -> memref<1x32xi32, #tpu.memory_space<vmem>>
    %dma_wait3A_206 = tpu.memref_squeeze %dma_wait3A_205 : memref<1x32xi32, #tpu.memory_space<vmem>> -> memref<32xi32, #tpu.memory_space<vmem>>
    %dma_wait3A_207 = tpu.memref_slice %arg4[%multiple_of3A_5] : memref<16384xi32, #tpu.memory_space<hbm>> -> memref<32xi32, #tpu.memory_space<hbm>>
    tpu.wait_dma2 semaphore(%arg15 : memref<!tpu.dma_semaphore, #tpu.memory_space<semaphore_mem>>) src(%dma_wait3A_207 : memref<32xi32, #tpu.memory_space<hbm>>) dst(%dma_wait3A_206 : memref<32xi32, #tpu.memory_space<vmem>>)
    %dma_start3A_208 = arith.constant 0 : i32
    %dma_start3A_209 = arith.constant 0 : i32
    %dma_start3A_210 = arith.constant 0 : i32
    %dma_start3A_211 = arith.constant 0 : i32
    %dma_start3A_212 = tpu.memref_slice %arg11[%dma_start3A_209, %dma_start3A_210, %dma_start3A_211] : memref<3x128x128xf32, #tpu.memory_space<vmem>> -> memref<1x32x128xf32, #tpu.memory_space<vmem>>
    %dma_start3A_213 = tpu.memref_squeeze %dma_start3A_212 : memref<1x32x128xf32, #tpu.memory_space<vmem>> -> memref<32x128xf32, #tpu.memory_space<vmem>>
    %dma_start3A_214 = arith.constant 0 : i32
    %dma_start3A_215 = tpu.memref_slice %arg9[%dma_start3A_208, %dma_start3A_214] : memref<6x128xi32, #tpu.memory_space<vmem>> -> memref<1x32xi32, #tpu.memory_space<vmem>>
    %dma_start3A_216 = tpu.memref_squeeze %dma_start3A_215 : memref<1x32xi32, #tpu.memory_space<vmem>> -> memref<32xi32, #tpu.memory_space<vmem>>
    %dma_start3A_217 = arith.constant 0 : i32
    %dma_start3A_218 = arith.constant 0 : i32
    %dma_start3A_219 = tpu.memref_slice %arg6[%dma_start3A_217, %dma_start3A_218] : memref<100000x128xf32, #tpu.memory_space<hbm>> -> memref<100000x128xf32, #tpu.memory_space<hbm>>
    tpu.enqueue_indirect_dma source(%dma_start3A_219 : memref<100000x128xf32, #tpu.memory_space<hbm>>) target(%dma_start3A_213 : memref<32x128xf32, #tpu.memory_space<vmem>>) offsets(%dma_start3A_216 : memref<32xi32, #tpu.memory_space<vmem>>) semaphore(%arg16 : memref<!tpu.dma_semaphore, #tpu.memory_space<semaphore_mem>>)
    %dma_wait3A_220 = arith.constant 0 : i32
    %dma_wait3A_221 = arith.constant 0 : i32
    %dma_wait3A_222 = arith.constant 0 : i32
    %dma_wait3A_223 = arith.constant 0 : i32
    %dma_wait3A_224 = tpu.memref_slice %arg11[%dma_wait3A_221, %dma_wait3A_222, %dma_wait3A_223] : memref<3x128x128xf32, #tpu.memory_space<vmem>> -> memref<1x32x128xf32, #tpu.memory_space<vmem>>
    %dma_wait3A_225 = tpu.memref_squeeze %dma_wait3A_224 : memref<1x32x128xf32, #tpu.memory_space<vmem>> -> memref<32x128xf32, #tpu.memory_space<vmem>>
    %dma_wait3A_226 = arith.constant 0 : i32
    %dma_wait3A_227 = tpu.memref_slice %arg9[%dma_wait3A_220, %dma_wait3A_226] : memref<6x128xi32, #tpu.memory_space<vmem>> -> memref<1x32xi32, #tpu.memory_space<vmem>>
    %dma_wait3A_228 = tpu.memref_squeeze %dma_wait3A_227 : memref<1x32xi32, #tpu.memory_space<vmem>> -> memref<32xi32, #tpu.memory_space<vmem>>
    %dma_wait3A_229 = arith.constant 0 : i32
    %dma_wait3A_230 = arith.constant 0 : i32
    %dma_wait3A_231 = tpu.memref_slice %arg6[%dma_wait3A_229, %dma_wait3A_230] : memref<100000x128xf32, #tpu.memory_space<hbm>> -> memref<100000x128xf32, #tpu.memory_space<hbm>>
    tpu.wait_indirect_dma semaphore(%arg16 : memref<!tpu.dma_semaphore, #tpu.memory_space<semaphore_mem>>) src(%dma_wait3A_231 : memref<100000x128xf32, #tpu.memory_space<hbm>>) dst(%dma_wait3A_225 : memref<32x128xf32, #tpu.memory_space<vmem>>)
    %dma_start3A_232 = arith.constant 0 : i32
    %dma_start3A_233 = arith.constant 0 : i32
    %dma_start3A_234 = arith.constant 0 : i32
    %dma_start3A_235 = arith.constant 0 : i32
    %dma_start3A_236 = tpu.memref_slice %arg11[%dma_start3A_233, %dma_start3A_234, %dma_start3A_235] : memref<3x128x128xf32, #tpu.memory_space<vmem>> -> memref<1x32x128xf32, #tpu.memory_space<vmem>>
    %dma_start3A_237 = tpu.memref_squeeze %dma_start3A_236 : memref<1x32x128xf32, #tpu.memory_space<vmem>> -> memref<32x128xf32, #tpu.memory_space<vmem>>
    %dma_start3A_238 = arith.constant 0 : i32
    %dma_start3A_239 = tpu.memref_slice %arg8[%dma_start3A_232, %dma_start3A_238] : memref<6x128xi32, #tpu.memory_space<vmem>> -> memref<1x32xi32, #tpu.memory_space<vmem>>
    %dma_start3A_240 = tpu.memref_squeeze %dma_start3A_239 : memref<1x32xi32, #tpu.memory_space<vmem>> -> memref<32xi32, #tpu.memory_space<vmem>>
    %dma_start3A_241 = arith.constant 0 : i32
    %dma_start3A_242 = arith.constant 0 : i32
    %dma_start3A_243 = tpu.memref_slice %arg5[%dma_start3A_241, %dma_start3A_242] : memref<100000x128xf32, #tpu.memory_space<hbm>> -> memref<100000x128xf32, #tpu.memory_space<hbm>>
    tpu.enqueue_indirect_dma source(%dma_start3A_243 : memref<100000x128xf32, #tpu.memory_space<hbm>>) target(%dma_start3A_237 : memref<32x128xf32, #tpu.memory_space<vmem>>) offsets(%dma_start3A_240 : memref<32xi32, #tpu.memory_space<vmem>>) semaphore(%arg19 : memref<!tpu.dma_semaphore, #tpu.memory_space<semaphore_mem>>) {add = true}
    %dma_start3A_244 = arith.constant 0 : i32
    %dma_start3A_245 = arith.constant 0 : i32
    %dma_start3A_246 = arith.constant 0 : i32
    %dma_start3A_247 = arith.constant 0 : i32
    %dma_start3A_248 = tpu.memref_slice %arg12[%dma_start3A_245, %dma_start3A_246, %dma_start3A_247] : memref<3x128x128xf32, #tpu.memory_space<vmem>> -> memref<1x32x128xf32, #tpu.memory_space<vmem>>
    %dma_start3A_249 = tpu.memref_squeeze %dma_start3A_248 : memref<1x32x128xf32, #tpu.memory_space<vmem>> -> memref<32x128xf32, #tpu.memory_space<vmem>>
    %dma_start3A_250 = arith.constant 0 : i32
    %dma_start3A_251 = tpu.memref_slice %arg10[%dma_start3A_244, %dma_start3A_250] : memref<6x128xi32, #tpu.memory_space<vmem>> -> memref<1x32xi32, #tpu.memory_space<vmem>>
    %dma_start3A_252 = tpu.memref_squeeze %dma_start3A_251 : memref<1x32xi32, #tpu.memory_space<vmem>> -> memref<32xi32, #tpu.memory_space<vmem>>
    %dma_start3A_253 = arith.constant 0 : i32
    %dma_start3A_254 = arith.constant 0 : i32
    %dma_start3A_255 = tpu.memref_slice %arg5[%dma_start3A_253, %dma_start3A_254] : memref<100000x128xf32, #tpu.memory_space<hbm>> -> memref<100000x128xf32, #tpu.memory_space<hbm>>
    tpu.enqueue_indirect_dma source(%dma_start3A_255 : memref<100000x128xf32, #tpu.memory_space<hbm>>) target(%dma_start3A_249 : memref<32x128xf32, #tpu.memory_space<vmem>>) offsets(%dma_start3A_252 : memref<32xi32, #tpu.memory_space<vmem>>) semaphore(%arg19 : memref<!tpu.dma_semaphore, #tpu.memory_space<semaphore_mem>>)
    %dma_wait3A_256 = arith.constant 1 : i32
    %dma_wait3A_257 = arith.constant 0 : i32
    %dma_wait3A_258 = tpu.memref_slice %arg8[%dma_wait3A_256, %dma_wait3A_257] : memref<6x128xi32, #tpu.memory_space<vmem>> -> memref<1x96xi32, #tpu.memory_space<vmem>>
    %dma_wait3A_259 = tpu.memref_squeeze %dma_wait3A_258 : memref<1x96xi32, #tpu.memory_space<vmem>> -> memref<96xi32, #tpu.memory_space<vmem>>
    %dma_wait3A_260 = tpu.memref_slice %arg2[%multiple_of3A_34] : memref<16384xi32, #tpu.memory_space<hbm>> -> memref<96xi32, #tpu.memory_space<hbm>>
    %dma_wait3A_261 = arith.constant 0 : i32
    %dma_wait3A_262 = tpu.memref_slice %arg8[%dma_wait3A_256, %dma_wait3A_261] : memref<6x128xi32, #tpu.memory_space<vmem>> -> memref<1x96xi32, #tpu.memory_space<vmem>>
    %dma_wait3A_263 = tpu.memref_squeeze %dma_wait3A_262 : memref<1x96xi32, #tpu.memory_space<vmem>> -> memref<96xi32, #tpu.memory_space<vmem>>
    %dma_wait3A_264 = tpu.memref_slice %arg2[%multiple_of3A_34] : memref<16384xi32, #tpu.memory_space<hbm>> -> memref<96xi32, #tpu.memory_space<hbm>>
    tpu.wait_dma2 semaphore(%arg15 : memref<!tpu.dma_semaphore, #tpu.memory_space<semaphore_mem>>) src(%dma_wait3A_264 : memref<96xi32, #tpu.memory_space<hbm>>) dst(%dma_wait3A_263 : memref<96xi32, #tpu.memory_space<vmem>>)
    %dma_wait3A_265 = arith.constant 1 : i32
    %dma_wait3A_266 = arith.constant 0 : i32
    %dma_wait3A_267 = tpu.memref_slice %arg9[%dma_wait3A_265, %dma_wait3A_266] : memref<6x128xi32, #tpu.memory_space<vmem>> -> memref<1x96xi32, #tpu.memory_space<vmem>>
    %dma_wait3A_268 = tpu.memref_squeeze %dma_wait3A_267 : memref<1x96xi32, #tpu.memory_space<vmem>> -> memref<96xi32, #tpu.memory_space<vmem>>
    %dma_wait3A_269 = tpu.memref_slice %arg3[%multiple_of3A_34] : memref<16384xi32, #tpu.memory_space<hbm>> -> memref<96xi32, #tpu.memory_space<hbm>>
    %dma_wait3A_270 = arith.constant 0 : i32
    %dma_wait3A_271 = tpu.memref_slice %arg9[%dma_wait3A_265, %dma_wait3A_270] : memref<6x128xi32, #tpu.memory_space<vmem>> -> memref<1x96xi32, #tpu.memory_space<vmem>>
    %dma_wait3A_272 = tpu.memref_squeeze %dma_wait3A_271 : memref<1x96xi32, #tpu.memory_space<vmem>> -> memref<96xi32, #tpu.memory_space<vmem>>
    %dma_wait3A_273 = tpu.memref_slice %arg3[%multiple_of3A_34] : memref<16384xi32, #tpu.memory_space<hbm>> -> memref<96xi32, #tpu.memory_space<hbm>>
    tpu.wait_dma2 semaphore(%arg15 : memref<!tpu.dma_semaphore, #tpu.memory_space<semaphore_mem>>) src(%dma_wait3A_273 : memref<96xi32, #tpu.memory_space<hbm>>) dst(%dma_wait3A_272 : memref<96xi32, #tpu.memory_space<vmem>>)
    %dma_wait3A_274 = arith.constant 1 : i32
    %dma_wait3A_275 = arith.constant 0 : i32
    %dma_wait3A_276 = tpu.memref_slice %arg10[%dma_wait3A_274, %dma_wait3A_275] : memref<6x128xi32, #tpu.memory_space<vmem>> -> memref<1x96xi32, #tpu.memory_space<vmem>>
    %dma_wait3A_277 = tpu.memref_squeeze %dma_wait3A_276 : memref<1x96xi32, #tpu.memory_space<vmem>> -> memref<96xi32, #tpu.memory_space<vmem>>
    %dma_wait3A_278 = tpu.memref_slice %arg4[%multiple_of3A_34] : memref<16384xi32, #tpu.memory_space<hbm>> -> memref<96xi32, #tpu.memory_space<hbm>>
    %dma_wait3A_279 = arith.constant 0 : i32
    %dma_wait3A_280 = tpu.memref_slice %arg10[%dma_wait3A_274, %dma_wait3A_279] : memref<6x128xi32, #tpu.memory_space<vmem>> -> memref<1x96xi32, #tpu.memory_space<vmem>>
    %dma_wait3A_281 = tpu.memref_squeeze %dma_wait3A_280 : memref<1x96xi32, #tpu.memory_space<vmem>> -> memref<96xi32, #tpu.memory_space<vmem>>
    %dma_wait3A_282 = tpu.memref_slice %arg4[%multiple_of3A_34] : memref<16384xi32, #tpu.memory_space<hbm>> -> memref<96xi32, #tpu.memory_space<hbm>>
    tpu.wait_dma2 semaphore(%arg15 : memref<!tpu.dma_semaphore, #tpu.memory_space<semaphore_mem>>) src(%dma_wait3A_282 : memref<96xi32, #tpu.memory_space<hbm>>) dst(%dma_wait3A_281 : memref<96xi32, #tpu.memory_space<vmem>>)
    %dma_start3A_283 = arith.constant 1 : i32
    %dma_start3A_284 = arith.constant 1 : i32
    %dma_start3A_285 = arith.constant 0 : i32
    %dma_start3A_286 = arith.constant 0 : i32
    %dma_start3A_287 = tpu.memref_slice %arg11[%dma_start3A_284, %dma_start3A_285, %dma_start3A_286] : memref<3x128x128xf32, #tpu.memory_space<vmem>> -> memref<1x96x128xf32, #tpu.memory_space<vmem>>
    %dma_start3A_288 = tpu.memref_squeeze %dma_start3A_287 : memref<1x96x128xf32, #tpu.memory_space<vmem>> -> memref<96x128xf32, #tpu.memory_space<vmem>>
    %dma_start3A_289 = arith.constant 0 : i32
    %dma_start3A_290 = tpu.memref_slice %arg9[%dma_start3A_283, %dma_start3A_289] : memref<6x128xi32, #tpu.memory_space<vmem>> -> memref<1x96xi32, #tpu.memory_space<vmem>>
    %dma_start3A_291 = tpu.memref_squeeze %dma_start3A_290 : memref<1x96xi32, #tpu.memory_space<vmem>> -> memref<96xi32, #tpu.memory_space<vmem>>
    %dma_start3A_292 = arith.constant 0 : i32
    %dma_start3A_293 = arith.constant 0 : i32
    %dma_start3A_294 = tpu.memref_slice %arg6[%dma_start3A_292, %dma_start3A_293] : memref<100000x128xf32, #tpu.memory_space<hbm>> -> memref<100000x128xf32, #tpu.memory_space<hbm>>
    tpu.enqueue_indirect_dma source(%dma_start3A_294 : memref<100000x128xf32, #tpu.memory_space<hbm>>) target(%dma_start3A_288 : memref<96x128xf32, #tpu.memory_space<vmem>>) offsets(%dma_start3A_291 : memref<96xi32, #tpu.memory_space<vmem>>) semaphore(%arg17 : memref<!tpu.dma_semaphore, #tpu.memory_space<semaphore_mem>>)
    %dma_wait3A_295 = arith.constant 0 : i32
    %dma_wait3A_296 = arith.constant 0 : i32
    %dma_wait3A_297 = arith.constant 0 : i32
    %dma_wait3A_298 = arith.constant 0 : i32
    %dma_wait3A_299 = tpu.memref_slice %arg11[%dma_wait3A_296, %dma_wait3A_297, %dma_wait3A_298] : memref<3x128x128xf32, #tpu.memory_space<vmem>> -> memref<1x32x128xf32, #tpu.memory_space<vmem>>
    %dma_wait3A_300 = tpu.memref_squeeze %dma_wait3A_299 : memref<1x32x128xf32, #tpu.memory_space<vmem>> -> memref<32x128xf32, #tpu.memory_space<vmem>>
    %dma_wait3A_301 = arith.constant 0 : i32
    %dma_wait3A_302 = tpu.memref_slice %arg8[%dma_wait3A_295, %dma_wait3A_301] : memref<6x128xi32, #tpu.memory_space<vmem>> -> memref<1x32xi32, #tpu.memory_space<vmem>>
    %dma_wait3A_303 = tpu.memref_squeeze %dma_wait3A_302 : memref<1x32xi32, #tpu.memory_space<vmem>> -> memref<32xi32, #tpu.memory_space<vmem>>
    %dma_wait3A_304 = arith.constant 0 : i32
    %dma_wait3A_305 = arith.constant 0 : i32
    %dma_wait3A_306 = tpu.memref_slice %arg5[%dma_wait3A_304, %dma_wait3A_305] : memref<100000x128xf32, #tpu.memory_space<hbm>> -> memref<100000x128xf32, #tpu.memory_space<hbm>>
    tpu.wait_indirect_dma semaphore(%arg19 : memref<!tpu.dma_semaphore, #tpu.memory_space<semaphore_mem>>) src(%dma_wait3A_306 : memref<100000x128xf32, #tpu.memory_space<hbm>>) dst(%dma_wait3A_300 : memref<32x128xf32, #tpu.memory_space<vmem>>)
    %dma_wait3A_307 = arith.constant 0 : i32
    %dma_wait3A_308 = arith.constant 0 : i32
    %dma_wait3A_309 = arith.constant 0 : i32
    %dma_wait3A_310 = arith.constant 0 : i32
    %dma_wait3A_311 = tpu.memref_slice %arg12[%dma_wait3A_308, %dma_wait3A_309, %dma_wait3A_310] : memref<3x128x128xf32, #tpu.memory_space<vmem>> -> memref<1x32x128xf32, #tpu.memory_space<vmem>>
    %dma_wait3A_312 = tpu.memref_squeeze %dma_wait3A_311 : memref<1x32x128xf32, #tpu.memory_space<vmem>> -> memref<32x128xf32, #tpu.memory_space<vmem>>
    %dma_wait3A_313 = arith.constant 0 : i32
    %dma_wait3A_314 = tpu.memref_slice %arg10[%dma_wait3A_307, %dma_wait3A_313] : memref<6x128xi32, #tpu.memory_space<vmem>> -> memref<1x32xi32, #tpu.memory_space<vmem>>
    %dma_wait3A_315 = tpu.memref_squeeze %dma_wait3A_314 : memref<1x32xi32, #tpu.memory_space<vmem>> -> memref<32xi32, #tpu.memory_space<vmem>>
    %dma_wait3A_316 = arith.constant 0 : i32
    %dma_wait3A_317 = arith.constant 0 : i32
    %dma_wait3A_318 = tpu.memref_slice %arg5[%dma_wait3A_316, %dma_wait3A_317] : memref<100000x128xf32, #tpu.memory_space<hbm>> -> memref<100000x128xf32, #tpu.memory_space<hbm>>
    tpu.wait_indirect_dma semaphore(%arg19 : memref<!tpu.dma_semaphore, #tpu.memory_space<semaphore_mem>>) src(%dma_wait3A_318 : memref<100000x128xf32, #tpu.memory_space<hbm>>) dst(%dma_wait3A_312 : memref<32x128xf32, #tpu.memory_space<vmem>>)
    %dma_wait3A_319 = arith.constant 1 : i32
    %dma_wait3A_320 = arith.constant 1 : i32
    %dma_wait3A_321 = arith.constant 0 : i32
    %dma_wait3A_322 = arith.constant 0 : i32
    %dma_wait3A_323 = tpu.memref_slice %arg11[%dma_wait3A_320, %dma_wait3A_321, %dma_wait3A_322] : memref<3x128x128xf32, #tpu.memory_space<vmem>> -> memref<1x96x128xf32, #tpu.memory_space<vmem>>
    %dma_wait3A_324 = tpu.memref_squeeze %dma_wait3A_323 : memref<1x96x128xf32, #tpu.memory_space<vmem>> -> memref<96x128xf32, #tpu.memory_space<vmem>>
    %dma_wait3A_325 = arith.constant 0 : i32
    %dma_wait3A_326 = tpu.memref_slice %arg9[%dma_wait3A_319, %dma_wait3A_325] : memref<6x128xi32, #tpu.memory_space<vmem>> -> memref<1x96xi32, #tpu.memory_space<vmem>>
    %dma_wait3A_327 = tpu.memref_squeeze %dma_wait3A_326 : memref<1x96xi32, #tpu.memory_space<vmem>> -> memref<96xi32, #tpu.memory_space<vmem>>
    %dma_wait3A_328 = arith.constant 0 : i32
    %dma_wait3A_329 = arith.constant 0 : i32
    %dma_wait3A_330 = tpu.memref_slice %arg6[%dma_wait3A_328, %dma_wait3A_329] : memref<100000x128xf32, #tpu.memory_space<hbm>> -> memref<100000x128xf32, #tpu.memory_space<hbm>>
    tpu.wait_indirect_dma semaphore(%arg17 : memref<!tpu.dma_semaphore, #tpu.memory_space<semaphore_mem>>) src(%dma_wait3A_330 : memref<100000x128xf32, #tpu.memory_space<hbm>>) dst(%dma_wait3A_324 : memref<96x128xf32, #tpu.memory_space<vmem>>)
    %dma_start3A_331 = arith.constant 1 : i32
    %dma_start3A_332 = arith.constant 1 : i32
    %dma_start3A_333 = arith.constant 0 : i32
    %dma_start3A_334 = arith.constant 0 : i32
    %dma_start3A_335 = tpu.memref_slice %arg11[%dma_start3A_332, %dma_start3A_333, %dma_start3A_334] : memref<3x128x128xf32, #tpu.memory_space<vmem>> -> memref<1x96x128xf32, #tpu.memory_space<vmem>>
    %dma_start3A_336 = tpu.memref_squeeze %dma_start3A_335 : memref<1x96x128xf32, #tpu.memory_space<vmem>> -> memref<96x128xf32, #tpu.memory_space<vmem>>
    %dma_start3A_337 = arith.constant 0 : i32
    %dma_start3A_338 = tpu.memref_slice %arg8[%dma_start3A_331, %dma_start3A_337] : memref<6x128xi32, #tpu.memory_space<vmem>> -> memref<1x96xi32, #tpu.memory_space<vmem>>
    %dma_start3A_339 = tpu.memref_squeeze %dma_start3A_338 : memref<1x96xi32, #tpu.memory_space<vmem>> -> memref<96xi32, #tpu.memory_space<vmem>>
    %dma_start3A_340 = arith.constant 0 : i32
    %dma_start3A_341 = arith.constant 0 : i32
    %dma_start3A_342 = tpu.memref_slice %arg5[%dma_start3A_340, %dma_start3A_341] : memref<100000x128xf32, #tpu.memory_space<hbm>> -> memref<100000x128xf32, #tpu.memory_space<hbm>>
    tpu.enqueue_indirect_dma source(%dma_start3A_342 : memref<100000x128xf32, #tpu.memory_space<hbm>>) target(%dma_start3A_336 : memref<96x128xf32, #tpu.memory_space<vmem>>) offsets(%dma_start3A_339 : memref<96xi32, #tpu.memory_space<vmem>>) semaphore(%arg20 : memref<!tpu.dma_semaphore, #tpu.memory_space<semaphore_mem>>) {add = true}
    %dma_start3A_343 = arith.constant 1 : i32
    %dma_start3A_344 = arith.constant 1 : i32
    %dma_start3A_345 = arith.constant 0 : i32
    %dma_start3A_346 = arith.constant 0 : i32
    %dma_start3A_347 = tpu.memref_slice %arg12[%dma_start3A_344, %dma_start3A_345, %dma_start3A_346] : memref<3x128x128xf32, #tpu.memory_space<vmem>> -> memref<1x96x128xf32, #tpu.memory_space<vmem>>
    %dma_start3A_348 = tpu.memref_squeeze %dma_start3A_347 : memref<1x96x128xf32, #tpu.memory_space<vmem>> -> memref<96x128xf32, #tpu.memory_space<vmem>>
    %dma_start3A_349 = arith.constant 0 : i32
    %dma_start3A_350 = tpu.memref_slice %arg10[%dma_start3A_343, %dma_start3A_349] : memref<6x128xi32, #tpu.memory_space<vmem>> -> memref<1x96xi32, #tpu.memory_space<vmem>>
    %dma_start3A_351 = tpu.memref_squeeze %dma_start3A_350 : memref<1x96xi32, #tpu.memory_space<vmem>> -> memref<96xi32, #tpu.memory_space<vmem>>
    %dma_start3A_352 = arith.constant 0 : i32
    %dma_start3A_353 = arith.constant 0 : i32
    %dma_start3A_354 = tpu.memref_slice %arg5[%dma_start3A_352, %dma_start3A_353] : memref<100000x128xf32, #tpu.memory_space<hbm>> -> memref<100000x128xf32, #tpu.memory_space<hbm>>
    tpu.enqueue_indirect_dma source(%dma_start3A_354 : memref<100000x128xf32, #tpu.memory_space<hbm>>) target(%dma_start3A_348 : memref<96x128xf32, #tpu.memory_space<vmem>>) offsets(%dma_start3A_351 : memref<96xi32, #tpu.memory_space<vmem>>) semaphore(%arg20 : memref<!tpu.dma_semaphore, #tpu.memory_space<semaphore_mem>>)
    %dma_wait3A_355 = arith.constant 2 : i32
    %dma_wait3A_356 = arith.constant 0 : i32
    %dma_wait3A_357 = tpu.memref_slice %arg8[%dma_wait3A_355, %dma_wait3A_356] : memref<6x128xi32, #tpu.memory_space<vmem>> -> memref<1x128xi32, #tpu.memory_space<vmem>>
    %dma_wait3A_358 = tpu.memref_squeeze %dma_wait3A_357 : memref<1x128xi32, #tpu.memory_space<vmem>> -> memref<128xi32, #tpu.memory_space<vmem>>
    %dma_wait3A_359 = tpu.memref_slice %arg2[%multiple_of3A_64] : memref<16384xi32, #tpu.memory_space<hbm>> -> memref<128xi32, #tpu.memory_space<hbm>>
    %dma_wait3A_360 = arith.constant 0 : i32
    %dma_wait3A_361 = tpu.memref_slice %arg8[%dma_wait3A_355, %dma_wait3A_360] : memref<6x128xi32, #tpu.memory_space<vmem>> -> memref<1x128xi32, #tpu.memory_space<vmem>>
    %dma_wait3A_362 = tpu.memref_squeeze %dma_wait3A_361 : memref<1x128xi32, #tpu.memory_space<vmem>> -> memref<128xi32, #tpu.memory_space<vmem>>
    %dma_wait3A_363 = tpu.memref_slice %arg2[%multiple_of3A_64] : memref<16384xi32, #tpu.memory_space<hbm>> -> memref<128xi32, #tpu.memory_space<hbm>>
    tpu.wait_dma2 semaphore(%arg15 : memref<!tpu.dma_semaphore, #tpu.memory_space<semaphore_mem>>) src(%dma_wait3A_363 : memref<128xi32, #tpu.memory_space<hbm>>) dst(%dma_wait3A_362 : memref<128xi32, #tpu.memory_space<vmem>>)
    %dma_wait3A_364 = arith.constant 2 : i32
    %dma_wait3A_365 = arith.constant 0 : i32
    %dma_wait3A_366 = tpu.memref_slice %arg9[%dma_wait3A_364, %dma_wait3A_365] : memref<6x128xi32, #tpu.memory_space<vmem>> -> memref<1x128xi32, #tpu.memory_space<vmem>>
    %dma_wait3A_367 = tpu.memref_squeeze %dma_wait3A_366 : memref<1x128xi32, #tpu.memory_space<vmem>> -> memref<128xi32, #tpu.memory_space<vmem>>
    %dma_wait3A_368 = tpu.memref_slice %arg3[%multiple_of3A_64] : memref<16384xi32, #tpu.memory_space<hbm>> -> memref<128xi32, #tpu.memory_space<hbm>>
    %dma_wait3A_369 = arith.constant 0 : i32
    %dma_wait3A_370 = tpu.memref_slice %arg9[%dma_wait3A_364, %dma_wait3A_369] : memref<6x128xi32, #tpu.memory_space<vmem>> -> memref<1x128xi32, #tpu.memory_space<vmem>>
    %dma_wait3A_371 = tpu.memref_squeeze %dma_wait3A_370 : memref<1x128xi32, #tpu.memory_space<vmem>> -> memref<128xi32, #tpu.memory_space<vmem>>
    %dma_wait3A_372 = tpu.memref_slice %arg3[%multiple_of3A_64] : memref<16384xi32, #tpu.memory_space<hbm>> -> memref<128xi32, #tpu.memory_space<hbm>>
    tpu.wait_dma2 semaphore(%arg15 : memref<!tpu.dma_semaphore, #tpu.memory_space<semaphore_mem>>) src(%dma_wait3A_372 : memref<128xi32, #tpu.memory_space<hbm>>) dst(%dma_wait3A_371 : memref<128xi32, #tpu.memory_space<vmem>>)
    %dma_wait3A_373 = arith.constant 2 : i32
    %dma_wait3A_374 = arith.constant 0 : i32
    %dma_wait3A_375 = tpu.memref_slice %arg10[%dma_wait3A_373, %dma_wait3A_374] : memref<6x128xi32, #tpu.memory_space<vmem>> -> memref<1x128xi32, #tpu.memory_space<vmem>>
    %dma_wait3A_376 = tpu.memref_squeeze %dma_wait3A_375 : memref<1x128xi32, #tpu.memory_space<vmem>> -> memref<128xi32, #tpu.memory_space<vmem>>
    %dma_wait3A_377 = tpu.memref_slice %arg4[%multiple_of3A_64] : memref<16384xi32, #tpu.memory_space<hbm>> -> memref<128xi32, #tpu.memory_space<hbm>>
    %dma_wait3A_378 = arith.constant 0 : i32
    %dma_wait3A_379 = tpu.memref_slice %arg10[%dma_wait3A_373, %dma_wait3A_378] : memref<6x128xi32, #tpu.memory_space<vmem>> -> memref<1x128xi32, #tpu.memory_space<vmem>>
    %dma_wait3A_380 = tpu.memref_squeeze %dma_wait3A_379 : memref<1x128xi32, #tpu.memory_space<vmem>> -> memref<128xi32, #tpu.memory_space<vmem>>
    %dma_wait3A_381 = tpu.memref_slice %arg4[%multiple_of3A_64] : memref<16384xi32, #tpu.memory_space<hbm>> -> memref<128xi32, #tpu.memory_space<hbm>>
    tpu.wait_dma2 semaphore(%arg15 : memref<!tpu.dma_semaphore, #tpu.memory_space<semaphore_mem>>) src(%dma_wait3A_381 : memref<128xi32, #tpu.memory_space<hbm>>) dst(%dma_wait3A_380 : memref<128xi32, #tpu.memory_space<vmem>>)
    %dma_start3A_382 = arith.constant 2 : i32
    %dma_start3A_383 = arith.constant 2 : i32
    %dma_start3A_384 = arith.constant 0 : i32
    %dma_start3A_385 = arith.constant 0 : i32
    %dma_start3A_386 = tpu.memref_slice %arg11[%dma_start3A_383, %dma_start3A_384, %dma_start3A_385] : memref<3x128x128xf32, #tpu.memory_space<vmem>> -> memref<1x128x128xf32, #tpu.memory_space<vmem>>
    %dma_start3A_387 = tpu.memref_squeeze %dma_start3A_386 : memref<1x128x128xf32, #tpu.memory_space<vmem>> -> memref<128x128xf32, #tpu.memory_space<vmem>>
    %dma_start3A_388 = arith.constant 0 : i32
    %dma_start3A_389 = tpu.memref_slice %arg9[%dma_start3A_382, %dma_start3A_388] : memref<6x128xi32, #tpu.memory_space<vmem>> -> memref<1x128xi32, #tpu.memory_space<vmem>>
    %dma_start3A_390 = tpu.memref_squeeze %dma_start3A_389 : memref<1x128xi32, #tpu.memory_space<vmem>> -> memref<128xi32, #tpu.memory_space<vmem>>
    %dma_start3A_391 = arith.constant 0 : i32
    %dma_start3A_392 = arith.constant 0 : i32
    %dma_start3A_393 = tpu.memref_slice %arg6[%dma_start3A_391, %dma_start3A_392] : memref<100000x128xf32, #tpu.memory_space<hbm>> -> memref<100000x128xf32, #tpu.memory_space<hbm>>
    tpu.enqueue_indirect_dma source(%dma_start3A_393 : memref<100000x128xf32, #tpu.memory_space<hbm>>) target(%dma_start3A_387 : memref<128x128xf32, #tpu.memory_space<vmem>>) offsets(%dma_start3A_390 : memref<128xi32, #tpu.memory_space<vmem>>) semaphore(%arg18 : memref<!tpu.dma_semaphore, #tpu.memory_space<semaphore_mem>>)
    %scan3A = arith.constant 0 : i32
    %scan3A_394 = arith.constant 0 : i32
    %scan3A_395 = arith.constant 16 : i32
    %scan3A_396 = arith.addi %scan3A_394, %scan3A_395 : i32
    %scan3A_397 = arith.constant 1 : i32
    scf.for %scan3A_846 = %scan3A_394 to %scan3A_396 step %scan3A_397  : i32 {
      %mul3A_847 = arith.constant 2 : i32
      %mul3A_848 = arith.muli %scan3A_846, %mul3A_847 : i32
      %add3A_849 = arith.constant 0 : i32
      %add3A_850 = arith.addi %mul3A_848, %add3A_849 : i32
      %shift_right_arithmetic3A = arith.constant 4 : i32
      %shift_right_arithmetic3A_851 = arith.shrsi %add3A_850, %shift_right_arithmetic3A : i32
      %and3A = arith.constant 15 : i32
      %and3A_852 = arith.andi %add3A_850, %and3A : i32
      %broadcast_in_dim3A = arith.constant 0.000000e+00 : f32
      %broadcast_in_dim3A_853 = vector.broadcast %broadcast_in_dim3A : f32 to vector<16xf32>
      %get3A = arith.constant 0 : i32
      %get3A_854 = arith.index_cast %get3A : i32 to index
      %get3A_855 = arith.index_cast %add3A_850 : i32 to index
      %get3A_856 = arith.constant 0 : index
      %get3A_857 = tpu.vector_load %arg11[%get3A_854, %get3A_855, %get3A_856] {strides = array<i32>} : memref<3x128x128xf32, #tpu.memory_space<vmem>>, vector<16xf32>,
      %get3A_858 = arith.constant 0 : i32
      %get3A_859 = arith.index_cast %get3A_858 : i32 to index
      %get3A_860 = arith.index_cast %add3A_850 : i32 to index
      %get3A_861 = arith.constant 0 : index
      %get3A_862 = tpu.vector_load %arg12[%get3A_859, %get3A_860, %get3A_861] {strides = array<i32>} : memref<3x128x128xf32, #tpu.memory_space<vmem>>, vector<16xf32>,
      %sub3A = arith.subf %get3A_857, %get3A_862 : vector<16xf32>
      %abs3A = math.absf %sub3A : vector<16xf32>
      %add3A_863 = arith.addf %broadcast_in_dim3A_853, %abs3A : vector<16xf32>
      %get3A_864 = arith.constant 0 : i32
      %get3A_865 = arith.index_cast %get3A_864 : i32 to index
      %get3A_866 = arith.index_cast %add3A_850 : i32 to index
      %get3A_867 = arith.constant 16 : index
      %get3A_868 = tpu.vector_load %arg11[%get3A_865, %get3A_866, %get3A_867] {strides = array<i32>} : memref<3x128x128xf32, #tpu.memory_space<vmem>>, vector<16xf32>,
      %get3A_869 = arith.constant 0 : i32
      %get3A_870 = arith.index_cast %get3A_869 : i32 to index
      %get3A_871 = arith.index_cast %add3A_850 : i32 to index
      %get3A_872 = arith.constant 16 : index
      %get3A_873 = tpu.vector_load %arg12[%get3A_870, %get3A_871, %get3A_872] {strides = array<i32>} : memref<3x128x128xf32, #tpu.memory_space<vmem>>, vector<16xf32>,
      %sub3A_874 = arith.subf %get3A_868, %get3A_873 : vector<16xf32>
      %abs3A_875 = math.absf %sub3A_874 : vector<16xf32>
      %add3A_876 = arith.addf %add3A_863, %abs3A_875 : vector<16xf32>
      %get3A_877 = arith.constant 0 : i32
      %get3A_878 = arith.index_cast %get3A_877 : i32 to index
      %get3A_879 = arith.index_cast %add3A_850 : i32 to index
      %get3A_880 = arith.constant 32 : index
      %get3A_881 = tpu.vector_load %arg11[%get3A_878, %get3A_879, %get3A_880] {strides = array<i32>} : memref<3x128x128xf32, #tpu.memory_space<vmem>>, vector<16xf32>,
      %get3A_882 = arith.constant 0 : i32
      %get3A_883 = arith.index_cast %get3A_882 : i32 to index
      %get3A_884 = arith.index_cast %add3A_850 : i32 to index
      %get3A_885 = arith.constant 32 : index
      %get3A_886 = tpu.vector_load %arg12[%get3A_883, %get3A_884, %get3A_885] {strides = array<i32>} : memref<3x128x128xf32, #tpu.memory_space<vmem>>, vector<16xf32>,
      %sub3A_887 = arith.subf %get3A_881, %get3A_886 : vector<16xf32>
      %abs3A_888 = math.absf %sub3A_887 : vector<16xf32>
      %add3A_889 = arith.addf %add3A_876, %abs3A_888 : vector<16xf32>
      %get3A_890 = arith.constant 0 : i32
      %get3A_891 = arith.index_cast %get3A_890 : i32 to index
      %get3A_892 = arith.index_cast %add3A_850 : i32 to index
      %get3A_893 = arith.constant 48 : index
      %get3A_894 = tpu.vector_load %arg11[%get3A_891, %get3A_892, %get3A_893] {strides = array<i32>} : memref<3x128x128xf32, #tpu.memory_space<vmem>>, vector<16xf32>,
      %get3A_895 = arith.constant 0 : i32
      %get3A_896 = arith.index_cast %get3A_895 : i32 to index
      %get3A_897 = arith.index_cast %add3A_850 : i32 to index
      %get3A_898 = arith.constant 48 : index
      %get3A_899 = tpu.vector_load %arg12[%get3A_896, %get3A_897, %get3A_898] {strides = array<i32>} : memref<3x128x128xf32, #tpu.memory_space<vmem>>, vector<16xf32>,
      %sub3A_900 = arith.subf %get3A_894, %get3A_899 : vector<16xf32>
      %abs3A_901 = math.absf %sub3A_900 : vector<16xf32>
      %add3A_902 = arith.addf %add3A_889, %abs3A_901 : vector<16xf32>
      %get3A_903 = arith.constant 0 : i32
      %get3A_904 = arith.index_cast %get3A_903 : i32 to index
      %get3A_905 = arith.index_cast %add3A_850 : i32 to index
      %get3A_906 = arith.constant 64 : index
      %get3A_907 = tpu.vector_load %arg11[%get3A_904, %get3A_905, %get3A_906] {strides = array<i32>} : memref<3x128x128xf32, #tpu.memory_space<vmem>>, vector<16xf32>,
      %get3A_908 = arith.constant 0 : i32
      %get3A_909 = arith.index_cast %get3A_908 : i32 to index
      %get3A_910 = arith.index_cast %add3A_850 : i32 to index
      %get3A_911 = arith.constant 64 : index
      %get3A_912 = tpu.vector_load %arg12[%get3A_909, %get3A_910, %get3A_911] {strides = array<i32>} : memref<3x128x128xf32, #tpu.memory_space<vmem>>, vector<16xf32>,
      %sub3A_913 = arith.subf %get3A_907, %get3A_912 : vector<16xf32>
      %abs3A_914 = math.absf %sub3A_913 : vector<16xf32>
      %add3A_915 = arith.addf %add3A_902, %abs3A_914 : vector<16xf32>
      %get3A_916 = arith.constant 0 : i32
      %get3A_917 = arith.index_cast %get3A_916 : i32 to index
      %get3A_918 = arith.index_cast %add3A_850 : i32 to index
      %get3A_919 = arith.constant 80 : index
      %get3A_920 = tpu.vector_load %arg11[%get3A_917, %get3A_918, %get3A_919] {strides = array<i32>} : memref<3x128x128xf32, #tpu.memory_space<vmem>>, vector<16xf32>,
      %get3A_921 = arith.constant 0 : i32
      %get3A_922 = arith.index_cast %get3A_921 : i32 to index
      %get3A_923 = arith.index_cast %add3A_850 : i32 to index
      %get3A_924 = arith.constant 80 : index
      %get3A_925 = tpu.vector_load %arg12[%get3A_922, %get3A_923, %get3A_924] {strides = array<i32>} : memref<3x128x128xf32, #tpu.memory_space<vmem>>, vector<16xf32>,
      %sub3A_926 = arith.subf %get3A_920, %get3A_925 : vector<16xf32>
      %abs3A_927 = math.absf %sub3A_926 : vector<16xf32>
      %add3A_928 = arith.addf %add3A_915, %abs3A_927 : vector<16xf32>
      %get3A_929 = arith.constant 0 : i32
      %get3A_930 = arith.index_cast %get3A_929 : i32 to index
      %get3A_931 = arith.index_cast %add3A_850 : i32 to index
      %get3A_932 = arith.constant 96 : index
      %get3A_933 = tpu.vector_load %arg11[%get3A_930, %get3A_931, %get3A_932] {strides = array<i32>} : memref<3x128x128xf32, #tpu.memory_space<vmem>>, vector<16xf32>,
      %get3A_934 = arith.constant 0 : i32
      %get3A_935 = arith.index_cast %get3A_934 : i32 to index
      %get3A_936 = arith.index_cast %add3A_850 : i32 to index
      %get3A_937 = arith.constant 96 : index
      %get3A_938 = tpu.vector_load %arg12[%get3A_935, %get3A_936, %get3A_937] {strides = array<i32>} : memref<3x128x128xf32, #tpu.memory_space<vmem>>, vector<16xf32>,
      %sub3A_939 = arith.subf %get3A_933, %get3A_938 : vector<16xf32>
      %abs3A_940 = math.absf %sub3A_939 : vector<16xf32>
      %add3A_941 = arith.addf %add3A_928, %abs3A_940 : vector<16xf32>
      %get3A_942 = arith.constant 0 : i32
      %get3A_943 = arith.index_cast %get3A_942 : i32 to index
      %get3A_944 = arith.index_cast %add3A_850 : i32 to index
      %get3A_945 = arith.constant 112 : index
      %get3A_946 = tpu.vector_load %arg11[%get3A_943, %get3A_944, %get3A_945] {strides = array<i32>} : memref<3x128x128xf32, #tpu.memory_space<vmem>>, vector<16xf32>,
      %get3A_947 = arith.constant 0 : i32
      %get3A_948 = arith.index_cast %get3A_947 : i32 to index
      %get3A_949 = arith.index_cast %add3A_850 : i32 to index
      %get3A_950 = arith.constant 112 : index
      %get3A_951 = tpu.vector_load %arg12[%get3A_948, %get3A_949, %get3A_950] {strides = array<i32>} : memref<3x128x128xf32, #tpu.memory_space<vmem>>, vector<16xf32>,
      %sub3A_952 = arith.subf %get3A_946, %get3A_951 : vector<16xf32>
      %abs3A_953 = math.absf %sub3A_952 : vector<16xf32>
      %add3A_954 = arith.addf %add3A_941, %abs3A_953 : vector<16xf32>
      %mul3A_955 = arith.constant 272 : i32
      %mul3A_956 = arith.muli %shift_right_arithmetic3A_851, %mul3A_955 : i32
      %add3A_957 = arith.addi %mul3A_956, %and3A_852 : i32
      %mul3A_958 = arith.constant 17 : i32
      %mul3A_959 = vector.broadcast %mul3A_958 : i32 to vector<16xi32>
      %mul3A_960 = arith.muli %iota3A, %mul3A_959 : vector<16xi32>
      %add3A_961 = vector.broadcast %add3A_957 : i32 to vector<16xi32>
      %add3A_962 = arith.addi %mul3A_960, %add3A_961 : vector<16xi32>
      tpu.vector_store_idx %arg13[%add3A_962], %add3A_954 : memref<2176xf32, #tpu.memory_space<vmem>>[vector<16xi32>], vector<16xf32>,
      %mul3A_963 = arith.constant 2 : i32
      %mul3A_964 = arith.muli %scan3A_846, %mul3A_963 : i32
      %add3A_965 = arith.constant 1 : i32
      %add3A_966 = arith.addi %mul3A_964, %add3A_965 : i32
      %shift_right_arithmetic3A_967 = arith.constant 4 : i32
      %shift_right_arithmetic3A_968 = arith.shrsi %add3A_966, %shift_right_arithmetic3A_967 : i32
      %and3A_969 = arith.constant 15 : i32
      %and3A_970 = arith.andi %add3A_966, %and3A_969 : i32
      %broadcast_in_dim3A_971 = arith.constant 0.000000e+00 : f32
      %broadcast_in_dim3A_972 = vector.broadcast %broadcast_in_dim3A_971 : f32 to vector<16xf32>
      %get3A_973 = arith.constant 0 : i32
      %get3A_974 = arith.index_cast %get3A_973 : i32 to index
      %get3A_975 = arith.index_cast %add3A_966 : i32 to index
      %get3A_976 = arith.constant 0 : index
      %get3A_977 = tpu.vector_load %arg11[%get3A_974, %get3A_975, %get3A_976] {strides = array<i32>} : memref<3x128x128xf32, #tpu.memory_space<vmem>>, vector<16xf32>,
      %get3A_978 = arith.constant 0 : i32
      %get3A_979 = arith.index_cast %get3A_978 : i32 to index
      %get3A_980 = arith.index_cast %add3A_966 : i32 to index
      %get3A_981 = arith.constant 0 : index
      %get3A_982 = tpu.vector_load %arg12[%get3A_979, %get3A_980, %get3A_981] {strides = array<i32>} : memref<3x128x128xf32, #tpu.memory_space<vmem>>, vector<16xf32>,
      %sub3A_983 = arith.subf %get3A_977, %get3A_982 : vector<16xf32>
      %abs3A_984 = math.absf %sub3A_983 : vector<16xf32>
      %add3A_985 = arith.addf %broadcast_in_dim3A_972, %abs3A_984 : vector<16xf32>
      %get3A_986 = arith.constant 0 : i32
      %get3A_987 = arith.index_cast %get3A_986 : i32 to index
      %get3A_988 = arith.index_cast %add3A_966 : i32 to index
      %get3A_989 = arith.constant 16 : index
      %get3A_990 = tpu.vector_load %arg11[%get3A_987, %get3A_988, %get3A_989] {strides = array<i32>} : memref<3x128x128xf32, #tpu.memory_space<vmem>>, vector<16xf32>,
      %get3A_991 = arith.constant 0 : i32
      %get3A_992 = arith.index_cast %get3A_991 : i32 to index
      %get3A_993 = arith.index_cast %add3A_966 : i32 to index
      %get3A_994 = arith.constant 16 : index
      %get3A_995 = tpu.vector_load %arg12[%get3A_992, %get3A_993, %get3A_994] {strides = array<i32>} : memref<3x128x128xf32, #tpu.memory_space<vmem>>, vector<16xf32>,
      %sub3A_996 = arith.subf %get3A_990, %get3A_995 : vector<16xf32>
      %abs3A_997 = math.absf %sub3A_996 : vector<16xf32>
      %add3A_998 = arith.addf %add3A_985, %abs3A_997 : vector<16xf32>
      %get3A_999 = arith.constant 0 : i32
      %get3A_1000 = arith.index_cast %get3A_999 : i32 to index
      %get3A_1001 = arith.index_cast %add3A_966 : i32 to index
      %get3A_1002 = arith.constant 32 : index
      %get3A_1003 = tpu.vector_load %arg11[%get3A_1000, %get3A_1001, %get3A_1002] {strides = array<i32>} : memref<3x128x128xf32, #tpu.memory_space<vmem>>, vector<16xf32>,
      %get3A_1004 = arith.constant 0 : i32
      %get3A_1005 = arith.index_cast %get3A_1004 : i32 to index
      %get3A_1006 = arith.index_cast %add3A_966 : i32 to index
      %get3A_1007 = arith.constant 32 : index
      %get3A_1008 = tpu.vector_load %arg12[%get3A_1005, %get3A_1006, %get3A_1007] {strides = array<i32>} : memref<3x128x128xf32, #tpu.memory_space<vmem>>, vector<16xf32>,
      %sub3A_1009 = arith.subf %get3A_1003, %get3A_1008 : vector<16xf32>
      %abs3A_1010 = math.absf %sub3A_1009 : vector<16xf32>
      %add3A_1011 = arith.addf %add3A_998, %abs3A_1010 : vector<16xf32>
      %get3A_1012 = arith.constant 0 : i32
      %get3A_1013 = arith.index_cast %get3A_1012 : i32 to index
      %get3A_1014 = arith.index_cast %add3A_966 : i32 to index
      %get3A_1015 = arith.constant 48 : index
      %get3A_1016 = tpu.vector_load %arg11[%get3A_1013, %get3A_1014, %get3A_1015] {strides = array<i32>} : memref<3x128x128xf32, #tpu.memory_space<vmem>>, vector<16xf32>,
      %get3A_1017 = arith.constant 0 : i32
      %get3A_1018 = arith.index_cast %get3A_1017 : i32 to index
      %get3A_1019 = arith.index_cast %add3A_966 : i32 to index
      %get3A_1020 = arith.constant 48 : index
      %get3A_1021 = tpu.vector_load %arg12[%get3A_1018, %get3A_1019, %get3A_1020] {strides = array<i32>} : memref<3x128x128xf32, #tpu.memory_space<vmem>>, vector<16xf32>,
      %sub3A_1022 = arith.subf %get3A_1016, %get3A_1021 : vector<16xf32>
      %abs3A_1023 = math.absf %sub3A_1022 : vector<16xf32>
      %add3A_1024 = arith.addf %add3A_1011, %abs3A_1023 : vector<16xf32>
      %get3A_1025 = arith.constant 0 : i32
      %get3A_1026 = arith.index_cast %get3A_1025 : i32 to index
      %get3A_1027 = arith.index_cast %add3A_966 : i32 to index
      %get3A_1028 = arith.constant 64 : index
      %get3A_1029 = tpu.vector_load %arg11[%get3A_1026, %get3A_1027, %get3A_1028] {strides = array<i32>} : memref<3x128x128xf32, #tpu.memory_space<vmem>>, vector<16xf32>,
      %get3A_1030 = arith.constant 0 : i32
      %get3A_1031 = arith.index_cast %get3A_1030 : i32 to index
      %get3A_1032 = arith.index_cast %add3A_966 : i32 to index
      %get3A_1033 = arith.constant 64 : index
      %get3A_1034 = tpu.vector_load %arg12[%get3A_1031, %get3A_1032, %get3A_1033] {strides = array<i32>} : memref<3x128x128xf32, #tpu.memory_space<vmem>>, vector<16xf32>,
      %sub3A_1035 = arith.subf %get3A_1029, %get3A_1034 : vector<16xf32>
      %abs3A_1036 = math.absf %sub3A_1035 : vector<16xf32>
      %add3A_1037 = arith.addf %add3A_1024, %abs3A_1036 : vector<16xf32>
      %get3A_1038 = arith.constant 0 : i32
      %get3A_1039 = arith.index_cast %get3A_1038 : i32 to index
      %get3A_1040 = arith.index_cast %add3A_966 : i32 to index
      %get3A_1041 = arith.constant 80 : index
      %get3A_1042 = tpu.vector_load %arg11[%get3A_1039, %get3A_1040, %get3A_1041] {strides = array<i32>} : memref<3x128x128xf32, #tpu.memory_space<vmem>>, vector<16xf32>,
      %get3A_1043 = arith.constant 0 : i32
      %get3A_1044 = arith.index_cast %get3A_1043 : i32 to index
      %get3A_1045 = arith.index_cast %add3A_966 : i32 to index
      %get3A_1046 = arith.constant 80 : index
      %get3A_1047 = tpu.vector_load %arg12[%get3A_1044, %get3A_1045, %get3A_1046] {strides = array<i32>} : memref<3x128x128xf32, #tpu.memory_space<vmem>>, vector<16xf32>,
      %sub3A_1048 = arith.subf %get3A_1042, %get3A_1047 : vector<16xf32>
      %abs3A_1049 = math.absf %sub3A_1048 : vector<16xf32>
      %add3A_1050 = arith.addf %add3A_1037, %abs3A_1049 : vector<16xf32>
      %get3A_1051 = arith.constant 0 : i32
      %get3A_1052 = arith.index_cast %get3A_1051 : i32 to index
      %get3A_1053 = arith.index_cast %add3A_966 : i32 to index
      %get3A_1054 = arith.constant 96 : index
      %get3A_1055 = tpu.vector_load %arg11[%get3A_1052, %get3A_1053, %get3A_1054] {strides = array<i32>} : memref<3x128x128xf32, #tpu.memory_space<vmem>>, vector<16xf32>,
      %get3A_1056 = arith.constant 0 : i32
      %get3A_1057 = arith.index_cast %get3A_1056 : i32 to index
      %get3A_1058 = arith.index_cast %add3A_966 : i32 to index
      %get3A_1059 = arith.constant 96 : index
      %get3A_1060 = tpu.vector_load %arg12[%get3A_1057, %get3A_1058, %get3A_1059] {strides = array<i32>} : memref<3x128x128xf32, #tpu.memory_space<vmem>>, vector<16xf32>,
      %sub3A_1061 = arith.subf %get3A_1055, %get3A_1060 : vector<16xf32>
      %abs3A_1062 = math.absf %sub3A_1061 : vector<16xf32>
      %add3A_1063 = arith.addf %add3A_1050, %abs3A_1062 : vector<16xf32>
      %get3A_1064 = arith.constant 0 : i32
      %get3A_1065 = arith.index_cast %get3A_1064 : i32 to index
      %get3A_1066 = arith.index_cast %add3A_966 : i32 to index
      %get3A_1067 = arith.constant 112 : index
      %get3A_1068 = tpu.vector_load %arg11[%get3A_1065, %get3A_1066, %get3A_1067] {strides = array<i32>} : memref<3x128x128xf32, #tpu.memory_space<vmem>>, vector<16xf32>,
      %get3A_1069 = arith.constant 0 : i32
      %get3A_1070 = arith.index_cast %get3A_1069 : i32 to index
      %get3A_1071 = arith.index_cast %add3A_966 : i32 to index
      %get3A_1072 = arith.constant 112 : index
      %get3A_1073 = tpu.vector_load %arg12[%get3A_1070, %get3A_1071, %get3A_1072] {strides = array<i32>} : memref<3x128x128xf32, #tpu.memory_space<vmem>>, vector<16xf32>,
      %sub3A_1074 = arith.subf %get3A_1068, %get3A_1073 : vector<16xf32>
      %abs3A_1075 = math.absf %sub3A_1074 : vector<16xf32>
      %add3A_1076 = arith.addf %add3A_1063, %abs3A_1075 : vector<16xf32>
      %mul3A_1077 = arith.constant 272 : i32
      %mul3A_1078 = arith.muli %shift_right_arithmetic3A_968, %mul3A_1077 : i32
      %add3A_1079 = arith.addi %mul3A_1078, %and3A_970 : i32
      %mul3A_1080 = arith.constant 17 : i32
      %mul3A_1081 = vector.broadcast %mul3A_1080 : i32 to vector<16xi32>
      %mul3A_1082 = arith.muli %iota3A, %mul3A_1081 : vector<16xi32>
      %add3A_1083 = vector.broadcast %add3A_1079 : i32 to vector<16xi32>
      %add3A_1084 = arith.addi %mul3A_1082, %add3A_1083 : vector<16xi32>
      tpu.vector_store_idx %arg13[%add3A_1084], %add3A_1076 : memref<2176xf32, #tpu.memory_space<vmem>>[vector<16xi32>], vector<16xf32>,
    }
    %scan3A_398 = arith.constant 16 : i32
    %scan3A_399 = arith.constant 0 : i32
    %scan3A_400 = arith.constant 0 : i32
    %scan3A_401 = arith.constant 2 : i32
    %scan3A_402 = arith.addi %scan3A_400, %scan3A_401 : i32
    %scan3A_403 = arith.constant 1 : i32
    scf.for %scan3A_846 = %scan3A_400 to %scan3A_402 step %scan3A_403  : i32 {
      %mul3A_847 = arith.constant 272 : i32
      %mul3A_848 = arith.muli %scan3A_846, %mul3A_847 : i32
      %broadcast_in_dim3A = arith.constant 0.000000e+00 : f32
      %broadcast_in_dim3A_849 = vector.broadcast %broadcast_in_dim3A : f32 to vector<16xf32>
      %add3A_850 = arith.constant 0 : i32
      %add3A_851 = arith.addi %mul3A_848, %add3A_850 : i32
      %add3A_852 = vector.broadcast %add3A_851 : i32 to vector<16xi32>
      %add3A_853 = arith.addi %iota3A, %add3A_852 : vector<16xi32>
      %gather3A = tpu.vector_load_idx %arg13[%add3A_853] : memref<2176xf32, #tpu.memory_space<vmem>>[vector<16xi32>], vector<16xf32>,
      %add3A_854 = arith.addf %broadcast_in_dim3A_849, %gather3A : vector<16xf32>
      %add3A_855 = arith.constant 17 : i32
      %add3A_856 = arith.addi %mul3A_848, %add3A_855 : i32
      %add3A_857 = vector.broadcast %add3A_856 : i32 to vector<16xi32>
      %add3A_858 = arith.addi %iota3A, %add3A_857 : vector<16xi32>
      %gather3A_859 = tpu.vector_load_idx %arg13[%add3A_858] : memref<2176xf32, #tpu.memory_space<vmem>>[vector<16xi32>], vector<16xf32>,
      %add3A_860 = arith.addf %add3A_854, %gather3A_859 : vector<16xf32>
      %add3A_861 = arith.constant 34 : i32
      %add3A_862 = arith.addi %mul3A_848, %add3A_861 : i32
      %add3A_863 = vector.broadcast %add3A_862 : i32 to vector<16xi32>
      %add3A_864 = arith.addi %iota3A, %add3A_863 : vector<16xi32>
      %gather3A_865 = tpu.vector_load_idx %arg13[%add3A_864] : memref<2176xf32, #tpu.memory_space<vmem>>[vector<16xi32>], vector<16xf32>,
      %add3A_866 = arith.addf %add3A_860, %gather3A_865 : vector<16xf32>
      %add3A_867 = arith.constant 51 : i32
      %add3A_868 = arith.addi %mul3A_848, %add3A_867 : i32
      %add3A_869 = vector.broadcast %add3A_868 : i32 to vector<16xi32>
      %add3A_870 = arith.addi %iota3A, %add3A_869 : vector<16xi32>
      %gather3A_871 = tpu.vector_load_idx %arg13[%add3A_870] : memref<2176xf32, #tpu.memory_space<vmem>>[vector<16xi32>], vector<16xf32>,
      %add3A_872 = arith.addf %add3A_866, %gather3A_871 : vector<16xf32>
      %add3A_873 = arith.constant 68 : i32
      %add3A_874 = arith.addi %mul3A_848, %add3A_873 : i32
      %add3A_875 = vector.broadcast %add3A_874 : i32 to vector<16xi32>
      %add3A_876 = arith.addi %iota3A, %add3A_875 : vector<16xi32>
      %gather3A_877 = tpu.vector_load_idx %arg13[%add3A_876] : memref<2176xf32, #tpu.memory_space<vmem>>[vector<16xi32>], vector<16xf32>,
      %add3A_878 = arith.addf %add3A_872, %gather3A_877 : vector<16xf32>
      %add3A_879 = arith.constant 85 : i32
      %add3A_880 = arith.addi %mul3A_848, %add3A_879 : i32
      %add3A_881 = vector.broadcast %add3A_880 : i32 to vector<16xi32>
      %add3A_882 = arith.addi %iota3A, %add3A_881 : vector<16xi32>
      %gather3A_883 = tpu.vector_load_idx %arg13[%add3A_882] : memref<2176xf32, #tpu.memory_space<vmem>>[vector<16xi32>], vector<16xf32>,
      %add3A_884 = arith.addf %add3A_878, %gather3A_883 : vector<16xf32>
      %add3A_885 = arith.constant 102 : i32
      %add3A_886 = arith.addi %mul3A_848, %add3A_885 : i32
      %add3A_887 = vector.broadcast %add3A_886 : i32 to vector<16xi32>
      %add3A_888 = arith.addi %iota3A, %add3A_887 : vector<16xi32>
      %gather3A_889 = tpu.vector_load_idx %arg13[%add3A_888] : memref<2176xf32, #tpu.memory_space<vmem>>[vector<16xi32>], vector<16xf32>,
      %add3A_890 = arith.addf %add3A_884, %gather3A_889 : vector<16xf32>
      %add3A_891 = arith.constant 119 : i32
      %add3A_892 = arith.addi %mul3A_848, %add3A_891 : i32
      %add3A_893 = vector.broadcast %add3A_892 : i32 to vector<16xi32>
      %add3A_894 = arith.addi %iota3A, %add3A_893 : vector<16xi32>
      %gather3A_895 = tpu.vector_load_idx %arg13[%add3A_894] : memref<2176xf32, #tpu.memory_space<vmem>>[vector<16xi32>], vector<16xf32>,
      %add3A_896 = arith.addf %add3A_890, %gather3A_895 : vector<16xf32>
      %add3A_897 = arith.constant 136 : i32
      %add3A_898 = arith.addi %mul3A_848, %add3A_897 : i32
      %add3A_899 = vector.broadcast %add3A_898 : i32 to vector<16xi32>
      %add3A_900 = arith.addi %iota3A, %add3A_899 : vector<16xi32>
      %gather3A_901 = tpu.vector_load_idx %arg13[%add3A_900] : memref<2176xf32, #tpu.memory_space<vmem>>[vector<16xi32>], vector<16xf32>,
      %add3A_902 = arith.addf %add3A_896, %gather3A_901 : vector<16xf32>
      %add3A_903 = arith.constant 153 : i32
      %add3A_904 = arith.addi %mul3A_848, %add3A_903 : i32
      %add3A_905 = vector.broadcast %add3A_904 : i32 to vector<16xi32>
      %add3A_906 = arith.addi %iota3A, %add3A_905 : vector<16xi32>
      %gather3A_907 = tpu.vector_load_idx %arg13[%add3A_906] : memref<2176xf32, #tpu.memory_space<vmem>>[vector<16xi32>], vector<16xf32>,
      %add3A_908 = arith.addf %add3A_902, %gather3A_907 : vector<16xf32>
      %add3A_909 = arith.constant 170 : i32
      %add3A_910 = arith.addi %mul3A_848, %add3A_909 : i32
      %add3A_911 = vector.broadcast %add3A_910 : i32 to vector<16xi32>
      %add3A_912 = arith.addi %iota3A, %add3A_911 : vector<16xi32>
      %gather3A_913 = tpu.vector_load_idx %arg13[%add3A_912] : memref<2176xf32, #tpu.memory_space<vmem>>[vector<16xi32>], vector<16xf32>,
      %add3A_914 = arith.addf %add3A_908, %gather3A_913 : vector<16xf32>
      %add3A_915 = arith.constant 187 : i32
      %add3A_916 = arith.addi %mul3A_848, %add3A_915 : i32
      %add3A_917 = vector.broadcast %add3A_916 : i32 to vector<16xi32>
      %add3A_918 = arith.addi %iota3A, %add3A_917 : vector<16xi32>
      %gather3A_919 = tpu.vector_load_idx %arg13[%add3A_918] : memref<2176xf32, #tpu.memory_space<vmem>>[vector<16xi32>], vector<16xf32>,
      %add3A_920 = arith.addf %add3A_914, %gather3A_919 : vector<16xf32>
      %add3A_921 = arith.constant 204 : i32
      %add3A_922 = arith.addi %mul3A_848, %add3A_921 : i32
      %add3A_923 = vector.broadcast %add3A_922 : i32 to vector<16xi32>
      %add3A_924 = arith.addi %iota3A, %add3A_923 : vector<16xi32>
      %gather3A_925 = tpu.vector_load_idx %arg13[%add3A_924] : memref<2176xf32, #tpu.memory_space<vmem>>[vector<16xi32>], vector<16xf32>,
      %add3A_926 = arith.addf %add3A_920, %gather3A_925 : vector<16xf32>
      %add3A_927 = arith.constant 221 : i32
      %add3A_928 = arith.addi %mul3A_848, %add3A_927 : i32
      %add3A_929 = vector.broadcast %add3A_928 : i32 to vector<16xi32>
      %add3A_930 = arith.addi %iota3A, %add3A_929 : vector<16xi32>
      %gather3A_931 = tpu.vector_load_idx %arg13[%add3A_930] : memref<2176xf32, #tpu.memory_space<vmem>>[vector<16xi32>], vector<16xf32>,
      %add3A_932 = arith.addf %add3A_926, %gather3A_931 : vector<16xf32>
      %add3A_933 = arith.constant 238 : i32
      %add3A_934 = arith.addi %mul3A_848, %add3A_933 : i32
      %add3A_935 = vector.broadcast %add3A_934 : i32 to vector<16xi32>
      %add3A_936 = arith.addi %iota3A, %add3A_935 : vector<16xi32>
      %gather3A_937 = tpu.vector_load_idx %arg13[%add3A_936] : memref<2176xf32, #tpu.memory_space<vmem>>[vector<16xi32>], vector<16xf32>,
      %add3A_938 = arith.addf %add3A_932, %gather3A_937 : vector<16xf32>
      %add3A_939 = arith.constant 255 : i32
      %add3A_940 = arith.addi %mul3A_848, %add3A_939 : i32
      %add3A_941 = vector.broadcast %add3A_940 : i32 to vector<16xi32>
      %add3A_942 = arith.addi %iota3A, %add3A_941 : vector<16xi32>
      %gather3A_943 = tpu.vector_load_idx %arg13[%add3A_942] : memref<2176xf32, #tpu.memory_space<vmem>>[vector<16xi32>], vector<16xf32>,
      %add3A_944 = arith.addf %add3A_938, %gather3A_943 : vector<16xf32>
      %sub3A = arith.constant 1.200000e+01 : f32
      %sub3A_945 = vector.broadcast %sub3A : f32 to vector<16xf32>
      %sub3A_946 = arith.subf %sub3A_945, %add3A_944 : vector<16xf32>
      %mul3A_947 = arith.constant 16 : i32
      %mul3A_948 = arith.muli %scan3A_846, %mul3A_947 : i32
      %add3A_949 = arith.constant 0 : i32
      %add3A_950 = arith.addi %add3A_949, %mul3A_948 : i32
      %swap3A = arith.index_cast %add3A_950 : i32 to index
      %swap3A_951 = tpu.vector_load %arg14[%swap3A] {strides = array<i32>} : memref<512xf32, #tpu.memory_space<vmem>>, vector<16xf32>,
      tpu.vector_store %arg14[%swap3A], %sub3A_946 {strides = array<i32>} : memref<512xf32, #tpu.memory_space<vmem>>, vector<16xf32>,
    }
    %scan3A_404 = arith.constant 2 : i32
    %dma_wait3A_405 = arith.constant 1 : i32
    %dma_wait3A_406 = arith.constant 1 : i32
    %dma_wait3A_407 = arith.constant 0 : i32
    %dma_wait3A_408 = arith.constant 0 : i32
    %dma_wait3A_409 = tpu.memref_slice %arg11[%dma_wait3A_406, %dma_wait3A_407, %dma_wait3A_408] : memref<3x128x128xf32, #tpu.memory_space<vmem>> -> memref<1x96x128xf32, #tpu.memory_space<vmem>>
    %dma_wait3A_410 = tpu.memref_squeeze %dma_wait3A_409 : memref<1x96x128xf32, #tpu.memory_space<vmem>> -> memref<96x128xf32, #tpu.memory_space<vmem>>
    %dma_wait3A_411 = arith.constant 0 : i32
    %dma_wait3A_412 = tpu.memref_slice %arg8[%dma_wait3A_405, %dma_wait3A_411] : memref<6x128xi32, #tpu.memory_space<vmem>> -> memref<1x96xi32, #tpu.memory_space<vmem>>
    %dma_wait3A_413 = tpu.memref_squeeze %dma_wait3A_412 : memref<1x96xi32, #tpu.memory_space<vmem>> -> memref<96xi32, #tpu.memory_space<vmem>>
    %dma_wait3A_414 = arith.constant 0 : i32
    %dma_wait3A_415 = arith.constant 0 : i32
    %dma_wait3A_416 = tpu.memref_slice %arg5[%dma_wait3A_414, %dma_wait3A_415] : memref<100000x128xf32, #tpu.memory_space<hbm>> -> memref<100000x128xf32, #tpu.memory_space<hbm>>
    tpu.wait_indirect_dma semaphore(%arg20 : memref<!tpu.dma_semaphore, #tpu.memory_space<semaphore_mem>>) src(%dma_wait3A_416 : memref<100000x128xf32, #tpu.memory_space<hbm>>) dst(%dma_wait3A_410 : memref<96x128xf32, #tpu.memory_space<vmem>>)
    %dma_wait3A_417 = arith.constant 1 : i32
    %dma_wait3A_418 = arith.constant 1 : i32
    %dma_wait3A_419 = arith.constant 0 : i32
    %dma_wait3A_420 = arith.constant 0 : i32
    %dma_wait3A_421 = tpu.memref_slice %arg12[%dma_wait3A_418, %dma_wait3A_419, %dma_wait3A_420] : memref<3x128x128xf32, #tpu.memory_space<vmem>> -> memref<1x96x128xf32, #tpu.memory_space<vmem>>
    %dma_wait3A_422 = tpu.memref_squeeze %dma_wait3A_421 : memref<1x96x128xf32, #tpu.memory_space<vmem>> -> memref<96x128xf32, #tpu.memory_space<vmem>>
    %dma_wait3A_423 = arith.constant 0 : i32
    %dma_wait3A_424 = tpu.memref_slice %arg10[%dma_wait3A_417, %dma_wait3A_423] : memref<6x128xi32, #tpu.memory_space<vmem>> -> memref<1x96xi32, #tpu.memory_space<vmem>>
    %dma_wait3A_425 = tpu.memref_squeeze %dma_wait3A_424 : memref<1x96xi32, #tpu.memory_space<vmem>> -> memref<96xi32, #tpu.memory_space<vmem>>
    %dma_wait3A_426 = arith.constant 0 : i32
    %dma_wait3A_427 = arith.constant 0 : i32
    %dma_wait3A_428 = tpu.memref_slice %arg5[%dma_wait3A_426, %dma_wait3A_427] : memref<100000x128xf32, #tpu.memory_space<hbm>> -> memref<100000x128xf32, #tpu.memory_space<hbm>>
    tpu.wait_indirect_dma semaphore(%arg20 : memref<!tpu.dma_semaphore, #tpu.memory_space<semaphore_mem>>) src(%dma_wait3A_428 : memref<100000x128xf32, #tpu.memory_space<hbm>>) dst(%dma_wait3A_422 : memref<96x128xf32, #tpu.memory_space<vmem>>)
    %dma_wait3A_429 = arith.constant 2 : i32
    %dma_wait3A_430 = arith.constant 2 : i32
    %dma_wait3A_431 = arith.constant 0 : i32
    %dma_wait3A_432 = arith.constant 0 : i32
    %dma_wait3A_433 = tpu.memref_slice %arg11[%dma_wait3A_430, %dma_wait3A_431, %dma_wait3A_432] : memref<3x128x128xf32, #tpu.memory_space<vmem>> -> memref<1x128x128xf32, #tpu.memory_space<vmem>>
    %dma_wait3A_434 = tpu.memref_squeeze %dma_wait3A_433 : memref<1x128x128xf32, #tpu.memory_space<vmem>> -> memref<128x128xf32, #tpu.memory_space<vmem>>
    %dma_wait3A_435 = arith.constant 0 : i32
    %dma_wait3A_436 = tpu.memref_slice %arg9[%dma_wait3A_429, %dma_wait3A_435] : memref<6x128xi32, #tpu.memory_space<vmem>> -> memref<1x128xi32, #tpu.memory_space<vmem>>
    %dma_wait3A_437 = tpu.memref_squeeze %dma_wait3A_436 : memref<1x128xi32, #tpu.memory_space<vmem>> -> memref<128xi32, #tpu.memory_space<vmem>>
    %dma_wait3A_438 = arith.constant 0 : i32
    %dma_wait3A_439 = arith.constant 0 : i32
    %dma_wait3A_440 = tpu.memref_slice %arg6[%dma_wait3A_438, %dma_wait3A_439] : memref<100000x128xf32, #tpu.memory_space<hbm>> -> memref<100000x128xf32, #tpu.memory_space<hbm>>
    tpu.wait_indirect_dma semaphore(%arg18 : memref<!tpu.dma_semaphore, #tpu.memory_space<semaphore_mem>>) src(%dma_wait3A_440 : memref<100000x128xf32, #tpu.memory_space<hbm>>) dst(%dma_wait3A_434 : memref<128x128xf32, #tpu.memory_space<vmem>>)
    %dma_start3A_441 = arith.constant 2 : i32
    %dma_start3A_442 = arith.constant 2 : i32
    %dma_start3A_443 = arith.constant 0 : i32
    %dma_start3A_444 = arith.constant 0 : i32
    %dma_start3A_445 = tpu.memref_slice %arg11[%dma_start3A_442, %dma_start3A_443, %dma_start3A_444] : memref<3x128x128xf32, #tpu.memory_space<vmem>> -> memref<1x128x128xf32, #tpu.memory_space<vmem>>
    %dma_start3A_446 = tpu.memref_squeeze %dma_start3A_445 : memref<1x128x128xf32, #tpu.memory_space<vmem>> -> memref<128x128xf32, #tpu.memory_space<vmem>>
    %dma_start3A_447 = arith.constant 0 : i32
    %dma_start3A_448 = tpu.memref_slice %arg8[%dma_start3A_441, %dma_start3A_447] : memref<6x128xi32, #tpu.memory_space<vmem>> -> memref<1x128xi32, #tpu.memory_space<vmem>>
    %dma_start3A_449 = tpu.memref_squeeze %dma_start3A_448 : memref<1x128xi32, #tpu.memory_space<vmem>> -> memref<128xi32, #tpu.memory_space<vmem>>
    %dma_start3A_450 = arith.constant 0 : i32
    %dma_start3A_451 = arith.constant 0 : i32
    %dma_start3A_452 = tpu.memref_slice %arg5[%dma_start3A_450, %dma_start3A_451] : memref<100000x128xf32, #tpu.memory_space<hbm>> -> memref<100000x128xf32, #tpu.memory_space<hbm>>
    tpu.enqueue_indirect_dma source(%dma_start3A_452 : memref<100000x128xf32, #tpu.memory_space<hbm>>) target(%dma_start3A_446 : memref<128x128xf32, #tpu.memory_space<vmem>>) offsets(%dma_start3A_449 : memref<128xi32, #tpu.memory_space<vmem>>) semaphore(%arg21 : memref<!tpu.dma_semaphore, #tpu.memory_space<semaphore_mem>>) {add = true}
    %dma_start3A_453 = arith.constant 2 : i32
    %dma_start3A_454 = arith.constant 2 : i32
    %dma_start3A_455 = arith.constant 0 : i32
    %dma_start3A_456 = arith.constant 0 : i32
    %dma_start3A_457 = tpu.memref_slice %arg12[%dma_start3A_454, %dma_start3A_455, %dma_start3A_456] : memref<3x128x128xf32, #tpu.memory_space<vmem>> -> memref<1x128x128xf32, #tpu.memory_space<vmem>>
    %dma_start3A_458 = tpu.memref_squeeze %dma_start3A_457 : memref<1x128x128xf32, #tpu.memory_space<vmem>> -> memref<128x128xf32, #tpu.memory_space<vmem>>
    %dma_start3A_459 = arith.constant 0 : i32
    %dma_start3A_460 = tpu.memref_slice %arg10[%dma_start3A_453, %dma_start3A_459] : memref<6x128xi32, #tpu.memory_space<vmem>> -> memref<1x128xi32, #tpu.memory_space<vmem>>
    %dma_start3A_461 = tpu.memref_squeeze %dma_start3A_460 : memref<1x128xi32, #tpu.memory_space<vmem>> -> memref<128xi32, #tpu.memory_space<vmem>>
    %dma_start3A_462 = arith.constant 0 : i32
    %dma_start3A_463 = arith.constant 0 : i32
    %dma_start3A_464 = tpu.memref_slice %arg5[%dma_start3A_462, %dma_start3A_463] : memref<100000x128xf32, #tpu.memory_space<hbm>> -> memref<100000x128xf32, #tpu.memory_space<hbm>>
    tpu.enqueue_indirect_dma source(%dma_start3A_464 : memref<100000x128xf32, #tpu.memory_space<hbm>>) target(%dma_start3A_458 : memref<128x128xf32, #tpu.memory_space<vmem>>) offsets(%dma_start3A_461 : memref<128xi32, #tpu.memory_space<vmem>>) semaphore(%arg21 : memref<!tpu.dma_semaphore, #tpu.memory_space<semaphore_mem>>)
    %dma_wait3A_465 = arith.constant 3 : i32
    %dma_wait3A_466 = arith.constant 0 : i32
    %dma_wait3A_467 = tpu.memref_slice %arg8[%dma_wait3A_465, %dma_wait3A_466] : memref<6x128xi32, #tpu.memory_space<vmem>> -> memref<1x128xi32, #tpu.memory_space<vmem>>
    %dma_wait3A_468 = tpu.memref_squeeze %dma_wait3A_467 : memref<1x128xi32, #tpu.memory_space<vmem>> -> memref<128xi32, #tpu.memory_space<vmem>>
    %dma_wait3A_469 = tpu.memref_slice %arg2[%multiple_of3A_94] : memref<16384xi32, #tpu.memory_space<hbm>> -> memref<128xi32, #tpu.memory_space<hbm>>
    %dma_wait3A_470 = arith.constant 0 : i32
    %dma_wait3A_471 = tpu.memref_slice %arg8[%dma_wait3A_465, %dma_wait3A_470] : memref<6x128xi32, #tpu.memory_space<vmem>> -> memref<1x128xi32, #tpu.memory_space<vmem>>
    %dma_wait3A_472 = tpu.memref_squeeze %dma_wait3A_471 : memref<1x128xi32, #tpu.memory_space<vmem>> -> memref<128xi32, #tpu.memory_space<vmem>>
    %dma_wait3A_473 = tpu.memref_slice %arg2[%multiple_of3A_94] : memref<16384xi32, #tpu.memory_space<hbm>> -> memref<128xi32, #tpu.memory_space<hbm>>
    tpu.wait_dma2 semaphore(%arg15 : memref<!tpu.dma_semaphore, #tpu.memory_space<semaphore_mem>>) src(%dma_wait3A_473 : memref<128xi32, #tpu.memory_space<hbm>>) dst(%dma_wait3A_472 : memref<128xi32, #tpu.memory_space<vmem>>)
    %dma_wait3A_474 = arith.constant 3 : i32
    %dma_wait3A_475 = arith.constant 0 : i32
    %dma_wait3A_476 = tpu.memref_slice %arg9[%dma_wait3A_474, %dma_wait3A_475] : memref<6x128xi32, #tpu.memory_space<vmem>> -> memref<1x128xi32, #tpu.memory_space<vmem>>
    %dma_wait3A_477 = tpu.memref_squeeze %dma_wait3A_476 : memref<1x128xi32, #tpu.memory_space<vmem>> -> memref<128xi32, #tpu.memory_space<vmem>>
    %dma_wait3A_478 = tpu.memref_slice %arg3[%multiple_of3A_94] : memref<16384xi32, #tpu.memory_space<hbm>> -> memref<128xi32, #tpu.memory_space<hbm>>
    %dma_wait3A_479 = arith.constant 0 : i32
    %dma_wait3A_480 = tpu.memref_slice %arg9[%dma_wait3A_474, %dma_wait3A_479] : memref<6x128xi32, #tpu.memory_space<vmem>> -> memref<1x128xi32, #tpu.memory_space<vmem>>
    %dma_wait3A_481 = tpu.memref_squeeze %dma_wait3A_480 : memref<1x128xi32, #tpu.memory_space<vmem>> -> memref<128xi32, #tpu.memory_space<vmem>>
    %dma_wait3A_482 = tpu.memref_slice %arg3[%multiple_of3A_94] : memref<16384xi32, #tpu.memory_space<hbm>> -> memref<128xi32, #tpu.memory_space<hbm>>
    tpu.wait_dma2 semaphore(%arg15 : memref<!tpu.dma_semaphore, #tpu.memory_space<semaphore_mem>>) src(%dma_wait3A_482 : memref<128xi32, #tpu.memory_space<hbm>>) dst(%dma_wait3A_481 : memref<128xi32, #tpu.memory_space<vmem>>)
    %dma_wait3A_483 = arith.constant 3 : i32
    %dma_wait3A_484 = arith.constant 0 : i32
    %dma_wait3A_485 = tpu.memref_slice %arg10[%dma_wait3A_483, %dma_wait3A_484] : memref<6x128xi32, #tpu.memory_space<vmem>> -> memref<1x128xi32, #tpu.memory_space<vmem>>
    %dma_wait3A_486 = tpu.memref_squeeze %dma_wait3A_485 : memref<1x128xi32, #tpu.memory_space<vmem>> -> memref<128xi32, #tpu.memory_space<vmem>>
    %dma_wait3A_487 = tpu.memref_slice %arg4[%multiple_of3A_94] : memref<16384xi32, #tpu.memory_space<hbm>> -> memref<128xi32, #tpu.memory_space<hbm>>
    %dma_wait3A_488 = arith.constant 0 : i32
    %dma_wait3A_489 = tpu.memref_slice %arg10[%dma_wait3A_483, %dma_wait3A_488] : memref<6x128xi32, #tpu.memory_space<vmem>> -> memref<1x128xi32, #tpu.memory_space<vmem>>
    %dma_wait3A_490 = tpu.memref_squeeze %dma_wait3A_489 : memref<1x128xi32, #tpu.memory_space<vmem>> -> memref<128xi32, #tpu.memory_space<vmem>>
    %dma_wait3A_491 = tpu.memref_slice %arg4[%multiple_of3A_94] : memref<16384xi32, #tpu.memory_space<hbm>> -> memref<128xi32, #tpu.memory_space<hbm>>
    tpu.wait_dma2 semaphore(%arg15 : memref<!tpu.dma_semaphore, #tpu.memory_space<semaphore_mem>>) src(%dma_wait3A_491 : memref<128xi32, #tpu.memory_space<hbm>>) dst(%dma_wait3A_490 : memref<128xi32, #tpu.memory_space<vmem>>)
    %dma_start3A_492 = arith.constant 3 : i32
    %dma_start3A_493 = arith.constant 0 : i32
    %dma_start3A_494 = arith.constant 0 : i32
    %dma_start3A_495 = arith.constant 0 : i32
    %dma_start3A_496 = tpu.memref_slice %arg11[%dma_start3A_493, %dma_start3A_494, %dma_start3A_495] : memref<3x128x128xf32, #tpu.memory_space<vmem>> -> memref<1x128x128xf32, #tpu.memory_space<vmem>>
    %dma_start3A_497 = tpu.memref_squeeze %dma_start3A_496 : memref<1x128x128xf32, #tpu.memory_space<vmem>> -> memref<128x128xf32, #tpu.memory_space<vmem>>
    %dma_start3A_498 = arith.constant 0 : i32
    %dma_start3A_499 = tpu.memref_slice %arg9[%dma_start3A_492, %dma_start3A_498] : memref<6x128xi32, #tpu.memory_space<vmem>> -> memref<1x128xi32, #tpu.memory_space<vmem>>
    %dma_start3A_500 = tpu.memref_squeeze %dma_start3A_499 : memref<1x128xi32, #tpu.memory_space<vmem>> -> memref<128xi32, #tpu.memory_space<vmem>>
    %dma_start3A_501 = arith.constant 0 : i32
    %dma_start3A_502 = arith.constant 0 : i32
    %dma_start3A_503 = tpu.memref_slice %arg6[%dma_start3A_501, %dma_start3A_502] : memref<100000x128xf32, #tpu.memory_space<hbm>> -> memref<100000x128xf32, #tpu.memory_space<hbm>>
    tpu.enqueue_indirect_dma source(%dma_start3A_503 : memref<100000x128xf32, #tpu.memory_space<hbm>>) target(%dma_start3A_497 : memref<128x128xf32, #tpu.memory_space<vmem>>) offsets(%dma_start3A_500 : memref<128xi32, #tpu.memory_space<vmem>>) semaphore(%arg16 : memref<!tpu.dma_semaphore, #tpu.memory_space<semaphore_mem>>)
    %scan3A_504 = arith.constant 0 : i32
    %scan3A_505 = arith.constant 0 : i32
    %scan3A_506 = arith.constant 48 : i32
    %scan3A_507 = arith.addi %scan3A_505, %scan3A_506 : i32
    %scan3A_508 = arith.constant 1 : i32
    scf.for %scan3A_846 = %scan3A_505 to %scan3A_507 step %scan3A_508  : i32 {
      %mul3A_847 = arith.constant 2 : i32
      %mul3A_848 = arith.muli %scan3A_846, %mul3A_847 : i32
      %add3A_849 = arith.constant 0 : i32
      %add3A_850 = arith.addi %mul3A_848, %add3A_849 : i32
      %shift_right_arithmetic3A = arith.constant 4 : i32
      %shift_right_arithmetic3A_851 = arith.shrsi %add3A_850, %shift_right_arithmetic3A : i32
      %and3A = arith.constant 15 : i32
      %and3A_852 = arith.andi %add3A_850, %and3A : i32
      %broadcast_in_dim3A = arith.constant 0.000000e+00 : f32
      %broadcast_in_dim3A_853 = vector.broadcast %broadcast_in_dim3A : f32 to vector<16xf32>
      %get3A = arith.constant 1 : i32
      %get3A_854 = arith.index_cast %get3A : i32 to index
      %get3A_855 = arith.index_cast %add3A_850 : i32 to index
      %get3A_856 = arith.constant 0 : index
      %get3A_857 = tpu.vector_load %arg11[%get3A_854, %get3A_855, %get3A_856] {strides = array<i32>} : memref<3x128x128xf32, #tpu.memory_space<vmem>>, vector<16xf32>,
      %get3A_858 = arith.constant 1 : i32
      %get3A_859 = arith.index_cast %get3A_858 : i32 to index
      %get3A_860 = arith.index_cast %add3A_850 : i32 to index
      %get3A_861 = arith.constant 0 : index
      %get3A_862 = tpu.vector_load %arg12[%get3A_859, %get3A_860, %get3A_861] {strides = array<i32>} : memref<3x128x128xf32, #tpu.memory_space<vmem>>, vector<16xf32>,
      %sub3A = arith.subf %get3A_857, %get3A_862 : vector<16xf32>
      %abs3A = math.absf %sub3A : vector<16xf32>
      %add3A_863 = arith.addf %broadcast_in_dim3A_853, %abs3A : vector<16xf32>
      %get3A_864 = arith.constant 1 : i32
      %get3A_865 = arith.index_cast %get3A_864 : i32 to index
      %get3A_866 = arith.index_cast %add3A_850 : i32 to index
      %get3A_867 = arith.constant 16 : index
      %get3A_868 = tpu.vector_load %arg11[%get3A_865, %get3A_866, %get3A_867] {strides = array<i32>} : memref<3x128x128xf32, #tpu.memory_space<vmem>>, vector<16xf32>,
      %get3A_869 = arith.constant 1 : i32
      %get3A_870 = arith.index_cast %get3A_869 : i32 to index
      %get3A_871 = arith.index_cast %add3A_850 : i32 to index
      %get3A_872 = arith.constant 16 : index
      %get3A_873 = tpu.vector_load %arg12[%get3A_870, %get3A_871, %get3A_872] {strides = array<i32>} : memref<3x128x128xf32, #tpu.memory_space<vmem>>, vector<16xf32>,
      %sub3A_874 = arith.subf %get3A_868, %get3A_873 : vector<16xf32>
      %abs3A_875 = math.absf %sub3A_874 : vector<16xf32>
      %add3A_876 = arith.addf %add3A_863, %abs3A_875 : vector<16xf32>
      %get3A_877 = arith.constant 1 : i32
      %get3A_878 = arith.index_cast %get3A_877 : i32 to index
      %get3A_879 = arith.index_cast %add3A_850 : i32 to index
      %get3A_880 = arith.constant 32 : index
      %get3A_881 = tpu.vector_load %arg11[%get3A_878, %get3A_879, %get3A_880] {strides = array<i32>} : memref<3x128x128xf32, #tpu.memory_space<vmem>>, vector<16xf32>,
      %get3A_882 = arith.constant 1 : i32
      %get3A_883 = arith.index_cast %get3A_882 : i32 to index
      %get3A_884 = arith.index_cast %add3A_850 : i32 to index
      %get3A_885 = arith.constant 32 : index
      %get3A_886 = tpu.vector_load %arg12[%get3A_883, %get3A_884, %get3A_885] {strides = array<i32>} : memref<3x128x128xf32, #tpu.memory_space<vmem>>, vector<16xf32>,
      %sub3A_887 = arith.subf %get3A_881, %get3A_886 : vector<16xf32>
      %abs3A_888 = math.absf %sub3A_887 : vector<16xf32>
      %add3A_889 = arith.addf %add3A_876, %abs3A_888 : vector<16xf32>
      %get3A_890 = arith.constant 1 : i32
      %get3A_891 = arith.index_cast %get3A_890 : i32 to index
      %get3A_892 = arith.index_cast %add3A_850 : i32 to index
      %get3A_893 = arith.constant 48 : index
      %get3A_894 = tpu.vector_load %arg11[%get3A_891, %get3A_892, %get3A_893] {strides = array<i32>} : memref<3x128x128xf32, #tpu.memory_space<vmem>>, vector<16xf32>,
      %get3A_895 = arith.constant 1 : i32
      %get3A_896 = arith.index_cast %get3A_895 : i32 to index
      %get3A_897 = arith.index_cast %add3A_850 : i32 to index
      %get3A_898 = arith.constant 48 : index
      %get3A_899 = tpu.vector_load %arg12[%get3A_896, %get3A_897, %get3A_898] {strides = array<i32>} : memref<3x128x128xf32, #tpu.memory_space<vmem>>, vector<16xf32>,
      %sub3A_900 = arith.subf %get3A_894, %get3A_899 : vector<16xf32>
      %abs3A_901 = math.absf %sub3A_900 : vector<16xf32>
      %add3A_902 = arith.addf %add3A_889, %abs3A_901 : vector<16xf32>
      %get3A_903 = arith.constant 1 : i32
      %get3A_904 = arith.index_cast %get3A_903 : i32 to index
      %get3A_905 = arith.index_cast %add3A_850 : i32 to index
      %get3A_906 = arith.constant 64 : index
      %get3A_907 = tpu.vector_load %arg11[%get3A_904, %get3A_905, %get3A_906] {strides = array<i32>} : memref<3x128x128xf32, #tpu.memory_space<vmem>>, vector<16xf32>,
      %get3A_908 = arith.constant 1 : i32
      %get3A_909 = arith.index_cast %get3A_908 : i32 to index
      %get3A_910 = arith.index_cast %add3A_850 : i32 to index
      %get3A_911 = arith.constant 64 : index
      %get3A_912 = tpu.vector_load %arg12[%get3A_909, %get3A_910, %get3A_911] {strides = array<i32>} : memref<3x128x128xf32, #tpu.memory_space<vmem>>, vector<16xf32>,
      %sub3A_913 = arith.subf %get3A_907, %get3A_912 : vector<16xf32>
      %abs3A_914 = math.absf %sub3A_913 : vector<16xf32>
      %add3A_915 = arith.addf %add3A_902, %abs3A_914 : vector<16xf32>
      %get3A_916 = arith.constant 1 : i32
      %get3A_917 = arith.index_cast %get3A_916 : i32 to index
      %get3A_918 = arith.index_cast %add3A_850 : i32 to index
      %get3A_919 = arith.constant 80 : index
      %get3A_920 = tpu.vector_load %arg11[%get3A_917, %get3A_918, %get3A_919] {strides = array<i32>} : memref<3x128x128xf32, #tpu.memory_space<vmem>>, vector<16xf32>,
      %get3A_921 = arith.constant 1 : i32
      %get3A_922 = arith.index_cast %get3A_921 : i32 to index
      %get3A_923 = arith.index_cast %add3A_850 : i32 to index
      %get3A_924 = arith.constant 80 : index
      %get3A_925 = tpu.vector_load %arg12[%get3A_922, %get3A_923, %get3A_924] {strides = array<i32>} : memref<3x128x128xf32, #tpu.memory_space<vmem>>, vector<16xf32>,
      %sub3A_926 = arith.subf %get3A_920, %get3A_925 : vector<16xf32>
      %abs3A_927 = math.absf %sub3A_926 : vector<16xf32>
      %add3A_928 = arith.addf %add3A_915, %abs3A_927 : vector<16xf32>
      %get3A_929 = arith.constant 1 : i32
      %get3A_930 = arith.index_cast %get3A_929 : i32 to index
      %get3A_931 = arith.index_cast %add3A_850 : i32 to index
      %get3A_932 = arith.constant 96 : index
      %get3A_933 = tpu.vector_load %arg11[%get3A_930, %get3A_931, %get3A_932] {strides = array<i32>} : memref<3x128x128xf32, #tpu.memory_space<vmem>>, vector<16xf32>,
      %get3A_934 = arith.constant 1 : i32
      %get3A_935 = arith.index_cast %get3A_934 : i32 to index
      %get3A_936 = arith.index_cast %add3A_850 : i32 to index
      %get3A_937 = arith.constant 96 : index
      %get3A_938 = tpu.vector_load %arg12[%get3A_935, %get3A_936, %get3A_937] {strides = array<i32>} : memref<3x128x128xf32, #tpu.memory_space<vmem>>, vector<16xf32>,
      %sub3A_939 = arith.subf %get3A_933, %get3A_938 : vector<16xf32>
      %abs3A_940 = math.absf %sub3A_939 : vector<16xf32>
      %add3A_941 = arith.addf %add3A_928, %abs3A_940 : vector<16xf32>
      %get3A_942 = arith.constant 1 : i32
      %get3A_943 = arith.index_cast %get3A_942 : i32 to index
      %get3A_944 = arith.index_cast %add3A_850 : i32 to index
      %get3A_945 = arith.constant 112 : index
      %get3A_946 = tpu.vector_load %arg11[%get3A_943, %get3A_944, %get3A_945] {strides = array<i32>} : memref<3x128x128xf32, #tpu.memory_space<vmem>>, vector<16xf32>,
      %get3A_947 = arith.constant 1 : i32
      %get3A_948 = arith.index_cast %get3A_947 : i32 to index
      %get3A_949 = arith.index_cast %add3A_850 : i32 to index
      %get3A_950 = arith.constant 112 : index
      %get3A_951 = tpu.vector_load %arg12[%get3A_948, %get3A_949, %get3A_950] {strides = array<i32>} : memref<3x128x128xf32, #tpu.memory_space<vmem>>, vector<16xf32>,
      %sub3A_952 = arith.subf %get3A_946, %get3A_951 : vector<16xf32>
      %abs3A_953 = math.absf %sub3A_952 : vector<16xf32>
      %add3A_954 = arith.addf %add3A_941, %abs3A_953 : vector<16xf32>
      %mul3A_955 = arith.constant 272 : i32
      %mul3A_956 = arith.muli %shift_right_arithmetic3A_851, %mul3A_955 : i32
      %add3A_957 = arith.addi %mul3A_956, %and3A_852 : i32
      %mul3A_958 = arith.constant 17 : i32
      %mul3A_959 = vector.broadcast %mul3A_958 : i32 to vector<16xi32>
      %mul3A_960 = arith.muli %iota3A, %mul3A_959 : vector<16xi32>
      %add3A_961 = vector.broadcast %add3A_957 : i32 to vector<16xi32>
      %add3A_962 = arith.addi %mul3A_960, %add3A_961 : vector<16xi32>
      tpu.vector_store_idx %arg13[%add3A_962], %add3A_954 : memref<2176xf32, #tpu.memory_space<vmem>>[vector<16xi32>], vector<16xf32>,
      %mul3A_963 = arith.constant 2 : i32
      %mul3A_964 = arith.muli %scan3A_846, %mul3A_963 : i32
      %add3A_965 = arith.constant 1 : i32
      %add3A_966 = arith.addi %mul3A_964, %add3A_965 : i32
      %shift_right_arithmetic3A_967 = arith.constant 4 : i32
      %shift_right_arithmetic3A_968 = arith.shrsi %add3A_966, %shift_right_arithmetic3A_967 : i32
      %and3A_969 = arith.constant 15 : i32
      %and3A_970 = arith.andi %add3A_966, %and3A_969 : i32
      %broadcast_in_dim3A_971 = arith.constant 0.000000e+00 : f32
      %broadcast_in_dim3A_972 = vector.broadcast %broadcast_in_dim3A_971 : f32 to vector<16xf32>
      %get3A_973 = arith.constant 1 : i32
      %get3A_974 = arith.index_cast %get3A_973 : i32 to index
      %get3A_975 = arith.index_cast %add3A_966 : i32 to index
      %get3A_976 = arith.constant 0 : index
      %get3A_977 = tpu.vector_load %arg11[%get3A_974, %get3A_975, %get3A_976] {strides = array<i32>} : memref<3x128x128xf32, #tpu.memory_space<vmem>>, vector<16xf32>,
      %get3A_978 = arith.constant 1 : i32
      %get3A_979 = arith.index_cast %get3A_978 : i32 to index
      %get3A_980 = arith.index_cast %add3A_966 : i32 to index
      %get3A_981 = arith.constant 0 : index
      %get3A_982 = tpu.vector_load %arg12[%get3A_979, %get3A_980, %get3A_981] {strides = array<i32>} : memref<3x128x128xf32, #tpu.memory_space<vmem>>, vector<16xf32>,
      %sub3A_983 = arith.subf %get3A_977, %get3A_982 : vector<16xf32>
      %abs3A_984 = math.absf %sub3A_983 : vector<16xf32>
      %add3A_985 = arith.addf %broadcast_in_dim3A_972, %abs3A_984 : vector<16xf32>
      %get3A_986 = arith.constant 1 : i32
      %get3A_987 = arith.index_cast %get3A_986 : i32 to index
      %get3A_988 = arith.index_cast %add3A_966 : i32 to index
      %get3A_989 = arith.constant 16 : index
      %get3A_990 = tpu.vector_load %arg11[%get3A_987, %get3A_988, %get3A_989] {strides = array<i32>} : memref<3x128x128xf32, #tpu.memory_space<vmem>>, vector<16xf32>,
      %get3A_991 = arith.constant 1 : i32
      %get3A_992 = arith.index_cast %get3A_991 : i32 to index
      %get3A_993 = arith.index_cast %add3A_966 : i32 to index
      %get3A_994 = arith.constant 16 : index
      %get3A_995 = tpu.vector_load %arg12[%get3A_992, %get3A_993, %get3A_994] {strides = array<i32>} : memref<3x128x128xf32, #tpu.memory_space<vmem>>, vector<16xf32>,
      %sub3A_996 = arith.subf %get3A_990, %get3A_995 : vector<16xf32>
      %abs3A_997 = math.absf %sub3A_996 : vector<16xf32>
      %add3A_998 = arith.addf %add3A_985, %abs3A_997 : vector<16xf32>
      %get3A_999 = arith.constant 1 : i32
      %get3A_1000 = arith.index_cast %get3A_999 : i32 to index
      %get3A_1001 = arith.index_cast %add3A_966 : i32 to index
      %get3A_1002 = arith.constant 32 : index
      %get3A_1003 = tpu.vector_load %arg11[%get3A_1000, %get3A_1001, %get3A_1002] {strides = array<i32>} : memref<3x128x128xf32, #tpu.memory_space<vmem>>, vector<16xf32>,
      %get3A_1004 = arith.constant 1 : i32
      %get3A_1005 = arith.index_cast %get3A_1004 : i32 to index
      %get3A_1006 = arith.index_cast %add3A_966 : i32 to index
      %get3A_1007 = arith.constant 32 : index
      %get3A_1008 = tpu.vector_load %arg12[%get3A_1005, %get3A_1006, %get3A_1007] {strides = array<i32>} : memref<3x128x128xf32, #tpu.memory_space<vmem>>, vector<16xf32>,
      %sub3A_1009 = arith.subf %get3A_1003, %get3A_1008 : vector<16xf32>
      %abs3A_1010 = math.absf %sub3A_1009 : vector<16xf32>
      %add3A_1011 = arith.addf %add3A_998, %abs3A_1010 : vector<16xf32>
      %get3A_1012 = arith.constant 1 : i32
      %get3A_1013 = arith.index_cast %get3A_1012 : i32 to index
      %get3A_1014 = arith.index_cast %add3A_966 : i32 to index
      %get3A_1015 = arith.constant 48 : index
      %get3A_1016 = tpu.vector_load %arg11[%get3A_1013, %get3A_1014, %get3A_1015] {strides = array<i32>} : memref<3x128x128xf32, #tpu.memory_space<vmem>>, vector<16xf32>,
      %get3A_1017 = arith.constant 1 : i32
      %get3A_1018 = arith.index_cast %get3A_1017 : i32 to index
      %get3A_1019 = arith.index_cast %add3A_966 : i32 to index
      %get3A_1020 = arith.constant 48 : index
      %get3A_1021 = tpu.vector_load %arg12[%get3A_1018, %get3A_1019, %get3A_1020] {strides = array<i32>} : memref<3x128x128xf32, #tpu.memory_space<vmem>>, vector<16xf32>,
      %sub3A_1022 = arith.subf %get3A_1016, %get3A_1021 : vector<16xf32>
      %abs3A_1023 = math.absf %sub3A_1022 : vector<16xf32>
      %add3A_1024 = arith.addf %add3A_1011, %abs3A_1023 : vector<16xf32>
      %get3A_1025 = arith.constant 1 : i32
      %get3A_1026 = arith.index_cast %get3A_1025 : i32 to index
      %get3A_1027 = arith.index_cast %add3A_966 : i32 to index
      %get3A_1028 = arith.constant 64 : index
      %get3A_1029 = tpu.vector_load %arg11[%get3A_1026, %get3A_1027, %get3A_1028] {strides = array<i32>} : memref<3x128x128xf32, #tpu.memory_space<vmem>>, vector<16xf32>,
      %get3A_1030 = arith.constant 1 : i32
      %get3A_1031 = arith.index_cast %get3A_1030 : i32 to index
      %get3A_1032 = arith.index_cast %add3A_966 : i32 to index
      %get3A_1033 = arith.constant 64 : index
      %get3A_1034 = tpu.vector_load %arg12[%get3A_1031, %get3A_1032, %get3A_1033] {strides = array<i32>} : memref<3x128x128xf32, #tpu.memory_space<vmem>>, vector<16xf32>,
      %sub3A_1035 = arith.subf %get3A_1029, %get3A_1034 : vector<16xf32>
      %abs3A_1036 = math.absf %sub3A_1035 : vector<16xf32>
      %add3A_1037 = arith.addf %add3A_1024, %abs3A_1036 : vector<16xf32>
      %get3A_1038 = arith.constant 1 : i32
      %get3A_1039 = arith.index_cast %get3A_1038 : i32 to index
      %get3A_1040 = arith.index_cast %add3A_966 : i32 to index
      %get3A_1041 = arith.constant 80 : index
      %get3A_1042 = tpu.vector_load %arg11[%get3A_1039, %get3A_1040, %get3A_1041] {strides = array<i32>} : memref<3x128x128xf32, #tpu.memory_space<vmem>>, vector<16xf32>,
      %get3A_1043 = arith.constant 1 : i32
      %get3A_1044 = arith.index_cast %get3A_1043 : i32 to index
      %get3A_1045 = arith.index_cast %add3A_966 : i32 to index
      %get3A_1046 = arith.constant 80 : index
      %get3A_1047 = tpu.vector_load %arg12[%get3A_1044, %get3A_1045, %get3A_1046] {strides = array<i32>} : memref<3x128x128xf32, #tpu.memory_space<vmem>>, vector<16xf32>,
      %sub3A_1048 = arith.subf %get3A_1042, %get3A_1047 : vector<16xf32>
      %abs3A_1049 = math.absf %sub3A_1048 : vector<16xf32>
      %add3A_1050 = arith.addf %add3A_1037, %abs3A_1049 : vector<16xf32>
      %get3A_1051 = arith.constant 1 : i32
      %get3A_1052 = arith.index_cast %get3A_1051 : i32 to index
      %get3A_1053 = arith.index_cast %add3A_966 : i32 to index
      %get3A_1054 = arith.constant 96 : index
      %get3A_1055 = tpu.vector_load %arg11[%get3A_1052, %get3A_1053, %get3A_1054] {strides = array<i32>} : memref<3x128x128xf32, #tpu.memory_space<vmem>>, vector<16xf32>,
      %get3A_1056 = arith.constant 1 : i32
      %get3A_1057 = arith.index_cast %get3A_1056 : i32 to index
      %get3A_1058 = arith.index_cast %add3A_966 : i32 to index
      %get3A_1059 = arith.constant 96 : index
      %get3A_1060 = tpu.vector_load %arg12[%get3A_1057, %get3A_1058, %get3A_1059] {strides = array<i32>} : memref<3x128x128xf32, #tpu.memory_space<vmem>>, vector<16xf32>,
      %sub3A_1061 = arith.subf %get3A_1055, %get3A_1060 : vector<16xf32>
      %abs3A_1062 = math.absf %sub3A_1061 : vector<16xf32>
      %add3A_1063 = arith.addf %add3A_1050, %abs3A_1062 : vector<16xf32>
      %get3A_1064 = arith.constant 1 : i32
      %get3A_1065 = arith.index_cast %get3A_1064 : i32 to index
      %get3A_1066 = arith.index_cast %add3A_966 : i32 to index
      %get3A_1067 = arith.constant 112 : index
      %get3A_1068 = tpu.vector_load %arg11[%get3A_1065, %get3A_1066, %get3A_1067] {strides = array<i32>} : memref<3x128x128xf32, #tpu.memory_space<vmem>>, vector<16xf32>,
      %get3A_1069 = arith.constant 1 : i32
      %get3A_1070 = arith.index_cast %get3A_1069 : i32 to index
      %get3A_1071 = arith.index_cast %add3A_966 : i32 to index
      %get3A_1072 = arith.constant 112 : index
      %get3A_1073 = tpu.vector_load %arg12[%get3A_1070, %get3A_1071, %get3A_1072] {strides = array<i32>} : memref<3x128x128xf32, #tpu.memory_space<vmem>>, vector<16xf32>,
      %sub3A_1074 = arith.subf %get3A_1068, %get3A_1073 : vector<16xf32>
      %abs3A_1075 = math.absf %sub3A_1074 : vector<16xf32>
      %add3A_1076 = arith.addf %add3A_1063, %abs3A_1075 : vector<16xf32>
      %mul3A_1077 = arith.constant 272 : i32
      %mul3A_1078 = arith.muli %shift_right_arithmetic3A_968, %mul3A_1077 : i32
      %add3A_1079 = arith.addi %mul3A_1078, %and3A_970 : i32
      %mul3A_1080 = arith.constant 17 : i32
      %mul3A_1081 = vector.broadcast %mul3A_1080 : i32 to vector<16xi32>
      %mul3A_1082 = arith.muli %iota3A, %mul3A_1081 : vector<16xi32>
      %add3A_1083 = vector.broadcast %add3A_1079 : i32 to vector<16xi32>
      %add3A_1084 = arith.addi %mul3A_1082, %add3A_1083 : vector<16xi32>
      tpu.vector_store_idx %arg13[%add3A_1084], %add3A_1076 : memref<2176xf32, #tpu.memory_space<vmem>>[vector<16xi32>], vector<16xf32>,
    }
    %scan3A_509 = arith.constant 48 : i32
    %scan3A_510 = arith.constant 0 : i32
    %scan3A_511 = arith.constant 0 : i32
    %scan3A_512 = arith.constant 6 : i32
    %scan3A_513 = arith.addi %scan3A_511, %scan3A_512 : i32
    %scan3A_514 = arith.constant 1 : i32
    scf.for %scan3A_846 = %scan3A_511 to %scan3A_513 step %scan3A_514  : i32 {
      %mul3A_847 = arith.constant 272 : i32
      %mul3A_848 = arith.muli %scan3A_846, %mul3A_847 : i32
      %broadcast_in_dim3A = arith.constant 0.000000e+00 : f32
      %broadcast_in_dim3A_849 = vector.broadcast %broadcast_in_dim3A : f32 to vector<16xf32>
      %add3A_850 = arith.constant 0 : i32
      %add3A_851 = arith.addi %mul3A_848, %add3A_850 : i32
      %add3A_852 = vector.broadcast %add3A_851 : i32 to vector<16xi32>
      %add3A_853 = arith.addi %iota3A, %add3A_852 : vector<16xi32>
      %gather3A = tpu.vector_load_idx %arg13[%add3A_853] : memref<2176xf32, #tpu.memory_space<vmem>>[vector<16xi32>], vector<16xf32>,
      %add3A_854 = arith.addf %broadcast_in_dim3A_849, %gather3A : vector<16xf32>
      %add3A_855 = arith.constant 17 : i32
      %add3A_856 = arith.addi %mul3A_848, %add3A_855 : i32
      %add3A_857 = vector.broadcast %add3A_856 : i32 to vector<16xi32>
      %add3A_858 = arith.addi %iota3A, %add3A_857 : vector<16xi32>
      %gather3A_859 = tpu.vector_load_idx %arg13[%add3A_858] : memref<2176xf32, #tpu.memory_space<vmem>>[vector<16xi32>], vector<16xf32>,
      %add3A_860 = arith.addf %add3A_854, %gather3A_859 : vector<16xf32>
      %add3A_861 = arith.constant 34 : i32
      %add3A_862 = arith.addi %mul3A_848, %add3A_861 : i32
      %add3A_863 = vector.broadcast %add3A_862 : i32 to vector<16xi32>
      %add3A_864 = arith.addi %iota3A, %add3A_863 : vector<16xi32>
      %gather3A_865 = tpu.vector_load_idx %arg13[%add3A_864] : memref<2176xf32, #tpu.memory_space<vmem>>[vector<16xi32>], vector<16xf32>,
      %add3A_866 = arith.addf %add3A_860, %gather3A_865 : vector<16xf32>
      %add3A_867 = arith.constant 51 : i32
      %add3A_868 = arith.addi %mul3A_848, %add3A_867 : i32
      %add3A_869 = vector.broadcast %add3A_868 : i32 to vector<16xi32>
      %add3A_870 = arith.addi %iota3A, %add3A_869 : vector<16xi32>
      %gather3A_871 = tpu.vector_load_idx %arg13[%add3A_870] : memref<2176xf32, #tpu.memory_space<vmem>>[vector<16xi32>], vector<16xf32>,
      %add3A_872 = arith.addf %add3A_866, %gather3A_871 : vector<16xf32>
      %add3A_873 = arith.constant 68 : i32
      %add3A_874 = arith.addi %mul3A_848, %add3A_873 : i32
      %add3A_875 = vector.broadcast %add3A_874 : i32 to vector<16xi32>
      %add3A_876 = arith.addi %iota3A, %add3A_875 : vector<16xi32>
      %gather3A_877 = tpu.vector_load_idx %arg13[%add3A_876] : memref<2176xf32, #tpu.memory_space<vmem>>[vector<16xi32>], vector<16xf32>,
      %add3A_878 = arith.addf %add3A_872, %gather3A_877 : vector<16xf32>
      %add3A_879 = arith.constant 85 : i32
      %add3A_880 = arith.addi %mul3A_848, %add3A_879 : i32
      %add3A_881 = vector.broadcast %add3A_880 : i32 to vector<16xi32>
      %add3A_882 = arith.addi %iota3A, %add3A_881 : vector<16xi32>
      %gather3A_883 = tpu.vector_load_idx %arg13[%add3A_882] : memref<2176xf32, #tpu.memory_space<vmem>>[vector<16xi32>], vector<16xf32>,
      %add3A_884 = arith.addf %add3A_878, %gather3A_883 : vector<16xf32>
      %add3A_885 = arith.constant 102 : i32
      %add3A_886 = arith.addi %mul3A_848, %add3A_885 : i32
      %add3A_887 = vector.broadcast %add3A_886 : i32 to vector<16xi32>
      %add3A_888 = arith.addi %iota3A, %add3A_887 : vector<16xi32>
      %gather3A_889 = tpu.vector_load_idx %arg13[%add3A_888] : memref<2176xf32, #tpu.memory_space<vmem>>[vector<16xi32>], vector<16xf32>,
      %add3A_890 = arith.addf %add3A_884, %gather3A_889 : vector<16xf32>
      %add3A_891 = arith.constant 119 : i32
      %add3A_892 = arith.addi %mul3A_848, %add3A_891 : i32
      %add3A_893 = vector.broadcast %add3A_892 : i32 to vector<16xi32>
      %add3A_894 = arith.addi %iota3A, %add3A_893 : vector<16xi32>
      %gather3A_895 = tpu.vector_load_idx %arg13[%add3A_894] : memref<2176xf32, #tpu.memory_space<vmem>>[vector<16xi32>], vector<16xf32>,
      %add3A_896 = arith.addf %add3A_890, %gather3A_895 : vector<16xf32>
      %add3A_897 = arith.constant 136 : i32
      %add3A_898 = arith.addi %mul3A_848, %add3A_897 : i32
      %add3A_899 = vector.broadcast %add3A_898 : i32 to vector<16xi32>
      %add3A_900 = arith.addi %iota3A, %add3A_899 : vector<16xi32>
      %gather3A_901 = tpu.vector_load_idx %arg13[%add3A_900] : memref<2176xf32, #tpu.memory_space<vmem>>[vector<16xi32>], vector<16xf32>,
      %add3A_902 = arith.addf %add3A_896, %gather3A_901 : vector<16xf32>
      %add3A_903 = arith.constant 153 : i32
      %add3A_904 = arith.addi %mul3A_848, %add3A_903 : i32
      %add3A_905 = vector.broadcast %add3A_904 : i32 to vector<16xi32>
      %add3A_906 = arith.addi %iota3A, %add3A_905 : vector<16xi32>
      %gather3A_907 = tpu.vector_load_idx %arg13[%add3A_906] : memref<2176xf32, #tpu.memory_space<vmem>>[vector<16xi32>], vector<16xf32>,
      %add3A_908 = arith.addf %add3A_902, %gather3A_907 : vector<16xf32>
      %add3A_909 = arith.constant 170 : i32
      %add3A_910 = arith.addi %mul3A_848, %add3A_909 : i32
      %add3A_911 = vector.broadcast %add3A_910 : i32 to vector<16xi32>
      %add3A_912 = arith.addi %iota3A, %add3A_911 : vector<16xi32>
      %gather3A_913 = tpu.vector_load_idx %arg13[%add3A_912] : memref<2176xf32, #tpu.memory_space<vmem>>[vector<16xi32>], vector<16xf32>,
      %add3A_914 = arith.addf %add3A_908, %gather3A_913 : vector<16xf32>
      %add3A_915 = arith.constant 187 : i32
      %add3A_916 = arith.addi %mul3A_848, %add3A_915 : i32
      %add3A_917 = vector.broadcast %add3A_916 : i32 to vector<16xi32>
      %add3A_918 = arith.addi %iota3A, %add3A_917 : vector<16xi32>
      %gather3A_919 = tpu.vector_load_idx %arg13[%add3A_918] : memref<2176xf32, #tpu.memory_space<vmem>>[vector<16xi32>], vector<16xf32>,
      %add3A_920 = arith.addf %add3A_914, %gather3A_919 : vector<16xf32>
      %add3A_921 = arith.constant 204 : i32
      %add3A_922 = arith.addi %mul3A_848, %add3A_921 : i32
      %add3A_923 = vector.broadcast %add3A_922 : i32 to vector<16xi32>
      %add3A_924 = arith.addi %iota3A, %add3A_923 : vector<16xi32>
      %gather3A_925 = tpu.vector_load_idx %arg13[%add3A_924] : memref<2176xf32, #tpu.memory_space<vmem>>[vector<16xi32>], vector<16xf32>,
      %add3A_926 = arith.addf %add3A_920, %gather3A_925 : vector<16xf32>
      %add3A_927 = arith.constant 221 : i32
      %add3A_928 = arith.addi %mul3A_848, %add3A_927 : i32
      %add3A_929 = vector.broadcast %add3A_928 : i32 to vector<16xi32>
      %add3A_930 = arith.addi %iota3A, %add3A_929 : vector<16xi32>
      %gather3A_931 = tpu.vector_load_idx %arg13[%add3A_930] : memref<2176xf32, #tpu.memory_space<vmem>>[vector<16xi32>], vector<16xf32>,
      %add3A_932 = arith.addf %add3A_926, %gather3A_931 : vector<16xf32>
      %add3A_933 = arith.constant 238 : i32
      %add3A_934 = arith.addi %mul3A_848, %add3A_933 : i32
      %add3A_935 = vector.broadcast %add3A_934 : i32 to vector<16xi32>
      %add3A_936 = arith.addi %iota3A, %add3A_935 : vector<16xi32>
      %gather3A_937 = tpu.vector_load_idx %arg13[%add3A_936] : memref<2176xf32, #tpu.memory_space<vmem>>[vector<16xi32>], vector<16xf32>,
      %add3A_938 = arith.addf %add3A_932, %gather3A_937 : vector<16xf32>
      %add3A_939 = arith.constant 255 : i32
      %add3A_940 = arith.addi %mul3A_848, %add3A_939 : i32
      %add3A_941 = vector.broadcast %add3A_940 : i32 to vector<16xi32>
      %add3A_942 = arith.addi %iota3A, %add3A_941 : vector<16xi32>
      %gather3A_943 = tpu.vector_load_idx %arg13[%add3A_942] : memref<2176xf32, #tpu.memory_space<vmem>>[vector<16xi32>], vector<16xf32>,
      %add3A_944 = arith.addf %add3A_938, %gather3A_943 : vector<16xf32>
      %sub3A = arith.constant 1.200000e+01 : f32
      %sub3A_945 = vector.broadcast %sub3A : f32 to vector<16xf32>
      %sub3A_946 = arith.subf %sub3A_945, %add3A_944 : vector<16xf32>
      %mul3A_947 = arith.constant 16 : i32
      %mul3A_948 = arith.muli %scan3A_846, %mul3A_947 : i32
      %add3A_949 = arith.constant 32 : i32
      %add3A_950 = arith.addi %add3A_949, %mul3A_948 : i32
      %swap3A = arith.index_cast %add3A_950 : i32 to index
      %swap3A_951 = tpu.vector_load %arg14[%swap3A] {strides = array<i32>} : memref<512xf32, #tpu.memory_space<vmem>>, vector<16xf32>,
      tpu.vector_store %arg14[%swap3A], %sub3A_946 {strides = array<i32>} : memref<512xf32, #tpu.memory_space<vmem>>, vector<16xf32>,
    }
    %scan3A_515 = arith.constant 6 : i32
    %dma_wait3A_516 = arith.constant 2 : i32
    %dma_wait3A_517 = arith.constant 2 : i32
    %dma_wait3A_518 = arith.constant 0 : i32
    %dma_wait3A_519 = arith.constant 0 : i32
    %dma_wait3A_520 = tpu.memref_slice %arg11[%dma_wait3A_517, %dma_wait3A_518, %dma_wait3A_519] : memref<3x128x128xf32, #tpu.memory_space<vmem>> -> memref<1x128x128xf32, #tpu.memory_space<vmem>>
    %dma_wait3A_521 = tpu.memref_squeeze %dma_wait3A_520 : memref<1x128x128xf32, #tpu.memory_space<vmem>> -> memref<128x128xf32, #tpu.memory_space<vmem>>
    %dma_wait3A_522 = arith.constant 0 : i32
    %dma_wait3A_523 = tpu.memref_slice %arg8[%dma_wait3A_516, %dma_wait3A_522] : memref<6x128xi32, #tpu.memory_space<vmem>> -> memref<1x128xi32, #tpu.memory_space<vmem>>
    %dma_wait3A_524 = tpu.memref_squeeze %dma_wait3A_523 : memref<1x128xi32, #tpu.memory_space<vmem>> -> memref<128xi32, #tpu.memory_space<vmem>>
    %dma_wait3A_525 = arith.constant 0 : i32
    %dma_wait3A_526 = arith.constant 0 : i32
    %dma_wait3A_527 = tpu.memref_slice %arg5[%dma_wait3A_525, %dma_wait3A_526] : memref<100000x128xf32, #tpu.memory_space<hbm>> -> memref<100000x128xf32, #tpu.memory_space<hbm>>
    tpu.wait_indirect_dma semaphore(%arg21 : memref<!tpu.dma_semaphore, #tpu.memory_space<semaphore_mem>>) src(%dma_wait3A_527 : memref<100000x128xf32, #tpu.memory_space<hbm>>) dst(%dma_wait3A_521 : memref<128x128xf32, #tpu.memory_space<vmem>>)
    %dma_wait3A_528 = arith.constant 2 : i32
    %dma_wait3A_529 = arith.constant 2 : i32
    %dma_wait3A_530 = arith.constant 0 : i32
    %dma_wait3A_531 = arith.constant 0 : i32
    %dma_wait3A_532 = tpu.memref_slice %arg12[%dma_wait3A_529, %dma_wait3A_530, %dma_wait3A_531] : memref<3x128x128xf32, #tpu.memory_space<vmem>> -> memref<1x128x128xf32, #tpu.memory_space<vmem>>
    %dma_wait3A_533 = tpu.memref_squeeze %dma_wait3A_532 : memref<1x128x128xf32, #tpu.memory_space<vmem>> -> memref<128x128xf32, #tpu.memory_space<vmem>>
    %dma_wait3A_534 = arith.constant 0 : i32
    %dma_wait3A_535 = tpu.memref_slice %arg10[%dma_wait3A_528, %dma_wait3A_534] : memref<6x128xi32, #tpu.memory_space<vmem>> -> memref<1x128xi32, #tpu.memory_space<vmem>>
    %dma_wait3A_536 = tpu.memref_squeeze %dma_wait3A_535 : memref<1x128xi32, #tpu.memory_space<vmem>> -> memref<128xi32, #tpu.memory_space<vmem>>
    %dma_wait3A_537 = arith.constant 0 : i32
    %dma_wait3A_538 = arith.constant 0 : i32
    %dma_wait3A_539 = tpu.memref_slice %arg5[%dma_wait3A_537, %dma_wait3A_538] : memref<100000x128xf32, #tpu.memory_space<hbm>> -> memref<100000x128xf32, #tpu.memory_space<hbm>>
    tpu.wait_indirect_dma semaphore(%arg21 : memref<!tpu.dma_semaphore, #tpu.memory_space<semaphore_mem>>) src(%dma_wait3A_539 : memref<100000x128xf32, #tpu.memory_space<hbm>>) dst(%dma_wait3A_533 : memref<128x128xf32, #tpu.memory_space<vmem>>)
    %dma_wait3A_540 = arith.constant 3 : i32
    %dma_wait3A_541 = arith.constant 0 : i32
    %dma_wait3A_542 = arith.constant 0 : i32
    %dma_wait3A_543 = arith.constant 0 : i32
    %dma_wait3A_544 = tpu.memref_slice %arg11[%dma_wait3A_541, %dma_wait3A_542, %dma_wait3A_543] : memref<3x128x128xf32, #tpu.memory_space<vmem>> -> memref<1x128x128xf32, #tpu.memory_space<vmem>>
    %dma_wait3A_545 = tpu.memref_squeeze %dma_wait3A_544 : memref<1x128x128xf32, #tpu.memory_space<vmem>> -> memref<128x128xf32, #tpu.memory_space<vmem>>
    %dma_wait3A_546 = arith.constant 0 : i32
    %dma_wait3A_547 = tpu.memref_slice %arg9[%dma_wait3A_540, %dma_wait3A_546] : memref<6x128xi32, #tpu.memory_space<vmem>> -> memref<1x128xi32, #tpu.memory_space<vmem>>
    %dma_wait3A_548 = tpu.memref_squeeze %dma_wait3A_547 : memref<1x128xi32, #tpu.memory_space<vmem>> -> memref<128xi32, #tpu.memory_space<vmem>>
    %dma_wait3A_549 = arith.constant 0 : i32
    %dma_wait3A_550 = arith.constant 0 : i32
    %dma_wait3A_551 = tpu.memref_slice %arg6[%dma_wait3A_549, %dma_wait3A_550] : memref<100000x128xf32, #tpu.memory_space<hbm>> -> memref<100000x128xf32, #tpu.memory_space<hbm>>
    tpu.wait_indirect_dma semaphore(%arg16 : memref<!tpu.dma_semaphore, #tpu.memory_space<semaphore_mem>>) src(%dma_wait3A_551 : memref<100000x128xf32, #tpu.memory_space<hbm>>) dst(%dma_wait3A_545 : memref<128x128xf32, #tpu.memory_space<vmem>>)
    %dma_start3A_552 = arith.constant 3 : i32
    %dma_start3A_553 = arith.constant 0 : i32
    %dma_start3A_554 = arith.constant 0 : i32
    %dma_start3A_555 = arith.constant 0 : i32
    %dma_start3A_556 = tpu.memref_slice %arg11[%dma_start3A_553, %dma_start3A_554, %dma_start3A_555] : memref<3x128x128xf32, #tpu.memory_space<vmem>> -> memref<1x128x128xf32, #tpu.memory_space<vmem>>
    %dma_start3A_557 = tpu.memref_squeeze %dma_start3A_556 : memref<1x128x128xf32, #tpu.memory_space<vmem>> -> memref<128x128xf32, #tpu.memory_space<vmem>>
    %dma_start3A_558 = arith.constant 0 : i32
    %dma_start3A_559 = tpu.memref_slice %arg8[%dma_start3A_552, %dma_start3A_558] : memref<6x128xi32, #tpu.memory_space<vmem>> -> memref<1x128xi32, #tpu.memory_space<vmem>>
    %dma_start3A_560 = tpu.memref_squeeze %dma_start3A_559 : memref<1x128xi32, #tpu.memory_space<vmem>> -> memref<128xi32, #tpu.memory_space<vmem>>
    %dma_start3A_561 = arith.constant 0 : i32
    %dma_start3A_562 = arith.constant 0 : i32
    %dma_start3A_563 = tpu.memref_slice %arg5[%dma_start3A_561, %dma_start3A_562] : memref<100000x128xf32, #tpu.memory_space<hbm>> -> memref<100000x128xf32, #tpu.memory_space<hbm>>
    tpu.enqueue_indirect_dma source(%dma_start3A_563 : memref<100000x128xf32, #tpu.memory_space<hbm>>) target(%dma_start3A_557 : memref<128x128xf32, #tpu.memory_space<vmem>>) offsets(%dma_start3A_560 : memref<128xi32, #tpu.memory_space<vmem>>) semaphore(%arg19 : memref<!tpu.dma_semaphore, #tpu.memory_space<semaphore_mem>>) {add = true}
    %dma_start3A_564 = arith.constant 3 : i32
    %dma_start3A_565 = arith.constant 0 : i32
    %dma_start3A_566 = arith.constant 0 : i32
    %dma_start3A_567 = arith.constant 0 : i32
    %dma_start3A_568 = tpu.memref_slice %arg12[%dma_start3A_565, %dma_start3A_566, %dma_start3A_567] : memref<3x128x128xf32, #tpu.memory_space<vmem>> -> memref<1x128x128xf32, #tpu.memory_space<vmem>>
    %dma_start3A_569 = tpu.memref_squeeze %dma_start3A_568 : memref<1x128x128xf32, #tpu.memory_space<vmem>> -> memref<128x128xf32, #tpu.memory_space<vmem>>
    %dma_start3A_570 = arith.constant 0 : i32
    %dma_start3A_571 = tpu.memref_slice %arg10[%dma_start3A_564, %dma_start3A_570] : memref<6x128xi32, #tpu.memory_space<vmem>> -> memref<1x128xi32, #tpu.memory_space<vmem>>
    %dma_start3A_572 = tpu.memref_squeeze %dma_start3A_571 : memref<1x128xi32, #tpu.memory_space<vmem>> -> memref<128xi32, #tpu.memory_space<vmem>>
    %dma_start3A_573 = arith.constant 0 : i32
    %dma_start3A_574 = arith.constant 0 : i32
    %dma_start3A_575 = tpu.memref_slice %arg5[%dma_start3A_573, %dma_start3A_574] : memref<100000x128xf32, #tpu.memory_space<hbm>> -> memref<100000x128xf32, #tpu.memory_space<hbm>>
    tpu.enqueue_indirect_dma source(%dma_start3A_575 : memref<100000x128xf32, #tpu.memory_space<hbm>>) target(%dma_start3A_569 : memref<128x128xf32, #tpu.memory_space<vmem>>) offsets(%dma_start3A_572 : memref<128xi32, #tpu.memory_space<vmem>>) semaphore(%arg19 : memref<!tpu.dma_semaphore, #tpu.memory_space<semaphore_mem>>)
    %dma_wait3A_576 = arith.constant 4 : i32
    %dma_wait3A_577 = arith.constant 0 : i32
    %dma_wait3A_578 = tpu.memref_slice %arg8[%dma_wait3A_576, %dma_wait3A_577] : memref<6x128xi32, #tpu.memory_space<vmem>> -> memref<1x96xi32, #tpu.memory_space<vmem>>
    %dma_wait3A_579 = tpu.memref_squeeze %dma_wait3A_578 : memref<1x96xi32, #tpu.memory_space<vmem>> -> memref<96xi32, #tpu.memory_space<vmem>>
    %dma_wait3A_580 = tpu.memref_slice %arg2[%multiple_of3A_124] : memref<16384xi32, #tpu.memory_space<hbm>> -> memref<96xi32, #tpu.memory_space<hbm>>
    %dma_wait3A_581 = arith.constant 0 : i32
    %dma_wait3A_582 = tpu.memref_slice %arg8[%dma_wait3A_576, %dma_wait3A_581] : memref<6x128xi32, #tpu.memory_space<vmem>> -> memref<1x96xi32, #tpu.memory_space<vmem>>
    %dma_wait3A_583 = tpu.memref_squeeze %dma_wait3A_582 : memref<1x96xi32, #tpu.memory_space<vmem>> -> memref<96xi32, #tpu.memory_space<vmem>>
    %dma_wait3A_584 = tpu.memref_slice %arg2[%multiple_of3A_124] : memref<16384xi32, #tpu.memory_space<hbm>> -> memref<96xi32, #tpu.memory_space<hbm>>
    tpu.wait_dma2 semaphore(%arg15 : memref<!tpu.dma_semaphore, #tpu.memory_space<semaphore_mem>>) src(%dma_wait3A_584 : memref<96xi32, #tpu.memory_space<hbm>>) dst(%dma_wait3A_583 : memref<96xi32, #tpu.memory_space<vmem>>)
    %dma_wait3A_585 = arith.constant 4 : i32
    %dma_wait3A_586 = arith.constant 0 : i32
    %dma_wait3A_587 = tpu.memref_slice %arg9[%dma_wait3A_585, %dma_wait3A_586] : memref<6x128xi32, #tpu.memory_space<vmem>> -> memref<1x96xi32, #tpu.memory_space<vmem>>
    %dma_wait3A_588 = tpu.memref_squeeze %dma_wait3A_587 : memref<1x96xi32, #tpu.memory_space<vmem>> -> memref<96xi32, #tpu.memory_space<vmem>>
    %dma_wait3A_589 = tpu.memref_slice %arg3[%multiple_of3A_124] : memref<16384xi32, #tpu.memory_space<hbm>> -> memref<96xi32, #tpu.memory_space<hbm>>
    %dma_wait3A_590 = arith.constant 0 : i32
    %dma_wait3A_591 = tpu.memref_slice %arg9[%dma_wait3A_585, %dma_wait3A_590] : memref<6x128xi32, #tpu.memory_space<vmem>> -> memref<1x96xi32, #tpu.memory_space<vmem>>
    %dma_wait3A_592 = tpu.memref_squeeze %dma_wait3A_591 : memref<1x96xi32, #tpu.memory_space<vmem>> -> memref<96xi32, #tpu.memory_space<vmem>>
    %dma_wait3A_593 = tpu.memref_slice %arg3[%multiple_of3A_124] : memref<16384xi32, #tpu.memory_space<hbm>> -> memref<96xi32, #tpu.memory_space<hbm>>
    tpu.wait_dma2 semaphore(%arg15 : memref<!tpu.dma_semaphore, #tpu.memory_space<semaphore_mem>>) src(%dma_wait3A_593 : memref<96xi32, #tpu.memory_space<hbm>>) dst(%dma_wait3A_592 : memref<96xi32, #tpu.memory_space<vmem>>)
    %dma_wait3A_594 = arith.constant 4 : i32
    %dma_wait3A_595 = arith.constant 0 : i32
    %dma_wait3A_596 = tpu.memref_slice %arg10[%dma_wait3A_594, %dma_wait3A_595] : memref<6x128xi32, #tpu.memory_space<vmem>> -> memref<1x96xi32, #tpu.memory_space<vmem>>
    %dma_wait3A_597 = tpu.memref_squeeze %dma_wait3A_596 : memref<1x96xi32, #tpu.memory_space<vmem>> -> memref<96xi32, #tpu.memory_space<vmem>>
    %dma_wait3A_598 = tpu.memref_slice %arg4[%multiple_of3A_124] : memref<16384xi32, #tpu.memory_space<hbm>> -> memref<96xi32, #tpu.memory_space<hbm>>
    %dma_wait3A_599 = arith.constant 0 : i32
    %dma_wait3A_600 = tpu.memref_slice %arg10[%dma_wait3A_594, %dma_wait3A_599] : memref<6x128xi32, #tpu.memory_space<vmem>> -> memref<1x96xi32, #tpu.memory_space<vmem>>
    %dma_wait3A_601 = tpu.memref_squeeze %dma_wait3A_600 : memref<1x96xi32, #tpu.memory_space<vmem>> -> memref<96xi32, #tpu.memory_space<vmem>>
    %dma_wait3A_602 = tpu.memref_slice %arg4[%multiple_of3A_124] : memref<16384xi32, #tpu.memory_space<hbm>> -> memref<96xi32, #tpu.memory_space<hbm>>
    tpu.wait_dma2 semaphore(%arg15 : memref<!tpu.dma_semaphore, #tpu.memory_space<semaphore_mem>>) src(%dma_wait3A_602 : memref<96xi32, #tpu.memory_space<hbm>>) dst(%dma_wait3A_601 : memref<96xi32, #tpu.memory_space<vmem>>)
    %dma_start3A_603 = arith.constant 4 : i32
    %dma_start3A_604 = arith.constant 1 : i32
    %dma_start3A_605 = arith.constant 0 : i32
    %dma_start3A_606 = arith.constant 0 : i32
    %dma_start3A_607 = tpu.memref_slice %arg11[%dma_start3A_604, %dma_start3A_605, %dma_start3A_606] : memref<3x128x128xf32, #tpu.memory_space<vmem>> -> memref<1x96x128xf32, #tpu.memory_space<vmem>>
    %dma_start3A_608 = tpu.memref_squeeze %dma_start3A_607 : memref<1x96x128xf32, #tpu.memory_space<vmem>> -> memref<96x128xf32, #tpu.memory_space<vmem>>
    %dma_start3A_609 = arith.constant 0 : i32
    %dma_start3A_610 = tpu.memref_slice %arg9[%dma_start3A_603, %dma_start3A_609] : memref<6x128xi32, #tpu.memory_space<vmem>> -> memref<1x96xi32, #tpu.memory_space<vmem>>
    %dma_start3A_611 = tpu.memref_squeeze %dma_start3A_610 : memref<1x96xi32, #tpu.memory_space<vmem>> -> memref<96xi32, #tpu.memory_space<vmem>>
    %dma_start3A_612 = arith.constant 0 : i32
    %dma_start3A_613 = arith.constant 0 : i32
    %dma_start3A_614 = tpu.memref_slice %arg6[%dma_start3A_612, %dma_start3A_613] : memref<100000x128xf32, #tpu.memory_space<hbm>> -> memref<100000x128xf32, #tpu.memory_space<hbm>>
    tpu.enqueue_indirect_dma source(%dma_start3A_614 : memref<100000x128xf32, #tpu.memory_space<hbm>>) target(%dma_start3A_608 : memref<96x128xf32, #tpu.memory_space<vmem>>) offsets(%dma_start3A_611 : memref<96xi32, #tpu.memory_space<vmem>>) semaphore(%arg17 : memref<!tpu.dma_semaphore, #tpu.memory_space<semaphore_mem>>)
    %scan3A_615 = arith.constant 0 : i32
    %scan3A_616 = arith.constant 0 : i32
    %scan3A_617 = arith.constant 64 : i32
    %scan3A_618 = arith.addi %scan3A_616, %scan3A_617 : i32
    %scan3A_619 = arith.constant 1 : i32
    scf.for %scan3A_846 = %scan3A_616 to %scan3A_618 step %scan3A_619  : i32 {
      %mul3A_847 = arith.constant 2 : i32
      %mul3A_848 = arith.muli %scan3A_846, %mul3A_847 : i32
      %add3A_849 = arith.constant 0 : i32
      %add3A_850 = arith.addi %mul3A_848, %add3A_849 : i32
      %shift_right_arithmetic3A = arith.constant 4 : i32
      %shift_right_arithmetic3A_851 = arith.shrsi %add3A_850, %shift_right_arithmetic3A : i32
      %and3A = arith.constant 15 : i32
      %and3A_852 = arith.andi %add3A_850, %and3A : i32
      %broadcast_in_dim3A = arith.constant 0.000000e+00 : f32
      %broadcast_in_dim3A_853 = vector.broadcast %broadcast_in_dim3A : f32 to vector<16xf32>
      %get3A = arith.constant 2 : i32
      %get3A_854 = arith.index_cast %get3A : i32 to index
      %get3A_855 = arith.index_cast %add3A_850 : i32 to index
      %get3A_856 = arith.constant 0 : index
      %get3A_857 = tpu.vector_load %arg11[%get3A_854, %get3A_855, %get3A_856] {strides = array<i32>} : memref<3x128x128xf32, #tpu.memory_space<vmem>>, vector<16xf32>,
      %get3A_858 = arith.constant 2 : i32
      %get3A_859 = arith.index_cast %get3A_858 : i32 to index
      %get3A_860 = arith.index_cast %add3A_850 : i32 to index
      %get3A_861 = arith.constant 0 : index
      %get3A_862 = tpu.vector_load %arg12[%get3A_859, %get3A_860, %get3A_861] {strides = array<i32>} : memref<3x128x128xf32, #tpu.memory_space<vmem>>, vector<16xf32>,
      %sub3A = arith.subf %get3A_857, %get3A_862 : vector<16xf32>
      %abs3A = math.absf %sub3A : vector<16xf32>
      %add3A_863 = arith.addf %broadcast_in_dim3A_853, %abs3A : vector<16xf32>
      %get3A_864 = arith.constant 2 : i32
      %get3A_865 = arith.index_cast %get3A_864 : i32 to index
      %get3A_866 = arith.index_cast %add3A_850 : i32 to index
      %get3A_867 = arith.constant 16 : index
      %get3A_868 = tpu.vector_load %arg11[%get3A_865, %get3A_866, %get3A_867] {strides = array<i32>} : memref<3x128x128xf32, #tpu.memory_space<vmem>>, vector<16xf32>,
      %get3A_869 = arith.constant 2 : i32
      %get3A_870 = arith.index_cast %get3A_869 : i32 to index
      %get3A_871 = arith.index_cast %add3A_850 : i32 to index
      %get3A_872 = arith.constant 16 : index
      %get3A_873 = tpu.vector_load %arg12[%get3A_870, %get3A_871, %get3A_872] {strides = array<i32>} : memref<3x128x128xf32, #tpu.memory_space<vmem>>, vector<16xf32>,
      %sub3A_874 = arith.subf %get3A_868, %get3A_873 : vector<16xf32>
      %abs3A_875 = math.absf %sub3A_874 : vector<16xf32>
      %add3A_876 = arith.addf %add3A_863, %abs3A_875 : vector<16xf32>
      %get3A_877 = arith.constant 2 : i32
      %get3A_878 = arith.index_cast %get3A_877 : i32 to index
      %get3A_879 = arith.index_cast %add3A_850 : i32 to index
      %get3A_880 = arith.constant 32 : index
      %get3A_881 = tpu.vector_load %arg11[%get3A_878, %get3A_879, %get3A_880] {strides = array<i32>} : memref<3x128x128xf32, #tpu.memory_space<vmem>>, vector<16xf32>,
      %get3A_882 = arith.constant 2 : i32
      %get3A_883 = arith.index_cast %get3A_882 : i32 to index
      %get3A_884 = arith.index_cast %add3A_850 : i32 to index
      %get3A_885 = arith.constant 32 : index
      %get3A_886 = tpu.vector_load %arg12[%get3A_883, %get3A_884, %get3A_885] {strides = array<i32>} : memref<3x128x128xf32, #tpu.memory_space<vmem>>, vector<16xf32>,
      %sub3A_887 = arith.subf %get3A_881, %get3A_886 : vector<16xf32>
      %abs3A_888 = math.absf %sub3A_887 : vector<16xf32>
      %add3A_889 = arith.addf %add3A_876, %abs3A_888 : vector<16xf32>
      %get3A_890 = arith.constant 2 : i32
      %get3A_891 = arith.index_cast %get3A_890 : i32 to index
      %get3A_892 = arith.index_cast %add3A_850 : i32 to index
      %get3A_893 = arith.constant 48 : index
      %get3A_894 = tpu.vector_load %arg11[%get3A_891, %get3A_892, %get3A_893] {strides = array<i32>} : memref<3x128x128xf32, #tpu.memory_space<vmem>>, vector<16xf32>,
      %get3A_895 = arith.constant 2 : i32
      %get3A_896 = arith.index_cast %get3A_895 : i32 to index
      %get3A_897 = arith.index_cast %add3A_850 : i32 to index
      %get3A_898 = arith.constant 48 : index
      %get3A_899 = tpu.vector_load %arg12[%get3A_896, %get3A_897, %get3A_898] {strides = array<i32>} : memref<3x128x128xf32, #tpu.memory_space<vmem>>, vector<16xf32>,
      %sub3A_900 = arith.subf %get3A_894, %get3A_899 : vector<16xf32>
      %abs3A_901 = math.absf %sub3A_900 : vector<16xf32>
      %add3A_902 = arith.addf %add3A_889, %abs3A_901 : vector<16xf32>
      %get3A_903 = arith.constant 2 : i32
      %get3A_904 = arith.index_cast %get3A_903 : i32 to index
      %get3A_905 = arith.index_cast %add3A_850 : i32 to index
      %get3A_906 = arith.constant 64 : index
      %get3A_907 = tpu.vector_load %arg11[%get3A_904, %get3A_905, %get3A_906] {strides = array<i32>} : memref<3x128x128xf32, #tpu.memory_space<vmem>>, vector<16xf32>,
      %get3A_908 = arith.constant 2 : i32
      %get3A_909 = arith.index_cast %get3A_908 : i32 to index
      %get3A_910 = arith.index_cast %add3A_850 : i32 to index
      %get3A_911 = arith.constant 64 : index
      %get3A_912 = tpu.vector_load %arg12[%get3A_909, %get3A_910, %get3A_911] {strides = array<i32>} : memref<3x128x128xf32, #tpu.memory_space<vmem>>, vector<16xf32>,
      %sub3A_913 = arith.subf %get3A_907, %get3A_912 : vector<16xf32>
      %abs3A_914 = math.absf %sub3A_913 : vector<16xf32>
      %add3A_915 = arith.addf %add3A_902, %abs3A_914 : vector<16xf32>
      %get3A_916 = arith.constant 2 : i32
      %get3A_917 = arith.index_cast %get3A_916 : i32 to index
      %get3A_918 = arith.index_cast %add3A_850 : i32 to index
      %get3A_919 = arith.constant 80 : index
      %get3A_920 = tpu.vector_load %arg11[%get3A_917, %get3A_918, %get3A_919] {strides = array<i32>} : memref<3x128x128xf32, #tpu.memory_space<vmem>>, vector<16xf32>,
      %get3A_921 = arith.constant 2 : i32
      %get3A_922 = arith.index_cast %get3A_921 : i32 to index
      %get3A_923 = arith.index_cast %add3A_850 : i32 to index
      %get3A_924 = arith.constant 80 : index
      %get3A_925 = tpu.vector_load %arg12[%get3A_922, %get3A_923, %get3A_924] {strides = array<i32>} : memref<3x128x128xf32, #tpu.memory_space<vmem>>, vector<16xf32>,
      %sub3A_926 = arith.subf %get3A_920, %get3A_925 : vector<16xf32>
      %abs3A_927 = math.absf %sub3A_926 : vector<16xf32>
      %add3A_928 = arith.addf %add3A_915, %abs3A_927 : vector<16xf32>
      %get3A_929 = arith.constant 2 : i32
      %get3A_930 = arith.index_cast %get3A_929 : i32 to index
      %get3A_931 = arith.index_cast %add3A_850 : i32 to index
      %get3A_932 = arith.constant 96 : index
      %get3A_933 = tpu.vector_load %arg11[%get3A_930, %get3A_931, %get3A_932] {strides = array<i32>} : memref<3x128x128xf32, #tpu.memory_space<vmem>>, vector<16xf32>,
      %get3A_934 = arith.constant 2 : i32
      %get3A_935 = arith.index_cast %get3A_934 : i32 to index
      %get3A_936 = arith.index_cast %add3A_850 : i32 to index
      %get3A_937 = arith.constant 96 : index
      %get3A_938 = tpu.vector_load %arg12[%get3A_935, %get3A_936, %get3A_937] {strides = array<i32>} : memref<3x128x128xf32, #tpu.memory_space<vmem>>, vector<16xf32>,
      %sub3A_939 = arith.subf %get3A_933, %get3A_938 : vector<16xf32>
      %abs3A_940 = math.absf %sub3A_939 : vector<16xf32>
      %add3A_941 = arith.addf %add3A_928, %abs3A_940 : vector<16xf32>
      %get3A_942 = arith.constant 2 : i32
      %get3A_943 = arith.index_cast %get3A_942 : i32 to index
      %get3A_944 = arith.index_cast %add3A_850 : i32 to index
      %get3A_945 = arith.constant 112 : index
      %get3A_946 = tpu.vector_load %arg11[%get3A_943, %get3A_944, %get3A_945] {strides = array<i32>} : memref<3x128x128xf32, #tpu.memory_space<vmem>>, vector<16xf32>,
      %get3A_947 = arith.constant 2 : i32
      %get3A_948 = arith.index_cast %get3A_947 : i32 to index
      %get3A_949 = arith.index_cast %add3A_850 : i32 to index
      %get3A_950 = arith.constant 112 : index
      %get3A_951 = tpu.vector_load %arg12[%get3A_948, %get3A_949, %get3A_950] {strides = array<i32>} : memref<3x128x128xf32, #tpu.memory_space<vmem>>, vector<16xf32>,
      %sub3A_952 = arith.subf %get3A_946, %get3A_951 : vector<16xf32>
      %abs3A_953 = math.absf %sub3A_952 : vector<16xf32>
      %add3A_954 = arith.addf %add3A_941, %abs3A_953 : vector<16xf32>
      %mul3A_955 = arith.constant 272 : i32
      %mul3A_956 = arith.muli %shift_right_arithmetic3A_851, %mul3A_955 : i32
      %add3A_957 = arith.addi %mul3A_956, %and3A_852 : i32
      %mul3A_958 = arith.constant 17 : i32
      %mul3A_959 = vector.broadcast %mul3A_958 : i32 to vector<16xi32>
      %mul3A_960 = arith.muli %iota3A, %mul3A_959 : vector<16xi32>
      %add3A_961 = vector.broadcast %add3A_957 : i32 to vector<16xi32>
      %add3A_962 = arith.addi %mul3A_960, %add3A_961 : vector<16xi32>
      tpu.vector_store_idx %arg13[%add3A_962], %add3A_954 : memref<2176xf32, #tpu.memory_space<vmem>>[vector<16xi32>], vector<16xf32>,
      %mul3A_963 = arith.constant 2 : i32
      %mul3A_964 = arith.muli %scan3A_846, %mul3A_963 : i32
      %add3A_965 = arith.constant 1 : i32
      %add3A_966 = arith.addi %mul3A_964, %add3A_965 : i32
      %shift_right_arithmetic3A_967 = arith.constant 4 : i32
      %shift_right_arithmetic3A_968 = arith.shrsi %add3A_966, %shift_right_arithmetic3A_967 : i32
      %and3A_969 = arith.constant 15 : i32
      %and3A_970 = arith.andi %add3A_966, %and3A_969 : i32
      %broadcast_in_dim3A_971 = arith.constant 0.000000e+00 : f32
      %broadcast_in_dim3A_972 = vector.broadcast %broadcast_in_dim3A_971 : f32 to vector<16xf32>
      %get3A_973 = arith.constant 2 : i32
      %get3A_974 = arith.index_cast %get3A_973 : i32 to index
      %get3A_975 = arith.index_cast %add3A_966 : i32 to index
      %get3A_976 = arith.constant 0 : index
      %get3A_977 = tpu.vector_load %arg11[%get3A_974, %get3A_975, %get3A_976] {strides = array<i32>} : memref<3x128x128xf32, #tpu.memory_space<vmem>>, vector<16xf32>,
      %get3A_978 = arith.constant 2 : i32
      %get3A_979 = arith.index_cast %get3A_978 : i32 to index
      %get3A_980 = arith.index_cast %add3A_966 : i32 to index
      %get3A_981 = arith.constant 0 : index
      %get3A_982 = tpu.vector_load %arg12[%get3A_979, %get3A_980, %get3A_981] {strides = array<i32>} : memref<3x128x128xf32, #tpu.memory_space<vmem>>, vector<16xf32>,
      %sub3A_983 = arith.subf %get3A_977, %get3A_982 : vector<16xf32>
      %abs3A_984 = math.absf %sub3A_983 : vector<16xf32>
      %add3A_985 = arith.addf %broadcast_in_dim3A_972, %abs3A_984 : vector<16xf32>
      %get3A_986 = arith.constant 2 : i32
      %get3A_987 = arith.index_cast %get3A_986 : i32 to index
      %get3A_988 = arith.index_cast %add3A_966 : i32 to index
      %get3A_989 = arith.constant 16 : index
      %get3A_990 = tpu.vector_load %arg11[%get3A_987, %get3A_988, %get3A_989] {strides = array<i32>} : memref<3x128x128xf32, #tpu.memory_space<vmem>>, vector<16xf32>,
      %get3A_991 = arith.constant 2 : i32
      %get3A_992 = arith.index_cast %get3A_991 : i32 to index
      %get3A_993 = arith.index_cast %add3A_966 : i32 to index
      %get3A_994 = arith.constant 16 : index
      %get3A_995 = tpu.vector_load %arg12[%get3A_992, %get3A_993, %get3A_994] {strides = array<i32>} : memref<3x128x128xf32, #tpu.memory_space<vmem>>, vector<16xf32>,
      %sub3A_996 = arith.subf %get3A_990, %get3A_995 : vector<16xf32>
      %abs3A_997 = math.absf %sub3A_996 : vector<16xf32>
      %add3A_998 = arith.addf %add3A_985, %abs3A_997 : vector<16xf32>
      %get3A_999 = arith.constant 2 : i32
      %get3A_1000 = arith.index_cast %get3A_999 : i32 to index
      %get3A_1001 = arith.index_cast %add3A_966 : i32 to index
      %get3A_1002 = arith.constant 32 : index
      %get3A_1003 = tpu.vector_load %arg11[%get3A_1000, %get3A_1001, %get3A_1002] {strides = array<i32>} : memref<3x128x128xf32, #tpu.memory_space<vmem>>, vector<16xf32>,
      %get3A_1004 = arith.constant 2 : i32
      %get3A_1005 = arith.index_cast %get3A_1004 : i32 to index
      %get3A_1006 = arith.index_cast %add3A_966 : i32 to index
      %get3A_1007 = arith.constant 32 : index
      %get3A_1008 = tpu.vector_load %arg12[%get3A_1005, %get3A_1006, %get3A_1007] {strides = array<i32>} : memref<3x128x128xf32, #tpu.memory_space<vmem>>, vector<16xf32>,
      %sub3A_1009 = arith.subf %get3A_1003, %get3A_1008 : vector<16xf32>
      %abs3A_1010 = math.absf %sub3A_1009 : vector<16xf32>
      %add3A_1011 = arith.addf %add3A_998, %abs3A_1010 : vector<16xf32>
      %get3A_1012 = arith.constant 2 : i32
      %get3A_1013 = arith.index_cast %get3A_1012 : i32 to index
      %get3A_1014 = arith.index_cast %add3A_966 : i32 to index
      %get3A_1015 = arith.constant 48 : index
      %get3A_1016 = tpu.vector_load %arg11[%get3A_1013, %get3A_1014, %get3A_1015] {strides = array<i32>} : memref<3x128x128xf32, #tpu.memory_space<vmem>>, vector<16xf32>,
      %get3A_1017 = arith.constant 2 : i32
      %get3A_1018 = arith.index_cast %get3A_1017 : i32 to index
      %get3A_1019 = arith.index_cast %add3A_966 : i32 to index
      %get3A_1020 = arith.constant 48 : index
      %get3A_1021 = tpu.vector_load %arg12[%get3A_1018, %get3A_1019, %get3A_1020] {strides = array<i32>} : memref<3x128x128xf32, #tpu.memory_space<vmem>>, vector<16xf32>,
      %sub3A_1022 = arith.subf %get3A_1016, %get3A_1021 : vector<16xf32>
      %abs3A_1023 = math.absf %sub3A_1022 : vector<16xf32>
      %add3A_1024 = arith.addf %add3A_1011, %abs3A_1023 : vector<16xf32>
      %get3A_1025 = arith.constant 2 : i32
      %get3A_1026 = arith.index_cast %get3A_1025 : i32 to index
      %get3A_1027 = arith.index_cast %add3A_966 : i32 to index
      %get3A_1028 = arith.constant 64 : index
      %get3A_1029 = tpu.vector_load %arg11[%get3A_1026, %get3A_1027, %get3A_1028] {strides = array<i32>} : memref<3x128x128xf32, #tpu.memory_space<vmem>>, vector<16xf32>,
      %get3A_1030 = arith.constant 2 : i32
      %get3A_1031 = arith.index_cast %get3A_1030 : i32 to index
      %get3A_1032 = arith.index_cast %add3A_966 : i32 to index
      %get3A_1033 = arith.constant 64 : index
      %get3A_1034 = tpu.vector_load %arg12[%get3A_1031, %get3A_1032, %get3A_1033] {strides = array<i32>} : memref<3x128x128xf32, #tpu.memory_space<vmem>>, vector<16xf32>,
      %sub3A_1035 = arith.subf %get3A_1029, %get3A_1034 : vector<16xf32>
      %abs3A_1036 = math.absf %sub3A_1035 : vector<16xf32>
      %add3A_1037 = arith.addf %add3A_1024, %abs3A_1036 : vector<16xf32>
      %get3A_1038 = arith.constant 2 : i32
      %get3A_1039 = arith.index_cast %get3A_1038 : i32 to index
      %get3A_1040 = arith.index_cast %add3A_966 : i32 to index
      %get3A_1041 = arith.constant 80 : index
      %get3A_1042 = tpu.vector_load %arg11[%get3A_1039, %get3A_1040, %get3A_1041] {strides = array<i32>} : memref<3x128x128xf32, #tpu.memory_space<vmem>>, vector<16xf32>,
      %get3A_1043 = arith.constant 2 : i32
      %get3A_1044 = arith.index_cast %get3A_1043 : i32 to index
      %get3A_1045 = arith.index_cast %add3A_966 : i32 to index
      %get3A_1046 = arith.constant 80 : index
      %get3A_1047 = tpu.vector_load %arg12[%get3A_1044, %get3A_1045, %get3A_1046] {strides = array<i32>} : memref<3x128x128xf32, #tpu.memory_space<vmem>>, vector<16xf32>,
      %sub3A_1048 = arith.subf %get3A_1042, %get3A_1047 : vector<16xf32>
      %abs3A_1049 = math.absf %sub3A_1048 : vector<16xf32>
      %add3A_1050 = arith.addf %add3A_1037, %abs3A_1049 : vector<16xf32>
      %get3A_1051 = arith.constant 2 : i32
      %get3A_1052 = arith.index_cast %get3A_1051 : i32 to index
      %get3A_1053 = arith.index_cast %add3A_966 : i32 to index
      %get3A_1054 = arith.constant 96 : index
      %get3A_1055 = tpu.vector_load %arg11[%get3A_1052, %get3A_1053, %get3A_1054] {strides = array<i32>} : memref<3x128x128xf32, #tpu.memory_space<vmem>>, vector<16xf32>,
      %get3A_1056 = arith.constant 2 : i32
      %get3A_1057 = arith.index_cast %get3A_1056 : i32 to index
      %get3A_1058 = arith.index_cast %add3A_966 : i32 to index
      %get3A_1059 = arith.constant 96 : index
      %get3A_1060 = tpu.vector_load %arg12[%get3A_1057, %get3A_1058, %get3A_1059] {strides = array<i32>} : memref<3x128x128xf32, #tpu.memory_space<vmem>>, vector<16xf32>,
      %sub3A_1061 = arith.subf %get3A_1055, %get3A_1060 : vector<16xf32>
      %abs3A_1062 = math.absf %sub3A_1061 : vector<16xf32>
      %add3A_1063 = arith.addf %add3A_1050, %abs3A_1062 : vector<16xf32>
      %get3A_1064 = arith.constant 2 : i32
      %get3A_1065 = arith.index_cast %get3A_1064 : i32 to index
      %get3A_1066 = arith.index_cast %add3A_966 : i32 to index
      %get3A_1067 = arith.constant 112 : index
      %get3A_1068 = tpu.vector_load %arg11[%get3A_1065, %get3A_1066, %get3A_1067] {strides = array<i32>} : memref<3x128x128xf32, #tpu.memory_space<vmem>>, vector<16xf32>,
      %get3A_1069 = arith.constant 2 : i32
      %get3A_1070 = arith.index_cast %get3A_1069 : i32 to index
      %get3A_1071 = arith.index_cast %add3A_966 : i32 to index
      %get3A_1072 = arith.constant 112 : index
      %get3A_1073 = tpu.vector_load %arg12[%get3A_1070, %get3A_1071, %get3A_1072] {strides = array<i32>} : memref<3x128x128xf32, #tpu.memory_space<vmem>>, vector<16xf32>,
      %sub3A_1074 = arith.subf %get3A_1068, %get3A_1073 : vector<16xf32>
      %abs3A_1075 = math.absf %sub3A_1074 : vector<16xf32>
      %add3A_1076 = arith.addf %add3A_1063, %abs3A_1075 : vector<16xf32>
      %mul3A_1077 = arith.constant 272 : i32
      %mul3A_1078 = arith.muli %shift_right_arithmetic3A_968, %mul3A_1077 : i32
      %add3A_1079 = arith.addi %mul3A_1078, %and3A_970 : i32
      %mul3A_1080 = arith.constant 17 : i32
      %mul3A_1081 = vector.broadcast %mul3A_1080 : i32 to vector<16xi32>
      %mul3A_1082 = arith.muli %iota3A, %mul3A_1081 : vector<16xi32>
      %add3A_1083 = vector.broadcast %add3A_1079 : i32 to vector<16xi32>
      %add3A_1084 = arith.addi %mul3A_1082, %add3A_1083 : vector<16xi32>
      tpu.vector_store_idx %arg13[%add3A_1084], %add3A_1076 : memref<2176xf32, #tpu.memory_space<vmem>>[vector<16xi32>], vector<16xf32>,
    }
    %scan3A_620 = arith.constant 64 : i32
    %scan3A_621 = arith.constant 0 : i32
    %scan3A_622 = arith.constant 0 : i32
    %scan3A_623 = arith.constant 8 : i32
    %scan3A_624 = arith.addi %scan3A_622, %scan3A_623 : i32
    %scan3A_625 = arith.constant 1 : i32
    scf.for %scan3A_846 = %scan3A_622 to %scan3A_624 step %scan3A_625  : i32 {
      %mul3A_847 = arith.constant 272 : i32
      %mul3A_848 = arith.muli %scan3A_846, %mul3A_847 : i32
      %broadcast_in_dim3A = arith.constant 0.000000e+00 : f32
      %broadcast_in_dim3A_849 = vector.broadcast %broadcast_in_dim3A : f32 to vector<16xf32>
      %add3A_850 = arith.constant 0 : i32
      %add3A_851 = arith.addi %mul3A_848, %add3A_850 : i32
      %add3A_852 = vector.broadcast %add3A_851 : i32 to vector<16xi32>
      %add3A_853 = arith.addi %iota3A, %add3A_852 : vector<16xi32>
      %gather3A = tpu.vector_load_idx %arg13[%add3A_853] : memref<2176xf32, #tpu.memory_space<vmem>>[vector<16xi32>], vector<16xf32>,
      %add3A_854 = arith.addf %broadcast_in_dim3A_849, %gather3A : vector<16xf32>
      %add3A_855 = arith.constant 17 : i32
      %add3A_856 = arith.addi %mul3A_848, %add3A_855 : i32
      %add3A_857 = vector.broadcast %add3A_856 : i32 to vector<16xi32>
      %add3A_858 = arith.addi %iota3A, %add3A_857 : vector<16xi32>
      %gather3A_859 = tpu.vector_load_idx %arg13[%add3A_858] : memref<2176xf32, #tpu.memory_space<vmem>>[vector<16xi32>], vector<16xf32>,
      %add3A_860 = arith.addf %add3A_854, %gather3A_859 : vector<16xf32>
      %add3A_861 = arith.constant 34 : i32
      %add3A_862 = arith.addi %mul3A_848, %add3A_861 : i32
      %add3A_863 = vector.broadcast %add3A_862 : i32 to vector<16xi32>
      %add3A_864 = arith.addi %iota3A, %add3A_863 : vector<16xi32>
      %gather3A_865 = tpu.vector_load_idx %arg13[%add3A_864] : memref<2176xf32, #tpu.memory_space<vmem>>[vector<16xi32>], vector<16xf32>,
      %add3A_866 = arith.addf %add3A_860, %gather3A_865 : vector<16xf32>
      %add3A_867 = arith.constant 51 : i32
      %add3A_868 = arith.addi %mul3A_848, %add3A_867 : i32
      %add3A_869 = vector.broadcast %add3A_868 : i32 to vector<16xi32>
      %add3A_870 = arith.addi %iota3A, %add3A_869 : vector<16xi32>
      %gather3A_871 = tpu.vector_load_idx %arg13[%add3A_870] : memref<2176xf32, #tpu.memory_space<vmem>>[vector<16xi32>], vector<16xf32>,
      %add3A_872 = arith.addf %add3A_866, %gather3A_871 : vector<16xf32>
      %add3A_873 = arith.constant 68 : i32
      %add3A_874 = arith.addi %mul3A_848, %add3A_873 : i32
      %add3A_875 = vector.broadcast %add3A_874 : i32 to vector<16xi32>
      %add3A_876 = arith.addi %iota3A, %add3A_875 : vector<16xi32>
      %gather3A_877 = tpu.vector_load_idx %arg13[%add3A_876] : memref<2176xf32, #tpu.memory_space<vmem>>[vector<16xi32>], vector<16xf32>,
      %add3A_878 = arith.addf %add3A_872, %gather3A_877 : vector<16xf32>
      %add3A_879 = arith.constant 85 : i32
      %add3A_880 = arith.addi %mul3A_848, %add3A_879 : i32
      %add3A_881 = vector.broadcast %add3A_880 : i32 to vector<16xi32>
      %add3A_882 = arith.addi %iota3A, %add3A_881 : vector<16xi32>
      %gather3A_883 = tpu.vector_load_idx %arg13[%add3A_882] : memref<2176xf32, #tpu.memory_space<vmem>>[vector<16xi32>], vector<16xf32>,
      %add3A_884 = arith.addf %add3A_878, %gather3A_883 : vector<16xf32>
      %add3A_885 = arith.constant 102 : i32
      %add3A_886 = arith.addi %mul3A_848, %add3A_885 : i32
      %add3A_887 = vector.broadcast %add3A_886 : i32 to vector<16xi32>
      %add3A_888 = arith.addi %iota3A, %add3A_887 : vector<16xi32>
      %gather3A_889 = tpu.vector_load_idx %arg13[%add3A_888] : memref<2176xf32, #tpu.memory_space<vmem>>[vector<16xi32>], vector<16xf32>,
      %add3A_890 = arith.addf %add3A_884, %gather3A_889 : vector<16xf32>
      %add3A_891 = arith.constant 119 : i32
      %add3A_892 = arith.addi %mul3A_848, %add3A_891 : i32
      %add3A_893 = vector.broadcast %add3A_892 : i32 to vector<16xi32>
      %add3A_894 = arith.addi %iota3A, %add3A_893 : vector<16xi32>
      %gather3A_895 = tpu.vector_load_idx %arg13[%add3A_894] : memref<2176xf32, #tpu.memory_space<vmem>>[vector<16xi32>], vector<16xf32>,
      %add3A_896 = arith.addf %add3A_890, %gather3A_895 : vector<16xf32>
      %add3A_897 = arith.constant 136 : i32
      %add3A_898 = arith.addi %mul3A_848, %add3A_897 : i32
      %add3A_899 = vector.broadcast %add3A_898 : i32 to vector<16xi32>
      %add3A_900 = arith.addi %iota3A, %add3A_899 : vector<16xi32>
      %gather3A_901 = tpu.vector_load_idx %arg13[%add3A_900] : memref<2176xf32, #tpu.memory_space<vmem>>[vector<16xi32>], vector<16xf32>,
      %add3A_902 = arith.addf %add3A_896, %gather3A_901 : vector<16xf32>
      %add3A_903 = arith.constant 153 : i32
      %add3A_904 = arith.addi %mul3A_848, %add3A_903 : i32
      %add3A_905 = vector.broadcast %add3A_904 : i32 to vector<16xi32>
      %add3A_906 = arith.addi %iota3A, %add3A_905 : vector<16xi32>
      %gather3A_907 = tpu.vector_load_idx %arg13[%add3A_906] : memref<2176xf32, #tpu.memory_space<vmem>>[vector<16xi32>], vector<16xf32>,
      %add3A_908 = arith.addf %add3A_902, %gather3A_907 : vector<16xf32>
      %add3A_909 = arith.constant 170 : i32
      %add3A_910 = arith.addi %mul3A_848, %add3A_909 : i32
      %add3A_911 = vector.broadcast %add3A_910 : i32 to vector<16xi32>
      %add3A_912 = arith.addi %iota3A, %add3A_911 : vector<16xi32>
      %gather3A_913 = tpu.vector_load_idx %arg13[%add3A_912] : memref<2176xf32, #tpu.memory_space<vmem>>[vector<16xi32>], vector<16xf32>,
      %add3A_914 = arith.addf %add3A_908, %gather3A_913 : vector<16xf32>
      %add3A_915 = arith.constant 187 : i32
      %add3A_916 = arith.addi %mul3A_848, %add3A_915 : i32
      %add3A_917 = vector.broadcast %add3A_916 : i32 to vector<16xi32>
      %add3A_918 = arith.addi %iota3A, %add3A_917 : vector<16xi32>
      %gather3A_919 = tpu.vector_load_idx %arg13[%add3A_918] : memref<2176xf32, #tpu.memory_space<vmem>>[vector<16xi32>], vector<16xf32>,
      %add3A_920 = arith.addf %add3A_914, %gather3A_919 : vector<16xf32>
      %add3A_921 = arith.constant 204 : i32
      %add3A_922 = arith.addi %mul3A_848, %add3A_921 : i32
      %add3A_923 = vector.broadcast %add3A_922 : i32 to vector<16xi32>
      %add3A_924 = arith.addi %iota3A, %add3A_923 : vector<16xi32>
      %gather3A_925 = tpu.vector_load_idx %arg13[%add3A_924] : memref<2176xf32, #tpu.memory_space<vmem>>[vector<16xi32>], vector<16xf32>,
      %add3A_926 = arith.addf %add3A_920, %gather3A_925 : vector<16xf32>
      %add3A_927 = arith.constant 221 : i32
      %add3A_928 = arith.addi %mul3A_848, %add3A_927 : i32
      %add3A_929 = vector.broadcast %add3A_928 : i32 to vector<16xi32>
      %add3A_930 = arith.addi %iota3A, %add3A_929 : vector<16xi32>
      %gather3A_931 = tpu.vector_load_idx %arg13[%add3A_930] : memref<2176xf32, #tpu.memory_space<vmem>>[vector<16xi32>], vector<16xf32>,
      %add3A_932 = arith.addf %add3A_926, %gather3A_931 : vector<16xf32>
      %add3A_933 = arith.constant 238 : i32
      %add3A_934 = arith.addi %mul3A_848, %add3A_933 : i32
      %add3A_935 = vector.broadcast %add3A_934 : i32 to vector<16xi32>
      %add3A_936 = arith.addi %iota3A, %add3A_935 : vector<16xi32>
      %gather3A_937 = tpu.vector_load_idx %arg13[%add3A_936] : memref<2176xf32, #tpu.memory_space<vmem>>[vector<16xi32>], vector<16xf32>,
      %add3A_938 = arith.addf %add3A_932, %gather3A_937 : vector<16xf32>
      %add3A_939 = arith.constant 255 : i32
      %add3A_940 = arith.addi %mul3A_848, %add3A_939 : i32
      %add3A_941 = vector.broadcast %add3A_940 : i32 to vector<16xi32>
      %add3A_942 = arith.addi %iota3A, %add3A_941 : vector<16xi32>
      %gather3A_943 = tpu.vector_load_idx %arg13[%add3A_942] : memref<2176xf32, #tpu.memory_space<vmem>>[vector<16xi32>], vector<16xf32>,
      %add3A_944 = arith.addf %add3A_938, %gather3A_943 : vector<16xf32>
      %sub3A = arith.constant 1.200000e+01 : f32
      %sub3A_945 = vector.broadcast %sub3A : f32 to vector<16xf32>
      %sub3A_946 = arith.subf %sub3A_945, %add3A_944 : vector<16xf32>
      %mul3A_947 = arith.constant 16 : i32
      %mul3A_948 = arith.muli %scan3A_846, %mul3A_947 : i32
      %add3A_949 = arith.constant 128 : i32
      %add3A_950 = arith.addi %add3A_949, %mul3A_948 : i32
      %swap3A = arith.index_cast %add3A_950 : i32 to index
      %swap3A_951 = tpu.vector_load %arg14[%swap3A] {strides = array<i32>} : memref<512xf32, #tpu.memory_space<vmem>>, vector<16xf32>,
      tpu.vector_store %arg14[%swap3A], %sub3A_946 {strides = array<i32>} : memref<512xf32, #tpu.memory_space<vmem>>, vector<16xf32>,
    }
    %scan3A_626 = arith.constant 8 : i32
    %dma_wait3A_627 = arith.constant 3 : i32
    %dma_wait3A_628 = arith.constant 0 : i32
    %dma_wait3A_629 = arith.constant 0 : i32
    %dma_wait3A_630 = arith.constant 0 : i32
    %dma_wait3A_631 = tpu.memref_slice %arg11[%dma_wait3A_628, %dma_wait3A_629, %dma_wait3A_630] : memref<3x128x128xf32, #tpu.memory_space<vmem>> -> memref<1x128x128xf32, #tpu.memory_space<vmem>>
    %dma_wait3A_632 = tpu.memref_squeeze %dma_wait3A_631 : memref<1x128x128xf32, #tpu.memory_space<vmem>> -> memref<128x128xf32, #tpu.memory_space<vmem>>
    %dma_wait3A_633 = arith.constant 0 : i32
    %dma_wait3A_634 = tpu.memref_slice %arg8[%dma_wait3A_627, %dma_wait3A_633] : memref<6x128xi32, #tpu.memory_space<vmem>> -> memref<1x128xi32, #tpu.memory_space<vmem>>
    %dma_wait3A_635 = tpu.memref_squeeze %dma_wait3A_634 : memref<1x128xi32, #tpu.memory_space<vmem>> -> memref<128xi32, #tpu.memory_space<vmem>>
    %dma_wait3A_636 = arith.constant 0 : i32
    %dma_wait3A_637 = arith.constant 0 : i32
    %dma_wait3A_638 = tpu.memref_slice %arg5[%dma_wait3A_636, %dma_wait3A_637] : memref<100000x128xf32, #tpu.memory_space<hbm>> -> memref<100000x128xf32, #tpu.memory_space<hbm>>
    tpu.wait_indirect_dma semaphore(%arg19 : memref<!tpu.dma_semaphore, #tpu.memory_space<semaphore_mem>>) src(%dma_wait3A_638 : memref<100000x128xf32, #tpu.memory_space<hbm>>) dst(%dma_wait3A_632 : memref<128x128xf32, #tpu.memory_space<vmem>>)
    %dma_wait3A_639 = arith.constant 3 : i32
    %dma_wait3A_640 = arith.constant 0 : i32
    %dma_wait3A_641 = arith.constant 0 : i32
    %dma_wait3A_642 = arith.constant 0 : i32
    %dma_wait3A_643 = tpu.memref_slice %arg12[%dma_wait3A_640, %dma_wait3A_641, %dma_wait3A_642] : memref<3x128x128xf32, #tpu.memory_space<vmem>> -> memref<1x128x128xf32, #tpu.memory_space<vmem>>
    %dma_wait3A_644 = tpu.memref_squeeze %dma_wait3A_643 : memref<1x128x128xf32, #tpu.memory_space<vmem>> -> memref<128x128xf32, #tpu.memory_space<vmem>>
    %dma_wait3A_645 = arith.constant 0 : i32
    %dma_wait3A_646 = tpu.memref_slice %arg10[%dma_wait3A_639, %dma_wait3A_645] : memref<6x128xi32, #tpu.memory_space<vmem>> -> memref<1x128xi32, #tpu.memory_space<vmem>>
    %dma_wait3A_647 = tpu.memref_squeeze %dma_wait3A_646 : memref<1x128xi32, #tpu.memory_space<vmem>> -> memref<128xi32, #tpu.memory_space<vmem>>
    %dma_wait3A_648 = arith.constant 0 : i32
    %dma_wait3A_649 = arith.constant 0 : i32
    %dma_wait3A_650 = tpu.memref_slice %arg5[%dma_wait3A_648, %dma_wait3A_649] : memref<100000x128xf32, #tpu.memory_space<hbm>> -> memref<100000x128xf32, #tpu.memory_space<hbm>>
    tpu.wait_indirect_dma semaphore(%arg19 : memref<!tpu.dma_semaphore, #tpu.memory_space<semaphore_mem>>) src(%dma_wait3A_650 : memref<100000x128xf32, #tpu.memory_space<hbm>>) dst(%dma_wait3A_644 : memref<128x128xf32, #tpu.memory_space<vmem>>)
    %dma_wait3A_651 = arith.constant 4 : i32
    %dma_wait3A_652 = arith.constant 1 : i32
    %dma_wait3A_653 = arith.constant 0 : i32
    %dma_wait3A_654 = arith.constant 0 : i32
    %dma_wait3A_655 = tpu.memref_slice %arg11[%dma_wait3A_652, %dma_wait3A_653, %dma_wait3A_654] : memref<3x128x128xf32, #tpu.memory_space<vmem>> -> memref<1x96x128xf32, #tpu.memory_space<vmem>>
    %dma_wait3A_656 = tpu.memref_squeeze %dma_wait3A_655 : memref<1x96x128xf32, #tpu.memory_space<vmem>> -> memref<96x128xf32, #tpu.memory_space<vmem>>
    %dma_wait3A_657 = arith.constant 0 : i32
    %dma_wait3A_658 = tpu.memref_slice %arg9[%dma_wait3A_651, %dma_wait3A_657] : memref<6x128xi32, #tpu.memory_space<vmem>> -> memref<1x96xi32, #tpu.memory_space<vmem>>
    %dma_wait3A_659 = tpu.memref_squeeze %dma_wait3A_658 : memref<1x96xi32, #tpu.memory_space<vmem>> -> memref<96xi32, #tpu.memory_space<vmem>>
    %dma_wait3A_660 = arith.constant 0 : i32
    %dma_wait3A_661 = arith.constant 0 : i32
    %dma_wait3A_662 = tpu.memref_slice %arg6[%dma_wait3A_660, %dma_wait3A_661] : memref<100000x128xf32, #tpu.memory_space<hbm>> -> memref<100000x128xf32, #tpu.memory_space<hbm>>
    tpu.wait_indirect_dma semaphore(%arg17 : memref<!tpu.dma_semaphore, #tpu.memory_space<semaphore_mem>>) src(%dma_wait3A_662 : memref<100000x128xf32, #tpu.memory_space<hbm>>) dst(%dma_wait3A_656 : memref<96x128xf32, #tpu.memory_space<vmem>>)
    %dma_start3A_663 = arith.constant 4 : i32
    %dma_start3A_664 = arith.constant 1 : i32
    %dma_start3A_665 = arith.constant 0 : i32
    %dma_start3A_666 = arith.constant 0 : i32
    %dma_start3A_667 = tpu.memref_slice %arg11[%dma_start3A_664, %dma_start3A_665, %dma_start3A_666] : memref<3x128x128xf32, #tpu.memory_space<vmem>> -> memref<1x96x128xf32, #tpu.memory_space<vmem>>
    %dma_start3A_668 = tpu.memref_squeeze %dma_start3A_667 : memref<1x96x128xf32, #tpu.memory_space<vmem>> -> memref<96x128xf32, #tpu.memory_space<vmem>>
    %dma_start3A_669 = arith.constant 0 : i32
    %dma_start3A_670 = tpu.memref_slice %arg8[%dma_start3A_663, %dma_start3A_669] : memref<6x128xi32, #tpu.memory_space<vmem>> -> memref<1x96xi32, #tpu.memory_space<vmem>>
    %dma_start3A_671 = tpu.memref_squeeze %dma_start3A_670 : memref<1x96xi32, #tpu.memory_space<vmem>> -> memref<96xi32, #tpu.memory_space<vmem>>
    %dma_start3A_672 = arith.constant 0 : i32
    %dma_start3A_673 = arith.constant 0 : i32
    %dma_start3A_674 = tpu.memref_slice %arg5[%dma_start3A_672, %dma_start3A_673] : memref<100000x128xf32, #tpu.memory_space<hbm>> -> memref<100000x128xf32, #tpu.memory_space<hbm>>
    tpu.enqueue_indirect_dma source(%dma_start3A_674 : memref<100000x128xf32, #tpu.memory_space<hbm>>) target(%dma_start3A_668 : memref<96x128xf32, #tpu.memory_space<vmem>>) offsets(%dma_start3A_671 : memref<96xi32, #tpu.memory_space<vmem>>) semaphore(%arg20 : memref<!tpu.dma_semaphore, #tpu.memory_space<semaphore_mem>>) {add = true}
    %dma_start3A_675 = arith.constant 4 : i32
    %dma_start3A_676 = arith.constant 1 : i32
    %dma_start3A_677 = arith.constant 0 : i32
    %dma_start3A_678 = arith.constant 0 : i32
    %dma_start3A_679 = tpu.memref_slice %arg12[%dma_start3A_676, %dma_start3A_677, %dma_start3A_678] : memref<3x128x128xf32, #tpu.memory_space<vmem>> -> memref<1x96x128xf32, #tpu.memory_space<vmem>>
    %dma_start3A_680 = tpu.memref_squeeze %dma_start3A_679 : memref<1x96x128xf32, #tpu.memory_space<vmem>> -> memref<96x128xf32, #tpu.memory_space<vmem>>
    %dma_start3A_681 = arith.constant 0 : i32
    %dma_start3A_682 = tpu.memref_slice %arg10[%dma_start3A_675, %dma_start3A_681] : memref<6x128xi32, #tpu.memory_space<vmem>> -> memref<1x96xi32, #tpu.memory_space<vmem>>
    %dma_start3A_683 = tpu.memref_squeeze %dma_start3A_682 : memref<1x96xi32, #tpu.memory_space<vmem>> -> memref<96xi32, #tpu.memory_space<vmem>>
    %dma_start3A_684 = arith.constant 0 : i32
    %dma_start3A_685 = arith.constant 0 : i32
    %dma_start3A_686 = tpu.memref_slice %arg5[%dma_start3A_684, %dma_start3A_685] : memref<100000x128xf32, #tpu.memory_space<hbm>> -> memref<100000x128xf32, #tpu.memory_space<hbm>>
    tpu.enqueue_indirect_dma source(%dma_start3A_686 : memref<100000x128xf32, #tpu.memory_space<hbm>>) target(%dma_start3A_680 : memref<96x128xf32, #tpu.memory_space<vmem>>) offsets(%dma_start3A_683 : memref<96xi32, #tpu.memory_space<vmem>>) semaphore(%arg20 : memref<!tpu.dma_semaphore, #tpu.memory_space<semaphore_mem>>)
    %dma_wait3A_687 = arith.constant 5 : i32
    %dma_wait3A_688 = arith.constant 0 : i32
    %dma_wait3A_689 = tpu.memref_slice %arg8[%dma_wait3A_687, %dma_wait3A_688] : memref<6x128xi32, #tpu.memory_space<vmem>> -> memref<1x32xi32, #tpu.memory_space<vmem>>
    %dma_wait3A_690 = tpu.memref_squeeze %dma_wait3A_689 : memref<1x32xi32, #tpu.memory_space<vmem>> -> memref<32xi32, #tpu.memory_space<vmem>>
    %dma_wait3A_691 = tpu.memref_slice %arg2[%multiple_of3A_154] : memref<16384xi32, #tpu.memory_space<hbm>> -> memref<32xi32, #tpu.memory_space<hbm>>
    %dma_wait3A_692 = arith.constant 0 : i32
    %dma_wait3A_693 = tpu.memref_slice %arg8[%dma_wait3A_687, %dma_wait3A_692] : memref<6x128xi32, #tpu.memory_space<vmem>> -> memref<1x32xi32, #tpu.memory_space<vmem>>
    %dma_wait3A_694 = tpu.memref_squeeze %dma_wait3A_693 : memref<1x32xi32, #tpu.memory_space<vmem>> -> memref<32xi32, #tpu.memory_space<vmem>>
    %dma_wait3A_695 = tpu.memref_slice %arg2[%multiple_of3A_154] : memref<16384xi32, #tpu.memory_space<hbm>> -> memref<32xi32, #tpu.memory_space<hbm>>
    tpu.wait_dma2 semaphore(%arg15 : memref<!tpu.dma_semaphore, #tpu.memory_space<semaphore_mem>>) src(%dma_wait3A_695 : memref<32xi32, #tpu.memory_space<hbm>>) dst(%dma_wait3A_694 : memref<32xi32, #tpu.memory_space<vmem>>)
    %dma_wait3A_696 = arith.constant 5 : i32
    %dma_wait3A_697 = arith.constant 0 : i32
    %dma_wait3A_698 = tpu.memref_slice %arg9[%dma_wait3A_696, %dma_wait3A_697] : memref<6x128xi32, #tpu.memory_space<vmem>> -> memref<1x32xi32, #tpu.memory_space<vmem>>
    %dma_wait3A_699 = tpu.memref_squeeze %dma_wait3A_698 : memref<1x32xi32, #tpu.memory_space<vmem>> -> memref<32xi32, #tpu.memory_space<vmem>>
    %dma_wait3A_700 = tpu.memref_slice %arg3[%multiple_of3A_154] : memref<16384xi32, #tpu.memory_space<hbm>> -> memref<32xi32, #tpu.memory_space<hbm>>
    %dma_wait3A_701 = arith.constant 0 : i32
    %dma_wait3A_702 = tpu.memref_slice %arg9[%dma_wait3A_696, %dma_wait3A_701] : memref<6x128xi32, #tpu.memory_space<vmem>> -> memref<1x32xi32, #tpu.memory_space<vmem>>
    %dma_wait3A_703 = tpu.memref_squeeze %dma_wait3A_702 : memref<1x32xi32, #tpu.memory_space<vmem>> -> memref<32xi32, #tpu.memory_space<vmem>>
    %dma_wait3A_704 = tpu.memref_slice %arg3[%multiple_of3A_154] : memref<16384xi32, #tpu.memory_space<hbm>> -> memref<32xi32, #tpu.memory_space<hbm>>
    tpu.wait_dma2 semaphore(%arg15 : memref<!tpu.dma_semaphore, #tpu.memory_space<semaphore_mem>>) src(%dma_wait3A_704 : memref<32xi32, #tpu.memory_space<hbm>>) dst(%dma_wait3A_703 : memref<32xi32, #tpu.memory_space<vmem>>)
    %dma_wait3A_705 = arith.constant 5 : i32
    %dma_wait3A_706 = arith.constant 0 : i32
    %dma_wait3A_707 = tpu.memref_slice %arg10[%dma_wait3A_705, %dma_wait3A_706] : memref<6x128xi32, #tpu.memory_space<vmem>> -> memref<1x32xi32, #tpu.memory_space<vmem>>
    %dma_wait3A_708 = tpu.memref_squeeze %dma_wait3A_707 : memref<1x32xi32, #tpu.memory_space<vmem>> -> memref<32xi32, #tpu.memory_space<vmem>>
    %dma_wait3A_709 = tpu.memref_slice %arg4[%multiple_of3A_154] : memref<16384xi32, #tpu.memory_space<hbm>> -> memref<32xi32, #tpu.memory_space<hbm>>
    %dma_wait3A_710 = arith.constant 0 : i32
    %dma_wait3A_711 = tpu.memref_slice %arg10[%dma_wait3A_705, %dma_wait3A_710] : memref<6x128xi32, #tpu.memory_space<vmem>> -> memref<1x32xi32, #tpu.memory_space<vmem>>
    %dma_wait3A_712 = tpu.memref_squeeze %dma_wait3A_711 : memref<1x32xi32, #tpu.memory_space<vmem>> -> memref<32xi32, #tpu.memory_space<vmem>>
    %dma_wait3A_713 = tpu.memref_slice %arg4[%multiple_of3A_154] : memref<16384xi32, #tpu.memory_space<hbm>> -> memref<32xi32, #tpu.memory_space<hbm>>
    tpu.wait_dma2 semaphore(%arg15 : memref<!tpu.dma_semaphore, #tpu.memory_space<semaphore_mem>>) src(%dma_wait3A_713 : memref<32xi32, #tpu.memory_space<hbm>>) dst(%dma_wait3A_712 : memref<32xi32, #tpu.memory_space<vmem>>)
    %dma_start3A_714 = arith.constant 5 : i32
    %dma_start3A_715 = arith.constant 2 : i32
    %dma_start3A_716 = arith.constant 0 : i32
    %dma_start3A_717 = arith.constant 0 : i32
    %dma_start3A_718 = tpu.memref_slice %arg11[%dma_start3A_715, %dma_start3A_716, %dma_start3A_717] : memref<3x128x128xf32, #tpu.memory_space<vmem>> -> memref<1x32x128xf32, #tpu.memory_space<vmem>>
    %dma_start3A_719 = tpu.memref_squeeze %dma_start3A_718 : memref<1x32x128xf32, #tpu.memory_space<vmem>> -> memref<32x128xf32, #tpu.memory_space<vmem>>
    %dma_start3A_720 = arith.constant 0 : i32
    %dma_start3A_721 = tpu.memref_slice %arg9[%dma_start3A_714, %dma_start3A_720] : memref<6x128xi32, #tpu.memory_space<vmem>> -> memref<1x32xi32, #tpu.memory_space<vmem>>
    %dma_start3A_722 = tpu.memref_squeeze %dma_start3A_721 : memref<1x32xi32, #tpu.memory_space<vmem>> -> memref<32xi32, #tpu.memory_space<vmem>>
    %dma_start3A_723 = arith.constant 0 : i32
    %dma_start3A_724 = arith.constant 0 : i32
    %dma_start3A_725 = tpu.memref_slice %arg6[%dma_start3A_723, %dma_start3A_724] : memref<100000x128xf32, #tpu.memory_space<hbm>> -> memref<100000x128xf32, #tpu.memory_space<hbm>>
    tpu.enqueue_indirect_dma source(%dma_start3A_725 : memref<100000x128xf32, #tpu.memory_space<hbm>>) target(%dma_start3A_719 : memref<32x128xf32, #tpu.memory_space<vmem>>) offsets(%dma_start3A_722 : memref<32xi32, #tpu.memory_space<vmem>>) semaphore(%arg18 : memref<!tpu.dma_semaphore, #tpu.memory_space<semaphore_mem>>)
    %scan3A_726 = arith.constant 0 : i32
    %scan3A_727 = arith.constant 0 : i32
    %scan3A_728 = arith.constant 64 : i32
    %scan3A_729 = arith.addi %scan3A_727, %scan3A_728 : i32
    %scan3A_730 = arith.constant 1 : i32
    scf.for %scan3A_846 = %scan3A_727 to %scan3A_729 step %scan3A_730  : i32 {
      %mul3A_847 = arith.constant 2 : i32
      %mul3A_848 = arith.muli %scan3A_846, %mul3A_847 : i32
      %add3A_849 = arith.constant 0 : i32
      %add3A_850 = arith.addi %mul3A_848, %add3A_849 : i32
      %shift_right_arithmetic3A = arith.constant 4 : i32
      %shift_right_arithmetic3A_851 = arith.shrsi %add3A_850, %shift_right_arithmetic3A : i32
      %and3A = arith.constant 15 : i32
      %and3A_852 = arith.andi %add3A_850, %and3A : i32
      %broadcast_in_dim3A = arith.constant 0.000000e+00 : f32
      %broadcast_in_dim3A_853 = vector.broadcast %broadcast_in_dim3A : f32 to vector<16xf32>
      %get3A = arith.constant 0 : i32
      %get3A_854 = arith.index_cast %get3A : i32 to index
      %get3A_855 = arith.index_cast %add3A_850 : i32 to index
      %get3A_856 = arith.constant 0 : index
      %get3A_857 = tpu.vector_load %arg11[%get3A_854, %get3A_855, %get3A_856] {strides = array<i32>} : memref<3x128x128xf32, #tpu.memory_space<vmem>>, vector<16xf32>,
      %get3A_858 = arith.constant 0 : i32
      %get3A_859 = arith.index_cast %get3A_858 : i32 to index
      %get3A_860 = arith.index_cast %add3A_850 : i32 to index
      %get3A_861 = arith.constant 0 : index
      %get3A_862 = tpu.vector_load %arg12[%get3A_859, %get3A_860, %get3A_861] {strides = array<i32>} : memref<3x128x128xf32, #tpu.memory_space<vmem>>, vector<16xf32>,
      %sub3A = arith.subf %get3A_857, %get3A_862 : vector<16xf32>
      %abs3A = math.absf %sub3A : vector<16xf32>
      %add3A_863 = arith.addf %broadcast_in_dim3A_853, %abs3A : vector<16xf32>
      %get3A_864 = arith.constant 0 : i32
      %get3A_865 = arith.index_cast %get3A_864 : i32 to index
      %get3A_866 = arith.index_cast %add3A_850 : i32 to index
      %get3A_867 = arith.constant 16 : index
      %get3A_868 = tpu.vector_load %arg11[%get3A_865, %get3A_866, %get3A_867] {strides = array<i32>} : memref<3x128x128xf32, #tpu.memory_space<vmem>>, vector<16xf32>,
      %get3A_869 = arith.constant 0 : i32
      %get3A_870 = arith.index_cast %get3A_869 : i32 to index
      %get3A_871 = arith.index_cast %add3A_850 : i32 to index
      %get3A_872 = arith.constant 16 : index
      %get3A_873 = tpu.vector_load %arg12[%get3A_870, %get3A_871, %get3A_872] {strides = array<i32>} : memref<3x128x128xf32, #tpu.memory_space<vmem>>, vector<16xf32>,
      %sub3A_874 = arith.subf %get3A_868, %get3A_873 : vector<16xf32>
      %abs3A_875 = math.absf %sub3A_874 : vector<16xf32>
      %add3A_876 = arith.addf %add3A_863, %abs3A_875 : vector<16xf32>
      %get3A_877 = arith.constant 0 : i32
      %get3A_878 = arith.index_cast %get3A_877 : i32 to index
      %get3A_879 = arith.index_cast %add3A_850 : i32 to index
      %get3A_880 = arith.constant 32 : index
      %get3A_881 = tpu.vector_load %arg11[%get3A_878, %get3A_879, %get3A_880] {strides = array<i32>} : memref<3x128x128xf32, #tpu.memory_space<vmem>>, vector<16xf32>,
      %get3A_882 = arith.constant 0 : i32
      %get3A_883 = arith.index_cast %get3A_882 : i32 to index
      %get3A_884 = arith.index_cast %add3A_850 : i32 to index
      %get3A_885 = arith.constant 32 : index
      %get3A_886 = tpu.vector_load %arg12[%get3A_883, %get3A_884, %get3A_885] {strides = array<i32>} : memref<3x128x128xf32, #tpu.memory_space<vmem>>, vector<16xf32>,
      %sub3A_887 = arith.subf %get3A_881, %get3A_886 : vector<16xf32>
      %abs3A_888 = math.absf %sub3A_887 : vector<16xf32>
      %add3A_889 = arith.addf %add3A_876, %abs3A_888 : vector<16xf32>
      %get3A_890 = arith.constant 0 : i32
      %get3A_891 = arith.index_cast %get3A_890 : i32 to index
      %get3A_892 = arith.index_cast %add3A_850 : i32 to index
      %get3A_893 = arith.constant 48 : index
      %get3A_894 = tpu.vector_load %arg11[%get3A_891, %get3A_892, %get3A_893] {strides = array<i32>} : memref<3x128x128xf32, #tpu.memory_space<vmem>>, vector<16xf32>,
      %get3A_895 = arith.constant 0 : i32
      %get3A_896 = arith.index_cast %get3A_895 : i32 to index
      %get3A_897 = arith.index_cast %add3A_850 : i32 to index
      %get3A_898 = arith.constant 48 : index
      %get3A_899 = tpu.vector_load %arg12[%get3A_896, %get3A_897, %get3A_898] {strides = array<i32>} : memref<3x128x128xf32, #tpu.memory_space<vmem>>, vector<16xf32>,
      %sub3A_900 = arith.subf %get3A_894, %get3A_899 : vector<16xf32>
      %abs3A_901 = math.absf %sub3A_900 : vector<16xf32>
      %add3A_902 = arith.addf %add3A_889, %abs3A_901 : vector<16xf32>
      %get3A_903 = arith.constant 0 : i32
      %get3A_904 = arith.index_cast %get3A_903 : i32 to index
      %get3A_905 = arith.index_cast %add3A_850 : i32 to index
      %get3A_906 = arith.constant 64 : index
      %get3A_907 = tpu.vector_load %arg11[%get3A_904, %get3A_905, %get3A_906] {strides = array<i32>} : memref<3x128x128xf32, #tpu.memory_space<vmem>>, vector<16xf32>,
      %get3A_908 = arith.constant 0 : i32
      %get3A_909 = arith.index_cast %get3A_908 : i32 to index
      %get3A_910 = arith.index_cast %add3A_850 : i32 to index
      %get3A_911 = arith.constant 64 : index
      %get3A_912 = tpu.vector_load %arg12[%get3A_909, %get3A_910, %get3A_911] {strides = array<i32>} : memref<3x128x128xf32, #tpu.memory_space<vmem>>, vector<16xf32>,
      %sub3A_913 = arith.subf %get3A_907, %get3A_912 : vector<16xf32>
      %abs3A_914 = math.absf %sub3A_913 : vector<16xf32>
      %add3A_915 = arith.addf %add3A_902, %abs3A_914 : vector<16xf32>
      %get3A_916 = arith.constant 0 : i32
      %get3A_917 = arith.index_cast %get3A_916 : i32 to index
      %get3A_918 = arith.index_cast %add3A_850 : i32 to index
      %get3A_919 = arith.constant 80 : index
      %get3A_920 = tpu.vector_load %arg11[%get3A_917, %get3A_918, %get3A_919] {strides = array<i32>} : memref<3x128x128xf32, #tpu.memory_space<vmem>>, vector<16xf32>,
      %get3A_921 = arith.constant 0 : i32
      %get3A_922 = arith.index_cast %get3A_921 : i32 to index
      %get3A_923 = arith.index_cast %add3A_850 : i32 to index
      %get3A_924 = arith.constant 80 : index
      %get3A_925 = tpu.vector_load %arg12[%get3A_922, %get3A_923, %get3A_924] {strides = array<i32>} : memref<3x128x128xf32, #tpu.memory_space<vmem>>, vector<16xf32>,
      %sub3A_926 = arith.subf %get3A_920, %get3A_925 : vector<16xf32>
      %abs3A_927 = math.absf %sub3A_926 : vector<16xf32>
      %add3A_928 = arith.addf %add3A_915, %abs3A_927 : vector<16xf32>
      %get3A_929 = arith.constant 0 : i32
      %get3A_930 = arith.index_cast %get3A_929 : i32 to index
      %get3A_931 = arith.index_cast %add3A_850 : i32 to index
      %get3A_932 = arith.constant 96 : index
      %get3A_933 = tpu.vector_load %arg11[%get3A_930, %get3A_931, %get3A_932] {strides = array<i32>} : memref<3x128x128xf32, #tpu.memory_space<vmem>>, vector<16xf32>,
      %get3A_934 = arith.constant 0 : i32
      %get3A_935 = arith.index_cast %get3A_934 : i32 to index
      %get3A_936 = arith.index_cast %add3A_850 : i32 to index
      %get3A_937 = arith.constant 96 : index
      %get3A_938 = tpu.vector_load %arg12[%get3A_935, %get3A_936, %get3A_937] {strides = array<i32>} : memref<3x128x128xf32, #tpu.memory_space<vmem>>, vector<16xf32>,
      %sub3A_939 = arith.subf %get3A_933, %get3A_938 : vector<16xf32>
      %abs3A_940 = math.absf %sub3A_939 : vector<16xf32>
      %add3A_941 = arith.addf %add3A_928, %abs3A_940 : vector<16xf32>
      %get3A_942 = arith.constant 0 : i32
      %get3A_943 = arith.index_cast %get3A_942 : i32 to index
      %get3A_944 = arith.index_cast %add3A_850 : i32 to index
      %get3A_945 = arith.constant 112 : index
      %get3A_946 = tpu.vector_load %arg11[%get3A_943, %get3A_944, %get3A_945] {strides = array<i32>} : memref<3x128x128xf32, #tpu.memory_space<vmem>>, vector<16xf32>,
      %get3A_947 = arith.constant 0 : i32
      %get3A_948 = arith.index_cast %get3A_947 : i32 to index
      %get3A_949 = arith.index_cast %add3A_850 : i32 to index
      %get3A_950 = arith.constant 112 : index
      %get3A_951 = tpu.vector_load %arg12[%get3A_948, %get3A_949, %get3A_950] {strides = array<i32>} : memref<3x128x128xf32, #tpu.memory_space<vmem>>, vector<16xf32>,
      %sub3A_952 = arith.subf %get3A_946, %get3A_951 : vector<16xf32>
      %abs3A_953 = math.absf %sub3A_952 : vector<16xf32>
      %add3A_954 = arith.addf %add3A_941, %abs3A_953 : vector<16xf32>
      %mul3A_955 = arith.constant 272 : i32
      %mul3A_956 = arith.muli %shift_right_arithmetic3A_851, %mul3A_955 : i32
      %add3A_957 = arith.addi %mul3A_956, %and3A_852 : i32
      %mul3A_958 = arith.constant 17 : i32
      %mul3A_959 = vector.broadcast %mul3A_958 : i32 to vector<16xi32>
      %mul3A_960 = arith.muli %iota3A, %mul3A_959 : vector<16xi32>
      %add3A_961 = vector.broadcast %add3A_957 : i32 to vector<16xi32>
      %add3A_962 = arith.addi %mul3A_960, %add3A_961 : vector<16xi32>
      tpu.vector_store_idx %arg13[%add3A_962], %add3A_954 : memref<2176xf32, #tpu.memory_space<vmem>>[vector<16xi32>], vector<16xf32>,
      %mul3A_963 = arith.constant 2 : i32
      %mul3A_964 = arith.muli %scan3A_846, %mul3A_963 : i32
      %add3A_965 = arith.constant 1 : i32
      %add3A_966 = arith.addi %mul3A_964, %add3A_965 : i32
      %shift_right_arithmetic3A_967 = arith.constant 4 : i32
      %shift_right_arithmetic3A_968 = arith.shrsi %add3A_966, %shift_right_arithmetic3A_967 : i32
      %and3A_969 = arith.constant 15 : i32
      %and3A_970 = arith.andi %add3A_966, %and3A_969 : i32
      %broadcast_in_dim3A_971 = arith.constant 0.000000e+00 : f32
      %broadcast_in_dim3A_972 = vector.broadcast %broadcast_in_dim3A_971 : f32 to vector<16xf32>
      %get3A_973 = arith.constant 0 : i32
      %get3A_974 = arith.index_cast %get3A_973 : i32 to index
      %get3A_975 = arith.index_cast %add3A_966 : i32 to index
      %get3A_976 = arith.constant 0 : index
      %get3A_977 = tpu.vector_load %arg11[%get3A_974, %get3A_975, %get3A_976] {strides = array<i32>} : memref<3x128x128xf32, #tpu.memory_space<vmem>>, vector<16xf32>,
      %get3A_978 = arith.constant 0 : i32
      %get3A_979 = arith.index_cast %get3A_978 : i32 to index
      %get3A_980 = arith.index_cast %add3A_966 : i32 to index
      %get3A_981 = arith.constant 0 : index
      %get3A_982 = tpu.vector_load %arg12[%get3A_979, %get3A_980, %get3A_981] {strides = array<i32>} : memref<3x128x128xf32, #tpu.memory_space<vmem>>, vector<16xf32>,
      %sub3A_983 = arith.subf %get3A_977, %get3A_982 : vector<16xf32>
      %abs3A_984 = math.absf %sub3A_983 : vector<16xf32>
      %add3A_985 = arith.addf %broadcast_in_dim3A_972, %abs3A_984 : vector<16xf32>
      %get3A_986 = arith.constant 0 : i32
      %get3A_987 = arith.index_cast %get3A_986 : i32 to index
      %get3A_988 = arith.index_cast %add3A_966 : i32 to index
      %get3A_989 = arith.constant 16 : index
      %get3A_990 = tpu.vector_load %arg11[%get3A_987, %get3A_988, %get3A_989] {strides = array<i32>} : memref<3x128x128xf32, #tpu.memory_space<vmem>>, vector<16xf32>,
      %get3A_991 = arith.constant 0 : i32
      %get3A_992 = arith.index_cast %get3A_991 : i32 to index
      %get3A_993 = arith.index_cast %add3A_966 : i32 to index
      %get3A_994 = arith.constant 16 : index
      %get3A_995 = tpu.vector_load %arg12[%get3A_992, %get3A_993, %get3A_994] {strides = array<i32>} : memref<3x128x128xf32, #tpu.memory_space<vmem>>, vector<16xf32>,
      %sub3A_996 = arith.subf %get3A_990, %get3A_995 : vector<16xf32>
      %abs3A_997 = math.absf %sub3A_996 : vector<16xf32>
      %add3A_998 = arith.addf %add3A_985, %abs3A_997 : vector<16xf32>
      %get3A_999 = arith.constant 0 : i32
      %get3A_1000 = arith.index_cast %get3A_999 : i32 to index
      %get3A_1001 = arith.index_cast %add3A_966 : i32 to index
      %get3A_1002 = arith.constant 32 : index
      %get3A_1003 = tpu.vector_load %arg11[%get3A_1000, %get3A_1001, %get3A_1002] {strides = array<i32>} : memref<3x128x128xf32, #tpu.memory_space<vmem>>, vector<16xf32>,
      %get3A_1004 = arith.constant 0 : i32
      %get3A_1005 = arith.index_cast %get3A_1004 : i32 to index
      %get3A_1006 = arith.index_cast %add3A_966 : i32 to index
      %get3A_1007 = arith.constant 32 : index
      %get3A_1008 = tpu.vector_load %arg12[%get3A_1005, %get3A_1006, %get3A_1007] {strides = array<i32>} : memref<3x128x128xf32, #tpu.memory_space<vmem>>, vector<16xf32>,
      %sub3A_1009 = arith.subf %get3A_1003, %get3A_1008 : vector<16xf32>
      %abs3A_1010 = math.absf %sub3A_1009 : vector<16xf32>
      %add3A_1011 = arith.addf %add3A_998, %abs3A_1010 : vector<16xf32>
      %get3A_1012 = arith.constant 0 : i32
      %get3A_1013 = arith.index_cast %get3A_1012 : i32 to index
      %get3A_1014 = arith.index_cast %add3A_966 : i32 to index
      %get3A_1015 = arith.constant 48 : index
      %get3A_1016 = tpu.vector_load %arg11[%get3A_1013, %get3A_1014, %get3A_1015] {strides = array<i32>} : memref<3x128x128xf32, #tpu.memory_space<vmem>>, vector<16xf32>,
      %get3A_1017 = arith.constant 0 : i32
      %get3A_1018 = arith.index_cast %get3A_1017 : i32 to index
      %get3A_1019 = arith.index_cast %add3A_966 : i32 to index
      %get3A_1020 = arith.constant 48 : index
      %get3A_1021 = tpu.vector_load %arg12[%get3A_1018, %get3A_1019, %get3A_1020] {strides = array<i32>} : memref<3x128x128xf32, #tpu.memory_space<vmem>>, vector<16xf32>,
      %sub3A_1022 = arith.subf %get3A_1016, %get3A_1021 : vector<16xf32>
      %abs3A_1023 = math.absf %sub3A_1022 : vector<16xf32>
      %add3A_1024 = arith.addf %add3A_1011, %abs3A_1023 : vector<16xf32>
      %get3A_1025 = arith.constant 0 : i32
      %get3A_1026 = arith.index_cast %get3A_1025 : i32 to index
      %get3A_1027 = arith.index_cast %add3A_966 : i32 to index
      %get3A_1028 = arith.constant 64 : index
      %get3A_1029 = tpu.vector_load %arg11[%get3A_1026, %get3A_1027, %get3A_1028] {strides = array<i32>} : memref<3x128x128xf32, #tpu.memory_space<vmem>>, vector<16xf32>,
      %get3A_1030 = arith.constant 0 : i32
      %get3A_1031 = arith.index_cast %get3A_1030 : i32 to index
      %get3A_1032 = arith.index_cast %add3A_966 : i32 to index
      %get3A_1033 = arith.constant 64 : index
      %get3A_1034 = tpu.vector_load %arg12[%get3A_1031, %get3A_1032, %get3A_1033] {strides = array<i32>} : memref<3x128x128xf32, #tpu.memory_space<vmem>>, vector<16xf32>,
      %sub3A_1035 = arith.subf %get3A_1029, %get3A_1034 : vector<16xf32>
      %abs3A_1036 = math.absf %sub3A_1035 : vector<16xf32>
      %add3A_1037 = arith.addf %add3A_1024, %abs3A_1036 : vector<16xf32>
      %get3A_1038 = arith.constant 0 : i32
      %get3A_1039 = arith.index_cast %get3A_1038 : i32 to index
      %get3A_1040 = arith.index_cast %add3A_966 : i32 to index
      %get3A_1041 = arith.constant 80 : index
      %get3A_1042 = tpu.vector_load %arg11[%get3A_1039, %get3A_1040, %get3A_1041] {strides = array<i32>} : memref<3x128x128xf32, #tpu.memory_space<vmem>>, vector<16xf32>,
      %get3A_1043 = arith.constant 0 : i32
      %get3A_1044 = arith.index_cast %get3A_1043 : i32 to index
      %get3A_1045 = arith.index_cast %add3A_966 : i32 to index
      %get3A_1046 = arith.constant 80 : index
      %get3A_1047 = tpu.vector_load %arg12[%get3A_1044, %get3A_1045, %get3A_1046] {strides = array<i32>} : memref<3x128x128xf32, #tpu.memory_space<vmem>>, vector<16xf32>,
      %sub3A_1048 = arith.subf %get3A_1042, %get3A_1047 : vector<16xf32>
      %abs3A_1049 = math.absf %sub3A_1048 : vector<16xf32>
      %add3A_1050 = arith.addf %add3A_1037, %abs3A_1049 : vector<16xf32>
      %get3A_1051 = arith.constant 0 : i32
      %get3A_1052 = arith.index_cast %get3A_1051 : i32 to index
      %get3A_1053 = arith.index_cast %add3A_966 : i32 to index
      %get3A_1054 = arith.constant 96 : index
      %get3A_1055 = tpu.vector_load %arg11[%get3A_1052, %get3A_1053, %get3A_1054] {strides = array<i32>} : memref<3x128x128xf32, #tpu.memory_space<vmem>>, vector<16xf32>,
      %get3A_1056 = arith.constant 0 : i32
      %get3A_1057 = arith.index_cast %get3A_1056 : i32 to index
      %get3A_1058 = arith.index_cast %add3A_966 : i32 to index
      %get3A_1059 = arith.constant 96 : index
      %get3A_1060 = tpu.vector_load %arg12[%get3A_1057, %get3A_1058, %get3A_1059] {strides = array<i32>} : memref<3x128x128xf32, #tpu.memory_space<vmem>>, vector<16xf32>,
      %sub3A_1061 = arith.subf %get3A_1055, %get3A_1060 : vector<16xf32>
      %abs3A_1062 = math.absf %sub3A_1061 : vector<16xf32>
      %add3A_1063 = arith.addf %add3A_1050, %abs3A_1062 : vector<16xf32>
      %get3A_1064 = arith.constant 0 : i32
      %get3A_1065 = arith.index_cast %get3A_1064 : i32 to index
      %get3A_1066 = arith.index_cast %add3A_966 : i32 to index
      %get3A_1067 = arith.constant 112 : index
      %get3A_1068 = tpu.vector_load %arg11[%get3A_1065, %get3A_1066, %get3A_1067] {strides = array<i32>} : memref<3x128x128xf32, #tpu.memory_space<vmem>>, vector<16xf32>,
      %get3A_1069 = arith.constant 0 : i32
      %get3A_1070 = arith.index_cast %get3A_1069 : i32 to index
      %get3A_1071 = arith.index_cast %add3A_966 : i32 to index
      %get3A_1072 = arith.constant 112 : index
      %get3A_1073 = tpu.vector_load %arg12[%get3A_1070, %get3A_1071, %get3A_1072] {strides = array<i32>} : memref<3x128x128xf32, #tpu.memory_space<vmem>>, vector<16xf32>,
      %sub3A_1074 = arith.subf %get3A_1068, %get3A_1073 : vector<16xf32>
      %abs3A_1075 = math.absf %sub3A_1074 : vector<16xf32>
      %add3A_1076 = arith.addf %add3A_1063, %abs3A_1075 : vector<16xf32>
      %mul3A_1077 = arith.constant 272 : i32
      %mul3A_1078 = arith.muli %shift_right_arithmetic3A_968, %mul3A_1077 : i32
      %add3A_1079 = arith.addi %mul3A_1078, %and3A_970 : i32
      %mul3A_1080 = arith.constant 17 : i32
      %mul3A_1081 = vector.broadcast %mul3A_1080 : i32 to vector<16xi32>
      %mul3A_1082 = arith.muli %iota3A, %mul3A_1081 : vector<16xi32>
      %add3A_1083 = vector.broadcast %add3A_1079 : i32 to vector<16xi32>
      %add3A_1084 = arith.addi %mul3A_1082, %add3A_1083 : vector<16xi32>
      tpu.vector_store_idx %arg13[%add3A_1084], %add3A_1076 : memref<2176xf32, #tpu.memory_space<vmem>>[vector<16xi32>], vector<16xf32>,
    }
    %scan3A_731 = arith.constant 64 : i32
    %scan3A_732 = arith.constant 0 : i32
    %scan3A_733 = arith.constant 0 : i32
    %scan3A_734 = arith.constant 8 : i32
    %scan3A_735 = arith.addi %scan3A_733, %scan3A_734 : i32
    %scan3A_736 = arith.constant 1 : i32
    scf.for %scan3A_846 = %scan3A_733 to %scan3A_735 step %scan3A_736  : i32 {
      %mul3A_847 = arith.constant 272 : i32
      %mul3A_848 = arith.muli %scan3A_846, %mul3A_847 : i32
      %broadcast_in_dim3A = arith.constant 0.000000e+00 : f32
      %broadcast_in_dim3A_849 = vector.broadcast %broadcast_in_dim3A : f32 to vector<16xf32>
      %add3A_850 = arith.constant 0 : i32
      %add3A_851 = arith.addi %mul3A_848, %add3A_850 : i32
      %add3A_852 = vector.broadcast %add3A_851 : i32 to vector<16xi32>
      %add3A_853 = arith.addi %iota3A, %add3A_852 : vector<16xi32>
      %gather3A = tpu.vector_load_idx %arg13[%add3A_853] : memref<2176xf32, #tpu.memory_space<vmem>>[vector<16xi32>], vector<16xf32>,
      %add3A_854 = arith.addf %broadcast_in_dim3A_849, %gather3A : vector<16xf32>
      %add3A_855 = arith.constant 17 : i32
      %add3A_856 = arith.addi %mul3A_848, %add3A_855 : i32
      %add3A_857 = vector.broadcast %add3A_856 : i32 to vector<16xi32>
      %add3A_858 = arith.addi %iota3A, %add3A_857 : vector<16xi32>
      %gather3A_859 = tpu.vector_load_idx %arg13[%add3A_858] : memref<2176xf32, #tpu.memory_space<vmem>>[vector<16xi32>], vector<16xf32>,
      %add3A_860 = arith.addf %add3A_854, %gather3A_859 : vector<16xf32>
      %add3A_861 = arith.constant 34 : i32
      %add3A_862 = arith.addi %mul3A_848, %add3A_861 : i32
      %add3A_863 = vector.broadcast %add3A_862 : i32 to vector<16xi32>
      %add3A_864 = arith.addi %iota3A, %add3A_863 : vector<16xi32>
      %gather3A_865 = tpu.vector_load_idx %arg13[%add3A_864] : memref<2176xf32, #tpu.memory_space<vmem>>[vector<16xi32>], vector<16xf32>,
      %add3A_866 = arith.addf %add3A_860, %gather3A_865 : vector<16xf32>
      %add3A_867 = arith.constant 51 : i32
      %add3A_868 = arith.addi %mul3A_848, %add3A_867 : i32
      %add3A_869 = vector.broadcast %add3A_868 : i32 to vector<16xi32>
      %add3A_870 = arith.addi %iota3A, %add3A_869 : vector<16xi32>
      %gather3A_871 = tpu.vector_load_idx %arg13[%add3A_870] : memref<2176xf32, #tpu.memory_space<vmem>>[vector<16xi32>], vector<16xf32>,
      %add3A_872 = arith.addf %add3A_866, %gather3A_871 : vector<16xf32>
      %add3A_873 = arith.constant 68 : i32
      %add3A_874 = arith.addi %mul3A_848, %add3A_873 : i32
      %add3A_875 = vector.broadcast %add3A_874 : i32 to vector<16xi32>
      %add3A_876 = arith.addi %iota3A, %add3A_875 : vector<16xi32>
      %gather3A_877 = tpu.vector_load_idx %arg13[%add3A_876] : memref<2176xf32, #tpu.memory_space<vmem>>[vector<16xi32>], vector<16xf32>,
      %add3A_878 = arith.addf %add3A_872, %gather3A_877 : vector<16xf32>
      %add3A_879 = arith.constant 85 : i32
      %add3A_880 = arith.addi %mul3A_848, %add3A_879 : i32
      %add3A_881 = vector.broadcast %add3A_880 : i32 to vector<16xi32>
      %add3A_882 = arith.addi %iota3A, %add3A_881 : vector<16xi32>
      %gather3A_883 = tpu.vector_load_idx %arg13[%add3A_882] : memref<2176xf32, #tpu.memory_space<vmem>>[vector<16xi32>], vector<16xf32>,
      %add3A_884 = arith.addf %add3A_878, %gather3A_883 : vector<16xf32>
      %add3A_885 = arith.constant 102 : i32
      %add3A_886 = arith.addi %mul3A_848, %add3A_885 : i32
      %add3A_887 = vector.broadcast %add3A_886 : i32 to vector<16xi32>
      %add3A_888 = arith.addi %iota3A, %add3A_887 : vector<16xi32>
      %gather3A_889 = tpu.vector_load_idx %arg13[%add3A_888] : memref<2176xf32, #tpu.memory_space<vmem>>[vector<16xi32>], vector<16xf32>,
      %add3A_890 = arith.addf %add3A_884, %gather3A_889 : vector<16xf32>
      %add3A_891 = arith.constant 119 : i32
      %add3A_892 = arith.addi %mul3A_848, %add3A_891 : i32
      %add3A_893 = vector.broadcast %add3A_892 : i32 to vector<16xi32>
      %add3A_894 = arith.addi %iota3A, %add3A_893 : vector<16xi32>
      %gather3A_895 = tpu.vector_load_idx %arg13[%add3A_894] : memref<2176xf32, #tpu.memory_space<vmem>>[vector<16xi32>], vector<16xf32>,
      %add3A_896 = arith.addf %add3A_890, %gather3A_895 : vector<16xf32>
      %add3A_897 = arith.constant 136 : i32
      %add3A_898 = arith.addi %mul3A_848, %add3A_897 : i32
      %add3A_899 = vector.broadcast %add3A_898 : i32 to vector<16xi32>
      %add3A_900 = arith.addi %iota3A, %add3A_899 : vector<16xi32>
      %gather3A_901 = tpu.vector_load_idx %arg13[%add3A_900] : memref<2176xf32, #tpu.memory_space<vmem>>[vector<16xi32>], vector<16xf32>,
      %add3A_902 = arith.addf %add3A_896, %gather3A_901 : vector<16xf32>
      %add3A_903 = arith.constant 153 : i32
      %add3A_904 = arith.addi %mul3A_848, %add3A_903 : i32
      %add3A_905 = vector.broadcast %add3A_904 : i32 to vector<16xi32>
      %add3A_906 = arith.addi %iota3A, %add3A_905 : vector<16xi32>
      %gather3A_907 = tpu.vector_load_idx %arg13[%add3A_906] : memref<2176xf32, #tpu.memory_space<vmem>>[vector<16xi32>], vector<16xf32>,
      %add3A_908 = arith.addf %add3A_902, %gather3A_907 : vector<16xf32>
      %add3A_909 = arith.constant 170 : i32
      %add3A_910 = arith.addi %mul3A_848, %add3A_909 : i32
      %add3A_911 = vector.broadcast %add3A_910 : i32 to vector<16xi32>
      %add3A_912 = arith.addi %iota3A, %add3A_911 : vector<16xi32>
      %gather3A_913 = tpu.vector_load_idx %arg13[%add3A_912] : memref<2176xf32, #tpu.memory_space<vmem>>[vector<16xi32>], vector<16xf32>,
      %add3A_914 = arith.addf %add3A_908, %gather3A_913 : vector<16xf32>
      %add3A_915 = arith.constant 187 : i32
      %add3A_916 = arith.addi %mul3A_848, %add3A_915 : i32
      %add3A_917 = vector.broadcast %add3A_916 : i32 to vector<16xi32>
      %add3A_918 = arith.addi %iota3A, %add3A_917 : vector<16xi32>
      %gather3A_919 = tpu.vector_load_idx %arg13[%add3A_918] : memref<2176xf32, #tpu.memory_space<vmem>>[vector<16xi32>], vector<16xf32>,
      %add3A_920 = arith.addf %add3A_914, %gather3A_919 : vector<16xf32>
      %add3A_921 = arith.constant 204 : i32
      %add3A_922 = arith.addi %mul3A_848, %add3A_921 : i32
      %add3A_923 = vector.broadcast %add3A_922 : i32 to vector<16xi32>
      %add3A_924 = arith.addi %iota3A, %add3A_923 : vector<16xi32>
      %gather3A_925 = tpu.vector_load_idx %arg13[%add3A_924] : memref<2176xf32, #tpu.memory_space<vmem>>[vector<16xi32>], vector<16xf32>,
      %add3A_926 = arith.addf %add3A_920, %gather3A_925 : vector<16xf32>
      %add3A_927 = arith.constant 221 : i32
      %add3A_928 = arith.addi %mul3A_848, %add3A_927 : i32
      %add3A_929 = vector.broadcast %add3A_928 : i32 to vector<16xi32>
      %add3A_930 = arith.addi %iota3A, %add3A_929 : vector<16xi32>
      %gather3A_931 = tpu.vector_load_idx %arg13[%add3A_930] : memref<2176xf32, #tpu.memory_space<vmem>>[vector<16xi32>], vector<16xf32>,
      %add3A_932 = arith.addf %add3A_926, %gather3A_931 : vector<16xf32>
      %add3A_933 = arith.constant 238 : i32
      %add3A_934 = arith.addi %mul3A_848, %add3A_933 : i32
      %add3A_935 = vector.broadcast %add3A_934 : i32 to vector<16xi32>
      %add3A_936 = arith.addi %iota3A, %add3A_935 : vector<16xi32>
      %gather3A_937 = tpu.vector_load_idx %arg13[%add3A_936] : memref<2176xf32, #tpu.memory_space<vmem>>[vector<16xi32>], vector<16xf32>,
      %add3A_938 = arith.addf %add3A_932, %gather3A_937 : vector<16xf32>
      %add3A_939 = arith.constant 255 : i32
      %add3A_940 = arith.addi %mul3A_848, %add3A_939 : i32
      %add3A_941 = vector.broadcast %add3A_940 : i32 to vector<16xi32>
      %add3A_942 = arith.addi %iota3A, %add3A_941 : vector<16xi32>
      %gather3A_943 = tpu.vector_load_idx %arg13[%add3A_942] : memref<2176xf32, #tpu.memory_space<vmem>>[vector<16xi32>], vector<16xf32>,
      %add3A_944 = arith.addf %add3A_938, %gather3A_943 : vector<16xf32>
      %sub3A = arith.constant 1.200000e+01 : f32
      %sub3A_945 = vector.broadcast %sub3A : f32 to vector<16xf32>
      %sub3A_946 = arith.subf %sub3A_945, %add3A_944 : vector<16xf32>
      %mul3A_947 = arith.constant 16 : i32
      %mul3A_948 = arith.muli %scan3A_846, %mul3A_947 : i32
      %add3A_949 = arith.constant 256 : i32
      %add3A_950 = arith.addi %add3A_949, %mul3A_948 : i32
      %swap3A = arith.index_cast %add3A_950 : i32 to index
      %swap3A_951 = tpu.vector_load %arg14[%swap3A] {strides = array<i32>} : memref<512xf32, #tpu.memory_space<vmem>>, vector<16xf32>,
      tpu.vector_store %arg14[%swap3A], %sub3A_946 {strides = array<i32>} : memref<512xf32, #tpu.memory_space<vmem>>, vector<16xf32>,
    }
    %scan3A_737 = arith.constant 8 : i32
    %dma_wait3A_738 = arith.constant 4 : i32
    %dma_wait3A_739 = arith.constant 1 : i32
    %dma_wait3A_740 = arith.constant 0 : i32
    %dma_wait3A_741 = arith.constant 0 : i32
    %dma_wait3A_742 = tpu.memref_slice %arg11[%dma_wait3A_739, %dma_wait3A_740, %dma_wait3A_741] : memref<3x128x128xf32, #tpu.memory_space<vmem>> -> memref<1x96x128xf32, #tpu.memory_space<vmem>>
    %dma_wait3A_743 = tpu.memref_squeeze %dma_wait3A_742 : memref<1x96x128xf32, #tpu.memory_space<vmem>> -> memref<96x128xf32, #tpu.memory_space<vmem>>
    %dma_wait3A_744 = arith.constant 0 : i32
    %dma_wait3A_745 = tpu.memref_slice %arg8[%dma_wait3A_738, %dma_wait3A_744] : memref<6x128xi32, #tpu.memory_space<vmem>> -> memref<1x96xi32, #tpu.memory_space<vmem>>
    %dma_wait3A_746 = tpu.memref_squeeze %dma_wait3A_745 : memref<1x96xi32, #tpu.memory_space<vmem>> -> memref<96xi32, #tpu.memory_space<vmem>>
    %dma_wait3A_747 = arith.constant 0 : i32
    %dma_wait3A_748 = arith.constant 0 : i32
    %dma_wait3A_749 = tpu.memref_slice %arg5[%dma_wait3A_747, %dma_wait3A_748] : memref<100000x128xf32, #tpu.memory_space<hbm>> -> memref<100000x128xf32, #tpu.memory_space<hbm>>
    tpu.wait_indirect_dma semaphore(%arg20 : memref<!tpu.dma_semaphore, #tpu.memory_space<semaphore_mem>>) src(%dma_wait3A_749 : memref<100000x128xf32, #tpu.memory_space<hbm>>) dst(%dma_wait3A_743 : memref<96x128xf32, #tpu.memory_space<vmem>>)
    %dma_wait3A_750 = arith.constant 4 : i32
    %dma_wait3A_751 = arith.constant 1 : i32
    %dma_wait3A_752 = arith.constant 0 : i32
    %dma_wait3A_753 = arith.constant 0 : i32
    %dma_wait3A_754 = tpu.memref_slice %arg12[%dma_wait3A_751, %dma_wait3A_752, %dma_wait3A_753] : memref<3x128x128xf32, #tpu.memory_space<vmem>> -> memref<1x96x128xf32, #tpu.memory_space<vmem>>
    %dma_wait3A_755 = tpu.memref_squeeze %dma_wait3A_754 : memref<1x96x128xf32, #tpu.memory_space<vmem>> -> memref<96x128xf32, #tpu.memory_space<vmem>>
    %dma_wait3A_756 = arith.constant 0 : i32
    %dma_wait3A_757 = tpu.memref_slice %arg10[%dma_wait3A_750, %dma_wait3A_756] : memref<6x128xi32, #tpu.memory_space<vmem>> -> memref<1x96xi32, #tpu.memory_space<vmem>>
    %dma_wait3A_758 = tpu.memref_squeeze %dma_wait3A_757 : memref<1x96xi32, #tpu.memory_space<vmem>> -> memref<96xi32, #tpu.memory_space<vmem>>
    %dma_wait3A_759 = arith.constant 0 : i32
    %dma_wait3A_760 = arith.constant 0 : i32
    %dma_wait3A_761 = tpu.memref_slice %arg5[%dma_wait3A_759, %dma_wait3A_760] : memref<100000x128xf32, #tpu.memory_space<hbm>> -> memref<100000x128xf32, #tpu.memory_space<hbm>>
    tpu.wait_indirect_dma semaphore(%arg20 : memref<!tpu.dma_semaphore, #tpu.memory_space<semaphore_mem>>) src(%dma_wait3A_761 : memref<100000x128xf32, #tpu.memory_space<hbm>>) dst(%dma_wait3A_755 : memref<96x128xf32, #tpu.memory_space<vmem>>)
    %dma_wait3A_762 = arith.constant 5 : i32
    %dma_wait3A_763 = arith.constant 2 : i32
    %dma_wait3A_764 = arith.constant 0 : i32
    %dma_wait3A_765 = arith.constant 0 : i32
    %dma_wait3A_766 = tpu.memref_slice %arg11[%dma_wait3A_763, %dma_wait3A_764, %dma_wait3A_765] : memref<3x128x128xf32, #tpu.memory_space<vmem>> -> memref<1x32x128xf32, #tpu.memory_space<vmem>>
    %dma_wait3A_767 = tpu.memref_squeeze %dma_wait3A_766 : memref<1x32x128xf32, #tpu.memory_space<vmem>> -> memref<32x128xf32, #tpu.memory_space<vmem>>
    %dma_wait3A_768 = arith.constant 0 : i32
    %dma_wait3A_769 = tpu.memref_slice %arg9[%dma_wait3A_762, %dma_wait3A_768] : memref<6x128xi32, #tpu.memory_space<vmem>> -> memref<1x32xi32, #tpu.memory_space<vmem>>
    %dma_wait3A_770 = tpu.memref_squeeze %dma_wait3A_769 : memref<1x32xi32, #tpu.memory_space<vmem>> -> memref<32xi32, #tpu.memory_space<vmem>>
    %dma_wait3A_771 = arith.constant 0 : i32
    %dma_wait3A_772 = arith.constant 0 : i32
    %dma_wait3A_773 = tpu.memref_slice %arg6[%dma_wait3A_771, %dma_wait3A_772] : memref<100000x128xf32, #tpu.memory_space<hbm>> -> memref<100000x128xf32, #tpu.memory_space<hbm>>
    tpu.wait_indirect_dma semaphore(%arg18 : memref<!tpu.dma_semaphore, #tpu.memory_space<semaphore_mem>>) src(%dma_wait3A_773 : memref<100000x128xf32, #tpu.memory_space<hbm>>) dst(%dma_wait3A_767 : memref<32x128xf32, #tpu.memory_space<vmem>>)
    %dma_start3A_774 = arith.constant 5 : i32
    %dma_start3A_775 = arith.constant 2 : i32
    %dma_start3A_776 = arith.constant 0 : i32
    %dma_start3A_777 = arith.constant 0 : i32
    %dma_start3A_778 = tpu.memref_slice %arg11[%dma_start3A_775, %dma_start3A_776, %dma_start3A_777] : memref<3x128x128xf32, #tpu.memory_space<vmem>> -> memref<1x32x128xf32, #tpu.memory_space<vmem>>
    %dma_start3A_779 = tpu.memref_squeeze %dma_start3A_778 : memref<1x32x128xf32, #tpu.memory_space<vmem>> -> memref<32x128xf32, #tpu.memory_space<vmem>>
    %dma_start3A_780 = arith.constant 0 : i32
    %dma_start3A_781 = tpu.memref_slice %arg8[%dma_start3A_774, %dma_start3A_780] : memref<6x128xi32, #tpu.memory_space<vmem>> -> memref<1x32xi32, #tpu.memory_space<vmem>>
    %dma_start3A_782 = tpu.memref_squeeze %dma_start3A_781 : memref<1x32xi32, #tpu.memory_space<vmem>> -> memref<32xi32, #tpu.memory_space<vmem>>
    %dma_start3A_783 = arith.constant 0 : i32
    %dma_start3A_784 = arith.constant 0 : i32
    %dma_start3A_785 = tpu.memref_slice %arg5[%dma_start3A_783, %dma_start3A_784] : memref<100000x128xf32, #tpu.memory_space<hbm>> -> memref<100000x128xf32, #tpu.memory_space<hbm>>
    tpu.enqueue_indirect_dma source(%dma_start3A_785 : memref<100000x128xf32, #tpu.memory_space<hbm>>) target(%dma_start3A_779 : memref<32x128xf32, #tpu.memory_space<vmem>>) offsets(%dma_start3A_782 : memref<32xi32, #tpu.memory_space<vmem>>) semaphore(%arg21 : memref<!tpu.dma_semaphore, #tpu.memory_space<semaphore_mem>>) {add = true}
    %dma_start3A_786 = arith.constant 5 : i32
    %dma_start3A_787 = arith.constant 2 : i32
    %dma_start3A_788 = arith.constant 0 : i32
    %dma_start3A_789 = arith.constant 0 : i32
    %dma_start3A_790 = tpu.memref_slice %arg12[%dma_start3A_787, %dma_start3A_788, %dma_start3A_789] : memref<3x128x128xf32, #tpu.memory_space<vmem>> -> memref<1x32x128xf32, #tpu.memory_space<vmem>>
    %dma_start3A_791 = tpu.memref_squeeze %dma_start3A_790 : memref<1x32x128xf32, #tpu.memory_space<vmem>> -> memref<32x128xf32, #tpu.memory_space<vmem>>
    %dma_start3A_792 = arith.constant 0 : i32
    %dma_start3A_793 = tpu.memref_slice %arg10[%dma_start3A_786, %dma_start3A_792] : memref<6x128xi32, #tpu.memory_space<vmem>> -> memref<1x32xi32, #tpu.memory_space<vmem>>
    %dma_start3A_794 = tpu.memref_squeeze %dma_start3A_793 : memref<1x32xi32, #tpu.memory_space<vmem>> -> memref<32xi32, #tpu.memory_space<vmem>>
    %dma_start3A_795 = arith.constant 0 : i32
    %dma_start3A_796 = arith.constant 0 : i32
    %dma_start3A_797 = tpu.memref_slice %arg5[%dma_start3A_795, %dma_start3A_796] : memref<100000x128xf32, #tpu.memory_space<hbm>> -> memref<100000x128xf32, #tpu.memory_space<hbm>>
    tpu.enqueue_indirect_dma source(%dma_start3A_797 : memref<100000x128xf32, #tpu.memory_space<hbm>>) target(%dma_start3A_791 : memref<32x128xf32, #tpu.memory_space<vmem>>) offsets(%dma_start3A_794 : memref<32xi32, #tpu.memory_space<vmem>>) semaphore(%arg21 : memref<!tpu.dma_semaphore, #tpu.memory_space<semaphore_mem>>)
    %scan3A_798 = arith.constant 0 : i32
    %scan3A_799 = arith.constant 0 : i32
    %scan3A_800 = arith.constant 48 : i32
    %scan3A_801 = arith.addi %scan3A_799, %scan3A_800 : i32
    %scan3A_802 = arith.constant 1 : i32
    scf.for %scan3A_846 = %scan3A_799 to %scan3A_801 step %scan3A_802  : i32 {
      %mul3A_847 = arith.constant 2 : i32
      %mul3A_848 = arith.muli %scan3A_846, %mul3A_847 : i32
      %add3A_849 = arith.constant 0 : i32
      %add3A_850 = arith.addi %mul3A_848, %add3A_849 : i32
      %shift_right_arithmetic3A = arith.constant 4 : i32
      %shift_right_arithmetic3A_851 = arith.shrsi %add3A_850, %shift_right_arithmetic3A : i32
      %and3A = arith.constant 15 : i32
      %and3A_852 = arith.andi %add3A_850, %and3A : i32
      %broadcast_in_dim3A = arith.constant 0.000000e+00 : f32
      %broadcast_in_dim3A_853 = vector.broadcast %broadcast_in_dim3A : f32 to vector<16xf32>
      %get3A = arith.constant 1 : i32
      %get3A_854 = arith.index_cast %get3A : i32 to index
      %get3A_855 = arith.index_cast %add3A_850 : i32 to index
      %get3A_856 = arith.constant 0 : index
      %get3A_857 = tpu.vector_load %arg11[%get3A_854, %get3A_855, %get3A_856] {strides = array<i32>} : memref<3x128x128xf32, #tpu.memory_space<vmem>>, vector<16xf32>,
      %get3A_858 = arith.constant 1 : i32
      %get3A_859 = arith.index_cast %get3A_858 : i32 to index
      %get3A_860 = arith.index_cast %add3A_850 : i32 to index
      %get3A_861 = arith.constant 0 : index
      %get3A_862 = tpu.vector_load %arg12[%get3A_859, %get3A_860, %get3A_861] {strides = array<i32>} : memref<3x128x128xf32, #tpu.memory_space<vmem>>, vector<16xf32>,
      %sub3A = arith.subf %get3A_857, %get3A_862 : vector<16xf32>
      %abs3A = math.absf %sub3A : vector<16xf32>
      %add3A_863 = arith.addf %broadcast_in_dim3A_853, %abs3A : vector<16xf32>
      %get3A_864 = arith.constant 1 : i32
      %get3A_865 = arith.index_cast %get3A_864 : i32 to index
      %get3A_866 = arith.index_cast %add3A_850 : i32 to index
      %get3A_867 = arith.constant 16 : index
      %get3A_868 = tpu.vector_load %arg11[%get3A_865, %get3A_866, %get3A_867] {strides = array<i32>} : memref<3x128x128xf32, #tpu.memory_space<vmem>>, vector<16xf32>,
      %get3A_869 = arith.constant 1 : i32
      %get3A_870 = arith.index_cast %get3A_869 : i32 to index
      %get3A_871 = arith.index_cast %add3A_850 : i32 to index
      %get3A_872 = arith.constant 16 : index
      %get3A_873 = tpu.vector_load %arg12[%get3A_870, %get3A_871, %get3A_872] {strides = array<i32>} : memref<3x128x128xf32, #tpu.memory_space<vmem>>, vector<16xf32>,
      %sub3A_874 = arith.subf %get3A_868, %get3A_873 : vector<16xf32>
      %abs3A_875 = math.absf %sub3A_874 : vector<16xf32>
      %add3A_876 = arith.addf %add3A_863, %abs3A_875 : vector<16xf32>
      %get3A_877 = arith.constant 1 : i32
      %get3A_878 = arith.index_cast %get3A_877 : i32 to index
      %get3A_879 = arith.index_cast %add3A_850 : i32 to index
      %get3A_880 = arith.constant 32 : index
      %get3A_881 = tpu.vector_load %arg11[%get3A_878, %get3A_879, %get3A_880] {strides = array<i32>} : memref<3x128x128xf32, #tpu.memory_space<vmem>>, vector<16xf32>,
      %get3A_882 = arith.constant 1 : i32
      %get3A_883 = arith.index_cast %get3A_882 : i32 to index
      %get3A_884 = arith.index_cast %add3A_850 : i32 to index
      %get3A_885 = arith.constant 32 : index
      %get3A_886 = tpu.vector_load %arg12[%get3A_883, %get3A_884, %get3A_885] {strides = array<i32>} : memref<3x128x128xf32, #tpu.memory_space<vmem>>, vector<16xf32>,
      %sub3A_887 = arith.subf %get3A_881, %get3A_886 : vector<16xf32>
      %abs3A_888 = math.absf %sub3A_887 : vector<16xf32>
      %add3A_889 = arith.addf %add3A_876, %abs3A_888 : vector<16xf32>
      %get3A_890 = arith.constant 1 : i32
      %get3A_891 = arith.index_cast %get3A_890 : i32 to index
      %get3A_892 = arith.index_cast %add3A_850 : i32 to index
      %get3A_893 = arith.constant 48 : index
      %get3A_894 = tpu.vector_load %arg11[%get3A_891, %get3A_892, %get3A_893] {strides = array<i32>} : memref<3x128x128xf32, #tpu.memory_space<vmem>>, vector<16xf32>,
      %get3A_895 = arith.constant 1 : i32
      %get3A_896 = arith.index_cast %get3A_895 : i32 to index
      %get3A_897 = arith.index_cast %add3A_850 : i32 to index
      %get3A_898 = arith.constant 48 : index
      %get3A_899 = tpu.vector_load %arg12[%get3A_896, %get3A_897, %get3A_898] {strides = array<i32>} : memref<3x128x128xf32, #tpu.memory_space<vmem>>, vector<16xf32>,
      %sub3A_900 = arith.subf %get3A_894, %get3A_899 : vector<16xf32>
      %abs3A_901 = math.absf %sub3A_900 : vector<16xf32>
      %add3A_902 = arith.addf %add3A_889, %abs3A_901 : vector<16xf32>
      %get3A_903 = arith.constant 1 : i32
      %get3A_904 = arith.index_cast %get3A_903 : i32 to index
      %get3A_905 = arith.index_cast %add3A_850 : i32 to index
      %get3A_906 = arith.constant 64 : index
      %get3A_907 = tpu.vector_load %arg11[%get3A_904, %get3A_905, %get3A_906] {strides = array<i32>} : memref<3x128x128xf32, #tpu.memory_space<vmem>>, vector<16xf32>,
      %get3A_908 = arith.constant 1 : i32
      %get3A_909 = arith.index_cast %get3A_908 : i32 to index
      %get3A_910 = arith.index_cast %add3A_850 : i32 to index
      %get3A_911 = arith.constant 64 : index
      %get3A_912 = tpu.vector_load %arg12[%get3A_909, %get3A_910, %get3A_911] {strides = array<i32>} : memref<3x128x128xf32, #tpu.memory_space<vmem>>, vector<16xf32>,
      %sub3A_913 = arith.subf %get3A_907, %get3A_912 : vector<16xf32>
      %abs3A_914 = math.absf %sub3A_913 : vector<16xf32>
      %add3A_915 = arith.addf %add3A_902, %abs3A_914 : vector<16xf32>
      %get3A_916 = arith.constant 1 : i32
      %get3A_917 = arith.index_cast %get3A_916 : i32 to index
      %get3A_918 = arith.index_cast %add3A_850 : i32 to index
      %get3A_919 = arith.constant 80 : index
      %get3A_920 = tpu.vector_load %arg11[%get3A_917, %get3A_918, %get3A_919] {strides = array<i32>} : memref<3x128x128xf32, #tpu.memory_space<vmem>>, vector<16xf32>,
      %get3A_921 = arith.constant 1 : i32
      %get3A_922 = arith.index_cast %get3A_921 : i32 to index
      %get3A_923 = arith.index_cast %add3A_850 : i32 to index
      %get3A_924 = arith.constant 80 : index
      %get3A_925 = tpu.vector_load %arg12[%get3A_922, %get3A_923, %get3A_924] {strides = array<i32>} : memref<3x128x128xf32, #tpu.memory_space<vmem>>, vector<16xf32>,
      %sub3A_926 = arith.subf %get3A_920, %get3A_925 : vector<16xf32>
      %abs3A_927 = math.absf %sub3A_926 : vector<16xf32>
      %add3A_928 = arith.addf %add3A_915, %abs3A_927 : vector<16xf32>
      %get3A_929 = arith.constant 1 : i32
      %get3A_930 = arith.index_cast %get3A_929 : i32 to index
      %get3A_931 = arith.index_cast %add3A_850 : i32 to index
      %get3A_932 = arith.constant 96 : index
      %get3A_933 = tpu.vector_load %arg11[%get3A_930, %get3A_931, %get3A_932] {strides = array<i32>} : memref<3x128x128xf32, #tpu.memory_space<vmem>>, vector<16xf32>,
      %get3A_934 = arith.constant 1 : i32
      %get3A_935 = arith.index_cast %get3A_934 : i32 to index
      %get3A_936 = arith.index_cast %add3A_850 : i32 to index
      %get3A_937 = arith.constant 96 : index
      %get3A_938 = tpu.vector_load %arg12[%get3A_935, %get3A_936, %get3A_937] {strides = array<i32>} : memref<3x128x128xf32, #tpu.memory_space<vmem>>, vector<16xf32>,
      %sub3A_939 = arith.subf %get3A_933, %get3A_938 : vector<16xf32>
      %abs3A_940 = math.absf %sub3A_939 : vector<16xf32>
      %add3A_941 = arith.addf %add3A_928, %abs3A_940 : vector<16xf32>
      %get3A_942 = arith.constant 1 : i32
      %get3A_943 = arith.index_cast %get3A_942 : i32 to index
      %get3A_944 = arith.index_cast %add3A_850 : i32 to index
      %get3A_945 = arith.constant 112 : index
      %get3A_946 = tpu.vector_load %arg11[%get3A_943, %get3A_944, %get3A_945] {strides = array<i32>} : memref<3x128x128xf32, #tpu.memory_space<vmem>>, vector<16xf32>,
      %get3A_947 = arith.constant 1 : i32
      %get3A_948 = arith.index_cast %get3A_947 : i32 to index
      %get3A_949 = arith.index_cast %add3A_850 : i32 to index
      %get3A_950 = arith.constant 112 : index
      %get3A_951 = tpu.vector_load %arg12[%get3A_948, %get3A_949, %get3A_950] {strides = array<i32>} : memref<3x128x128xf32, #tpu.memory_space<vmem>>, vector<16xf32>,
      %sub3A_952 = arith.subf %get3A_946, %get3A_951 : vector<16xf32>
      %abs3A_953 = math.absf %sub3A_952 : vector<16xf32>
      %add3A_954 = arith.addf %add3A_941, %abs3A_953 : vector<16xf32>
      %mul3A_955 = arith.constant 272 : i32
      %mul3A_956 = arith.muli %shift_right_arithmetic3A_851, %mul3A_955 : i32
      %add3A_957 = arith.addi %mul3A_956, %and3A_852 : i32
      %mul3A_958 = arith.constant 17 : i32
      %mul3A_959 = vector.broadcast %mul3A_958 : i32 to vector<16xi32>
      %mul3A_960 = arith.muli %iota3A, %mul3A_959 : vector<16xi32>
      %add3A_961 = vector.broadcast %add3A_957 : i32 to vector<16xi32>
      %add3A_962 = arith.addi %mul3A_960, %add3A_961 : vector<16xi32>
      tpu.vector_store_idx %arg13[%add3A_962], %add3A_954 : memref<2176xf32, #tpu.memory_space<vmem>>[vector<16xi32>], vector<16xf32>,
      %mul3A_963 = arith.constant 2 : i32
      %mul3A_964 = arith.muli %scan3A_846, %mul3A_963 : i32
      %add3A_965 = arith.constant 1 : i32
      %add3A_966 = arith.addi %mul3A_964, %add3A_965 : i32
      %shift_right_arithmetic3A_967 = arith.constant 4 : i32
      %shift_right_arithmetic3A_968 = arith.shrsi %add3A_966, %shift_right_arithmetic3A_967 : i32
      %and3A_969 = arith.constant 15 : i32
      %and3A_970 = arith.andi %add3A_966, %and3A_969 : i32
      %broadcast_in_dim3A_971 = arith.constant 0.000000e+00 : f32
      %broadcast_in_dim3A_972 = vector.broadcast %broadcast_in_dim3A_971 : f32 to vector<16xf32>
      %get3A_973 = arith.constant 1 : i32
      %get3A_974 = arith.index_cast %get3A_973 : i32 to index
      %get3A_975 = arith.index_cast %add3A_966 : i32 to index
      %get3A_976 = arith.constant 0 : index
      %get3A_977 = tpu.vector_load %arg11[%get3A_974, %get3A_975, %get3A_976] {strides = array<i32>} : memref<3x128x128xf32, #tpu.memory_space<vmem>>, vector<16xf32>,
      %get3A_978 = arith.constant 1 : i32
      %get3A_979 = arith.index_cast %get3A_978 : i32 to index
      %get3A_980 = arith.index_cast %add3A_966 : i32 to index
      %get3A_981 = arith.constant 0 : index
      %get3A_982 = tpu.vector_load %arg12[%get3A_979, %get3A_980, %get3A_981] {strides = array<i32>} : memref<3x128x128xf32, #tpu.memory_space<vmem>>, vector<16xf32>,
      %sub3A_983 = arith.subf %get3A_977, %get3A_982 : vector<16xf32>
      %abs3A_984 = math.absf %sub3A_983 : vector<16xf32>
      %add3A_985 = arith.addf %broadcast_in_dim3A_972, %abs3A_984 : vector<16xf32>
      %get3A_986 = arith.constant 1 : i32
      %get3A_987 = arith.index_cast %get3A_986 : i32 to index
      %get3A_988 = arith.index_cast %add3A_966 : i32 to index
      %get3A_989 = arith.constant 16 : index
      %get3A_990 = tpu.vector_load %arg11[%get3A_987, %get3A_988, %get3A_989] {strides = array<i32>} : memref<3x128x128xf32, #tpu.memory_space<vmem>>, vector<16xf32>,
      %get3A_991 = arith.constant 1 : i32
      %get3A_992 = arith.index_cast %get3A_991 : i32 to index
      %get3A_993 = arith.index_cast %add3A_966 : i32 to index
      %get3A_994 = arith.constant 16 : index
      %get3A_995 = tpu.vector_load %arg12[%get3A_992, %get3A_993, %get3A_994] {strides = array<i32>} : memref<3x128x128xf32, #tpu.memory_space<vmem>>, vector<16xf32>,
      %sub3A_996 = arith.subf %get3A_990, %get3A_995 : vector<16xf32>
      %abs3A_997 = math.absf %sub3A_996 : vector<16xf32>
      %add3A_998 = arith.addf %add3A_985, %abs3A_997 : vector<16xf32>
      %get3A_999 = arith.constant 1 : i32
      %get3A_1000 = arith.index_cast %get3A_999 : i32 to index
      %get3A_1001 = arith.index_cast %add3A_966 : i32 to index
      %get3A_1002 = arith.constant 32 : index
      %get3A_1003 = tpu.vector_load %arg11[%get3A_1000, %get3A_1001, %get3A_1002] {strides = array<i32>} : memref<3x128x128xf32, #tpu.memory_space<vmem>>, vector<16xf32>,
      %get3A_1004 = arith.constant 1 : i32
      %get3A_1005 = arith.index_cast %get3A_1004 : i32 to index
      %get3A_1006 = arith.index_cast %add3A_966 : i32 to index
      %get3A_1007 = arith.constant 32 : index
      %get3A_1008 = tpu.vector_load %arg12[%get3A_1005, %get3A_1006, %get3A_1007] {strides = array<i32>} : memref<3x128x128xf32, #tpu.memory_space<vmem>>, vector<16xf32>,
      %sub3A_1009 = arith.subf %get3A_1003, %get3A_1008 : vector<16xf32>
      %abs3A_1010 = math.absf %sub3A_1009 : vector<16xf32>
      %add3A_1011 = arith.addf %add3A_998, %abs3A_1010 : vector<16xf32>
      %get3A_1012 = arith.constant 1 : i32
      %get3A_1013 = arith.index_cast %get3A_1012 : i32 to index
      %get3A_1014 = arith.index_cast %add3A_966 : i32 to index
      %get3A_1015 = arith.constant 48 : index
      %get3A_1016 = tpu.vector_load %arg11[%get3A_1013, %get3A_1014, %get3A_1015] {strides = array<i32>} : memref<3x128x128xf32, #tpu.memory_space<vmem>>, vector<16xf32>,
      %get3A_1017 = arith.constant 1 : i32
      %get3A_1018 = arith.index_cast %get3A_1017 : i32 to index
      %get3A_1019 = arith.index_cast %add3A_966 : i32 to index
      %get3A_1020 = arith.constant 48 : index
      %get3A_1021 = tpu.vector_load %arg12[%get3A_1018, %get3A_1019, %get3A_1020] {strides = array<i32>} : memref<3x128x128xf32, #tpu.memory_space<vmem>>, vector<16xf32>,
      %sub3A_1022 = arith.subf %get3A_1016, %get3A_1021 : vector<16xf32>
      %abs3A_1023 = math.absf %sub3A_1022 : vector<16xf32>
      %add3A_1024 = arith.addf %add3A_1011, %abs3A_1023 : vector<16xf32>
      %get3A_1025 = arith.constant 1 : i32
      %get3A_1026 = arith.index_cast %get3A_1025 : i32 to index
      %get3A_1027 = arith.index_cast %add3A_966 : i32 to index
      %get3A_1028 = arith.constant 64 : index
      %get3A_1029 = tpu.vector_load %arg11[%get3A_1026, %get3A_1027, %get3A_1028] {strides = array<i32>} : memref<3x128x128xf32, #tpu.memory_space<vmem>>, vector<16xf32>,
      %get3A_1030 = arith.constant 1 : i32
      %get3A_1031 = arith.index_cast %get3A_1030 : i32 to index
      %get3A_1032 = arith.index_cast %add3A_966 : i32 to index
      %get3A_1033 = arith.constant 64 : index
      %get3A_1034 = tpu.vector_load %arg12[%get3A_1031, %get3A_1032, %get3A_1033] {strides = array<i32>} : memref<3x128x128xf32, #tpu.memory_space<vmem>>, vector<16xf32>,
      %sub3A_1035 = arith.subf %get3A_1029, %get3A_1034 : vector<16xf32>
      %abs3A_1036 = math.absf %sub3A_1035 : vector<16xf32>
      %add3A_1037 = arith.addf %add3A_1024, %abs3A_1036 : vector<16xf32>
      %get3A_1038 = arith.constant 1 : i32
      %get3A_1039 = arith.index_cast %get3A_1038 : i32 to index
      %get3A_1040 = arith.index_cast %add3A_966 : i32 to index
      %get3A_1041 = arith.constant 80 : index
      %get3A_1042 = tpu.vector_load %arg11[%get3A_1039, %get3A_1040, %get3A_1041] {strides = array<i32>} : memref<3x128x128xf32, #tpu.memory_space<vmem>>, vector<16xf32>,
      %get3A_1043 = arith.constant 1 : i32
      %get3A_1044 = arith.index_cast %get3A_1043 : i32 to index
      %get3A_1045 = arith.index_cast %add3A_966 : i32 to index
      %get3A_1046 = arith.constant 80 : index
      %get3A_1047 = tpu.vector_load %arg12[%get3A_1044, %get3A_1045, %get3A_1046] {strides = array<i32>} : memref<3x128x128xf32, #tpu.memory_space<vmem>>, vector<16xf32>,
      %sub3A_1048 = arith.subf %get3A_1042, %get3A_1047 : vector<16xf32>
      %abs3A_1049 = math.absf %sub3A_1048 : vector<16xf32>
      %add3A_1050 = arith.addf %add3A_1037, %abs3A_1049 : vector<16xf32>
      %get3A_1051 = arith.constant 1 : i32
      %get3A_1052 = arith.index_cast %get3A_1051 : i32 to index
      %get3A_1053 = arith.index_cast %add3A_966 : i32 to index
      %get3A_1054 = arith.constant 96 : index
      %get3A_1055 = tpu.vector_load %arg11[%get3A_1052, %get3A_1053, %get3A_1054] {strides = array<i32>} : memref<3x128x128xf32, #tpu.memory_space<vmem>>, vector<16xf32>,
      %get3A_1056 = arith.constant 1 : i32
      %get3A_1057 = arith.index_cast %get3A_1056 : i32 to index
      %get3A_1058 = arith.index_cast %add3A_966 : i32 to index
      %get3A_1059 = arith.constant 96 : index
      %get3A_1060 = tpu.vector_load %arg12[%get3A_1057, %get3A_1058, %get3A_1059] {strides = array<i32>} : memref<3x128x128xf32, #tpu.memory_space<vmem>>, vector<16xf32>,
      %sub3A_1061 = arith.subf %get3A_1055, %get3A_1060 : vector<16xf32>
      %abs3A_1062 = math.absf %sub3A_1061 : vector<16xf32>
      %add3A_1063 = arith.addf %add3A_1050, %abs3A_1062 : vector<16xf32>
      %get3A_1064 = arith.constant 1 : i32
      %get3A_1065 = arith.index_cast %get3A_1064 : i32 to index
      %get3A_1066 = arith.index_cast %add3A_966 : i32 to index
      %get3A_1067 = arith.constant 112 : index
      %get3A_1068 = tpu.vector_load %arg11[%get3A_1065, %get3A_1066, %get3A_1067] {strides = array<i32>} : memref<3x128x128xf32, #tpu.memory_space<vmem>>, vector<16xf32>,
      %get3A_1069 = arith.constant 1 : i32
      %get3A_1070 = arith.index_cast %get3A_1069 : i32 to index
      %get3A_1071 = arith.index_cast %add3A_966 : i32 to index
      %get3A_1072 = arith.constant 112 : index
      %get3A_1073 = tpu.vector_load %arg12[%get3A_1070, %get3A_1071, %get3A_1072] {strides = array<i32>} : memref<3x128x128xf32, #tpu.memory_space<vmem>>, vector<16xf32>,
      %sub3A_1074 = arith.subf %get3A_1068, %get3A_1073 : vector<16xf32>
      %abs3A_1075 = math.absf %sub3A_1074 : vector<16xf32>
      %add3A_1076 = arith.addf %add3A_1063, %abs3A_1075 : vector<16xf32>
      %mul3A_1077 = arith.constant 272 : i32
      %mul3A_1078 = arith.muli %shift_right_arithmetic3A_968, %mul3A_1077 : i32
      %add3A_1079 = arith.addi %mul3A_1078, %and3A_970 : i32
      %mul3A_1080 = arith.constant 17 : i32
      %mul3A_1081 = vector.broadcast %mul3A_1080 : i32 to vector<16xi32>
      %mul3A_1082 = arith.muli %iota3A, %mul3A_1081 : vector<16xi32>
      %add3A_1083 = vector.broadcast %add3A_1079 : i32 to vector<16xi32>
      %add3A_1084 = arith.addi %mul3A_1082, %add3A_1083 : vector<16xi32>
      tpu.vector_store_idx %arg13[%add3A_1084], %add3A_1076 : memref<2176xf32, #tpu.memory_space<vmem>>[vector<16xi32>], vector<16xf32>,
    }
    %scan3A_803 = arith.constant 48 : i32
    %scan3A_804 = arith.constant 0 : i32
    %scan3A_805 = arith.constant 0 : i32
    %scan3A_806 = arith.constant 6 : i32
    %scan3A_807 = arith.addi %scan3A_805, %scan3A_806 : i32
    %scan3A_808 = arith.constant 1 : i32
    scf.for %scan3A_846 = %scan3A_805 to %scan3A_807 step %scan3A_808  : i32 {
      %mul3A_847 = arith.constant 272 : i32
      %mul3A_848 = arith.muli %scan3A_846, %mul3A_847 : i32
      %broadcast_in_dim3A = arith.constant 0.000000e+00 : f32
      %broadcast_in_dim3A_849 = vector.broadcast %broadcast_in_dim3A : f32 to vector<16xf32>
      %add3A_850 = arith.constant 0 : i32
      %add3A_851 = arith.addi %mul3A_848, %add3A_850 : i32
      %add3A_852 = vector.broadcast %add3A_851 : i32 to vector<16xi32>
      %add3A_853 = arith.addi %iota3A, %add3A_852 : vector<16xi32>
      %gather3A = tpu.vector_load_idx %arg13[%add3A_853] : memref<2176xf32, #tpu.memory_space<vmem>>[vector<16xi32>], vector<16xf32>,
      %add3A_854 = arith.addf %broadcast_in_dim3A_849, %gather3A : vector<16xf32>
      %add3A_855 = arith.constant 17 : i32
      %add3A_856 = arith.addi %mul3A_848, %add3A_855 : i32
      %add3A_857 = vector.broadcast %add3A_856 : i32 to vector<16xi32>
      %add3A_858 = arith.addi %iota3A, %add3A_857 : vector<16xi32>
      %gather3A_859 = tpu.vector_load_idx %arg13[%add3A_858] : memref<2176xf32, #tpu.memory_space<vmem>>[vector<16xi32>], vector<16xf32>,
      %add3A_860 = arith.addf %add3A_854, %gather3A_859 : vector<16xf32>
      %add3A_861 = arith.constant 34 : i32
      %add3A_862 = arith.addi %mul3A_848, %add3A_861 : i32
      %add3A_863 = vector.broadcast %add3A_862 : i32 to vector<16xi32>
      %add3A_864 = arith.addi %iota3A, %add3A_863 : vector<16xi32>
      %gather3A_865 = tpu.vector_load_idx %arg13[%add3A_864] : memref<2176xf32, #tpu.memory_space<vmem>>[vector<16xi32>], vector<16xf32>,
      %add3A_866 = arith.addf %add3A_860, %gather3A_865 : vector<16xf32>
      %add3A_867 = arith.constant 51 : i32
      %add3A_868 = arith.addi %mul3A_848, %add3A_867 : i32
      %add3A_869 = vector.broadcast %add3A_868 : i32 to vector<16xi32>
      %add3A_870 = arith.addi %iota3A, %add3A_869 : vector<16xi32>
      %gather3A_871 = tpu.vector_load_idx %arg13[%add3A_870] : memref<2176xf32, #tpu.memory_space<vmem>>[vector<16xi32>], vector<16xf32>,
      %add3A_872 = arith.addf %add3A_866, %gather3A_871 : vector<16xf32>
      %add3A_873 = arith.constant 68 : i32
      %add3A_874 = arith.addi %mul3A_848, %add3A_873 : i32
      %add3A_875 = vector.broadcast %add3A_874 : i32 to vector<16xi32>
      %add3A_876 = arith.addi %iota3A, %add3A_875 : vector<16xi32>
      %gather3A_877 = tpu.vector_load_idx %arg13[%add3A_876] : memref<2176xf32, #tpu.memory_space<vmem>>[vector<16xi32>], vector<16xf32>,
      %add3A_878 = arith.addf %add3A_872, %gather3A_877 : vector<16xf32>
      %add3A_879 = arith.constant 85 : i32
      %add3A_880 = arith.addi %mul3A_848, %add3A_879 : i32
      %add3A_881 = vector.broadcast %add3A_880 : i32 to vector<16xi32>
      %add3A_882 = arith.addi %iota3A, %add3A_881 : vector<16xi32>
      %gather3A_883 = tpu.vector_load_idx %arg13[%add3A_882] : memref<2176xf32, #tpu.memory_space<vmem>>[vector<16xi32>], vector<16xf32>,
      %add3A_884 = arith.addf %add3A_878, %gather3A_883 : vector<16xf32>
      %add3A_885 = arith.constant 102 : i32
      %add3A_886 = arith.addi %mul3A_848, %add3A_885 : i32
      %add3A_887 = vector.broadcast %add3A_886 : i32 to vector<16xi32>
      %add3A_888 = arith.addi %iota3A, %add3A_887 : vector<16xi32>
      %gather3A_889 = tpu.vector_load_idx %arg13[%add3A_888] : memref<2176xf32, #tpu.memory_space<vmem>>[vector<16xi32>], vector<16xf32>,
      %add3A_890 = arith.addf %add3A_884, %gather3A_889 : vector<16xf32>
      %add3A_891 = arith.constant 119 : i32
      %add3A_892 = arith.addi %mul3A_848, %add3A_891 : i32
      %add3A_893 = vector.broadcast %add3A_892 : i32 to vector<16xi32>
      %add3A_894 = arith.addi %iota3A, %add3A_893 : vector<16xi32>
      %gather3A_895 = tpu.vector_load_idx %arg13[%add3A_894] : memref<2176xf32, #tpu.memory_space<vmem>>[vector<16xi32>], vector<16xf32>,
      %add3A_896 = arith.addf %add3A_890, %gather3A_895 : vector<16xf32>
      %add3A_897 = arith.constant 136 : i32
      %add3A_898 = arith.addi %mul3A_848, %add3A_897 : i32
      %add3A_899 = vector.broadcast %add3A_898 : i32 to vector<16xi32>
      %add3A_900 = arith.addi %iota3A, %add3A_899 : vector<16xi32>
      %gather3A_901 = tpu.vector_load_idx %arg13[%add3A_900] : memref<2176xf32, #tpu.memory_space<vmem>>[vector<16xi32>], vector<16xf32>,
      %add3A_902 = arith.addf %add3A_896, %gather3A_901 : vector<16xf32>
      %add3A_903 = arith.constant 153 : i32
      %add3A_904 = arith.addi %mul3A_848, %add3A_903 : i32
      %add3A_905 = vector.broadcast %add3A_904 : i32 to vector<16xi32>
      %add3A_906 = arith.addi %iota3A, %add3A_905 : vector<16xi32>
      %gather3A_907 = tpu.vector_load_idx %arg13[%add3A_906] : memref<2176xf32, #tpu.memory_space<vmem>>[vector<16xi32>], vector<16xf32>,
      %add3A_908 = arith.addf %add3A_902, %gather3A_907 : vector<16xf32>
      %add3A_909 = arith.constant 170 : i32
      %add3A_910 = arith.addi %mul3A_848, %add3A_909 : i32
      %add3A_911 = vector.broadcast %add3A_910 : i32 to vector<16xi32>
      %add3A_912 = arith.addi %iota3A, %add3A_911 : vector<16xi32>
      %gather3A_913 = tpu.vector_load_idx %arg13[%add3A_912] : memref<2176xf32, #tpu.memory_space<vmem>>[vector<16xi32>], vector<16xf32>,
      %add3A_914 = arith.addf %add3A_908, %gather3A_913 : vector<16xf32>
      %add3A_915 = arith.constant 187 : i32
      %add3A_916 = arith.addi %mul3A_848, %add3A_915 : i32
      %add3A_917 = vector.broadcast %add3A_916 : i32 to vector<16xi32>
      %add3A_918 = arith.addi %iota3A, %add3A_917 : vector<16xi32>
      %gather3A_919 = tpu.vector_load_idx %arg13[%add3A_918] : memref<2176xf32, #tpu.memory_space<vmem>>[vector<16xi32>], vector<16xf32>,
      %add3A_920 = arith.addf %add3A_914, %gather3A_919 : vector<16xf32>
      %add3A_921 = arith.constant 204 : i32
      %add3A_922 = arith.addi %mul3A_848, %add3A_921 : i32
      %add3A_923 = vector.broadcast %add3A_922 : i32 to vector<16xi32>
      %add3A_924 = arith.addi %iota3A, %add3A_923 : vector<16xi32>
      %gather3A_925 = tpu.vector_load_idx %arg13[%add3A_924] : memref<2176xf32, #tpu.memory_space<vmem>>[vector<16xi32>], vector<16xf32>,
      %add3A_926 = arith.addf %add3A_920, %gather3A_925 : vector<16xf32>
      %add3A_927 = arith.constant 221 : i32
      %add3A_928 = arith.addi %mul3A_848, %add3A_927 : i32
      %add3A_929 = vector.broadcast %add3A_928 : i32 to vector<16xi32>
      %add3A_930 = arith.addi %iota3A, %add3A_929 : vector<16xi32>
      %gather3A_931 = tpu.vector_load_idx %arg13[%add3A_930] : memref<2176xf32, #tpu.memory_space<vmem>>[vector<16xi32>], vector<16xf32>,
      %add3A_932 = arith.addf %add3A_926, %gather3A_931 : vector<16xf32>
      %add3A_933 = arith.constant 238 : i32
      %add3A_934 = arith.addi %mul3A_848, %add3A_933 : i32
      %add3A_935 = vector.broadcast %add3A_934 : i32 to vector<16xi32>
      %add3A_936 = arith.addi %iota3A, %add3A_935 : vector<16xi32>
      %gather3A_937 = tpu.vector_load_idx %arg13[%add3A_936] : memref<2176xf32, #tpu.memory_space<vmem>>[vector<16xi32>], vector<16xf32>,
      %add3A_938 = arith.addf %add3A_932, %gather3A_937 : vector<16xf32>
      %add3A_939 = arith.constant 255 : i32
      %add3A_940 = arith.addi %mul3A_848, %add3A_939 : i32
      %add3A_941 = vector.broadcast %add3A_940 : i32 to vector<16xi32>
      %add3A_942 = arith.addi %iota3A, %add3A_941 : vector<16xi32>
      %gather3A_943 = tpu.vector_load_idx %arg13[%add3A_942] : memref<2176xf32, #tpu.memory_space<vmem>>[vector<16xi32>], vector<16xf32>,
      %add3A_944 = arith.addf %add3A_938, %gather3A_943 : vector<16xf32>
      %sub3A = arith.constant 1.200000e+01 : f32
      %sub3A_945 = vector.broadcast %sub3A : f32 to vector<16xf32>
      %sub3A_946 = arith.subf %sub3A_945, %add3A_944 : vector<16xf32>
      %mul3A_947 = arith.constant 16 : i32
      %mul3A_948 = arith.muli %scan3A_846, %mul3A_947 : i32
      %add3A_949 = arith.constant 384 : i32
      %add3A_950 = arith.addi %add3A_949, %mul3A_948 : i32
      %swap3A = arith.index_cast %add3A_950 : i32 to index
      %swap3A_951 = tpu.vector_load %arg14[%swap3A] {strides = array<i32>} : memref<512xf32, #tpu.memory_space<vmem>>, vector<16xf32>,
      tpu.vector_store %arg14[%swap3A], %sub3A_946 {strides = array<i32>} : memref<512xf32, #tpu.memory_space<vmem>>, vector<16xf32>,
    }
    %scan3A_809 = arith.constant 6 : i32
    %dma_wait3A_810 = arith.constant 5 : i32
    %dma_wait3A_811 = arith.constant 2 : i32
    %dma_wait3A_812 = arith.constant 0 : i32
    %dma_wait3A_813 = arith.constant 0 : i32
    %dma_wait3A_814 = tpu.memref_slice %arg11[%dma_wait3A_811, %dma_wait3A_812, %dma_wait3A_813] : memref<3x128x128xf32, #tpu.memory_space<vmem>> -> memref<1x32x128xf32, #tpu.memory_space<vmem>>
    %dma_wait3A_815 = tpu.memref_squeeze %dma_wait3A_814 : memref<1x32x128xf32, #tpu.memory_space<vmem>> -> memref<32x128xf32, #tpu.memory_space<vmem>>
    %dma_wait3A_816 = arith.constant 0 : i32
    %dma_wait3A_817 = tpu.memref_slice %arg8[%dma_wait3A_810, %dma_wait3A_816] : memref<6x128xi32, #tpu.memory_space<vmem>> -> memref<1x32xi32, #tpu.memory_space<vmem>>
    %dma_wait3A_818 = tpu.memref_squeeze %dma_wait3A_817 : memref<1x32xi32, #tpu.memory_space<vmem>> -> memref<32xi32, #tpu.memory_space<vmem>>
    %dma_wait3A_819 = arith.constant 0 : i32
    %dma_wait3A_820 = arith.constant 0 : i32
    %dma_wait3A_821 = tpu.memref_slice %arg5[%dma_wait3A_819, %dma_wait3A_820] : memref<100000x128xf32, #tpu.memory_space<hbm>> -> memref<100000x128xf32, #tpu.memory_space<hbm>>
    tpu.wait_indirect_dma semaphore(%arg21 : memref<!tpu.dma_semaphore, #tpu.memory_space<semaphore_mem>>) src(%dma_wait3A_821 : memref<100000x128xf32, #tpu.memory_space<hbm>>) dst(%dma_wait3A_815 : memref<32x128xf32, #tpu.memory_space<vmem>>)
    %dma_wait3A_822 = arith.constant 5 : i32
    %dma_wait3A_823 = arith.constant 2 : i32
    %dma_wait3A_824 = arith.constant 0 : i32
    %dma_wait3A_825 = arith.constant 0 : i32
    %dma_wait3A_826 = tpu.memref_slice %arg12[%dma_wait3A_823, %dma_wait3A_824, %dma_wait3A_825] : memref<3x128x128xf32, #tpu.memory_space<vmem>> -> memref<1x32x128xf32, #tpu.memory_space<vmem>>
    %dma_wait3A_827 = tpu.memref_squeeze %dma_wait3A_826 : memref<1x32x128xf32, #tpu.memory_space<vmem>> -> memref<32x128xf32, #tpu.memory_space<vmem>>
    %dma_wait3A_828 = arith.constant 0 : i32
    %dma_wait3A_829 = tpu.memref_slice %arg10[%dma_wait3A_822, %dma_wait3A_828] : memref<6x128xi32, #tpu.memory_space<vmem>> -> memref<1x32xi32, #tpu.memory_space<vmem>>
    %dma_wait3A_830 = tpu.memref_squeeze %dma_wait3A_829 : memref<1x32xi32, #tpu.memory_space<vmem>> -> memref<32xi32, #tpu.memory_space<vmem>>
    %dma_wait3A_831 = arith.constant 0 : i32
    %dma_wait3A_832 = arith.constant 0 : i32
    %dma_wait3A_833 = tpu.memref_slice %arg5[%dma_wait3A_831, %dma_wait3A_832] : memref<100000x128xf32, #tpu.memory_space<hbm>> -> memref<100000x128xf32, #tpu.memory_space<hbm>>
    tpu.wait_indirect_dma semaphore(%arg21 : memref<!tpu.dma_semaphore, #tpu.memory_space<semaphore_mem>>) src(%dma_wait3A_833 : memref<100000x128xf32, #tpu.memory_space<hbm>>) dst(%dma_wait3A_827 : memref<32x128xf32, #tpu.memory_space<vmem>>)
    %scan3A_834 = arith.constant 0 : i32
    %scan3A_835 = arith.constant 0 : i32
    %scan3A_836 = arith.constant 16 : i32
    %scan3A_837 = arith.addi %scan3A_835, %scan3A_836 : i32
    %scan3A_838 = arith.constant 1 : i32
    scf.for %scan3A_846 = %scan3A_835 to %scan3A_837 step %scan3A_838  : i32 {
      %mul3A_847 = arith.constant 2 : i32
      %mul3A_848 = arith.muli %scan3A_846, %mul3A_847 : i32
      %add3A_849 = arith.constant 0 : i32
      %add3A_850 = arith.addi %mul3A_848, %add3A_849 : i32
      %shift_right_arithmetic3A = arith.constant 4 : i32
      %shift_right_arithmetic3A_851 = arith.shrsi %add3A_850, %shift_right_arithmetic3A : i32
      %and3A = arith.constant 15 : i32
      %and3A_852 = arith.andi %add3A_850, %and3A : i32
      %broadcast_in_dim3A = arith.constant 0.000000e+00 : f32
      %broadcast_in_dim3A_853 = vector.broadcast %broadcast_in_dim3A : f32 to vector<16xf32>
      %get3A = arith.constant 2 : i32
      %get3A_854 = arith.index_cast %get3A : i32 to index
      %get3A_855 = arith.index_cast %add3A_850 : i32 to index
      %get3A_856 = arith.constant 0 : index
      %get3A_857 = tpu.vector_load %arg11[%get3A_854, %get3A_855, %get3A_856] {strides = array<i32>} : memref<3x128x128xf32, #tpu.memory_space<vmem>>, vector<16xf32>,
      %get3A_858 = arith.constant 2 : i32
      %get3A_859 = arith.index_cast %get3A_858 : i32 to index
      %get3A_860 = arith.index_cast %add3A_850 : i32 to index
      %get3A_861 = arith.constant 0 : index
      %get3A_862 = tpu.vector_load %arg12[%get3A_859, %get3A_860, %get3A_861] {strides = array<i32>} : memref<3x128x128xf32, #tpu.memory_space<vmem>>, vector<16xf32>,
      %sub3A = arith.subf %get3A_857, %get3A_862 : vector<16xf32>
      %abs3A = math.absf %sub3A : vector<16xf32>
      %add3A_863 = arith.addf %broadcast_in_dim3A_853, %abs3A : vector<16xf32>
      %get3A_864 = arith.constant 2 : i32
      %get3A_865 = arith.index_cast %get3A_864 : i32 to index
      %get3A_866 = arith.index_cast %add3A_850 : i32 to index
      %get3A_867 = arith.constant 16 : index
      %get3A_868 = tpu.vector_load %arg11[%get3A_865, %get3A_866, %get3A_867] {strides = array<i32>} : memref<3x128x128xf32, #tpu.memory_space<vmem>>, vector<16xf32>,
      %get3A_869 = arith.constant 2 : i32
      %get3A_870 = arith.index_cast %get3A_869 : i32 to index
      %get3A_871 = arith.index_cast %add3A_850 : i32 to index
      %get3A_872 = arith.constant 16 : index
      %get3A_873 = tpu.vector_load %arg12[%get3A_870, %get3A_871, %get3A_872] {strides = array<i32>} : memref<3x128x128xf32, #tpu.memory_space<vmem>>, vector<16xf32>,
      %sub3A_874 = arith.subf %get3A_868, %get3A_873 : vector<16xf32>
      %abs3A_875 = math.absf %sub3A_874 : vector<16xf32>
      %add3A_876 = arith.addf %add3A_863, %abs3A_875 : vector<16xf32>
      %get3A_877 = arith.constant 2 : i32
      %get3A_878 = arith.index_cast %get3A_877 : i32 to index
      %get3A_879 = arith.index_cast %add3A_850 : i32 to index
      %get3A_880 = arith.constant 32 : index
      %get3A_881 = tpu.vector_load %arg11[%get3A_878, %get3A_879, %get3A_880] {strides = array<i32>} : memref<3x128x128xf32, #tpu.memory_space<vmem>>, vector<16xf32>,
      %get3A_882 = arith.constant 2 : i32
      %get3A_883 = arith.index_cast %get3A_882 : i32 to index
      %get3A_884 = arith.index_cast %add3A_850 : i32 to index
      %get3A_885 = arith.constant 32 : index
      %get3A_886 = tpu.vector_load %arg12[%get3A_883, %get3A_884, %get3A_885] {strides = array<i32>} : memref<3x128x128xf32, #tpu.memory_space<vmem>>, vector<16xf32>,
      %sub3A_887 = arith.subf %get3A_881, %get3A_886 : vector<16xf32>
      %abs3A_888 = math.absf %sub3A_887 : vector<16xf32>
      %add3A_889 = arith.addf %add3A_876, %abs3A_888 : vector<16xf32>
      %get3A_890 = arith.constant 2 : i32
      %get3A_891 = arith.index_cast %get3A_890 : i32 to index
      %get3A_892 = arith.index_cast %add3A_850 : i32 to index
      %get3A_893 = arith.constant 48 : index
      %get3A_894 = tpu.vector_load %arg11[%get3A_891, %get3A_892, %get3A_893] {strides = array<i32>} : memref<3x128x128xf32, #tpu.memory_space<vmem>>, vector<16xf32>,
      %get3A_895 = arith.constant 2 : i32
      %get3A_896 = arith.index_cast %get3A_895 : i32 to index
      %get3A_897 = arith.index_cast %add3A_850 : i32 to index
      %get3A_898 = arith.constant 48 : index
      %get3A_899 = tpu.vector_load %arg12[%get3A_896, %get3A_897, %get3A_898] {strides = array<i32>} : memref<3x128x128xf32, #tpu.memory_space<vmem>>, vector<16xf32>,
      %sub3A_900 = arith.subf %get3A_894, %get3A_899 : vector<16xf32>
      %abs3A_901 = math.absf %sub3A_900 : vector<16xf32>
      %add3A_902 = arith.addf %add3A_889, %abs3A_901 : vector<16xf32>
      %get3A_903 = arith.constant 2 : i32
      %get3A_904 = arith.index_cast %get3A_903 : i32 to index
      %get3A_905 = arith.index_cast %add3A_850 : i32 to index
      %get3A_906 = arith.constant 64 : index
      %get3A_907 = tpu.vector_load %arg11[%get3A_904, %get3A_905, %get3A_906] {strides = array<i32>} : memref<3x128x128xf32, #tpu.memory_space<vmem>>, vector<16xf32>,
      %get3A_908 = arith.constant 2 : i32
      %get3A_909 = arith.index_cast %get3A_908 : i32 to index
      %get3A_910 = arith.index_cast %add3A_850 : i32 to index
      %get3A_911 = arith.constant 64 : index
      %get3A_912 = tpu.vector_load %arg12[%get3A_909, %get3A_910, %get3A_911] {strides = array<i32>} : memref<3x128x128xf32, #tpu.memory_space<vmem>>, vector<16xf32>,
      %sub3A_913 = arith.subf %get3A_907, %get3A_912 : vector<16xf32>
      %abs3A_914 = math.absf %sub3A_913 : vector<16xf32>
      %add3A_915 = arith.addf %add3A_902, %abs3A_914 : vector<16xf32>
      %get3A_916 = arith.constant 2 : i32
      %get3A_917 = arith.index_cast %get3A_916 : i32 to index
      %get3A_918 = arith.index_cast %add3A_850 : i32 to index
      %get3A_919 = arith.constant 80 : index
      %get3A_920 = tpu.vector_load %arg11[%get3A_917, %get3A_918, %get3A_919] {strides = array<i32>} : memref<3x128x128xf32, #tpu.memory_space<vmem>>, vector<16xf32>,
      %get3A_921 = arith.constant 2 : i32
      %get3A_922 = arith.index_cast %get3A_921 : i32 to index
      %get3A_923 = arith.index_cast %add3A_850 : i32 to index
      %get3A_924 = arith.constant 80 : index
      %get3A_925 = tpu.vector_load %arg12[%get3A_922, %get3A_923, %get3A_924] {strides = array<i32>} : memref<3x128x128xf32, #tpu.memory_space<vmem>>, vector<16xf32>,
      %sub3A_926 = arith.subf %get3A_920, %get3A_925 : vector<16xf32>
      %abs3A_927 = math.absf %sub3A_926 : vector<16xf32>
      %add3A_928 = arith.addf %add3A_915, %abs3A_927 : vector<16xf32>
      %get3A_929 = arith.constant 2 : i32
      %get3A_930 = arith.index_cast %get3A_929 : i32 to index
      %get3A_931 = arith.index_cast %add3A_850 : i32 to index
      %get3A_932 = arith.constant 96 : index
      %get3A_933 = tpu.vector_load %arg11[%get3A_930, %get3A_931, %get3A_932] {strides = array<i32>} : memref<3x128x128xf32, #tpu.memory_space<vmem>>, vector<16xf32>,
      %get3A_934 = arith.constant 2 : i32
      %get3A_935 = arith.index_cast %get3A_934 : i32 to index
      %get3A_936 = arith.index_cast %add3A_850 : i32 to index
      %get3A_937 = arith.constant 96 : index
      %get3A_938 = tpu.vector_load %arg12[%get3A_935, %get3A_936, %get3A_937] {strides = array<i32>} : memref<3x128x128xf32, #tpu.memory_space<vmem>>, vector<16xf32>,
      %sub3A_939 = arith.subf %get3A_933, %get3A_938 : vector<16xf32>
      %abs3A_940 = math.absf %sub3A_939 : vector<16xf32>
      %add3A_941 = arith.addf %add3A_928, %abs3A_940 : vector<16xf32>
      %get3A_942 = arith.constant 2 : i32
      %get3A_943 = arith.index_cast %get3A_942 : i32 to index
      %get3A_944 = arith.index_cast %add3A_850 : i32 to index
      %get3A_945 = arith.constant 112 : index
      %get3A_946 = tpu.vector_load %arg11[%get3A_943, %get3A_944, %get3A_945] {strides = array<i32>} : memref<3x128x128xf32, #tpu.memory_space<vmem>>, vector<16xf32>,
      %get3A_947 = arith.constant 2 : i32
      %get3A_948 = arith.index_cast %get3A_947 : i32 to index
      %get3A_949 = arith.index_cast %add3A_850 : i32 to index
      %get3A_950 = arith.constant 112 : index
      %get3A_951 = tpu.vector_load %arg12[%get3A_948, %get3A_949, %get3A_950] {strides = array<i32>} : memref<3x128x128xf32, #tpu.memory_space<vmem>>, vector<16xf32>,
      %sub3A_952 = arith.subf %get3A_946, %get3A_951 : vector<16xf32>
      %abs3A_953 = math.absf %sub3A_952 : vector<16xf32>
      %add3A_954 = arith.addf %add3A_941, %abs3A_953 : vector<16xf32>
      %mul3A_955 = arith.constant 272 : i32
      %mul3A_956 = arith.muli %shift_right_arithmetic3A_851, %mul3A_955 : i32
      %add3A_957 = arith.addi %mul3A_956, %and3A_852 : i32
      %mul3A_958 = arith.constant 17 : i32
      %mul3A_959 = vector.broadcast %mul3A_958 : i32 to vector<16xi32>
      %mul3A_960 = arith.muli %iota3A, %mul3A_959 : vector<16xi32>
      %add3A_961 = vector.broadcast %add3A_957 : i32 to vector<16xi32>
      %add3A_962 = arith.addi %mul3A_960, %add3A_961 : vector<16xi32>
      tpu.vector_store_idx %arg13[%add3A_962], %add3A_954 : memref<2176xf32, #tpu.memory_space<vmem>>[vector<16xi32>], vector<16xf32>,
      %mul3A_963 = arith.constant 2 : i32
      %mul3A_964 = arith.muli %scan3A_846, %mul3A_963 : i32
      %add3A_965 = arith.constant 1 : i32
      %add3A_966 = arith.addi %mul3A_964, %add3A_965 : i32
      %shift_right_arithmetic3A_967 = arith.constant 4 : i32
      %shift_right_arithmetic3A_968 = arith.shrsi %add3A_966, %shift_right_arithmetic3A_967 : i32
      %and3A_969 = arith.constant 15 : i32
      %and3A_970 = arith.andi %add3A_966, %and3A_969 : i32
      %broadcast_in_dim3A_971 = arith.constant 0.000000e+00 : f32
      %broadcast_in_dim3A_972 = vector.broadcast %broadcast_in_dim3A_971 : f32 to vector<16xf32>
      %get3A_973 = arith.constant 2 : i32
      %get3A_974 = arith.index_cast %get3A_973 : i32 to index
      %get3A_975 = arith.index_cast %add3A_966 : i32 to index
      %get3A_976 = arith.constant 0 : index
      %get3A_977 = tpu.vector_load %arg11[%get3A_974, %get3A_975, %get3A_976] {strides = array<i32>} : memref<3x128x128xf32, #tpu.memory_space<vmem>>, vector<16xf32>,
      %get3A_978 = arith.constant 2 : i32
      %get3A_979 = arith.index_cast %get3A_978 : i32 to index
      %get3A_980 = arith.index_cast %add3A_966 : i32 to index
      %get3A_981 = arith.constant 0 : index
      %get3A_982 = tpu.vector_load %arg12[%get3A_979, %get3A_980, %get3A_981] {strides = array<i32>} : memref<3x128x128xf32, #tpu.memory_space<vmem>>, vector<16xf32>,
      %sub3A_983 = arith.subf %get3A_977, %get3A_982 : vector<16xf32>
      %abs3A_984 = math.absf %sub3A_983 : vector<16xf32>
      %add3A_985 = arith.addf %broadcast_in_dim3A_972, %abs3A_984 : vector<16xf32>
      %get3A_986 = arith.constant 2 : i32
      %get3A_987 = arith.index_cast %get3A_986 : i32 to index
      %get3A_988 = arith.index_cast %add3A_966 : i32 to index
      %get3A_989 = arith.constant 16 : index
      %get3A_990 = tpu.vector_load %arg11[%get3A_987, %get3A_988, %get3A_989] {strides = array<i32>} : memref<3x128x128xf32, #tpu.memory_space<vmem>>, vector<16xf32>,
      %get3A_991 = arith.constant 2 : i32
      %get3A_992 = arith.index_cast %get3A_991 : i32 to index
      %get3A_993 = arith.index_cast %add3A_966 : i32 to index
      %get3A_994 = arith.constant 16 : index
      %get3A_995 = tpu.vector_load %arg12[%get3A_992, %get3A_993, %get3A_994] {strides = array<i32>} : memref<3x128x128xf32, #tpu.memory_space<vmem>>, vector<16xf32>,
      %sub3A_996 = arith.subf %get3A_990, %get3A_995 : vector<16xf32>
      %abs3A_997 = math.absf %sub3A_996 : vector<16xf32>
      %add3A_998 = arith.addf %add3A_985, %abs3A_997 : vector<16xf32>
      %get3A_999 = arith.constant 2 : i32
      %get3A_1000 = arith.index_cast %get3A_999 : i32 to index
      %get3A_1001 = arith.index_cast %add3A_966 : i32 to index
      %get3A_1002 = arith.constant 32 : index
      %get3A_1003 = tpu.vector_load %arg11[%get3A_1000, %get3A_1001, %get3A_1002] {strides = array<i32>} : memref<3x128x128xf32, #tpu.memory_space<vmem>>, vector<16xf32>,
      %get3A_1004 = arith.constant 2 : i32
      %get3A_1005 = arith.index_cast %get3A_1004 : i32 to index
      %get3A_1006 = arith.index_cast %add3A_966 : i32 to index
      %get3A_1007 = arith.constant 32 : index
      %get3A_1008 = tpu.vector_load %arg12[%get3A_1005, %get3A_1006, %get3A_1007] {strides = array<i32>} : memref<3x128x128xf32, #tpu.memory_space<vmem>>, vector<16xf32>,
      %sub3A_1009 = arith.subf %get3A_1003, %get3A_1008 : vector<16xf32>
      %abs3A_1010 = math.absf %sub3A_1009 : vector<16xf32>
      %add3A_1011 = arith.addf %add3A_998, %abs3A_1010 : vector<16xf32>
      %get3A_1012 = arith.constant 2 : i32
      %get3A_1013 = arith.index_cast %get3A_1012 : i32 to index
      %get3A_1014 = arith.index_cast %add3A_966 : i32 to index
      %get3A_1015 = arith.constant 48 : index
      %get3A_1016 = tpu.vector_load %arg11[%get3A_1013, %get3A_1014, %get3A_1015] {strides = array<i32>} : memref<3x128x128xf32, #tpu.memory_space<vmem>>, vector<16xf32>,
      %get3A_1017 = arith.constant 2 : i32
      %get3A_1018 = arith.index_cast %get3A_1017 : i32 to index
      %get3A_1019 = arith.index_cast %add3A_966 : i32 to index
      %get3A_1020 = arith.constant 48 : index
      %get3A_1021 = tpu.vector_load %arg12[%get3A_1018, %get3A_1019, %get3A_1020] {strides = array<i32>} : memref<3x128x128xf32, #tpu.memory_space<vmem>>, vector<16xf32>,
      %sub3A_1022 = arith.subf %get3A_1016, %get3A_1021 : vector<16xf32>
      %abs3A_1023 = math.absf %sub3A_1022 : vector<16xf32>
      %add3A_1024 = arith.addf %add3A_1011, %abs3A_1023 : vector<16xf32>
      %get3A_1025 = arith.constant 2 : i32
      %get3A_1026 = arith.index_cast %get3A_1025 : i32 to index
      %get3A_1027 = arith.index_cast %add3A_966 : i32 to index
      %get3A_1028 = arith.constant 64 : index
      %get3A_1029 = tpu.vector_load %arg11[%get3A_1026, %get3A_1027, %get3A_1028] {strides = array<i32>} : memref<3x128x128xf32, #tpu.memory_space<vmem>>, vector<16xf32>,
      %get3A_1030 = arith.constant 2 : i32
      %get3A_1031 = arith.index_cast %get3A_1030 : i32 to index
      %get3A_1032 = arith.index_cast %add3A_966 : i32 to index
      %get3A_1033 = arith.constant 64 : index
      %get3A_1034 = tpu.vector_load %arg12[%get3A_1031, %get3A_1032, %get3A_1033] {strides = array<i32>} : memref<3x128x128xf32, #tpu.memory_space<vmem>>, vector<16xf32>,
      %sub3A_1035 = arith.subf %get3A_1029, %get3A_1034 : vector<16xf32>
      %abs3A_1036 = math.absf %sub3A_1035 : vector<16xf32>
      %add3A_1037 = arith.addf %add3A_1024, %abs3A_1036 : vector<16xf32>
      %get3A_1038 = arith.constant 2 : i32
      %get3A_1039 = arith.index_cast %get3A_1038 : i32 to index
      %get3A_1040 = arith.index_cast %add3A_966 : i32 to index
      %get3A_1041 = arith.constant 80 : index
      %get3A_1042 = tpu.vector_load %arg11[%get3A_1039, %get3A_1040, %get3A_1041] {strides = array<i32>} : memref<3x128x128xf32, #tpu.memory_space<vmem>>, vector<16xf32>,
      %get3A_1043 = arith.constant 2 : i32
      %get3A_1044 = arith.index_cast %get3A_1043 : i32 to index
      %get3A_1045 = arith.index_cast %add3A_966 : i32 to index
      %get3A_1046 = arith.constant 80 : index
      %get3A_1047 = tpu.vector_load %arg12[%get3A_1044, %get3A_1045, %get3A_1046] {strides = array<i32>} : memref<3x128x128xf32, #tpu.memory_space<vmem>>, vector<16xf32>,
      %sub3A_1048 = arith.subf %get3A_1042, %get3A_1047 : vector<16xf32>
      %abs3A_1049 = math.absf %sub3A_1048 : vector<16xf32>
      %add3A_1050 = arith.addf %add3A_1037, %abs3A_1049 : vector<16xf32>
      %get3A_1051 = arith.constant 2 : i32
      %get3A_1052 = arith.index_cast %get3A_1051 : i32 to index
      %get3A_1053 = arith.index_cast %add3A_966 : i32 to index
      %get3A_1054 = arith.constant 96 : index
      %get3A_1055 = tpu.vector_load %arg11[%get3A_1052, %get3A_1053, %get3A_1054] {strides = array<i32>} : memref<3x128x128xf32, #tpu.memory_space<vmem>>, vector<16xf32>,
      %get3A_1056 = arith.constant 2 : i32
      %get3A_1057 = arith.index_cast %get3A_1056 : i32 to index
      %get3A_1058 = arith.index_cast %add3A_966 : i32 to index
      %get3A_1059 = arith.constant 96 : index
      %get3A_1060 = tpu.vector_load %arg12[%get3A_1057, %get3A_1058, %get3A_1059] {strides = array<i32>} : memref<3x128x128xf32, #tpu.memory_space<vmem>>, vector<16xf32>,
      %sub3A_1061 = arith.subf %get3A_1055, %get3A_1060 : vector<16xf32>
      %abs3A_1062 = math.absf %sub3A_1061 : vector<16xf32>
      %add3A_1063 = arith.addf %add3A_1050, %abs3A_1062 : vector<16xf32>
      %get3A_1064 = arith.constant 2 : i32
      %get3A_1065 = arith.index_cast %get3A_1064 : i32 to index
      %get3A_1066 = arith.index_cast %add3A_966 : i32 to index
      %get3A_1067 = arith.constant 112 : index
      %get3A_1068 = tpu.vector_load %arg11[%get3A_1065, %get3A_1066, %get3A_1067] {strides = array<i32>} : memref<3x128x128xf32, #tpu.memory_space<vmem>>, vector<16xf32>,
      %get3A_1069 = arith.constant 2 : i32
      %get3A_1070 = arith.index_cast %get3A_1069 : i32 to index
      %get3A_1071 = arith.index_cast %add3A_966 : i32 to index
      %get3A_1072 = arith.constant 112 : index
      %get3A_1073 = tpu.vector_load %arg12[%get3A_1070, %get3A_1071, %get3A_1072] {strides = array<i32>} : memref<3x128x128xf32, #tpu.memory_space<vmem>>, vector<16xf32>,
      %sub3A_1074 = arith.subf %get3A_1068, %get3A_1073 : vector<16xf32>
      %abs3A_1075 = math.absf %sub3A_1074 : vector<16xf32>
      %add3A_1076 = arith.addf %add3A_1063, %abs3A_1075 : vector<16xf32>
      %mul3A_1077 = arith.constant 272 : i32
      %mul3A_1078 = arith.muli %shift_right_arithmetic3A_968, %mul3A_1077 : i32
      %add3A_1079 = arith.addi %mul3A_1078, %and3A_970 : i32
      %mul3A_1080 = arith.constant 17 : i32
      %mul3A_1081 = vector.broadcast %mul3A_1080 : i32 to vector<16xi32>
      %mul3A_1082 = arith.muli %iota3A, %mul3A_1081 : vector<16xi32>
      %add3A_1083 = vector.broadcast %add3A_1079 : i32 to vector<16xi32>
      %add3A_1084 = arith.addi %mul3A_1082, %add3A_1083 : vector<16xi32>
      tpu.vector_store_idx %arg13[%add3A_1084], %add3A_1076 : memref<2176xf32, #tpu.memory_space<vmem>>[vector<16xi32>], vector<16xf32>,
    }
    %scan3A_839 = arith.constant 16 : i32
    %scan3A_840 = arith.constant 0 : i32
    %scan3A_841 = arith.constant 0 : i32
    %scan3A_842 = arith.constant 2 : i32
    %scan3A_843 = arith.addi %scan3A_841, %scan3A_842 : i32
    %scan3A_844 = arith.constant 1 : i32
    scf.for %scan3A_846 = %scan3A_841 to %scan3A_843 step %scan3A_844  : i32 {
      %mul3A_847 = arith.constant 272 : i32
      %mul3A_848 = arith.muli %scan3A_846, %mul3A_847 : i32
      %broadcast_in_dim3A = arith.constant 0.000000e+00 : f32
      %broadcast_in_dim3A_849 = vector.broadcast %broadcast_in_dim3A : f32 to vector<16xf32>
      %add3A_850 = arith.constant 0 : i32
      %add3A_851 = arith.addi %mul3A_848, %add3A_850 : i32
      %add3A_852 = vector.broadcast %add3A_851 : i32 to vector<16xi32>
      %add3A_853 = arith.addi %iota3A, %add3A_852 : vector<16xi32>
      %gather3A = tpu.vector_load_idx %arg13[%add3A_853] : memref<2176xf32, #tpu.memory_space<vmem>>[vector<16xi32>], vector<16xf32>,
      %add3A_854 = arith.addf %broadcast_in_dim3A_849, %gather3A : vector<16xf32>
      %add3A_855 = arith.constant 17 : i32
      %add3A_856 = arith.addi %mul3A_848, %add3A_855 : i32
      %add3A_857 = vector.broadcast %add3A_856 : i32 to vector<16xi32>
      %add3A_858 = arith.addi %iota3A, %add3A_857 : vector<16xi32>
      %gather3A_859 = tpu.vector_load_idx %arg13[%add3A_858] : memref<2176xf32, #tpu.memory_space<vmem>>[vector<16xi32>], vector<16xf32>,
      %add3A_860 = arith.addf %add3A_854, %gather3A_859 : vector<16xf32>
      %add3A_861 = arith.constant 34 : i32
      %add3A_862 = arith.addi %mul3A_848, %add3A_861 : i32
      %add3A_863 = vector.broadcast %add3A_862 : i32 to vector<16xi32>
      %add3A_864 = arith.addi %iota3A, %add3A_863 : vector<16xi32>
      %gather3A_865 = tpu.vector_load_idx %arg13[%add3A_864] : memref<2176xf32, #tpu.memory_space<vmem>>[vector<16xi32>], vector<16xf32>,
      %add3A_866 = arith.addf %add3A_860, %gather3A_865 : vector<16xf32>
      %add3A_867 = arith.constant 51 : i32
      %add3A_868 = arith.addi %mul3A_848, %add3A_867 : i32
      %add3A_869 = vector.broadcast %add3A_868 : i32 to vector<16xi32>
      %add3A_870 = arith.addi %iota3A, %add3A_869 : vector<16xi32>
      %gather3A_871 = tpu.vector_load_idx %arg13[%add3A_870] : memref<2176xf32, #tpu.memory_space<vmem>>[vector<16xi32>], vector<16xf32>,
      %add3A_872 = arith.addf %add3A_866, %gather3A_871 : vector<16xf32>
      %add3A_873 = arith.constant 68 : i32
      %add3A_874 = arith.addi %mul3A_848, %add3A_873 : i32
      %add3A_875 = vector.broadcast %add3A_874 : i32 to vector<16xi32>
      %add3A_876 = arith.addi %iota3A, %add3A_875 : vector<16xi32>
      %gather3A_877 = tpu.vector_load_idx %arg13[%add3A_876] : memref<2176xf32, #tpu.memory_space<vmem>>[vector<16xi32>], vector<16xf32>,
      %add3A_878 = arith.addf %add3A_872, %gather3A_877 : vector<16xf32>
      %add3A_879 = arith.constant 85 : i32
      %add3A_880 = arith.addi %mul3A_848, %add3A_879 : i32
      %add3A_881 = vector.broadcast %add3A_880 : i32 to vector<16xi32>
      %add3A_882 = arith.addi %iota3A, %add3A_881 : vector<16xi32>
      %gather3A_883 = tpu.vector_load_idx %arg13[%add3A_882] : memref<2176xf32, #tpu.memory_space<vmem>>[vector<16xi32>], vector<16xf32>,
      %add3A_884 = arith.addf %add3A_878, %gather3A_883 : vector<16xf32>
      %add3A_885 = arith.constant 102 : i32
      %add3A_886 = arith.addi %mul3A_848, %add3A_885 : i32
      %add3A_887 = vector.broadcast %add3A_886 : i32 to vector<16xi32>
      %add3A_888 = arith.addi %iota3A, %add3A_887 : vector<16xi32>
      %gather3A_889 = tpu.vector_load_idx %arg13[%add3A_888] : memref<2176xf32, #tpu.memory_space<vmem>>[vector<16xi32>], vector<16xf32>,
      %add3A_890 = arith.addf %add3A_884, %gather3A_889 : vector<16xf32>
      %add3A_891 = arith.constant 119 : i32
      %add3A_892 = arith.addi %mul3A_848, %add3A_891 : i32
      %add3A_893 = vector.broadcast %add3A_892 : i32 to vector<16xi32>
      %add3A_894 = arith.addi %iota3A, %add3A_893 : vector<16xi32>
      %gather3A_895 = tpu.vector_load_idx %arg13[%add3A_894] : memref<2176xf32, #tpu.memory_space<vmem>>[vector<16xi32>], vector<16xf32>,
      %add3A_896 = arith.addf %add3A_890, %gather3A_895 : vector<16xf32>
      %add3A_897 = arith.constant 136 : i32
      %add3A_898 = arith.addi %mul3A_848, %add3A_897 : i32
      %add3A_899 = vector.broadcast %add3A_898 : i32 to vector<16xi32>
      %add3A_900 = arith.addi %iota3A, %add3A_899 : vector<16xi32>
      %gather3A_901 = tpu.vector_load_idx %arg13[%add3A_900] : memref<2176xf32, #tpu.memory_space<vmem>>[vector<16xi32>], vector<16xf32>,
      %add3A_902 = arith.addf %add3A_896, %gather3A_901 : vector<16xf32>
      %add3A_903 = arith.constant 153 : i32
      %add3A_904 = arith.addi %mul3A_848, %add3A_903 : i32
      %add3A_905 = vector.broadcast %add3A_904 : i32 to vector<16xi32>
      %add3A_906 = arith.addi %iota3A, %add3A_905 : vector<16xi32>
      %gather3A_907 = tpu.vector_load_idx %arg13[%add3A_906] : memref<2176xf32, #tpu.memory_space<vmem>>[vector<16xi32>], vector<16xf32>,
      %add3A_908 = arith.addf %add3A_902, %gather3A_907 : vector<16xf32>
      %add3A_909 = arith.constant 170 : i32
      %add3A_910 = arith.addi %mul3A_848, %add3A_909 : i32
      %add3A_911 = vector.broadcast %add3A_910 : i32 to vector<16xi32>
      %add3A_912 = arith.addi %iota3A, %add3A_911 : vector<16xi32>
      %gather3A_913 = tpu.vector_load_idx %arg13[%add3A_912] : memref<2176xf32, #tpu.memory_space<vmem>>[vector<16xi32>], vector<16xf32>,
      %add3A_914 = arith.addf %add3A_908, %gather3A_913 : vector<16xf32>
      %add3A_915 = arith.constant 187 : i32
      %add3A_916 = arith.addi %mul3A_848, %add3A_915 : i32
      %add3A_917 = vector.broadcast %add3A_916 : i32 to vector<16xi32>
      %add3A_918 = arith.addi %iota3A, %add3A_917 : vector<16xi32>
      %gather3A_919 = tpu.vector_load_idx %arg13[%add3A_918] : memref<2176xf32, #tpu.memory_space<vmem>>[vector<16xi32>], vector<16xf32>,
      %add3A_920 = arith.addf %add3A_914, %gather3A_919 : vector<16xf32>
      %add3A_921 = arith.constant 204 : i32
      %add3A_922 = arith.addi %mul3A_848, %add3A_921 : i32
      %add3A_923 = vector.broadcast %add3A_922 : i32 to vector<16xi32>
      %add3A_924 = arith.addi %iota3A, %add3A_923 : vector<16xi32>
      %gather3A_925 = tpu.vector_load_idx %arg13[%add3A_924] : memref<2176xf32, #tpu.memory_space<vmem>>[vector<16xi32>], vector<16xf32>,
      %add3A_926 = arith.addf %add3A_920, %gather3A_925 : vector<16xf32>
      %add3A_927 = arith.constant 221 : i32
      %add3A_928 = arith.addi %mul3A_848, %add3A_927 : i32
      %add3A_929 = vector.broadcast %add3A_928 : i32 to vector<16xi32>
      %add3A_930 = arith.addi %iota3A, %add3A_929 : vector<16xi32>
      %gather3A_931 = tpu.vector_load_idx %arg13[%add3A_930] : memref<2176xf32, #tpu.memory_space<vmem>>[vector<16xi32>], vector<16xf32>,
      %add3A_932 = arith.addf %add3A_926, %gather3A_931 : vector<16xf32>
      %add3A_933 = arith.constant 238 : i32
      %add3A_934 = arith.addi %mul3A_848, %add3A_933 : i32
      %add3A_935 = vector.broadcast %add3A_934 : i32 to vector<16xi32>
      %add3A_936 = arith.addi %iota3A, %add3A_935 : vector<16xi32>
      %gather3A_937 = tpu.vector_load_idx %arg13[%add3A_936] : memref<2176xf32, #tpu.memory_space<vmem>>[vector<16xi32>], vector<16xf32>,
      %add3A_938 = arith.addf %add3A_932, %gather3A_937 : vector<16xf32>
      %add3A_939 = arith.constant 255 : i32
      %add3A_940 = arith.addi %mul3A_848, %add3A_939 : i32
      %add3A_941 = vector.broadcast %add3A_940 : i32 to vector<16xi32>
      %add3A_942 = arith.addi %iota3A, %add3A_941 : vector<16xi32>
      %gather3A_943 = tpu.vector_load_idx %arg13[%add3A_942] : memref<2176xf32, #tpu.memory_space<vmem>>[vector<16xi32>], vector<16xf32>,
      %add3A_944 = arith.addf %add3A_938, %gather3A_943 : vector<16xf32>
      %sub3A = arith.constant 1.200000e+01 : f32
      %sub3A_945 = vector.broadcast %sub3A : f32 to vector<16xf32>
      %sub3A_946 = arith.subf %sub3A_945, %add3A_944 : vector<16xf32>
      %mul3A_947 = arith.constant 16 : i32
      %mul3A_948 = arith.muli %scan3A_846, %mul3A_947 : i32
      %add3A_949 = arith.constant 480 : i32
      %add3A_950 = arith.addi %add3A_949, %mul3A_948 : i32
      %swap3A = arith.index_cast %add3A_950 : i32 to index
      %swap3A_951 = tpu.vector_load %arg14[%swap3A] {strides = array<i32>} : memref<512xf32, #tpu.memory_space<vmem>>, vector<16xf32>,
      tpu.vector_store %arg14[%swap3A], %sub3A_946 {strides = array<i32>} : memref<512xf32, #tpu.memory_space<vmem>>, vector<16xf32>,
    }
    %scan3A_845 = arith.constant 2 : i32
    "tpu.region"() ({
      %run_scoped3A = tpu.sem_alloc : memref<!tpu.dma_semaphore, #tpu.memory_space<semaphore_mem>>
      %dma_start3A_846 = tpu.memref_slice %arg7[%multiple_of3A] : memref<16384xf32, #tpu.memory_space<hbm>> -> memref<512xf32, #tpu.memory_space<hbm>>
      %dma_start3A_847 = tpu.memref_slice %arg7[%multiple_of3A] : memref<16384xf32, #tpu.memory_space<hbm>> -> memref<512xf32, #tpu.memory_space<hbm>>
      tpu.enqueue_dma source(%arg14 : memref<512xf32, #tpu.memory_space<vmem>>) target(%dma_start3A_847 : memref<512xf32, #tpu.memory_space<hbm>>) target_semaphore(%run_scoped3A : memref<!tpu.dma_semaphore, #tpu.memory_space<semaphore_mem>>)
      %dma_wait3A_848 = tpu.memref_slice %arg7[%multiple_of3A] : memref<16384xf32, #tpu.memory_space<hbm>> -> memref<512xf32, #tpu.memory_space<hbm>>
      %dma_wait3A_849 = tpu.memref_slice %arg7[%multiple_of3A] : memref<16384xf32, #tpu.memory_space<hbm>> -> memref<512xf32, #tpu.memory_space<hbm>>
      tpu.wait_dma2 semaphore(%run_scoped3A : memref<!tpu.dma_semaphore, #tpu.memory_space<semaphore_mem>>) src(%arg14 : memref<512xf32, #tpu.memory_space<vmem>>) dst(%dma_wait3A_849 : memref<512xf32, #tpu.memory_space<hbm>>)
      tpu.yield
    }) : () -> ()
    return
  }
}

</mosaic_0001>

<sc_bundles>
// kernel: kernel.3.cloned.1.call-start
scs
__scs_entry_jumppad:
0x0: {  	(pc) =	sbr.rel $0x88, $3  }
0x1: {  	(tag) =	ssettag $0x0;
	lr =	simm.s32 $0x1  }
0x2: {  	[smem:$0x3F9E] =	sst lr;
	_ =	strace $0xD0000000  }
0x3: {  	_ = 	snop  }
0x4: {  	_ = 	snop  }
0x5: {  	_ = 	snop  }
0x6: {  	_ = 	snop  }
0x7: {  	_ = 	snop  }
__scs_overlays_trampoline_lowered:
0x8: {  	[smem:$0x3FAD] =	sst s0  }
0x9: {  	[smem:$0x3FAE] =	sst s1  }
0xa: {  	[smem:$0x3FAF] =	sst s2  }
0xb: {  	[smem:$0x3FB0] =	sst s3  }
0xc: {  	[smem:$0x3FB1] =	sst s4  }
0xd: {  	[smem:$0x3FB2] =	sst s5  }
0xe: {  	[smem:$0x3FB3] =	sst s6  }
0xf: {  	[smem:$0x3FB4] =	sst s7  }
0x10: {  	[smem:$0x3FB5] =	sst s8  }
0x11: {  	[smem:$0x3FB6] =	sst s9;
	s0 =	simm.s32 @!p0 $0x0  }
0x12: {  	s1 =	sld [smem:$0x3F9C];
	s0 =	simm.s32 @p0 $0x1  }
0x13: {  	[smem:$0x3FB7] =	sst s0;
	s0 =	simm.s32 @!p1 $0x0  }
0x14: {  	s2 =	sld [smem:$0x3F9B];
	s0 =	simm.s32 @p1 $0x1  }
0x15: {  	[smem:$0x3FB8] =	sst s0;
	s0 =	simm.s32 @!p2 $0x0  }
0x16: {  	s3 =	sld [smem:$0x3FDB];
	s0 =	simm.s32 @p2 $0x1  }
0x17: {  	s4 =	simm.s32 $0x1BF5;
	[smem:$0x3FBA] =	sst s0  }
0x18: {  	s0 =	sld [smem:$0x3F9D];
	_ =	swait.ge [sflag:s4], $0x0  }
0x19: {  	s7 =	sld [smem:$0x3F9E]  }
0x1a: {  	s8 =	sadd.s32 $0xFFFFE003, lr  }
0x1b: {  	s9 =	sadd.s32 $0xFFFFFEF7, lr;
	s5 =	simm.s32 $0xFFFFFFFF;
	p2 =	slt.u32 s8, $0xFFFFF086  }
0x1c: {  	p1 =	slt.u32 s9, $0xF7A;
	s5 =	simm.s32 @!p2 $0x0  }
0x1d: {  	s5 =	simm.s32 @p1 $0x1;
	p0 =	seq.s32 s7, s2  }
0x1e: {  	s7 =	smul.u32 @!p0 $0xF7A, s2;
	p2 =	seq.s32 @!p0 s5, $0x0  }
0x1f: {  	s9 =	smul.u32 $0xF7A, s1;
	s8 =	simm.s32 @!p0 $0x1BF5;
	p2 =	por !p2, p0  }
0x20: {  	[sflag:s8] =	ssyncset.s32 @!p0 $0xFFFFF086;
	s6 =	sadd.s32 @!p0 s3, s7;
	s7 =	simm.s32 @!p0 $0x108  }
0x21: {  	s3 =	sadd.s32 s3, s9;
	s6 =	sadd.s32 @!p0 $0x88, s6;
	s7 =	simm.s32 @p2 $0x1082  }
0x22: {  	[simem:s7], [sflag:s8] =	dma.local @!p0 [hbm:s6], $0xF7A  }
0x23: {  	s9 =	sor.u32 $0xD0000000, s2;
	s6 =	simm.s32 $0x108;
	_ =	swait.ge @!p0 [sflag:s8], $0x0  }
0x24: {  	s3 =	sadd.s32 $0x88, s3;
	s6 =	simm.s32 @!p1 $0x1082;
	[sflag:s4] =	ssyncset.s32 $0xFFFFF086  }
0x25: {  	[simem:s6], [sflag:s4] =	dma.local [hbm:s3], $0xF7A  }
0x26: {  	[smem:$0x3F9E] =	sst s1;
	(tag) =	ssettag s2;
	_ =	strace s9  }
0x27: {  	s1 =	sld [smem:$0x3FAE]  }
0x28: {  	s2 =	sld [smem:$0x3FAF]  }
0x29: {  	s4 =	sld [smem:$0x3FB1]  }
0x2a: {  	p0 =	seq.s32 s5, $0x0;
	s5 =	sld [smem:$0x3FB2]  }
0x2b: {  	s6 =	sld [smem:$0x3FB3]  }
0x2c: {  	s7 =	sld [smem:$0x3FB4]  }
0x2d: {  	s3 =	simm.s32 $0x108;
	s8 =	sld [smem:$0x3FB5]  }
0x2e: {  	s3 =	simm.s32 @!p0 $0x1082;
	s9 =	sld [smem:$0x3FB6]  }
0x2f: {  	lr =	sadd.s32 s0, s3;
	s0 =	sld [smem:$0x3FAD]  }
0x30: {  	s3 =	sld [smem:$0x3FB0]  }
0x31: {  	[smem:$0x3FB9] =	sst s10  }
0x32: {  	s10 =	sld [smem:$0x3FB7];
	_ =	sdelay $0x3  }
0x33: {  	p0 =	seq.s32 s10, $0x1;
	s10 =	sld [smem:$0x3FB9];
	_ =	sdelay $0x3  }
0x34: {  	[smem:$0x3FB9] =	sst s10  }
0x35: {  	s10 =	sld [smem:$0x3FB8];
	_ =	sdelay $0x3  }
0x36: {  	p1 =	seq.s32 s10, $0x1;
	s10 =	sld [smem:$0x3FB9];
	_ =	sdelay $0x3  }
0x37: {  	[smem:$0x3FB9] =	sst s10  }
0x38: {  	s10 =	sld [smem:$0x3FBA]  }
0x39: {  	_ = 	snop;
	(pc) =	sbr.ind lr, $3  }
0x3a: {  	_ = 	snop  }
0x3b: {  	_ = 	snop  }
0x3c: {  	p2 =	seq.s32 s10, $0x1;
	s10 =	sld [smem:$0x3FB9]  }
0x3d: {  	_ =	shalt  }
0x3e: {  	_ =	shalt  }
0x3f: {  	_ =	shalt  }
0x40: {  	_ =	shalt  }
0x41: {  	_ =	shalt  }
0x42: {  	_ =	shalt  }
0x43: {  	_ =	shalt  }
0x44: {  	_ =	shalt  }
0x45: {  	_ =	shalt  }
0x46: {  	_ =	shalt  }
0x47: {  	_ =	shalt  }
0x48: {  	_ =	shalt  }
0x49: {  	_ =	shalt  }
0x4a: {  	_ =	shalt  }
0x4b: {  	_ =	shalt  }
0x4c: {  	_ =	shalt  }
0x4d: {  	_ =	shalt  }
0x4e: {  	_ =	shalt  }
0x4f: {  	_ =	shalt  }
0x50: {  	_ =	shalt  }
0x51: {  	_ =	shalt  }
0x52: {  	_ =	shalt  }
0x53: {  	_ =	shalt  }
0x54: {  	_ =	shalt  }
0x55: {  	_ =	shalt  }
0x56: {  	_ =	shalt  }
0x57: {  	_ =	shalt  }
0x58: {  	_ =	shalt  }
0x59: {  	_ =	shalt  }
0x5a: {  	_ =	shalt  }
0x5b: {  	_ =	shalt  }
0x5c: {  	_ =	shalt  }
0x5d: {  	_ =	shalt  }
0x5e: {  	_ =	shalt  }
0x5f: {  	_ =	shalt  }
0x60: {  	_ =	shalt  }
0x61: {  	_ =	shalt  }
0x62: {  	_ =	shalt  }
0x63: {  	_ =	shalt  }
0x64: {  	_ =	shalt  }
0x65: {  	_ =	shalt  }
0x66: {  	_ =	shalt  }
0x67: {  	_ =	shalt  }
0x68: {  	_ =	shalt  }
0x69: {  	_ =	shalt  }
0x6a: {  	_ =	shalt  }
0x6b: {  	_ =	shalt  }
0x6c: {  	_ =	shalt  }
0x6d: {  	_ =	shalt  }
0x6e: {  	_ =	shalt  }
0x6f: {  	_ =	shalt  }
0x70: {  	_ =	shalt  }
0x71: {  	_ =	shalt  }
0x72: {  	_ =	shalt  }
0x73: {  	_ =	shalt  }
0x74: {  	_ =	shalt  }
0x75: {  	_ =	shalt  }
0x76: {  	_ =	shalt  }
0x77: {  	_ =	shalt  }
0x78: {  	_ =	shalt  }
0x79: {  	_ =	shalt  }
0x7a: {  	_ =	shalt  }
0x7b: {  	_ =	shalt  }
0x7c: {  	_ =	shalt  }
0x7d: {  	_ =	shalt  }
0x7e: {  	_ =	shalt  }
0x7f: {  	_ =	shalt  }
0x80: {  	_ =	shalt  }
0x81: {  	_ =	shalt  }
0x82: {  	_ =	shalt  }
0x83: {  	_ =	shalt  }
0x84: {  	_ =	shalt  }
0x85: {  	_ =	shalt  }
0x86: {  	_ =	shalt  }
0x87: {  	_ =	shalt  }
.Lfunc_end0:
.L_simem_size_0:
called_computation_lowered:
.L_overlay_start_0:
0x88: {  	s2 =	sld [smem:$0x3FD9]  }
0x89: {  	s3 =	sld [smem:$0x3FFE];
	_ =	sdelay $0x1  }
0x8a: {  	s1 =	srdreg.scid  }
0x8b: {  	s0 =	sand.u32 $0x1, s1  }
0x8c: {  	s17 =	sshll.u32 s0, $0xA;
	s2 =	sadd.s32 s3, s2  }
0x8d: {  	s2 =	sadd.s32 s2, s17  }
0x8e: {  	[smem:$0x3FC5] =	sst s2  }
0x8f: {  	_ = 	snop  }
0x90: {  	s2 =	sld [smem:$0x3FC8]  }
0x91: {  	s18 =	sld [smem:$0x3FC7]  }
0x92: {  	s4 =	sld [smem:$0x3FD0];
	(tm) =	ssettm $0x1  }
0x93: {  	s5 =	sld [smem:$0x3FFB];
	_ =	sdelay $0x3  }
0x94: {  	_ =	strace s5  }
0x95: {  	s5 =	sld [smem:$0x3FFC];
	_ =	sdelay $0x3  }
0x96: {  	_ =	strace s5  }
0x97: {  	s5 =	sld [smem:$0x3FFD];
	_ =	sdelay $0x3  }
0x98: {  	_ =	strace s5  }
0x99: {  	_ =	strace $0x8FFFFFFF  }
0x9a: {  	s19 =	sld [smem:$0x3FDB];
	_ =	sdelay $0x1  }
0x9b: {  	s6 =	simm.s32 $_scs_section_size  }
0x9c: {  	s7 =	simm.s32 $_size__tile_overlayer_lowered;
	s8 =	simm.s32 $_tile_overlayer_lowered  }
0x9d: {  	s22 =	simm.s32 $0x1BFF;
	s21 =	sshll.u32 s8, $0x1;
	s5 =	sadd.s32 s6, s19  }
0x9e: {  	s9 =	simm.s32 $0x0;
	s20 =	sshll.u32 s7, $0x1;
	s7 =	sadd.s32 s21, s5  }
0x9f: {  	[timem:s9], [sflag:s22] =	dma.local [hbm:s7], s20  }
0xa0: {  	_ =	swait.ge [sflag:s22], s20  }
0xa1: {  	s6 =	ssub.s32 $0x0, s20;
	[sflag:s22] =	ssyncset.done $0x0  }
0xa2: {  	[sflag:s22] =	ssyncadd.s32 s6;
	_ =	sdelay $0x1  }
0xa3: {  	s23 =	simm.s32 $0x1B8B  }
0xa4: {  	_ =	swait.ge [sflag:s23], $0x1  }
0xa5: {  	[sflag:s23] =	ssyncset.done $0x0  }
0xa6: {  	s25 =	simm.s32 $0x1B8E;
	s24 =	sld [smem:$0x3FFE];
	[sflag:s23] =	ssyncadd.s32 $0xFFFFFFFF  }
0xa7: {  	s26 =	simm.s32 $execute0_lowered;
	[smem:$0x3FD2] =	sst s25  }
0xa8: {  	s7 =	sshll.u32 s26, $0x1;
	_ =	strace $0x80000046;
	[dreg:$0x1] =	wrdreg $0xFFFFFFFF  }
0xa9: {  	s28 =	simm.s32 $_size_execute0_lowered;
	s5 =	sadd.s32 s5, s7;
	[dreg:$0x0] =	wrdreg $0x0  }
0xaa: {  	s7 =	sshll.u32 s28, $0x1;
	[dreg:$0x2] =	wrdreg s5  }
0xab: {  	[dreg:$0x3] =	wrdreg s7  }
0xac: {  	[dreg:$0x4] =	wrdreg $0xC0  }
0xad: {  	_ =	task [dreg:s9], $0x5FFFF  }
0xae: {  	[dreg:$0x1] =	wrdreg $0xFFFFFFFF  }
0xaf: {  	[dreg:$0x0] =	wrdreg $0x60  }
0xb0: {  	[dreg:$0x2] =	wrdreg s24  }
0xb1: {  	[dreg:$0x3] =	wrdreg s2  }
0xb2: {  	[dreg:$0x4] =	wrdreg s18  }
0xb3: {  	[dreg:$0x5] =	wrdreg s4  }
0xb4: {  	[dreg:$0x6] =	wrdreg $0x9  }
0xb5: {  	_ =	task.clear_ibuf [dreg:s9], $0x7FFFF;
	_ =	strace $0x90000046  }
0xb6: {  	s29 =	simm.s32 $0x9;
	_ =	strace $0x80000048  }
0xb7: {  	_ =	swait.ge [sflag:s29], $0x1  }
0xb8: {  	[sflag:s29] =	ssyncadd.s32 $0xFFFFFFFF  }
0xb9: {  	_ =	strace $0x90000048  }
0xba: {  	_ =	sfence  }
0xbb: {  	s30 =	sld [smem:$0x0];
	_ =	sdelay $0x2  }
0xbc: {  	s31 =	sshll.u32 s1, $0xD;
	s1 =	sshrl.u32 s1, $0x2  }
0xbd: {  	s3 =	sand.u32 $0x4000, s31;
	s1 =	sadd.s32 s1, s30  }
0xbe: {  	s0 =	sor.u32 s3, s0;
	s1 =	sshll.u32 s1, $0x11  }
0xbf: {  	s0 =	sor.u32 s1, s0  }
0xc0: {  	s0 =	sadd.s32 $0x8F2B, s0  }
0xc1: {  	[sflag:s0] =	ssyncadd.remote.s32 $0x1  }
0xc2: {  	_ =	sfence.sel $0xFFFF  }
0xc3: {  	[dreg:$0x0] =	wrdreg $0xFFFFFFFF;
	(pc) =	sbr.abs _section_cstart, $3  }
0xc4: {  	[dreg:$0x1] =	wrdreg $0xFFFFFFFF  }
0xc5: {  	_ =	task.clear_ibuf [dreg:s9], $0x2FFFF;
	_ =	strace $0x9FFFFFFF  }
0xc6: {  	(tm) =	ssettm $0x7FFFFFFF  }
0xc7: {  	_ =	shalt  }
tec
execute0_lowered:
.L_overlay_start_1:
0x0: {  	(tag) =	ssettag $0x1  }
0x1: {  	s0 =	rddreg [dreg:$0x0]  }
0x2: {  	s1 =	rddreg [dreg:$0x1]  }
0x3: {  	s2 =	rddreg [dreg:$0x2]  }
0x4: {  	s4 =	rddreg [dreg:$0x3];
	s3 =	simm.s32 $0x0;
	s5 =	srdreg.scid  }
0x5: {  	s8 =	stileid.u32;
	s28 =	simm.s32 $0x80;
	s5 =	sand.u32 $0x1, s5  }
0x6: {  	s8 =	sshll.u32 s8, $0x7;
	s7 =	ssub.s32 $0x2, s5;
	s5 =	sshll.u32 s5, $0x6  }
0x7: {  	[smem:$0x7FF] =	sst s3;
	s6 =	sadd.s32 $0x1600, s0;
	s5 =	sor.u32 s5, s8  }
0x8: {  	s9 =	sadd.s32 $0xE00, s0;
	_ =	strace $0x80000047;
	s12 =	sadd.s32 s6, s5  }
0x9: {  	s8 =	sor.u32 $0x4, s5;
	s13 =	sadd.s32 s9, s5;
	[dreg:$0x5] =	wrdreg s12  }
0xa: {  	s29 =	simm.s32 $0x1;
	[dreg:$0x6] =	wrdreg s13;
	s14 =	sadd.s32 s6, s8  }
0xb: {  	s0 =	sadd.s32 $0x600, s0;
	s15 =	sadd.s32 s9, s8;
	[dreg:$0x7] =	wrdreg s14  }
0xc: {  	s16 =	sor.u32 $0x10, s5;
	s8 =	sadd.s32 s0, s8;
	[dreg:$0x8] =	wrdreg s15  }
0xd: {  	s30 =	simm.s32 $0x20;
	s17 =	sadd.s32 s6, s16;
	[dreg:$0x9] =	wrdreg s8  }
0xe: {  	s19 =	sor.u32 $0x20, s5;
	s18 =	sadd.s32 s9, s16;
	[dreg:$0xa] =	wrdreg s17  }
0xf: {  	s10 =	sshrl.u32 s7, $0x1;
	s20 =	sadd.s32 s6, s19;
	[dreg:$0xb] =	wrdreg s18  }
0x10: {  	s7 =	ssub.s32 s7, s10;
	s11 =	sadd.s32 s9, s19;
	[dreg:$0xd] =	wrdreg s20  }
0x11: {  	s21 =	sor.u32 $0x30, s5;
	s10 =	sadd.s32 s0, s19;
	[dreg:$0xe] =	wrdreg s11  }
0x12: {  	s31 =	simm.s32 $0xC00;
	s22 =	sadd.s32 s6, s21;
	[dreg:$0xf] =	wrdreg s10  }
0x13: {  	s24 =	sor.u32 $0x3C, s5;
	s23 =	sadd.s32 s9, s21;
	[dreg:$0x10] =	wrdreg s22  }
0x14: {  	s6 =	sadd.s32 s6, s24;
	s25 =	sadd.s32 s9, s24;
	[dreg:$0x11] =	wrdreg s23  }
0x15: {  	s26 =	sadd.s32 s0, s24;
	s24 =	smax.u32 s7, $0x1;
	[dreg:$0x13] =	wrdreg s6  }
0x16: {  	s7 =	simm.s32 $0x8C00;
	s9 =	simm.s32 $0x4;
	[dreg:$0x14] =	wrdreg s25  }
0x17: {  	s12 =	simm.s32 $0x0;
	s8 =	sadd.s32 s0, s16;
	[dreg:$0x15] =	wrdreg s26  }
0x18: {  	s22 =	sadd.s32 s0, s5;
	s23 =	sadd.s32 s4, s5;
	s25 =	simm.s32 $0x60  }
0x19: {  	s26 =	simm.s32 $0x4C00;
	s4 =	simm.s32 $0x5;
	s5 =	simm.s32 $0x3  }
0x1a: {  	v0 =	vlaneseq.u32;
	s6 =	simm.s32 $0x18C00;
	s11 =	simm.s32 $0x7;
	s10 =	simm.s32 $0x8  }
0x1b: {  	v1 =	vmul.u32 $0x11, v0;
	[dreg:$0xc] =	wrdreg s8;
	s8 =	sadd.s32 s0, s21;
	s21 =	simm.s32 $0x280  }
0x1c: {  	s0 =	simm.s32 $0x2;
	[dreg:$0x12] =	wrdreg s8;
	s8 =	simm.s32 $0x6  }
.LBB2_1:
0x1d: {  	s13 =	rddreg [dreg:$0x5]  }
0x1e: {  	[tilespmem:s3], [sflag:$0x1] =	stream.linear.gather [hbm4b:s13+s3], $0x20, $0x38;
	[tilespmem:$0x19680] =	vst v63  }
0x1f: {  	s16 =	rddreg [dreg:$0x6];
	s14 =	simm.s32 $0x400  }
0x20: {  	[tilespmem:s14], [sflag:$0x1] =	stream.linear.gather [hbm4b:s16+s3], $0x20, $0x38;
	[tilespmem:$0x19680] =	vst v63  }
0x21: {  	s15 =	simm.s32 $0x800  }
0x22: {  	[tilespmem:s15], [sflag:$0x1] =	stream.linear.gather [hbm4b:s22+s3], $0x20, $0x38;
	[tilespmem:$0x19680] =	vst v63  }
0x23: {  	s17 =	rddreg [dreg:$0x7]  }
0x24: {  	[tilespmem:s28], [sflag:$0x1] =	stream.linear.gather [hbm4b:s17+s3], $0x60, $0x38;
	[tilespmem:$0x19680] =	vst v63  }
0x25: {  	s18 =	rddreg [dreg:$0x8];
	s16 =	simm.s32 $0x480  }
0x26: {  	[tilespmem:s16], [sflag:$0x1] =	stream.linear.gather [hbm4b:s18+s3], $0x60, $0x38;
	[tilespmem:$0x19680] =	vst v63  }
0x27: {  	s19 =	rddreg [dreg:$0x9];
	s17 =	simm.s32 $0x880  }
0x28: {  	[tilespmem:s17], [sflag:$0x1] =	stream.linear.gather [hbm4b:s19+s3], $0x60, $0x38;
	[tilespmem:$0x19680] =	vst v63  }
0x29: {  	s20 =	rddreg [dreg:$0xa];
	s18 =	simm.s32 $0x100  }
0x2a: {  	[tilespmem:s18], [sflag:$0x1] =	stream.linear.gather [hbm4b:s20+s3], $0x80, $0x38;
	[tilespmem:$0x19680] =	vst v63  }
0x2b: {  	s19 =	rddreg [dreg:$0xb];
	s18 =	simm.s32 $0x500  }
0x2c: {  	[tilespmem:s18], [sflag:$0x1] =	stream.linear.gather [hbm4b:s19+s3], $0x80, $0x38;
	[tilespmem:$0x19680] =	vst v63  }
0x2d: {  	s20 =	rddreg [dreg:$0xc];
	s19 =	simm.s32 $0x900  }
0x2e: {  	[tilespmem:s19], [sflag:$0x1] =	stream.linear.gather [hbm4b:s20+s3], $0x80, $0x38;
	[tilespmem:$0x19680] =	vst v63  }
0x2f: {  	s19 =	rddreg [dreg:$0xd];
	s20 =	simm.s32 $0x180  }
0x30: {  	[tilespmem:s20], [sflag:$0x1] =	stream.linear.gather [hbm4b:s19+s3], $0x80, $0x38;
	[tilespmem:$0x19680] =	vst v63  }
0x31: {  	s19 =	rddreg [dreg:$0xe];
	s20 =	simm.s32 $0x580  }
0x32: {  	[tilespmem:s20], [sflag:$0x1] =	stream.linear.gather [hbm4b:s19+s3], $0x80, $0x38;
	[tilespmem:$0x19680] =	vst v63  }
0x33: {  	s19 =	rddreg [dreg:$0xf];
	s20 =	simm.s32 $0x980  }
0x34: {  	[tilespmem:s20], [sflag:$0x1] =	stream.linear.gather [hbm4b:s19+s3], $0x80, $0x38;
	[tilespmem:$0x19680] =	vst v63  }
0x35: {  	s19 =	rddreg [dreg:$0x10];
	s20 =	simm.s32 $0x200  }
0x36: {  	[tilespmem:s20], [sflag:$0x1] =	stream.linear.gather [hbm4b:s19+s3], $0x60, $0x38;
	[tilespmem:$0x19680] =	vst v63  }
0x37: {  	s19 =	rddreg [dreg:$0x11];
	s20 =	simm.s32 $0x600  }
0x38: {  	[tilespmem:s20], [sflag:$0x1] =	stream.linear.gather [hbm4b:s19+s3], $0x60, $0x38;
	[tilespmem:$0x19680] =	vst v63  }
0x39: {  	s19 =	rddreg [dreg:$0x12];
	s20 =	simm.s32 $0xA00  }
0x3a: {  	[tilespmem:s20], [sflag:$0x1] =	stream.linear.gather [hbm4b:s19+s3], $0x60, $0x38;
	[tilespmem:$0x19680] =	vst v63  }
0x3b: {  	s19 =	rddreg [dreg:$0x13]  }
0x3c: {  	[tilespmem:s21], [sflag:$0x1] =	stream.linear.gather [hbm4b:s19+s3], $0x20, $0x38;
	[tilespmem:$0x19680] =	vst v63  }
0x3d: {  	s20 =	rddreg [dreg:$0x14];
	s21 =	simm.s32 $0x680  }
0x3e: {  	[tilespmem:s21], [sflag:$0x1] =	stream.linear.gather [hbm4b:s20+s3], $0x20, $0x38;
	[tilespmem:$0x19680] =	vst v63  }
0x3f: {  	s20 =	rddreg [dreg:$0x15];
	s21 =	simm.s32 $0xA80  }
0x40: {  	[tilespmem:s21], [sflag:$0x1] =	stream.linear.gather [hbm4b:s20+s3], $0x20, $0x38;
	[tilespmem:$0x19680] =	vst v63  }
0x41: {  	_ =	swait.ge [sflag:s29], $0x20  }
0x42: {  	[sflag:s29] =	ssyncset.done $0x0  }
0x43: {  	[sflag:s29] =	ssyncadd.s32 $0xFFFFFFE0  }
0x44: {  	_ =	swait.ge [sflag:s29], $0x20  }
0x45: {  	[sflag:s29] =	ssyncset.done $0x0  }
0x46: {  	[sflag:s29] =	ssyncadd.s32 $0xFFFFFFE0  }
0x47: {  	_ =	swait.ge [sflag:s29], $0x20  }
0x48: {  	[sflag:s29] =	ssyncset.done $0x0  }
0x49: {  	[sflag:s29] =	ssyncadd.s32 $0xFFFFFFE0  }
0x4a: {  	[tilespmem:s31], [sflag:$0x2] =	stream.indirect.gather [hbm4b:s2+s30], $0x80, s14, s30, $0xb8;
	[tilespmem:$0x19680] =	vst v63  }
0x4b: {  	_ =	swait.ge [sflag:s0], $0x1000  }
0x4c: {  	[sflag:s0] =	ssyncset.done $0x0  }
0x4d: {  	[sflag:s0] =	ssyncadd.s32 $0xFFFFF000  }
0x4e: {  	[tilespmem:s31], [sflag:$0x5] =	stream.indirect.gather.add.f32 [hbm:s1], $0x80, s3, s30, $0xb8;
	[tilespmem:$0x19680] =	vst v63  }
0x4f: {  	s14 =	simm.s32 $0xCC00  }
0x50: {  	[tilespmem:s14], [sflag:$0x5] =	stream.indirect.gather [hbm4b:s1+s30], $0x80, s15, s30, $0xb8;
	[tilespmem:$0x19680] =	vst v63  }
0x51: {  	_ =	swait.ge [sflag:s29], $0x60  }
0x52: {  	[sflag:s29] =	ssyncset.done $0x0  }
0x53: {  	[sflag:s29] =	ssyncadd.s32 $0xFFFFFFA0  }
0x54: {  	_ =	swait.ge [sflag:s29], $0x60  }
0x55: {  	[sflag:s29] =	ssyncset.done $0x0  }
0x56: {  	[sflag:s29] =	ssyncadd.s32 $0xFFFFFFA0  }
0x57: {  	_ =	swait.ge [sflag:s29], $0x60  }
0x58: {  	[sflag:s29] =	ssyncset.done $0x0  }
0x59: {  	[sflag:s29] =	ssyncadd.s32 $0xFFFFFFA0  }
0x5a: {  	[tilespmem:s26], [sflag:$0x3] =	stream.indirect.gather [hbm4b:s2+s25], $0x80, s16, s25, $0xb8;
	[tilespmem:$0x19680] =	vst v63  }
0x5b: {  	_ =	swait.ge [sflag:s4], $0x1000  }
0x5c: {  	[sflag:s4] =	ssyncset.done $0x0  }
0x5d: {  	[sflag:s4] =	ssyncadd.s32 $0xFFFFF000  }
0x5e: {  	_ =	swait.ge [sflag:s4], $0x1000  }
0x5f: {  	[sflag:s4] =	ssyncset.done $0x0  }
0x60: {  	[sflag:s4] =	ssyncadd.s32 $0xFFFFF000  }
0x61: {  	_ =	swait.ge [sflag:s5], $0x3000  }
0x62: {  	[sflag:s5] =	ssyncset.done $0x0  }
0x63: {  	[sflag:s5] =	ssyncadd.s32 $0xFFFFD000  }
0x64: {  	[tilespmem:s26], [sflag:$0x6] =	stream.indirect.gather.add.f32 [hbm:s1], $0x80, s28, s25, $0xb8;
	[tilespmem:$0x19680] =	vst v63  }
0x65: {  	s19 =	simm.s32 $0x10C00  }
0x66: {  	[tilespmem:s19], [sflag:$0x6] =	stream.indirect.gather [hbm4b:s1+s25], $0x80, s17, s25, $0xb8;
	[tilespmem:$0x19680] =	vst v63  }
0x67: {  	_ =	swait.ge [sflag:s29], $0x80  }
0x68: {  	[sflag:s29] =	ssyncset.done $0x0  }
0x69: {  	[sflag:s29] =	ssyncadd.s32 $0xFFFFFF80  }
0x6a: {  	_ =	swait.ge [sflag:s29], $0x80  }
0x6b: {  	[sflag:s29] =	ssyncset.done $0x0  }
0x6c: {  	[sflag:s29] =	ssyncadd.s32 $0xFFFFFF80  }
0x6d: {  	_ =	swait.ge [sflag:s29], $0x80  }
0x6e: {  	[sflag:s29] =	ssyncset.done $0x0  }
0x6f: {  	s13 =	simm.s32 $0xC80;
	[sflag:s29] =	ssyncadd.s32 $0xFFFFFF80  }
0x70: {  	[tilespmem:s7], [sflag:$0x4] =	stream.indirect.gather [hbm4b:s2+s28], $0x80, s18, s28, $0xb8;
	[tilespmem:$0x19680] =	vst v63  }
0x71: {  	v2 =	vld [tilespmem:s13+$0xFFFFFF80]  }
0x72: {  	s14 =	simm.s32 $0xCC80;
	v3 =	vld [tilespmem:s13+$0xFFFFFF90]  }
0x73: {  	v4 =	vld [tilespmem:s14+$0xFFFFFF90]  }
0x74: {  	v5 =	vld [tilespmem:s14+$0xFFFFFF80]  }
0x75: {  	v6 =	vld [tilespmem:s13+$0xFFFFFFA0]  }
0x76: {  	v7 =	vld [tilespmem:s14+$0xFFFFFFA0]  }
0x77: {  	v8 =	vld [tilespmem:s14+$0xFFFFFFB0]  }
0x78: {  	v9 =	vld [tilespmem:s13+$0xFFFFFFB0]  }
0x79: {  	v3 =	vsub.f32 v3, v4;
	v2 =	vsub.f32 v2, v5;
	v4 =	vld [tilespmem:s14+$0xFFFFFFC0]  }
0x7a: {  	v5 =	vld [tilespmem:s13+$0xFFFFFFC0]  }
0x7b: {  	v6 =	vsub.f32 v6, v7;
	v7 =	vld [tilespmem:s14+$0xFFFFFFD0];
	v2 =	vand.u32 $0x7FFFFFFF, v2;
	v3 =	vand.u32 $0x7FFFFFFF, v3  }
0x7c: {  	v2 =	vadd.f32 v3, v2;
	v3 =	vld [tilespmem:s13+$0xFFFFFFD0]  }
0x7d: {  	v8 =	vsub.f32 v9, v8;
	v9 =	vld [tilespmem:s14+$0xFFFFFFE0];
	v6 =	vand.u32 $0x7FFFFFFF, v6  }
0x7e: {  	v2 =	vadd.f32 v6, v2;
	v6 =	vld [tilespmem:s13+$0xFFFFFFE0]  }
0x7f: {  	v8 =	vand.u32 $0x7FFFFFFF, v8;
	v4 =	vsub.f32 v5, v4;
	v5 =	vld [tilespmem:s14+$0xFFFFFFF0]  }
0x80: {  	v2 =	vadd.f32 v8, v2;
	v8 =	vld [tilespmem:s13+$0xFFFFFFF0]  }
0x81: {  	s20 =	simm.s32 $0x0;
	v4 =	vand.u32 $0x7FFFFFFF, v4;
	v3 =	vsub.f32 v3, v7  }
0x82: {  	s18 =	smul.u32 $0x110, s20;
	v2 =	vadd.f32 v4, v2  }
0x83: {  	s21 =	sand.u32 $0xE, s3;
	v3 =	vand.u32 $0x7FFFFFFF, v3;
	v4 =	vsub.f32 v6, v9  }
0x84: {  	s15 =	sor.u32 s21, s18;
	v2 =	vadd.f32 v3, v2  }
0x85: {  	v3 =	vand.u32 $0x7FFFFFFF, v4;
	v4 =	vsub.f32 v8, v5;
	v5 =	vadd.s32 s15, v1  }
0x86: {  	v2 =	vadd.f32 v3, v2  }
0x87: {  	v3 =	vand.u32 $0x7FFFFFFF, v4  }
0x88: {  	v2 =	vadd.f32 v3, v2;
	_ =	sdelay $0x1  }
0x89: {  	[tilespmem:v5+s6+$0x0] =	vst.idx.msk $0xffff, v2  }
0x8a: {  	v2 =	vld [tilespmem:s13+$0x0]  }
0x8b: {  	v3 =	vld [tilespmem:s14+$0x0]  }
0x8c: {  	v4 =	vld [tilespmem:s13+$0x10]  }
0x8d: {  	v5 =	vld [tilespmem:s14+$0x10]  }
0x8e: {  	v6 =	vld [tilespmem:s14+$0x20]  }
0x8f: {  	v7 =	vld [tilespmem:s13+$0x20]  }
0x90: {  	v8 =	vld [tilespmem:s14+$0x30]  }
0x91: {  	v9 =	vld [tilespmem:s13+$0x30]  }
0x92: {  	v10 =	vld [tilespmem:s14+$0x40];
	v2 =	vsub.f32 v2, v3;
	v3 =	vsub.f32 v4, v5  }
0x93: {  	v11 =	vld [tilespmem:s13+$0x40]  }
0x94: {  	v5 =	vsub.f32 v7, v6;
	v4 =	vld [tilespmem:s14+$0x50];
	v2 =	vand.u32 $0x7FFFFFFF, v2;
	v3 =	vand.u32 $0x7FFFFFFF, v3  }
0x95: {  	v7 =	vld [tilespmem:s13+$0x50];
	v3 =	vadd.f32 v3, v2  }
0x96: {  	v6 =	vsub.f32 v9, v8;
	v5 =	vand.u32 $0x7FFFFFFF, v5;
	v2 =	vld [tilespmem:s14+$0x60]  }
0x97: {  	v8 =	vadd.f32 v5, v3;
	v5 =	vld [tilespmem:s13+$0x60]  }
0x98: {  	v6 =	vand.u32 $0x7FFFFFFF, v6;
	v3 =	vld [tilespmem:s14+$0x70]  }
0x99: {  	s16 =	simm.s32 $0x1;
	s17 =	simm.s32 $0x0;
	s15 =	simm.s32 $0x1;
	v9 =	vsub.f32 v11, v10;
	v8 =	vadd.f32 v6, v8;
	v6 =	vld [tilespmem:s13+$0x70]  }
.LBB2_2:
0x9a: {  	s17 =	sadd.s32 $0x2, s17  }
0x9b: {  	v9 =	vand.u32 $0x7FFFFFFF, v9;
	v4 =	vsub.f32 v7, v4;
	s13 =	sadd.s32 $0x100, s13;
	s14 =	sadd.s32 $0x100, s14;
	s19 =	smov.u32 s15  }
0x9c: {  	p0 =	sne.s32 s15, $0xF;
	s15 =	sadd.s32 $0x1, s15;
	s20 =	sadd.s32 $0x1, s17;
	v7 =	vadd.f32 v9, v8  }
0x9d: {  	s21 =	sand.u32 $0xF, s16;
	v4 =	vand.u32 $0x7FFFFFFF, v4;
	v2 =	vsub.f32 v5, v2;
	s16 =	smov.u32 s20  }
0x9e: {  	s18 =	sor.u32 s18, s21;
	v4 =	vadd.f32 v4, v7  }
0x9f: {  	v5 =	vadd.s32 s18, v1;
	v2 =	vand.u32 $0x7FFFFFFF, v2;
	v3 =	vsub.f32 v6, v3  }
0xa0: {  	v2 =	vadd.f32 v2, v4  }
0xa1: {  	v3 =	vand.u32 $0x7FFFFFFF, v3  }
0xa2: {  	v2 =	vadd.f32 v3, v2;
	_ =	sdelay $0x1  }
0xa3: {  	[tilespmem:v5+s6+$0x0] =	vst.idx.msk $0xffff, v2  }
0xa4: {  	v2 =	vld [tilespmem:s13+$0xFFFFFF80]  }
0xa5: {  	v3 =	vld [tilespmem:s13+$0xFFFFFF90]  }
0xa6: {  	v4 =	vld [tilespmem:s14+$0xFFFFFF90]  }
0xa7: {  	v5 =	vld [tilespmem:s14+$0xFFFFFF80]  }
0xa8: {  	v6 =	vld [tilespmem:s13+$0xFFFFFFA0]  }
0xa9: {  	v7 =	vld [tilespmem:s14+$0xFFFFFFA0]  }
0xaa: {  	v8 =	vld [tilespmem:s14+$0xFFFFFFB0]  }
0xab: {  	v3 =	vsub.f32 v3, v4;
	v4 =	vld [tilespmem:s13+$0xFFFFFFB0]  }
0xac: {  	v2 =	vsub.f32 v2, v5;
	v5 =	vld [tilespmem:s14+$0xFFFFFFC0]  }
0xad: {  	v9 =	vld [tilespmem:s13+$0xFFFFFFC0]  }
0xae: {  	v3 =	vand.u32 $0x7FFFFFFF, v3;
	v2 =	vand.u32 $0x7FFFFFFF, v2;
	v6 =	vsub.f32 v6, v7;
	v7 =	vld [tilespmem:s14+$0xFFFFFFD0]  }
0xaf: {  	v2 =	vadd.f32 v3, v2;
	v3 =	vld [tilespmem:s13+$0xFFFFFFD0]  }
0xb0: {  	v6 =	vand.u32 $0x7FFFFFFF, v6;
	v4 =	vsub.f32 v4, v8;
	v8 =	vld [tilespmem:s14+$0xFFFFFFE0]  }
0xb1: {  	v2 =	vadd.f32 v6, v2;
	v6 =	vld [tilespmem:s13+$0xFFFFFFE0]  }
0xb2: {  	v4 =	vand.u32 $0x7FFFFFFF, v4;
	v5 =	vsub.f32 v9, v5;
	v9 =	vld [tilespmem:s14+$0xFFFFFFF0]  }
0xb3: {  	v2 =	vadd.f32 v4, v2;
	v4 =	vld [tilespmem:s13+$0xFFFFFFF0]  }
0xb4: {  	s18 =	sshrl.u32 s19, $0x3;
	v5 =	vand.u32 $0x7FFFFFFF, v5;
	v3 =	vsub.f32 v3, v7  }
0xb5: {  	s18 =	smul.u32 $0x110, s18;
	v2 =	vadd.f32 v5, v2  }
0xb6: {  	s19 =	sand.u32 $0xE, s17;
	v3 =	vand.u32 $0x7FFFFFFF, v3;
	v5 =	vsub.f32 v6, v8  }
0xb7: {  	s19 =	sor.u32 s19, s18;
	v2 =	vadd.f32 v3, v2  }
0xb8: {  	v3 =	vand.u32 $0x7FFFFFFF, v5;
	v4 =	vsub.f32 v4, v9;
	v5 =	vadd.s32 s19, v1  }
0xb9: {  	v2 =	vadd.f32 v3, v2  }
0xba: {  	v3 =	vand.u32 $0x7FFFFFFF, v4  }
0xbb: {  	v2 =	vadd.f32 v3, v2;
	_ =	sdelay $0x1  }
0xbc: {  	[tilespmem:v5+s6+$0x0] =	vst.idx.msk $0xffff, v2  }
0xbd: {  	v2 =	vld [tilespmem:s13+$0x0]  }
0xbe: {  	v3 =	vld [tilespmem:s14+$0x0]  }
0xbf: {  	v4 =	vld [tilespmem:s13+$0x10]  }
0xc0: {  	v5 =	vld [tilespmem:s14+$0x10]  }
0xc1: {  	v6 =	vld [tilespmem:s14+$0x20]  }
0xc2: {  	v7 =	vld [tilespmem:s13+$0x20]  }
0xc3: {  	v2 =	vsub.f32 v2, v3;
	v3 =	vld [tilespmem:s14+$0x30]  }
0xc4: {  	v8 =	vld [tilespmem:s13+$0x30]  }
0xc5: {  	v2 =	vand.u32 $0x7FFFFFFF, v2;
	v4 =	vsub.f32 v4, v5;
	v9 =	vld [tilespmem:s14+$0x40]  }
0xc6: {  	v10 =	vld [tilespmem:s13+$0x40]  }
0xc7: {  	v5 =	vand.u32 $0x7FFFFFFF, v4;
	v6 =	vsub.f32 v7, v6;
	v4 =	vld [tilespmem:s14+$0x50]  }
.Ltmp0:
0xc8: {  	v5 =	vadd.f32 v5, v2;
	v7 =	vld [tilespmem:s13+$0x50];
	(pc) =	sbr.rel @p0 .LBB2_2-.Ltmp0, $4  }
0xc9: {  	v6 =	vand.u32 $0x7FFFFFFF, v6;
	v3 =	vsub.f32 v8, v3;
	v2 =	vld [tilespmem:s14+$0x60]  }
0xca: {  	v6 =	vadd.f32 v6, v5;
	v5 =	vld [tilespmem:s13+$0x60]  }
0xcb: {  	v8 =	vand.u32 $0x7FFFFFFF, v3;
	v9 =	vsub.f32 v10, v9;
	v3 =	vld [tilespmem:s14+$0x70]  }
0xcc: {  	v8 =	vadd.f32 v8, v6;
	v6 =	vld [tilespmem:s13+$0x70]  }
0xcd: {  	v9 =	vand.u32 $0x7FFFFFFF, v9;
	v4 =	vsub.f32 v7, v4  }
0xce: {  	v62 =	vadd.f32 v9, v8  }
0xcf: {  	s13 =	sand.u32 $0xF, s16;
	v4 =	vand.u32 $0x7FFFFFFF, v4;
	v2 =	vsub.f32 v5, v2  }
0xd0: {  	s13 =	sor.u32 s18, s13;
	v4 =	vadd.f32 v4, v62  }
0xd1: {  	v63 =	vadd.s32 s13, v1;
	v2 =	vand.u32 $0x7FFFFFFF, v2;
	v3 =	vsub.f32 v6, v3  }
0xd2: {  	v2 =	vadd.f32 v2, v4  }
0xd3: {  	v3 =	vand.u32 $0x7FFFFFFF, v3  }
0xd4: {  	v2 =	vadd.f32 v3, v2;
	_ =	sdelay $0x1  }
0xd5: {  	p0 =	por $0x1, $0x1;
	s13 =	simm.s32 $0x0;
	[tilespmem:v63+s6+$0x0] =	vst.idx.msk $0xffff, v2  }
.LBB2_4:
0xd6: {  	s14 =	smul.u32 $0x110, s13;
	_ =	sdelay $0x1  }
0xd7: {  	v2 =	vor.u32 s14, v0  }
0xd8: {  	s15 =	sadd.s32 $0x11, s14  }
0xd9: {  	v3 =	vadd.s32 s15, v0  }
0xda: {  	s20 =	sadd.s32 $0x22, s14  }
0xdb: {  	v4 =	vadd.s32 s20, v0  }
0xdc: {  	s21 =	sadd.s32 $0x33, s14;
	v2 =	vld.idx.msk [tilespmem:v2+s6+$0x0], $0xffff  }
0xdd: {  	v5 =	vadd.s32 s21, v0  }
0xde: {  	s16 =	sadd.s32 $0x44, s14;
	v3 =	vld.idx.msk [tilespmem:v3+s6+$0x0], $0xffff  }
0xdf: {  	v6 =	vadd.s32 s16, v0  }
0xe0: {  	s17 =	sadd.s32 $0x55, s14;
	v4 =	vld.idx.msk [tilespmem:v4+s6+$0x0], $0xffff  }
0xe1: {  	v7 =	vadd.s32 s17, v0;
	v2 =	vadd.f32 $0.0e+00, v2  }
0xe2: {  	s18 =	sadd.s32 $0x66, s14;
	v5 =	vld.idx.msk [tilespmem:v5+s6+$0x0], $0xffff  }
0xe3: {  	v2 =	vadd.f32 v3, v2;
	v3 =	vadd.s32 s18, v0  }
0xe4: {  	s19 =	sadd.s32 $0x77, s14;
	v6 =	vld.idx.msk [tilespmem:v6+s6+$0x0], $0xffff  }
0xe5: {  	v55 =	vadd.s32 s19, v0;
	v2 =	vadd.f32 v4, v2  }
0xe6: {  	s20 =	sadd.s32 $0x88, s14;
	v7 =	vld.idx.msk [tilespmem:v7+s6+$0x0], $0xffff  }
0xe7: {  	v56 =	vadd.s32 s20, v0;
	v2 =	vadd.f32 v5, v2  }
0xe8: {  	s21 =	sadd.s32 $0x99, s14;
	v3 =	vld.idx.msk [tilespmem:v3+s6+$0x0], $0xffff  }
0xe9: {  	v57 =	vadd.s32 s21, v0;
	v2 =	vadd.f32 v6, v2  }
0xea: {  	s16 =	sadd.s32 $0xAA, s14;
	v4 =	vld.idx.msk [tilespmem:v55+s6+$0x0], $0xffff  }
0xeb: {  	v58 =	vadd.s32 s16, v0;
	v2 =	vadd.f32 v7, v2  }
0xec: {  	s17 =	sadd.s32 $0xBB, s14;
	v5 =	vld.idx.msk [tilespmem:v56+s6+$0x0], $0xffff  }
0xed: {  	v2 =	vadd.f32 v3, v2;
	v3 =	vadd.s32 s17, v0  }
0xee: {  	s18 =	sadd.s32 $0xCC, s14;
	v6 =	vld.idx.msk [tilespmem:v57+s6+$0x0], $0xffff  }
0xef: {  	v59 =	vadd.s32 s18, v0;
	v2 =	vadd.f32 v4, v2  }
0xf0: {  	s19 =	sadd.s32 $0xDD, s14;
	v7 =	vld.idx.msk [tilespmem:v58+s6+$0x0], $0xffff  }
0xf1: {  	v60 =	vadd.s32 s19, v0;
	v2 =	vadd.f32 v5, v2  }
0xf2: {  	s20 =	sadd.s32 $0xEE, s14;
	v3 =	vld.idx.msk [tilespmem:v3+s6+$0x0], $0xffff  }
0xf3: {  	v61 =	vadd.s32 s20, v0;
	v2 =	vadd.f32 v6, v2  }
0xf4: {  	s14 =	sadd.s32 $0xFF, s14;
	v4 =	vld.idx.msk [tilespmem:v59+s6+$0x0], $0xffff  }
0xf5: {  	v62 =	vadd.s32 s14, v0;
	v2 =	vadd.f32 v7, v2  }
0xf6: {  	v5 =	vld.idx.msk [tilespmem:v60+s6+$0x0], $0xffff  }
0xf7: {  	v2 =	vadd.f32 v3, v2  }
0xf8: {  	v3 =	vld.idx.msk [tilespmem:v61+s6+$0x0], $0xffff  }
0xf9: {  	v2 =	vadd.f32 v4, v2  }
0xfa: {  	v63 =	vld.idx.msk [tilespmem:v62+s6+$0x0], $0xffff  }
0xfb: {  	v2 =	vadd.f32 v5, v2;
	_ =	sdelay $0x1  }
0xfc: {  	v2 =	vadd.f32 v3, v2  }
0xfd: {  	p1 =	por p0, p0  }
.Ltmp1:
0xfe: {  	v2 =	vadd.f32 v63, v2;
	(pc) =	sbr.rel @p1 .LBB2_4-.Ltmp1, $4  }
0xff: {  	_ = 	snop  }
0x100: {  	s21 =	sshll.u32 s13, $0x4;
	v2 =	vsub.f32 $1.200000000e+01, v2  }
0x101: {  	s13 =	sand.u32 $0x3FFFFFF0, s21  }
0x102: {  	p0 =	por $0x0, $0x0;
	[tilespmem:s13+$0x19480] =	vst v2;
	s13 =	simm.s32 $0x1  }
0x103: {  	_ =	swait.ge [sflag:s8], $0x3000  }
0x104: {  	[sflag:s8] =	ssyncset.done $0x0  }
0x105: {  	[sflag:s8] =	ssyncadd.s32 $0xFFFFD000  }
0x106: {  	_ =	swait.ge [sflag:s8], $0x3000  }
0x107: {  	[sflag:s8] =	ssyncset.done $0x0  }
0x108: {  	[sflag:s8] =	ssyncadd.s32 $0xFFFFD000  }
0x109: {  	_ =	swait.ge [sflag:s9], $0x4000  }
0x10a: {  	[sflag:s9] =	ssyncset.done $0x0  }
0x10b: {  	s13 =	simm.s32 $0x100;
	[sflag:s9] =	ssyncadd.s32 $0xFFFFC000  }
0x10c: {  	[tilespmem:s7], [sflag:$0x7] =	stream.indirect.gather.add.f32 [hbm:s1], $0x80, s13, s28, $0xb8;
	[tilespmem:$0x19680] =	vst v63  }
0x10d: {  	s20 =	simm.s32 $0x900;
	s14 =	simm.s32 $0x14C00  }
0x10e: {  	[tilespmem:s14], [sflag:$0x7] =	stream.indirect.gather [hbm4b:s1+s28], $0x80, s20, s28, $0xb8;
	[tilespmem:$0x19680] =	vst v63  }
0x10f: {  	s14 =	simm.s32 $0x1  }
0x110: {  	_ =	swait.ge [sflag:s14], $0x80  }
0x111: {  	[sflag:s14] =	ssyncset.done $0x0  }
0x112: {  	[sflag:s14] =	ssyncadd.s32 $0xFFFFFF80  }
0x113: {  	_ =	swait.ge [sflag:s14], $0x80  }
0x114: {  	[sflag:s14] =	ssyncset.done $0x0  }
0x115: {  	[sflag:s14] =	ssyncadd.s32 $0xFFFFFF80  }
0x116: {  	_ =	swait.ge [sflag:s14], $0x80  }
0x117: {  	[sflag:s14] =	ssyncset.done $0x0  }
0x118: {  	s21 =	simm.s32 $0x580;
	s13 =	simm.s32 $0x0;
	[sflag:s14] =	ssyncadd.s32 $0xFFFFFF80  }
0x119: {  	[tilespmem:s31], [sflag:$0x2] =	stream.indirect.gather [hbm4b:s2+s28], $0x80, s21, s28, $0xb8;
	[tilespmem:$0x19680] =	vst v63  }
0x11a: {  	v2 =	vld [tilespmem:s13+$0x4C00]  }
0x11b: {  	v3 =	vld [tilespmem:s13+$0x10C10]  }
0x11c: {  	v4 =	vld [tilespmem:s13+$0x4C10]  }
0x11d: {  	v5 =	vld [tilespmem:s13+$0x10C00]  }
0x11e: {  	v6 =	vld [tilespmem:s13+$0x4C20]  }
0x11f: {  	v7 =	vld [tilespmem:s13+$0x10C20]  }
0x120: {  	v8 =	vld [tilespmem:s13+$0x10C30]  }
0x121: {  	v9 =	vld [tilespmem:s13+$0x4C30]  }
0x122: {  	v3 =	vsub.f32 v4, v3;
	v2 =	vsub.f32 v2, v5;
	v4 =	vld [tilespmem:s13+$0x10C40]  }
0x123: {  	v5 =	vld [tilespmem:s13+$0x4C40]  }
0x124: {  	v6 =	vsub.f32 v6, v7;
	v7 =	vld [tilespmem:s13+$0x10C50];
	v2 =	vand.u32 $0x7FFFFFFF, v2;
	v3 =	vand.u32 $0x7FFFFFFF, v3  }
0x125: {  	v2 =	vadd.f32 v3, v2;
	v3 =	vld [tilespmem:s13+$0x4C50]  }
0x126: {  	v8 =	vsub.f32 v9, v8;
	v6 =	vand.u32 $0x7FFFFFFF, v6  }
0x127: {  	v2 =	vadd.f32 v6, v2  }
0x128: {  	v8 =	vand.u32 $0x7FFFFFFF, v8;
	v4 =	vsub.f32 v5, v4  }
0x129: {  	v63 =	vld [tilespmem:s13+$0x10C60];
	v2 =	vadd.f32 v8, v2  }
0x12a: {  	v6 =	vld [tilespmem:s13+$0x4C60];
	v4 =	vand.u32 $0x7FFFFFFF, v4;
	v3 =	vsub.f32 v3, v7  }
0x12b: {  	v4 =	vadd.f32 v4, v2;
	v2 =	vld [tilespmem:s13+$0x10C70]  }
0x12c: {  	v7 =	vand.u32 $0x7FFFFFFF, v3;
	v3 =	vld [tilespmem:s13+$0x4C70]  }
0x12d: {  	s15 =	simm.s32 $0x0  }
0x12e: {  	s16 =	simm.s32 $0x0;
	s17 =	smul.u32 $0x110, s15  }
0x12f: {  	s15 =	simm.s32 $0x0;
	s18 =	sand.u32 $0xE, s16;
	s19 =	sand.u32 $0xF, s14;
	v5 =	vsub.f32 v6, v63  }
0x130: {  	s16 =	simm.s32 $0x400;
	s18 =	sor.u32 s18, s17;
	s17 =	sor.u32 s17, s19;
	v4 =	vadd.f32 v7, v4  }
.LBB2_6:
0x131: {  	p0 =	sne.s32 s16, $0xBC00;
	v5 =	vand.u32 $0x7FFFFFFF, v5;
	v2 =	vsub.f32 v3, v2;
	v3 =	vadd.s32 s18, v1;
	s15 =	sadd.s32 $0x1, s15;
	s14 =	sadd.s32 $0x2, s14  }
0x132: {  	s18 =	smov.u32 s16;
	s16 =	sadd.s32 $0x400, s16;
	v4 =	vadd.f32 v5, v4  }
0x133: {  	v2 =	vand.u32 $0x7FFFFFFF, v2  }
0x134: {  	v2 =	vadd.f32 v2, v4;
	_ =	sdelay $0x1  }
0x135: {  	[tilespmem:v3+s6+$0x0] =	vst.idx.msk $0xffff, v2  }
0x136: {  	v2 =	vld [tilespmem:s13+$0x4C80]  }
0x137: {  	s18 =	sshra.s32 s18, $0x2;
	v3 =	vld [tilespmem:s13+$0x10C80]  }
0x138: {  	v4 =	vld [tilespmem:s13+$0x4CA0]  }
0x139: {  	v5 =	vld [tilespmem:s13+$0x10C90]  }
0x13a: {  	v6 =	vld [tilespmem:s13+$0x4C90]  }
0x13b: {  	v7 =	vld [tilespmem:s13+$0x10CA0]  }
0x13c: {  	v2 =	vsub.f32 v2, v3;
	v3 =	vld [tilespmem:s13+$0x4CB0]  }
0x13d: {  	v8 =	vld [tilespmem:s13+$0x10CB0]  }
0x13e: {  	v9 =	vld [tilespmem:s13+$0x4CC0]  }
0x13f: {  	v5 =	vsub.f32 v6, v5;
	v6 =	vld [tilespmem:s13+$0x10CC0]  }
0x140: {  	v4 =	vsub.f32 v4, v7;
	v7 =	vld [tilespmem:s13+$0x4CD0]  }
0x141: {  	v2 =	vand.u32 $0x7FFFFFFF, v2;
	v5 =	vand.u32 $0x7FFFFFFF, v5;
	v10 =	vld [tilespmem:s13+$0x10CD0]  }
0x142: {  	v2 =	vadd.f32 v5, v2;
	v3 =	vsub.f32 v3, v8;
	v5 =	vld [tilespmem:s13+$0x4CE0]  }
0x143: {  	v4 =	vand.u32 $0x7FFFFFFF, v4;
	v8 =	vld [tilespmem:s13+$0x10CE0]  }
0x144: {  	v2 =	vadd.f32 v4, v2;
	v4 =	vsub.f32 v9, v6;
	v6 =	vld [tilespmem:s13+$0x4CF0]  }
0x145: {  	v3 =	vand.u32 $0x7FFFFFFF, v3;
	v9 =	vld [tilespmem:s13+$0x10CF0];
	s13 =	smov.u32 s18  }
0x146: {  	v2 =	vadd.f32 v3, v2;
	v3 =	vsub.f32 v7, v10  }
0x147: {  	v4 =	vand.u32 $0x7FFFFFFF, v4  }
0x148: {  	v2 =	vadd.f32 v4, v2;
	v4 =	vsub.f32 v5, v8  }
0x149: {  	v3 =	vand.u32 $0x7FFFFFFF, v3  }
0x14a: {  	v2 =	vadd.f32 v3, v2;
	v3 =	vsub.f32 v6, v9  }
0x14b: {  	v5 =	vadd.s32 s17, v1;
	v4 =	vand.u32 $0x7FFFFFFF, v4  }
0x14c: {  	v2 =	vadd.f32 v4, v2  }
0x14d: {  	v3 =	vand.u32 $0x7FFFFFFF, v3  }
0x14e: {  	v2 =	vadd.f32 v3, v2;
	_ =	sdelay $0x1  }
0x14f: {  	[tilespmem:v5+s6+$0x0] =	vst.idx.msk $0xffff, v2  }
0x150: {  	v2 =	vld [tilespmem:s13+$0x4C00]  }
0x151: {  	v3 =	vld [tilespmem:s13+$0x10C10]  }
0x152: {  	v4 =	vld [tilespmem:s13+$0x4C10]  }
0x153: {  	v5 =	vld [tilespmem:s13+$0x10C00]  }
0x154: {  	v6 =	vld [tilespmem:s13+$0x4C20]  }
0x155: {  	v7 =	vld [tilespmem:s13+$0x10C20]  }
0x156: {  	v8 =	vld [tilespmem:s13+$0x10C30]  }
0x157: {  	v3 =	vsub.f32 v4, v3;
	v4 =	vld [tilespmem:s13+$0x4C30]  }
0x158: {  	v2 =	vsub.f32 v2, v5;
	v5 =	vld [tilespmem:s13+$0x10C40]  }
0x159: {  	v9 =	vld [tilespmem:s13+$0x4C40]  }
0x15a: {  	v3 =	vand.u32 $0x7FFFFFFF, v3;
	v2 =	vand.u32 $0x7FFFFFFF, v2;
	v6 =	vsub.f32 v6, v7;
	v7 =	vld [tilespmem:s13+$0x10C50]  }
0x15b: {  	v2 =	vadd.f32 v3, v2;
	v10 =	vld [tilespmem:s13+$0x4C50]  }
0x15c: {  	v3 =	vand.u32 $0x7FFFFFFF, v6;
	v4 =	vsub.f32 v4, v8;
	v6 =	vld [tilespmem:s13+$0x10C60]  }
0x15d: {  	v3 =	vadd.f32 v3, v2;
	v8 =	vld [tilespmem:s13+$0x4C60]  }
0x15e: {  	v4 =	vand.u32 $0x7FFFFFFF, v4;
	v5 =	vsub.f32 v9, v5;
	v2 =	vld [tilespmem:s13+$0x10C70]  }
.Ltmp2:
0x15f: {  	v4 =	vadd.f32 v4, v3;
	v3 =	vld [tilespmem:s13+$0x4C70];
	(pc) =	sbr.rel @p0 .LBB2_6-.Ltmp2, $4  }
0x160: {  	s17 =	sshrl.u32 s15, $0x3;
	v5 =	vand.u32 $0x7FFFFFFF, v5;
	v7 =	vsub.f32 v10, v7  }
0x161: {  	s18 =	sadd.s32 $0xFFFFFFFF, s14;
	s17 =	smul.u32 $0x110, s17;
	v4 =	vadd.f32 v5, v4  }
0x162: {  	s19 =	sand.u32 $0xF, s14;
	s18 =	sand.u32 $0xE, s18;
	v7 =	vand.u32 $0x7FFFFFFF, v7;
	v5 =	vsub.f32 v8, v6  }
0x163: {  	s18 =	sor.u32 s18, s17;
	s17 =	sor.u32 s17, s19;
	v4 =	vadd.f32 v7, v4  }
0x164: {  	v5 =	vand.u32 $0x7FFFFFFF, v5;
	v2 =	vsub.f32 v3, v2;
	v3 =	vadd.s32 s18, v1  }
0x165: {  	v4 =	vadd.f32 v5, v4  }
0x166: {  	v2 =	vand.u32 $0x7FFFFFFF, v2  }
0x167: {  	v2 =	vadd.f32 v2, v4;
	_ =	sdelay $0x1  }
0x168: {  	[tilespmem:v3+s6+$0x0] =	vst.idx.msk $0xffff, v2  }
0x169: {  	v2 =	vld [tilespmem:s13+$0x4C80]  }
0x16a: {  	v3 =	vld [tilespmem:s13+$0x10C80]  }
0x16b: {  	v4 =	vld [tilespmem:s13+$0x10C90]  }
0x16c: {  	v5 =	vld [tilespmem:s13+$0x4C90]  }
0x16d: {  	v6 =	vld [tilespmem:s13+$0x4CA0]  }
0x16e: {  	v7 =	vld [tilespmem:s13+$0x10CA0]  }
0x16f: {  	v8 =	vld [tilespmem:s13+$0x4CB0]  }
0x170: {  	v9 =	vld [tilespmem:s13+$0x10CB0]  }
0x171: {  	v2 =	vsub.f32 v2, v3;
	v3 =	vld [tilespmem:s13+$0x4CC0];
	v4 =	vsub.f32 v5, v4  }
0x172: {  	v5 =	vld [tilespmem:s13+$0x10CC0]  }
0x173: {  	v36 =	vld [tilespmem:s13+$0x4CD0];
	v6 =	vsub.f32 v6, v7;
	v2 =	vand.u32 $0x7FFFFFFF, v2;
	v4 =	vand.u32 $0x7FFFFFFF, v4  }
0x174: {  	v10 =	vld [tilespmem:s13+$0x10CD0];
	v2 =	vadd.f32 v4, v2  }
0x175: {  	v37 =	vld [tilespmem:s13+$0x4CE0];
	v6 =	vand.u32 $0x7FFFFFFF, v6;
	v4 =	vsub.f32 v8, v9  }
0x176: {  	v38 =	vld [tilespmem:s13+$0x10CE0];
	v2 =	vadd.f32 v6, v2  }
0x177: {  	v39 =	vld [tilespmem:s13+$0x10CF0];
	v3 =	vsub.f32 v3, v5;
	v4 =	vand.u32 $0x7FFFFFFF, v4  }
0x178: {  	v5 =	vld [tilespmem:s13+$0x4CF0];
	v2 =	vadd.f32 v4, v2  }
0x179: {  	v4 =	vsub.f32 v36, v10;
	v3 =	vand.u32 $0x7FFFFFFF, v3  }
0x17a: {  	v2 =	vadd.f32 v3, v2  }
0x17b: {  	v3 =	vsub.f32 v37, v38;
	v4 =	vand.u32 $0x7FFFFFFF, v4  }
0x17c: {  	v2 =	vadd.f32 v4, v2  }
0x17d: {  	s14 =	simm.s32 $0x0;
	v4 =	vsub.f32 v5, v39;
	v3 =	vand.u32 $0x7FFFFFFF, v3;
	v5 =	vadd.s32 s17, v1  }
0x17e: {  	v2 =	vadd.f32 v3, v2;
	v3 =	vor.u32 s14, v0  }
0x17f: {  	s15 =	simm.s32 $0x11;
	v4 =	vand.u32 $0x7FFFFFFF, v4  }
0x180: {  	v2 =	vadd.f32 v4, v2;
	v4 =	vadd.s32 s15, v0  }
0x181: {  	s16 =	simm.s32 $0x22  }
0x182: {  	[tilespmem:v5+s6+$0x0] =	vst.idx.msk $0xffff, v2;
	v2 =	vadd.s32 s16, v0  }
0x183: {  	s17 =	simm.s32 $0x33;
	v3 =	vld.idx.msk [tilespmem:v3+s6+$0x0], $0xffff  }
0x184: {  	v5 =	vadd.s32 s17, v0  }
0x185: {  	s18 =	simm.s32 $0x44;
	v4 =	vld.idx.msk [tilespmem:v4+s6+$0x0], $0xffff  }
0x186: {  	v40 =	vadd.s32 s18, v0  }
0x187: {  	s19 =	simm.s32 $0x55;
	v2 =	vld.idx.msk [tilespmem:v2+s6+$0x0], $0xffff  }
0x188: {  	v41 =	vadd.s32 s19, v0;
	v3 =	vadd.f32 $0.0e+00, v3  }
0x189: {  	s20 =	simm.s32 $0x66;
	v5 =	vld.idx.msk [tilespmem:v5+s6+$0x0], $0xffff  }
0x18a: {  	v42 =	vadd.s32 s20, v0;
	v3 =	vadd.f32 v4, v3  }
0x18b: {  	s21 =	simm.s32 $0x77;
	v4 =	vld.idx.msk [tilespmem:v40+s6+$0x0], $0xffff  }
0x18c: {  	v43 =	vadd.s32 s21, v0;
	v2 =	vadd.f32 v2, v3  }
0x18d: {  	s14 =	simm.s32 $0x88;
	v3 =	vld.idx.msk [tilespmem:v41+s6+$0x0], $0xffff  }
0x18e: {  	v44 =	vadd.s32 s14, v0;
	v2 =	vadd.f32 v5, v2  }
0x18f: {  	s15 =	simm.s32 $0x99;
	v5 =	vld.idx.msk [tilespmem:v42+s6+$0x0], $0xffff  }
0x190: {  	v45 =	vadd.s32 s15, v0;
	v2 =	vadd.f32 v4, v2  }
0x191: {  	s16 =	simm.s32 $0xAA;
	v4 =	vld.idx.msk [tilespmem:v43+s6+$0x0], $0xffff  }
0x192: {  	v46 =	vadd.s32 s16, v0;
	v2 =	vadd.f32 v3, v2  }
0x193: {  	s17 =	simm.s32 $0xBB;
	v3 =	vld.idx.msk [tilespmem:v44+s6+$0x0], $0xffff  }
0x194: {  	v47 =	vadd.s32 s17, v0;
	v2 =	vadd.f32 v5, v2  }
0x195: {  	s18 =	simm.s32 $0xCC;
	v5 =	vld.idx.msk [tilespmem:v45+s6+$0x0], $0xffff  }
0x196: {  	v48 =	vadd.s32 s18, v0;
	v2 =	vadd.f32 v4, v2  }
0x197: {  	s19 =	simm.s32 $0xDD;
	v4 =	vld.idx.msk [tilespmem:v46+s6+$0x0], $0xffff  }
0x198: {  	v49 =	vadd.s32 s19, v0;
	v2 =	vadd.f32 v3, v2  }
0x199: {  	s20 =	simm.s32 $0xEE;
	v3 =	vld.idx.msk [tilespmem:v47+s6+$0x0], $0xffff  }
0x19a: {  	v50 =	vadd.s32 s20, v0;
	v2 =	vadd.f32 v5, v2  }
0x19b: {  	s21 =	simm.s32 $0xFF;
	v5 =	vld.idx.msk [tilespmem:v48+s6+$0x0], $0xffff  }
0x19c: {  	v51 =	vadd.s32 s21, v0;
	v2 =	vadd.f32 v4, v2  }
0x19d: {  	v4 =	vld.idx.msk [tilespmem:v49+s6+$0x0], $0xffff  }
0x19e: {  	v2 =	vadd.f32 v3, v2  }
0x19f: {  	v3 =	vld.idx.msk [tilespmem:v50+s6+$0x0], $0xffff  }
0x1a0: {  	v2 =	vadd.f32 v5, v2  }
0x1a1: {  	v5 =	vld.idx.msk [tilespmem:v51+s6+$0x0], $0xffff  }
0x1a2: {  	v2 =	vadd.f32 v4, v2;
	_ =	sdelay $0x1  }
0x1a3: {  	v2 =	vadd.f32 v3, v2  }
0x1a4: {  	s14 =	simm.s32 $0x110  }
0x1a5: {  	v3 =	vor.u32 s14, v0;
	v2 =	vadd.f32 v5, v2  }
0x1a6: {  	s15 =	simm.s32 $0x121  }
0x1a7: {  	v4 =	vadd.s32 s15, v0;
	v2 =	vsub.f32 $1.200000000e+01, v2  }
0x1a8: {  	s13 =	simm.s32 $0x194A0;
	s14 =	simm.s32 $0x132  }
0x1a9: {  	v5 =	vadd.s32 s14, v0;
	[tilespmem:s13+$0x0] =	vst v2  }
0x1aa: {  	s16 =	simm.s32 $0x143;
	v2 =	vld.idx.msk [tilespmem:v3+s6+$0x0], $0xffff  }
0x1ab: {  	v3 =	vadd.s32 s16, v0  }
0x1ac: {  	s17 =	simm.s32 $0x154;
	v4 =	vld.idx.msk [tilespmem:v4+s6+$0x0], $0xffff  }
0x1ad: {  	v52 =	vadd.s32 s17, v0  }
0x1ae: {  	s18 =	simm.s32 $0x165;
	v5 =	vld.idx.msk [tilespmem:v5+s6+$0x0], $0xffff  }
0x1af: {  	v53 =	vadd.s32 s18, v0;
	v2 =	vadd.f32 $0.0e+00, v2  }
0x1b0: {  	s19 =	simm.s32 $0x176;
	v3 =	vld.idx.msk [tilespmem:v3+s6+$0x0], $0xffff  }
0x1b1: {  	v54 =	vadd.s32 s19, v0;
	v2 =	vadd.f32 v4, v2  }
0x1b2: {  	s20 =	simm.s32 $0x187;
	v4 =	vld.idx.msk [tilespmem:v52+s6+$0x0], $0xffff  }
0x1b3: {  	v55 =	vadd.s32 s20, v0;
	v2 =	vadd.f32 v5, v2  }
0x1b4: {  	s21 =	simm.s32 $0x198;
	v5 =	vld.idx.msk [tilespmem:v53+s6+$0x0], $0xffff  }
0x1b5: {  	v56 =	vadd.s32 s21, v0;
	v2 =	vadd.f32 v3, v2  }
0x1b6: {  	s15 =	simm.s32 $0x1A9;
	v3 =	vld.idx.msk [tilespmem:v54+s6+$0x0], $0xffff  }
0x1b7: {  	v57 =	vadd.s32 s15, v0;
	v2 =	vadd.f32 v4, v2  }
0x1b8: {  	s16 =	simm.s32 $0x1BA;
	v4 =	vld.idx.msk [tilespmem:v55+s6+$0x0], $0xffff  }
0x1b9: {  	v58 =	vadd.s32 s16, v0;
	v2 =	vadd.f32 v5, v2  }
0x1ba: {  	s17 =	simm.s32 $0x1CB;
	v5 =	vld.idx.msk [tilespmem:v56+s6+$0x0], $0xffff  }
0x1bb: {  	v59 =	vadd.s32 s17, v0;
	v2 =	vadd.f32 v3, v2  }
0x1bc: {  	v3 =	vld.idx.msk [tilespmem:v57+s6+$0x0], $0xffff  }
0x1bd: {  	s18 =	simm.s32 $0x1DC;
	v2 =	vadd.f32 v4, v2  }
0x1be: {  	v60 =	vadd.s32 s18, v0;
	v4 =	vld.idx.msk [tilespmem:v58+s6+$0x0], $0xffff  }
0x1bf: {  	s19 =	simm.s32 $0x1ED;
	v2 =	vadd.f32 v5, v2  }
0x1c0: {  	v61 =	vadd.s32 s19, v0;
	v5 =	vld.idx.msk [tilespmem:v59+s6+$0x0], $0xffff  }
0x1c1: {  	v2 =	vadd.f32 v3, v2  }
0x1c2: {  	s20 =	simm.s32 $0x1FE  }
0x1c3: {  	v62 =	vadd.s32 s20, v0;
	v3 =	vld.idx.msk [tilespmem:v60+s6+$0x0], $0xffff;
	v2 =	vadd.f32 v4, v2  }
0x1c4: {  	s21 =	simm.s32 $0x20F  }
0x1c5: {  	v4 =	vld.idx.msk [tilespmem:v61+s6+$0x0], $0xffff;
	v2 =	vadd.f32 v5, v2;
	v5 =	vadd.s32 s21, v0;
	_ =	sdelay $0x2  }
0x1c6: {  	v63 =	vld.idx.msk [tilespmem:v62+s6+$0x0], $0xffff;
	v2 =	vadd.f32 v3, v2;
	_ =	sdelay $0x1  }
0x1c7: {  	v3 =	vadd.f32 v4, v2;
	v2 =	vld.idx.msk [tilespmem:v5+s6+$0x0], $0xffff;
	_ =	sdelay $0x2  }
0x1c8: {  	v3 =	vadd.f32 v63, v3  }
0x1c9: {  	s15 =	simm.s32 $0x42F;
	s14 =	simm.s32 $0x31F;
	s16 =	simm.s32 $0x220  }
.LBB2_8:
0x1ca: {  	p0 =	sne.s32 s15, $0x64F;
	v4 =	vor.u32 s16, v0;
	v2 =	vadd.f32 v2, v3  }
0x1cb: {  	s16 =	sadd.s32 $0xFFFFFF12, s14  }
0x1cc: {  	v3 =	vadd.s32 s16, v0;
	v2 =	vsub.f32 $1.200000000e+01, v2  }
0x1cd: {  	s13 =	sadd.s32 $0x10, s13;
	s16 =	sadd.s32 $0xFFFFFF23, s14  }
0x1ce: {  	v5 =	vadd.s32 s16, v0;
	[tilespmem:s13+$0x0] =	vst v2  }
0x1cf: {  	s16 =	sadd.s32 $0xFFFFFF34, s14;
	v2 =	vld.idx.msk [tilespmem:v4+s6+$0x0], $0xffff  }
0x1d0: {  	v4 =	vadd.s32 s16, v0  }
0x1d1: {  	s16 =	sadd.s32 $0xFFFFFF45, s14;
	v3 =	vld.idx.msk [tilespmem:v3+s6+$0x0], $0xffff  }
0x1d2: {  	v6 =	vadd.s32 s16, v0  }
0x1d3: {  	s16 =	sadd.s32 $0xFFFFFF56, s14;
	v5 =	vld.idx.msk [tilespmem:v5+s6+$0x0], $0xffff  }
0x1d4: {  	v7 =	vadd.s32 s16, v0  }
0x1d5: {  	s16 =	sadd.s32 $0xFFFFFF67, s14;
	v2 =	vadd.f32 $0.0e+00, v2;
	v4 =	vld.idx.msk [tilespmem:v4+s6+$0x0], $0xffff  }
0x1d6: {  	v8 =	vadd.s32 s16, v0  }
0x1d7: {  	s16 =	sadd.s32 $0xFFFFFF78, s14;
	v2 =	vadd.f32 v3, v2;
	v3 =	vld.idx.msk [tilespmem:v6+s6+$0x0], $0xffff  }
0x1d8: {  	v6 =	vadd.s32 s16, v0  }
0x1d9: {  	s16 =	sadd.s32 $0xFFFFFF89, s14;
	v2 =	vadd.f32 v5, v2;
	v5 =	vld.idx.msk [tilespmem:v7+s6+$0x0], $0xffff  }
0x1da: {  	v7 =	vadd.s32 s16, v0  }
0x1db: {  	s16 =	sadd.s32 $0xFFFFFF9A, s14;
	v2 =	vadd.f32 v4, v2;
	v4 =	vld.idx.msk [tilespmem:v8+s6+$0x0], $0xffff  }
0x1dc: {  	v8 =	vadd.s32 s16, v0  }
0x1dd: {  	s16 =	sadd.s32 $0xFFFFFFAB, s14;
	v2 =	vadd.f32 v3, v2;
	v3 =	vld.idx.msk [tilespmem:v6+s6+$0x0], $0xffff  }
0x1de: {  	v6 =	vadd.s32 s16, v0  }
0x1df: {  	s16 =	sadd.s32 $0xFFFFFFBC, s14;
	v2 =	vadd.f32 v5, v2;
	v5 =	vld.idx.msk [tilespmem:v7+s6+$0x0], $0xffff  }
0x1e0: {  	v7 =	vadd.s32 s16, v0  }
0x1e1: {  	s16 =	sadd.s32 $0xFFFFFFCD, s14;
	v2 =	vadd.f32 v4, v2;
	v4 =	vld.idx.msk [tilespmem:v8+s6+$0x0], $0xffff  }
0x1e2: {  	v8 =	vadd.s32 s16, v0  }
0x1e3: {  	s16 =	sadd.s32 $0xFFFFFFDE, s14;
	v2 =	vadd.f32 v3, v2;
	v3 =	vld.idx.msk [tilespmem:v6+s6+$0x0], $0xffff  }
0x1e4: {  	v6 =	vadd.s32 s16, v0  }
0x1e5: {  	s16 =	sadd.s32 $0xFFFFFFEF, s14;
	v2 =	vadd.f32 v5, v2;
	v5 =	vld.idx.msk [tilespmem:v7+s6+$0x0], $0xffff  }
0x1e6: {  	v7 =	vadd.s32 s16, v0  }
0x1e7: {  	v2 =	vadd.f32 v4, v2;
	v4 =	vld.idx.msk [tilespmem:v8+s6+$0x0], $0xffff  }
0x1e8: {  	v8 =	vadd.s32 s14, v0;
	s14 =	smov.u32 s15  }
0x1e9: {  	v2 =	vadd.f32 v3, v2;
	v3 =	vld.idx.msk [tilespmem:v6+s6+$0x0], $0xffff;
	_ =	sdelay $0x1  }
0x1ea: {  	v2 =	vadd.f32 v5, v2;
	v5 =	vld.idx.msk [tilespmem:v7+s6+$0x0], $0xffff;
	_ =	sdelay $0x1  }
0x1eb: {  	v4 =	vadd.f32 v4, v2;
	v2 =	vld.idx.msk [tilespmem:v8+s6+$0x0], $0xffff  }
.Ltmp3:
0x1ec: {  	(pc) =	sbr.rel @p0 .LBB2_8-.Ltmp3, $3  }
0x1ed: {  	v3 =	vadd.f32 v3, v4;
	_ =	sdelay $0x1  }
0x1ee: {  	v3 =	vadd.f32 v5, v3  }
0x1ef: {  	s15 =	sadd.s32 $0x110, s15;
	s16 =	sadd.s32 $0xFFFFFF01, s14  }
0x1f0: {  	v4 =	vor.u32 s16, v0;
	v2 =	vadd.f32 v2, v3  }
0x1f1: {  	s15 =	sadd.s32 $0xFFFFFF12, s14  }
0x1f2: {  	v3 =	vadd.s32 s15, v0;
	v2 =	vsub.f32 $1.200000000e+01, v2  }
0x1f3: {  	s21 =	sadd.s32 $0xFFFFFF23, s14;
	s13 =	sadd.s32 $0x10, s13  }
0x1f4: {  	v5 =	vadd.s32 s21, v0;
	[tilespmem:s13+$0x0] =	vst v2  }
0x1f5: {  	s16 =	sadd.s32 $0xFFFFFF34, s14;
	v2 =	vld.idx.msk [tilespmem:v4+s6+$0x0], $0xffff  }
0x1f6: {  	v4 =	vadd.s32 s16, v0  }
0x1f7: {  	s17 =	sadd.s32 $0xFFFFFF45, s14;
	v3 =	vld.idx.msk [tilespmem:v3+s6+$0x0], $0xffff  }
0x1f8: {  	v6 =	vadd.s32 s17, v0  }
0x1f9: {  	s18 =	sadd.s32 $0xFFFFFF56, s14;
	v5 =	vld.idx.msk [tilespmem:v5+s6+$0x0], $0xffff  }
0x1fa: {  	v7 =	vadd.s32 s18, v0;
	v2 =	vadd.f32 $0.0e+00, v2  }
0x1fb: {  	s19 =	sadd.s32 $0xFFFFFF67, s14;
	v4 =	vld.idx.msk [tilespmem:v4+s6+$0x0], $0xffff  }
0x1fc: {  	v8 =	vadd.s32 s19, v0;
	v2 =	vadd.f32 v3, v2  }
0x1fd: {  	s20 =	sadd.s32 $0xFFFFFF78, s14;
	v3 =	vld.idx.msk [tilespmem:v6+s6+$0x0], $0xffff  }
0x1fe: {  	v6 =	vadd.s32 s20, v0;
	v2 =	vadd.f32 v5, v2  }
0x1ff: {  	s21 =	sadd.s32 $0xFFFFFF89, s14;
	v5 =	vld.idx.msk [tilespmem:v7+s6+$0x0], $0xffff  }
0x200: {  	v7 =	vadd.s32 s21, v0;
	v2 =	vadd.f32 v4, v2  }
0x201: {  	s16 =	sadd.s32 $0xFFFFFF9A, s14;
	v4 =	vld.idx.msk [tilespmem:v8+s6+$0x0], $0xffff  }
0x202: {  	v59 =	vadd.s32 s16, v0;
	v2 =	vadd.f32 v3, v2  }
0x203: {  	s17 =	sadd.s32 $0xFFFFFFAB, s14;
	v3 =	vld.idx.msk [tilespmem:v6+s6+$0x0], $0xffff  }
0x204: {  	v6 =	vadd.s32 s17, v0;
	v2 =	vadd.f32 v5, v2  }
0x205: {  	s18 =	sadd.s32 $0xFFFFFFBC, s14;
	v5 =	vld.idx.msk [tilespmem:v7+s6+$0x0], $0xffff  }
0x206: {  	v7 =	vadd.s32 s18, v0;
	v2 =	vadd.f32 v4, v2  }
0x207: {  	s19 =	sadd.s32 $0xFFFFFFCD, s14;
	v4 =	vld.idx.msk [tilespmem:v59+s6+$0x0], $0xffff  }
0x208: {  	v60 =	vadd.s32 s19, v0;
	v2 =	vadd.f32 v3, v2  }
0x209: {  	s20 =	sadd.s32 $0xFFFFFFDE, s14;
	v3 =	vld.idx.msk [tilespmem:v6+s6+$0x0], $0xffff  }
0x20a: {  	v6 =	vadd.s32 s20, v0;
	v2 =	vadd.f32 v5, v2  }
0x20b: {  	s21 =	sadd.s32 $0xFFFFFFEF, s14;
	v5 =	vld.idx.msk [tilespmem:v7+s6+$0x0], $0xffff  }
0x20c: {  	v7 =	vadd.s32 s21, v0;
	v2 =	vadd.f32 v4, v2  }
0x20d: {  	v4 =	vld.idx.msk [tilespmem:v60+s6+$0x0], $0xffff  }
0x20e: {  	v61 =	vadd.s32 s14, v0;
	v2 =	vadd.f32 v3, v2  }
0x20f: {  	v3 =	vld.idx.msk [tilespmem:v6+s6+$0x0], $0xffff  }
0x210: {  	v2 =	vadd.f32 v5, v2  }
0x211: {  	v5 =	vld.idx.msk [tilespmem:v7+s6+$0x0], $0xffff  }
0x212: {  	v2 =	vadd.f32 v4, v2  }
0x213: {  	v4 =	vld.idx.msk [tilespmem:v61+s6+$0x0], $0xffff  }
0x214: {  	v2 =	vadd.f32 v3, v2;
	_ =	sdelay $0x1  }
0x215: {  	v2 =	vadd.f32 v5, v2;
	_ =	sdelay $0x1  }
0x216: {  	v2 =	vadd.f32 v4, v2;
	_ =	sdelay $0x1  }
0x217: {  	v2 =	vsub.f32 $1.200000000e+01, v2  }
0x218: {  	s13 =	sadd.s32 $0x10, s13  }
0x219: {  	[tilespmem:s13+$0x0] =	vst v2  }
0x21a: {  	_ =	swait.ge [sflag:s11], $0x4000  }
0x21b: {  	[sflag:s11] =	ssyncset.done $0x0  }
0x21c: {  	[sflag:s11] =	ssyncadd.s32 $0xFFFFC000  }
0x21d: {  	_ =	swait.ge [sflag:s11], $0x4000  }
0x21e: {  	[sflag:s11] =	ssyncset.done $0x0  }
0x21f: {  	[sflag:s11] =	ssyncadd.s32 $0xFFFFC000  }
0x220: {  	_ =	swait.ge [sflag:s0], $0x4000  }
0x221: {  	[sflag:s0] =	ssyncset.done $0x0  }
0x222: {  	s16 =	simm.s32 $0x180;
	[sflag:s0] =	ssyncadd.s32 $0xFFFFC000  }
0x223: {  	[tilespmem:s31], [sflag:$0x5] =	stream.indirect.gather.add.f32 [hbm:s1], $0x80, s16, s28, $0xb8;
	[tilespmem:$0x19680] =	vst v63  }
0x224: {  	s14 =	simm.s32 $0x1;
	s17 =	simm.s32 $0x980;
	s18 =	simm.s32 $0xCC00  }
0x225: {  	[tilespmem:s18], [sflag:$0x5] =	stream.indirect.gather [hbm4b:s1+s28], $0x80, s17, s28, $0xb8;
	[tilespmem:$0x19680] =	vst v63  }
0x226: {  	_ =	swait.ge [sflag:s14], $0x60  }
0x227: {  	[sflag:s14] =	ssyncset.done $0x0  }
0x228: {  	[sflag:s14] =	ssyncadd.s32 $0xFFFFFFA0  }
0x229: {  	_ =	swait.ge [sflag:s14], $0x60  }
0x22a: {  	[sflag:s14] =	ssyncset.done $0x0  }
0x22b: {  	[sflag:s14] =	ssyncadd.s32 $0xFFFFFFA0  }
0x22c: {  	_ =	swait.ge [sflag:s14], $0x60  }
0x22d: {  	[sflag:s14] =	ssyncset.done $0x0  }
0x22e: {  	s19 =	simm.s32 $0x600;
	s13 =	simm.s32 $0x0;
	[sflag:s14] =	ssyncadd.s32 $0xFFFFFFA0  }
0x22f: {  	[tilespmem:s26], [sflag:$0x3] =	stream.indirect.gather [hbm4b:s2+s25], $0x80, s19, s25, $0xb8;
	[tilespmem:$0x19680] =	vst v63  }
0x230: {  	v2 =	vld [tilespmem:s13+$0x8C00]  }
0x231: {  	v3 =	vld [tilespmem:s13+$0x14C10]  }
0x232: {  	v4 =	vld [tilespmem:s13+$0x8C10]  }
0x233: {  	v5 =	vld [tilespmem:s13+$0x14C00]  }
0x234: {  	v6 =	vld [tilespmem:s13+$0x8C20]  }
0x235: {  	v7 =	vld [tilespmem:s13+$0x14C20]  }
0x236: {  	v62 =	vld [tilespmem:s13+$0x14C30]  }
0x237: {  	v9 =	vld [tilespmem:s13+$0x8C30]  }
0x238: {  	v3 =	vsub.f32 v4, v3;
	v2 =	vsub.f32 v2, v5;
	v4 =	vld [tilespmem:s13+$0x14C40]  }
0x239: {  	v5 =	vld [tilespmem:s13+$0x8C40]  }
0x23a: {  	v6 =	vsub.f32 v6, v7;
	v7 =	vld [tilespmem:s13+$0x14C50];
	v2 =	vand.u32 $0x7FFFFFFF, v2;
	v3 =	vand.u32 $0x7FFFFFFF, v3  }
0x23b: {  	v2 =	vadd.f32 v3, v2;
	v3 =	vld [tilespmem:s13+$0x8C50]  }
0x23c: {  	v8 =	vsub.f32 v9, v62;
	v6 =	vand.u32 $0x7FFFFFFF, v6  }
0x23d: {  	v2 =	vadd.f32 v6, v2  }
0x23e: {  	v8 =	vand.u32 $0x7FFFFFFF, v8;
	v4 =	vsub.f32 v5, v4  }
0x23f: {  	v63 =	vld [tilespmem:s13+$0x14C60];
	v2 =	vadd.f32 v8, v2  }
0x240: {  	v6 =	vld [tilespmem:s13+$0x8C60];
	v4 =	vand.u32 $0x7FFFFFFF, v4;
	v3 =	vsub.f32 v3, v7  }
0x241: {  	v4 =	vadd.f32 v4, v2;
	v2 =	vld [tilespmem:s13+$0x14C70]  }
0x242: {  	v7 =	vand.u32 $0x7FFFFFFF, v3;
	v3 =	vld [tilespmem:s13+$0x8C70]  }
0x243: {  	s20 =	simm.s32 $0x0  }
0x244: {  	s21 =	simm.s32 $0x0;
	s17 =	smul.u32 $0x110, s20  }
0x245: {  	s15 =	simm.s32 $0x0;
	s18 =	sand.u32 $0xE, s21;
	s19 =	sand.u32 $0xF, s14;
	v5 =	vsub.f32 v6, v63  }
0x246: {  	s16 =	simm.s32 $0x400;
	s18 =	sor.u32 s18, s17;
	s17 =	sor.u32 s17, s19;
	v4 =	vadd.f32 v7, v4  }
.LBB2_10:
0x247: {  	p0 =	sne.s32 s16, $0xFC00;
	v5 =	vand.u32 $0x7FFFFFFF, v5;
	v2 =	vsub.f32 v3, v2;
	v3 =	vadd.s32 s18, v1;
	s15 =	sadd.s32 $0x1, s15;
	s14 =	sadd.s32 $0x2, s14  }
0x248: {  	s18 =	smov.u32 s16;
	s16 =	sadd.s32 $0x400, s16;
	v4 =	vadd.f32 v5, v4  }
0x249: {  	v2 =	vand.u32 $0x7FFFFFFF, v2  }
0x24a: {  	v2 =	vadd.f32 v2, v4;
	_ =	sdelay $0x1  }
0x24b: {  	[tilespmem:v3+s6+$0x0] =	vst.idx.msk $0xffff, v2  }
0x24c: {  	v2 =	vld [tilespmem:s13+$0x8C80]  }
0x24d: {  	s18 =	sshra.s32 s18, $0x2;
	v3 =	vld [tilespmem:s13+$0x14C80]  }
0x24e: {  	v4 =	vld [tilespmem:s13+$0x8CA0]  }
0x24f: {  	v5 =	vld [tilespmem:s13+$0x14C90]  }
0x250: {  	v6 =	vld [tilespmem:s13+$0x8C90]  }
0x251: {  	v7 =	vld [tilespmem:s13+$0x14CA0]  }
0x252: {  	v2 =	vsub.f32 v2, v3;
	v3 =	vld [tilespmem:s13+$0x8CB0]  }
0x253: {  	v8 =	vld [tilespmem:s13+$0x14CB0]  }
0x254: {  	v9 =	vld [tilespmem:s13+$0x8CC0]  }
0x255: {  	v5 =	vsub.f32 v6, v5;
	v6 =	vld [tilespmem:s13+$0x14CC0]  }
0x256: {  	v4 =	vsub.f32 v4, v7;
	v7 =	vld [tilespmem:s13+$0x8CD0]  }
0x257: {  	v2 =	vand.u32 $0x7FFFFFFF, v2;
	v5 =	vand.u32 $0x7FFFFFFF, v5;
	v10 =	vld [tilespmem:s13+$0x14CD0]  }
0x258: {  	v2 =	vadd.f32 v5, v2;
	v3 =	vsub.f32 v3, v8;
	v5 =	vld [tilespmem:s13+$0x8CE0]  }
0x259: {  	v4 =	vand.u32 $0x7FFFFFFF, v4;
	v8 =	vld [tilespmem:s13+$0x14CE0]  }
0x25a: {  	v2 =	vadd.f32 v4, v2;
	v4 =	vsub.f32 v9, v6;
	v6 =	vld [tilespmem:s13+$0x8CF0]  }
0x25b: {  	v3 =	vand.u32 $0x7FFFFFFF, v3;
	v9 =	vld [tilespmem:s13+$0x14CF0];
	s13 =	smov.u32 s18  }
0x25c: {  	v2 =	vadd.f32 v3, v2;
	v3 =	vsub.f32 v7, v10  }
0x25d: {  	v4 =	vand.u32 $0x7FFFFFFF, v4  }
0x25e: {  	v2 =	vadd.f32 v4, v2;
	v4 =	vsub.f32 v5, v8  }
0x25f: {  	v3 =	vand.u32 $0x7FFFFFFF, v3  }
0x260: {  	v2 =	vadd.f32 v3, v2;
	v3 =	vsub.f32 v6, v9  }
0x261: {  	v5 =	vadd.s32 s17, v1;
	v4 =	vand.u32 $0x7FFFFFFF, v4  }
0x262: {  	v2 =	vadd.f32 v4, v2  }
0x263: {  	v3 =	vand.u32 $0x7FFFFFFF, v3  }
0x264: {  	v2 =	vadd.f32 v3, v2;
	_ =	sdelay $0x1  }
0x265: {  	[tilespmem:v5+s6+$0x0] =	vst.idx.msk $0xffff, v2  }
0x266: {  	v2 =	vld [tilespmem:s13+$0x8C00]  }
0x267: {  	v3 =	vld [tilespmem:s13+$0x14C10]  }
0x268: {  	v4 =	vld [tilespmem:s13+$0x8C10]  }
0x269: {  	v5 =	vld [tilespmem:s13+$0x14C00]  }
0x26a: {  	v6 =	vld [tilespmem:s13+$0x8C20]  }
0x26b: {  	v7 =	vld [tilespmem:s13+$0x14C20]  }
0x26c: {  	v8 =	vld [tilespmem:s13+$0x14C30]  }
0x26d: {  	v3 =	vsub.f32 v4, v3;
	v4 =	vld [tilespmem:s13+$0x8C30]  }
0x26e: {  	v2 =	vsub.f32 v2, v5;
	v5 =	vld [tilespmem:s13+$0x14C40]  }
0x26f: {  	v9 =	vld [tilespmem:s13+$0x8C40]  }
0x270: {  	v3 =	vand.u32 $0x7FFFFFFF, v3;
	v2 =	vand.u32 $0x7FFFFFFF, v2;
	v6 =	vsub.f32 v6, v7;
	v7 =	vld [tilespmem:s13+$0x14C50]  }
0x271: {  	v2 =	vadd.f32 v3, v2;
	v10 =	vld [tilespmem:s13+$0x8C50]  }
0x272: {  	v3 =	vand.u32 $0x7FFFFFFF, v6;
	v4 =	vsub.f32 v4, v8;
	v6 =	vld [tilespmem:s13+$0x14C60]  }
0x273: {  	v3 =	vadd.f32 v3, v2;
	v8 =	vld [tilespmem:s13+$0x8C60]  }
0x274: {  	v4 =	vand.u32 $0x7FFFFFFF, v4;
	v5 =	vsub.f32 v9, v5;
	v2 =	vld [tilespmem:s13+$0x14C70]  }
.Ltmp4:
0x275: {  	v4 =	vadd.f32 v4, v3;
	v3 =	vld [tilespmem:s13+$0x8C70];
	(pc) =	sbr.rel @p0 .LBB2_10-.Ltmp4, $4  }
0x276: {  	s17 =	sshrl.u32 s15, $0x3;
	v5 =	vand.u32 $0x7FFFFFFF, v5;
	v7 =	vsub.f32 v10, v7  }
0x277: {  	s18 =	sadd.s32 $0xFFFFFFFF, s14;
	s17 =	smul.u32 $0x110, s17;
	v4 =	vadd.f32 v5, v4  }
0x278: {  	s19 =	sand.u32 $0xF, s14;
	s18 =	sand.u32 $0xE, s18;
	v7 =	vand.u32 $0x7FFFFFFF, v7;
	v5 =	vsub.f32 v8, v6  }
0x279: {  	s18 =	sor.u32 s18, s17;
	s17 =	sor.u32 s17, s19;
	v4 =	vadd.f32 v7, v4  }
0x27a: {  	v5 =	vand.u32 $0x7FFFFFFF, v5;
	v2 =	vsub.f32 v3, v2;
	v3 =	vadd.s32 s18, v1  }
0x27b: {  	v4 =	vadd.f32 v5, v4  }
0x27c: {  	v2 =	vand.u32 $0x7FFFFFFF, v2  }
0x27d: {  	v2 =	vadd.f32 v2, v4;
	_ =	sdelay $0x1  }
0x27e: {  	[tilespmem:v3+s6+$0x0] =	vst.idx.msk $0xffff, v2  }
0x27f: {  	v2 =	vld [tilespmem:s13+$0x8C80]  }
0x280: {  	v3 =	vld [tilespmem:s13+$0x14C80]  }
0x281: {  	v4 =	vld [tilespmem:s13+$0x14C90]  }
0x282: {  	v5 =	vld [tilespmem:s13+$0x8C90]  }
0x283: {  	v6 =	vld [tilespmem:s13+$0x8CA0]  }
0x284: {  	v7 =	vld [tilespmem:s13+$0x14CA0]  }
0x285: {  	v8 =	vld [tilespmem:s13+$0x8CB0]  }
0x286: {  	v9 =	vld [tilespmem:s13+$0x14CB0]  }
0x287: {  	v2 =	vsub.f32 v2, v3;
	v3 =	vld [tilespmem:s13+$0x8CC0];
	v4 =	vsub.f32 v5, v4  }
0x288: {  	v5 =	vld [tilespmem:s13+$0x14CC0]  }
0x289: {  	v36 =	vld [tilespmem:s13+$0x8CD0];
	v6 =	vsub.f32 v6, v7;
	v2 =	vand.u32 $0x7FFFFFFF, v2;
	v4 =	vand.u32 $0x7FFFFFFF, v4  }
0x28a: {  	v10 =	vld [tilespmem:s13+$0x14CD0];
	v2 =	vadd.f32 v4, v2  }
0x28b: {  	v37 =	vld [tilespmem:s13+$0x8CE0];
	v6 =	vand.u32 $0x7FFFFFFF, v6;
	v4 =	vsub.f32 v8, v9  }
0x28c: {  	v38 =	vld [tilespmem:s13+$0x14CE0];
	v2 =	vadd.f32 v6, v2  }
0x28d: {  	v39 =	vld [tilespmem:s13+$0x14CF0];
	v3 =	vsub.f32 v3, v5;
	v4 =	vand.u32 $0x7FFFFFFF, v4  }
0x28e: {  	v5 =	vld [tilespmem:s13+$0x8CF0];
	v2 =	vadd.f32 v4, v2  }
0x28f: {  	v4 =	vsub.f32 v36, v10;
	v3 =	vand.u32 $0x7FFFFFFF, v3  }
0x290: {  	v2 =	vadd.f32 v3, v2  }
0x291: {  	v3 =	vsub.f32 v37, v38;
	v4 =	vand.u32 $0x7FFFFFFF, v4  }
0x292: {  	v2 =	vadd.f32 v4, v2  }
0x293: {  	s14 =	simm.s32 $0x0;
	v4 =	vsub.f32 v5, v39;
	v3 =	vand.u32 $0x7FFFFFFF, v3;
	v5 =	vadd.s32 s17, v1  }
0x294: {  	v2 =	vadd.f32 v3, v2;
	v3 =	vor.u32 s14, v0  }
0x295: {  	s15 =	simm.s32 $0x11;
	v4 =	vand.u32 $0x7FFFFFFF, v4  }
0x296: {  	v2 =	vadd.f32 v4, v2;
	v4 =	vadd.s32 s15, v0  }
0x297: {  	s16 =	simm.s32 $0x22  }
0x298: {  	[tilespmem:v5+s6+$0x0] =	vst.idx.msk $0xffff, v2;
	v2 =	vadd.s32 s16, v0  }
0x299: {  	s17 =	simm.s32 $0x33;
	v3 =	vld.idx.msk [tilespmem:v3+s6+$0x0], $0xffff  }
0x29a: {  	v5 =	vadd.s32 s17, v0  }
0x29b: {  	s18 =	simm.s32 $0x44;
	v4 =	vld.idx.msk [tilespmem:v4+s6+$0x0], $0xffff  }
0x29c: {  	v40 =	vadd.s32 s18, v0  }
0x29d: {  	s19 =	simm.s32 $0x55;
	v2 =	vld.idx.msk [tilespmem:v2+s6+$0x0], $0xffff  }
0x29e: {  	v41 =	vadd.s32 s19, v0;
	v3 =	vadd.f32 $0.0e+00, v3  }
0x29f: {  	s20 =	simm.s32 $0x66;
	v5 =	vld.idx.msk [tilespmem:v5+s6+$0x0], $0xffff  }
0x2a0: {  	v42 =	vadd.s32 s20, v0;
	v3 =	vadd.f32 v4, v3  }
0x2a1: {  	s21 =	simm.s32 $0x77;
	v4 =	vld.idx.msk [tilespmem:v40+s6+$0x0], $0xffff  }
0x2a2: {  	v43 =	vadd.s32 s21, v0;
	v2 =	vadd.f32 v2, v3  }
0x2a3: {  	s14 =	simm.s32 $0x88;
	v3 =	vld.idx.msk [tilespmem:v41+s6+$0x0], $0xffff  }
0x2a4: {  	v44 =	vadd.s32 s14, v0;
	v2 =	vadd.f32 v5, v2  }
0x2a5: {  	s15 =	simm.s32 $0x99;
	v5 =	vld.idx.msk [tilespmem:v42+s6+$0x0], $0xffff  }
0x2a6: {  	v45 =	vadd.s32 s15, v0;
	v2 =	vadd.f32 v4, v2  }
0x2a7: {  	s16 =	simm.s32 $0xAA;
	v4 =	vld.idx.msk [tilespmem:v43+s6+$0x0], $0xffff  }
0x2a8: {  	v46 =	vadd.s32 s16, v0;
	v2 =	vadd.f32 v3, v2  }
0x2a9: {  	s17 =	simm.s32 $0xBB;
	v3 =	vld.idx.msk [tilespmem:v44+s6+$0x0], $0xffff  }
0x2aa: {  	v47 =	vadd.s32 s17, v0;
	v2 =	vadd.f32 v5, v2  }
0x2ab: {  	s18 =	simm.s32 $0xCC;
	v5 =	vld.idx.msk [tilespmem:v45+s6+$0x0], $0xffff  }
0x2ac: {  	v48 =	vadd.s32 s18, v0;
	v2 =	vadd.f32 v4, v2  }
0x2ad: {  	s19 =	simm.s32 $0xDD;
	v4 =	vld.idx.msk [tilespmem:v46+s6+$0x0], $0xffff  }
0x2ae: {  	v49 =	vadd.s32 s19, v0;
	v2 =	vadd.f32 v3, v2  }
0x2af: {  	s20 =	simm.s32 $0xEE;
	v3 =	vld.idx.msk [tilespmem:v47+s6+$0x0], $0xffff  }
0x2b0: {  	v50 =	vadd.s32 s20, v0;
	v2 =	vadd.f32 v5, v2  }
0x2b1: {  	s21 =	simm.s32 $0xFF;
	v5 =	vld.idx.msk [tilespmem:v48+s6+$0x0], $0xffff  }
0x2b2: {  	v51 =	vadd.s32 s21, v0;
	v2 =	vadd.f32 v4, v2  }
0x2b3: {  	v4 =	vld.idx.msk [tilespmem:v49+s6+$0x0], $0xffff  }
0x2b4: {  	v2 =	vadd.f32 v3, v2  }
0x2b5: {  	v3 =	vld.idx.msk [tilespmem:v50+s6+$0x0], $0xffff  }
0x2b6: {  	v2 =	vadd.f32 v5, v2  }
0x2b7: {  	v5 =	vld.idx.msk [tilespmem:v51+s6+$0x0], $0xffff  }
0x2b8: {  	v2 =	vadd.f32 v4, v2;
	_ =	sdelay $0x1  }
0x2b9: {  	v2 =	vadd.f32 v3, v2  }
0x2ba: {  	s14 =	simm.s32 $0x110  }
0x2bb: {  	v3 =	vor.u32 s14, v0;
	v2 =	vadd.f32 v5, v2  }
0x2bc: {  	s15 =	simm.s32 $0x121  }
0x2bd: {  	v4 =	vadd.s32 s15, v0;
	v2 =	vsub.f32 $1.200000000e+01, v2  }
0x2be: {  	s13 =	simm.s32 $0x19500;
	s14 =	simm.s32 $0x132  }
0x2bf: {  	v5 =	vadd.s32 s14, v0;
	[tilespmem:s13+$0x0] =	vst v2  }
0x2c0: {  	s16 =	simm.s32 $0x143;
	v2 =	vld.idx.msk [tilespmem:v3+s6+$0x0], $0xffff  }
0x2c1: {  	v3 =	vadd.s32 s16, v0  }
0x2c2: {  	s17 =	simm.s32 $0x154;
	v4 =	vld.idx.msk [tilespmem:v4+s6+$0x0], $0xffff  }
0x2c3: {  	v52 =	vadd.s32 s17, v0  }
0x2c4: {  	s18 =	simm.s32 $0x165;
	v5 =	vld.idx.msk [tilespmem:v5+s6+$0x0], $0xffff  }
0x2c5: {  	v53 =	vadd.s32 s18, v0;
	v2 =	vadd.f32 $0.0e+00, v2  }
0x2c6: {  	s19 =	simm.s32 $0x176;
	v3 =	vld.idx.msk [tilespmem:v3+s6+$0x0], $0xffff  }
0x2c7: {  	v54 =	vadd.s32 s19, v0;
	v2 =	vadd.f32 v4, v2  }
0x2c8: {  	s20 =	simm.s32 $0x187;
	v4 =	vld.idx.msk [tilespmem:v52+s6+$0x0], $0xffff  }
0x2c9: {  	v55 =	vadd.s32 s20, v0;
	v2 =	vadd.f32 v5, v2  }
0x2ca: {  	s21 =	simm.s32 $0x198;
	v5 =	vld.idx.msk [tilespmem:v53+s6+$0x0], $0xffff  }
0x2cb: {  	v56 =	vadd.s32 s21, v0;
	v2 =	vadd.f32 v3, v2  }
0x2cc: {  	s15 =	simm.s32 $0x1A9;
	v3 =	vld.idx.msk [tilespmem:v54+s6+$0x0], $0xffff  }
0x2cd: {  	v57 =	vadd.s32 s15, v0;
	v2 =	vadd.f32 v4, v2  }
0x2ce: {  	s16 =	simm.s32 $0x1BA;
	v4 =	vld.idx.msk [tilespmem:v55+s6+$0x0], $0xffff  }
0x2cf: {  	v58 =	vadd.s32 s16, v0;
	v2 =	vadd.f32 v5, v2  }
0x2d0: {  	s17 =	simm.s32 $0x1CB;
	v5 =	vld.idx.msk [tilespmem:v56+s6+$0x0], $0xffff  }
0x2d1: {  	v59 =	vadd.s32 s17, v0;
	v2 =	vadd.f32 v3, v2  }
0x2d2: {  	v3 =	vld.idx.msk [tilespmem:v57+s6+$0x0], $0xffff  }
0x2d3: {  	s18 =	simm.s32 $0x1DC;
	v2 =	vadd.f32 v4, v2  }
0x2d4: {  	v60 =	vadd.s32 s18, v0;
	v4 =	vld.idx.msk [tilespmem:v58+s6+$0x0], $0xffff  }
0x2d5: {  	s19 =	simm.s32 $0x1ED;
	v2 =	vadd.f32 v5, v2  }
0x2d6: {  	v61 =	vadd.s32 s19, v0;
	v5 =	vld.idx.msk [tilespmem:v59+s6+$0x0], $0xffff  }
0x2d7: {  	v2 =	vadd.f32 v3, v2  }
0x2d8: {  	s20 =	simm.s32 $0x1FE  }
0x2d9: {  	v62 =	vadd.s32 s20, v0;
	v3 =	vld.idx.msk [tilespmem:v60+s6+$0x0], $0xffff;
	v2 =	vadd.f32 v4, v2  }
0x2da: {  	s21 =	simm.s32 $0x20F  }
0x2db: {  	v4 =	vld.idx.msk [tilespmem:v61+s6+$0x0], $0xffff;
	v2 =	vadd.f32 v5, v2;
	v5 =	vadd.s32 s21, v0;
	_ =	sdelay $0x2  }
0x2dc: {  	v63 =	vld.idx.msk [tilespmem:v62+s6+$0x0], $0xffff;
	v2 =	vadd.f32 v3, v2;
	_ =	sdelay $0x1  }
0x2dd: {  	v3 =	vadd.f32 v4, v2;
	v2 =	vld.idx.msk [tilespmem:v5+s6+$0x0], $0xffff;
	_ =	sdelay $0x2  }
0x2de: {  	v3 =	vadd.f32 v63, v3  }
0x2df: {  	s15 =	simm.s32 $0x42F;
	s14 =	simm.s32 $0x31F;
	s16 =	simm.s32 $0x220  }
.LBB2_12:
0x2e0: {  	p0 =	sne.s32 s15, $0x86F;
	v4 =	vor.u32 s16, v0;
	v2 =	vadd.f32 v2, v3  }
0x2e1: {  	s16 =	sadd.s32 $0xFFFFFF12, s14  }
0x2e2: {  	v3 =	vadd.s32 s16, v0;
	v2 =	vsub.f32 $1.200000000e+01, v2  }
0x2e3: {  	s13 =	sadd.s32 $0x10, s13;
	s16 =	sadd.s32 $0xFFFFFF23, s14  }
0x2e4: {  	v5 =	vadd.s32 s16, v0;
	[tilespmem:s13+$0x0] =	vst v2  }
0x2e5: {  	s16 =	sadd.s32 $0xFFFFFF34, s14;
	v2 =	vld.idx.msk [tilespmem:v4+s6+$0x0], $0xffff  }
0x2e6: {  	v4 =	vadd.s32 s16, v0  }
0x2e7: {  	s16 =	sadd.s32 $0xFFFFFF45, s14;
	v3 =	vld.idx.msk [tilespmem:v3+s6+$0x0], $0xffff  }
0x2e8: {  	v6 =	vadd.s32 s16, v0  }
0x2e9: {  	s16 =	sadd.s32 $0xFFFFFF56, s14;
	v5 =	vld.idx.msk [tilespmem:v5+s6+$0x0], $0xffff  }
0x2ea: {  	v7 =	vadd.s32 s16, v0  }
0x2eb: {  	s16 =	sadd.s32 $0xFFFFFF67, s14;
	v2 =	vadd.f32 $0.0e+00, v2;
	v4 =	vld.idx.msk [tilespmem:v4+s6+$0x0], $0xffff  }
0x2ec: {  	v8 =	vadd.s32 s16, v0  }
0x2ed: {  	s16 =	sadd.s32 $0xFFFFFF78, s14;
	v2 =	vadd.f32 v3, v2;
	v3 =	vld.idx.msk [tilespmem:v6+s6+$0x0], $0xffff  }
0x2ee: {  	v6 =	vadd.s32 s16, v0  }
0x2ef: {  	s16 =	sadd.s32 $0xFFFFFF89, s14;
	v2 =	vadd.f32 v5, v2;
	v5 =	vld.idx.msk [tilespmem:v7+s6+$0x0], $0xffff  }
0x2f0: {  	v7 =	vadd.s32 s16, v0  }
0x2f1: {  	s16 =	sadd.s32 $0xFFFFFF9A, s14;
	v2 =	vadd.f32 v4, v2;
	v4 =	vld.idx.msk [tilespmem:v8+s6+$0x0], $0xffff  }
0x2f2: {  	v8 =	vadd.s32 s16, v0  }
0x2f3: {  	s16 =	sadd.s32 $0xFFFFFFAB, s14;
	v2 =	vadd.f32 v3, v2;
	v3 =	vld.idx.msk [tilespmem:v6+s6+$0x0], $0xffff  }
0x2f4: {  	v6 =	vadd.s32 s16, v0  }
0x2f5: {  	s16 =	sadd.s32 $0xFFFFFFBC, s14;
	v2 =	vadd.f32 v5, v2;
	v5 =	vld.idx.msk [tilespmem:v7+s6+$0x0], $0xffff  }
0x2f6: {  	v7 =	vadd.s32 s16, v0  }
0x2f7: {  	s16 =	sadd.s32 $0xFFFFFFCD, s14;
	v2 =	vadd.f32 v4, v2;
	v4 =	vld.idx.msk [tilespmem:v8+s6+$0x0], $0xffff  }
0x2f8: {  	v8 =	vadd.s32 s16, v0  }
0x2f9: {  	s16 =	sadd.s32 $0xFFFFFFDE, s14;
	v2 =	vadd.f32 v3, v2;
	v3 =	vld.idx.msk [tilespmem:v6+s6+$0x0], $0xffff  }
0x2fa: {  	v6 =	vadd.s32 s16, v0  }
0x2fb: {  	s16 =	sadd.s32 $0xFFFFFFEF, s14;
	v2 =	vadd.f32 v5, v2;
	v5 =	vld.idx.msk [tilespmem:v7+s6+$0x0], $0xffff  }
0x2fc: {  	v7 =	vadd.s32 s16, v0  }
0x2fd: {  	v2 =	vadd.f32 v4, v2;
	v4 =	vld.idx.msk [tilespmem:v8+s6+$0x0], $0xffff  }
0x2fe: {  	v8 =	vadd.s32 s14, v0;
	s14 =	smov.u32 s15  }
0x2ff: {  	v2 =	vadd.f32 v3, v2;
	v3 =	vld.idx.msk [tilespmem:v6+s6+$0x0], $0xffff;
	_ =	sdelay $0x1  }
0x300: {  	v2 =	vadd.f32 v5, v2;
	v5 =	vld.idx.msk [tilespmem:v7+s6+$0x0], $0xffff;
	_ =	sdelay $0x1  }
0x301: {  	v4 =	vadd.f32 v4, v2;
	v2 =	vld.idx.msk [tilespmem:v8+s6+$0x0], $0xffff  }
.Ltmp5:
0x302: {  	(pc) =	sbr.rel @p0 .LBB2_12-.Ltmp5, $3  }
0x303: {  	v3 =	vadd.f32 v3, v4;
	_ =	sdelay $0x1  }
0x304: {  	v3 =	vadd.f32 v5, v3  }
0x305: {  	s15 =	sadd.s32 $0x110, s15;
	s16 =	sadd.s32 $0xFFFFFF01, s14  }
0x306: {  	v4 =	vor.u32 s16, v0;
	v2 =	vadd.f32 v2, v3  }
0x307: {  	s15 =	sadd.s32 $0xFFFFFF12, s14  }
0x308: {  	v3 =	vadd.s32 s15, v0;
	v2 =	vsub.f32 $1.200000000e+01, v2  }
0x309: {  	s21 =	sadd.s32 $0xFFFFFF23, s14;
	s13 =	sadd.s32 $0x10, s13  }
0x30a: {  	v5 =	vadd.s32 s21, v0;
	[tilespmem:s13+$0x0] =	vst v2  }
0x30b: {  	s16 =	sadd.s32 $0xFFFFFF34, s14;
	v2 =	vld.idx.msk [tilespmem:v4+s6+$0x0], $0xffff  }
0x30c: {  	v4 =	vadd.s32 s16, v0  }
0x30d: {  	s17 =	sadd.s32 $0xFFFFFF45, s14;
	v3 =	vld.idx.msk [tilespmem:v3+s6+$0x0], $0xffff  }
0x30e: {  	v6 =	vadd.s32 s17, v0  }
0x30f: {  	s18 =	sadd.s32 $0xFFFFFF56, s14;
	v5 =	vld.idx.msk [tilespmem:v5+s6+$0x0], $0xffff  }
0x310: {  	v7 =	vadd.s32 s18, v0;
	v2 =	vadd.f32 $0.0e+00, v2  }
0x311: {  	s19 =	sadd.s32 $0xFFFFFF67, s14;
	v4 =	vld.idx.msk [tilespmem:v4+s6+$0x0], $0xffff  }
0x312: {  	v8 =	vadd.s32 s19, v0;
	v2 =	vadd.f32 v3, v2  }
0x313: {  	s20 =	sadd.s32 $0xFFFFFF78, s14;
	v3 =	vld.idx.msk [tilespmem:v6+s6+$0x0], $0xffff  }
0x314: {  	v6 =	vadd.s32 s20, v0;
	v2 =	vadd.f32 v5, v2  }
0x315: {  	s21 =	sadd.s32 $0xFFFFFF89, s14;
	v5 =	vld.idx.msk [tilespmem:v7+s6+$0x0], $0xffff  }
0x316: {  	v7 =	vadd.s32 s21, v0;
	v2 =	vadd.f32 v4, v2  }
0x317: {  	s16 =	sadd.s32 $0xFFFFFF9A, s14;
	v4 =	vld.idx.msk [tilespmem:v8+s6+$0x0], $0xffff  }
0x318: {  	v8 =	vadd.s32 s16, v0;
	v2 =	vadd.f32 v3, v2  }
0x319: {  	s17 =	sadd.s32 $0xFFFFFFAB, s14;
	v3 =	vld.idx.msk [tilespmem:v6+s6+$0x0], $0xffff  }
0x31a: {  	v6 =	vadd.s32 s17, v0;
	v2 =	vadd.f32 v5, v2  }
0x31b: {  	s18 =	sadd.s32 $0xFFFFFFBC, s14;
	v5 =	vld.idx.msk [tilespmem:v7+s6+$0x0], $0xffff  }
0x31c: {  	v7 =	vadd.s32 s18, v0;
	v2 =	vadd.f32 v4, v2  }
0x31d: {  	s19 =	sadd.s32 $0xFFFFFFCD, s14;
	v4 =	vld.idx.msk [tilespmem:v8+s6+$0x0], $0xffff  }
0x31e: {  	v8 =	vadd.s32 s19, v0;
	v2 =	vadd.f32 v3, v2  }
0x31f: {  	s20 =	sadd.s32 $0xFFFFFFDE, s14;
	v3 =	vld.idx.msk [tilespmem:v6+s6+$0x0], $0xffff  }
0x320: {  	v6 =	vadd.s32 s20, v0;
	v2 =	vadd.f32 v5, v2  }
0x321: {  	s21 =	sadd.s32 $0xFFFFFFEF, s14;
	v5 =	vld.idx.msk [tilespmem:v7+s6+$0x0], $0xffff  }
0x322: {  	v7 =	vadd.s32 s21, v0;
	v2 =	vadd.f32 v4, v2  }
0x323: {  	v4 =	vld.idx.msk [tilespmem:v8+s6+$0x0], $0xffff  }
0x324: {  	v8 =	vadd.s32 s14, v0;
	v2 =	vadd.f32 v3, v2  }
0x325: {  	v3 =	vld.idx.msk [tilespmem:v6+s6+$0x0], $0xffff  }
0x326: {  	v2 =	vadd.f32 v5, v2  }
0x327: {  	v5 =	vld.idx.msk [tilespmem:v7+s6+$0x0], $0xffff  }
0x328: {  	v2 =	vadd.f32 v4, v2  }
0x329: {  	v4 =	vld.idx.msk [tilespmem:v8+s6+$0x0], $0xffff  }
0x32a: {  	v2 =	vadd.f32 v3, v2;
	_ =	sdelay $0x1  }
0x32b: {  	v2 =	vadd.f32 v5, v2;
	_ =	sdelay $0x1  }
0x32c: {  	v2 =	vadd.f32 v4, v2;
	_ =	sdelay $0x1  }
0x32d: {  	v2 =	vsub.f32 $1.200000000e+01, v2  }
0x32e: {  	s13 =	sadd.s32 $0x10, s13  }
0x32f: {  	[tilespmem:s13+$0x0] =	vst v2  }
0x330: {  	_ =	swait.ge [sflag:s4], $0x4000  }
0x331: {  	[sflag:s4] =	ssyncset.done $0x0  }
0x332: {  	[sflag:s4] =	ssyncadd.s32 $0xFFFFC000  }
0x333: {  	_ =	swait.ge [sflag:s4], $0x4000  }
0x334: {  	[sflag:s4] =	ssyncset.done $0x0  }
0x335: {  	[sflag:s4] =	ssyncadd.s32 $0xFFFFC000  }
0x336: {  	_ =	swait.ge [sflag:s5], $0x3000  }
0x337: {  	[sflag:s5] =	ssyncset.done $0x0  }
0x338: {  	s16 =	simm.s32 $0x200;
	[sflag:s5] =	ssyncadd.s32 $0xFFFFD000  }
0x339: {  	[tilespmem:s26], [sflag:$0x6] =	stream.indirect.gather.add.f32 [hbm:s1], $0x80, s16, s25, $0xb8;
	[tilespmem:$0x19680] =	vst v63  }
0x33a: {  	s17 =	simm.s32 $0xA00;
	s18 =	simm.s32 $0x10C00  }
0x33b: {  	[tilespmem:s18], [sflag:$0x6] =	stream.indirect.gather [hbm4b:s1+s25], $0x80, s17, s25, $0xb8;
	[tilespmem:$0x19680] =	vst v63  }
0x33c: {  	_ =	swait.ge [sflag:s29], $0x20  }
0x33d: {  	[sflag:s29] =	ssyncset.done $0x0  }
0x33e: {  	[sflag:s29] =	ssyncadd.s32 $0xFFFFFFE0  }
0x33f: {  	_ =	swait.ge [sflag:s29], $0x20  }
0x340: {  	[sflag:s29] =	ssyncset.done $0x0  }
0x341: {  	[sflag:s29] =	ssyncadd.s32 $0xFFFFFFE0  }
0x342: {  	_ =	swait.ge [sflag:s29], $0x20  }
0x343: {  	[sflag:s29] =	ssyncset.done $0x0  }
0x344: {  	s19 =	simm.s32 $0x680;
	s13 =	simm.s32 $0xC80;
	[sflag:s29] =	ssyncadd.s32 $0xFFFFFFE0  }
0x345: {  	[tilespmem:s7], [sflag:$0x4] =	stream.indirect.gather [hbm4b:s2+s30], $0x80, s19, s30, $0xb8;
	[tilespmem:$0x19680] =	vst v63  }
0x346: {  	v2 =	vld [tilespmem:s13+$0xFFFFFF80]  }
0x347: {  	s14 =	simm.s32 $0xCC80;
	v3 =	vld [tilespmem:s13+$0xFFFFFF90]  }
0x348: {  	v4 =	vld [tilespmem:s14+$0xFFFFFF90]  }
0x349: {  	v5 =	vld [tilespmem:s14+$0xFFFFFF80]  }
0x34a: {  	v6 =	vld [tilespmem:s13+$0xFFFFFFA0]  }
0x34b: {  	v7 =	vld [tilespmem:s14+$0xFFFFFFA0]  }
0x34c: {  	v8 =	vld [tilespmem:s14+$0xFFFFFFB0]  }
0x34d: {  	v9 =	vld [tilespmem:s13+$0xFFFFFFB0]  }
0x34e: {  	v3 =	vsub.f32 v3, v4;
	v2 =	vsub.f32 v2, v5;
	v4 =	vld [tilespmem:s14+$0xFFFFFFC0]  }
0x34f: {  	v5 =	vld [tilespmem:s13+$0xFFFFFFC0]  }
0x350: {  	v6 =	vsub.f32 v6, v7;
	v7 =	vld [tilespmem:s14+$0xFFFFFFD0];
	v2 =	vand.u32 $0x7FFFFFFF, v2;
	v3 =	vand.u32 $0x7FFFFFFF, v3  }
0x351: {  	v2 =	vadd.f32 v3, v2;
	v3 =	vld [tilespmem:s13+$0xFFFFFFD0]  }
0x352: {  	v8 =	vsub.f32 v9, v8;
	v9 =	vld [tilespmem:s14+$0xFFFFFFE0];
	v6 =	vand.u32 $0x7FFFFFFF, v6  }
0x353: {  	v2 =	vadd.f32 v6, v2;
	v6 =	vld [tilespmem:s13+$0xFFFFFFE0]  }
0x354: {  	v8 =	vand.u32 $0x7FFFFFFF, v8;
	v4 =	vsub.f32 v5, v4;
	v5 =	vld [tilespmem:s14+$0xFFFFFFF0]  }
0x355: {  	v2 =	vadd.f32 v8, v2;
	v8 =	vld [tilespmem:s13+$0xFFFFFFF0]  }
0x356: {  	s20 =	simm.s32 $0x0;
	v4 =	vand.u32 $0x7FFFFFFF, v4;
	v3 =	vsub.f32 v3, v7  }
0x357: {  	s15 =	simm.s32 $0x0;
	s18 =	smul.u32 $0x110, s20;
	v2 =	vadd.f32 v4, v2  }
0x358: {  	s21 =	sand.u32 $0xE, s15;
	v3 =	vand.u32 $0x7FFFFFFF, v3;
	v4 =	vsub.f32 v6, v9  }
0x359: {  	s16 =	sor.u32 s21, s18;
	v2 =	vadd.f32 v3, v2  }
0x35a: {  	v3 =	vand.u32 $0x7FFFFFFF, v4;
	v4 =	vsub.f32 v8, v5;
	v5 =	vadd.s32 s16, v1  }
0x35b: {  	v2 =	vadd.f32 v3, v2  }
0x35c: {  	v3 =	vand.u32 $0x7FFFFFFF, v4  }
0x35d: {  	v2 =	vadd.f32 v3, v2;
	_ =	sdelay $0x1  }
0x35e: {  	[tilespmem:v5+s6+$0x0] =	vst.idx.msk $0xffff, v2  }
0x35f: {  	v2 =	vld [tilespmem:s13+$0x0]  }
0x360: {  	v3 =	vld [tilespmem:s14+$0x0]  }
0x361: {  	v4 =	vld [tilespmem:s13+$0x10]  }
0x362: {  	v5 =	vld [tilespmem:s14+$0x10]  }
0x363: {  	v6 =	vld [tilespmem:s14+$0x20]  }
0x364: {  	v7 =	vld [tilespmem:s13+$0x20]  }
0x365: {  	v8 =	vld [tilespmem:s14+$0x30]  }
0x366: {  	v9 =	vld [tilespmem:s13+$0x30]  }
0x367: {  	v10 =	vld [tilespmem:s14+$0x40];
	v2 =	vsub.f32 v2, v3;
	v3 =	vsub.f32 v4, v5  }
0x368: {  	v11 =	vld [tilespmem:s13+$0x40]  }
0x369: {  	v5 =	vsub.f32 v7, v6;
	v4 =	vld [tilespmem:s14+$0x50];
	v2 =	vand.u32 $0x7FFFFFFF, v2;
	v3 =	vand.u32 $0x7FFFFFFF, v3  }
0x36a: {  	v7 =	vld [tilespmem:s13+$0x50];
	v3 =	vadd.f32 v3, v2  }
0x36b: {  	v6 =	vsub.f32 v9, v8;
	v5 =	vand.u32 $0x7FFFFFFF, v5;
	v2 =	vld [tilespmem:s14+$0x60]  }
0x36c: {  	v8 =	vadd.f32 v5, v3;
	v5 =	vld [tilespmem:s13+$0x60]  }
0x36d: {  	v6 =	vand.u32 $0x7FFFFFFF, v6;
	v3 =	vld [tilespmem:s14+$0x70]  }
0x36e: {  	s17 =	simm.s32 $0x1;
	s16 =	simm.s32 $0x1;
	v9 =	vsub.f32 v11, v10;
	v8 =	vadd.f32 v6, v8;
	v6 =	vld [tilespmem:s13+$0x70]  }
.LBB2_14:
0x36f: {  	s15 =	sadd.s32 $0x2, s15  }
0x370: {  	v9 =	vand.u32 $0x7FFFFFFF, v9;
	v4 =	vsub.f32 v7, v4;
	s13 =	sadd.s32 $0x100, s13;
	s14 =	sadd.s32 $0x100, s14;
	s19 =	smov.u32 s16  }
0x371: {  	p0 =	sne.s32 s16, $0x3F;
	s16 =	sadd.s32 $0x1, s16;
	s20 =	sadd.s32 $0x1, s15;
	v7 =	vadd.f32 v9, v8  }
0x372: {  	s21 =	sand.u32 $0xF, s17;
	v4 =	vand.u32 $0x7FFFFFFF, v4;
	v2 =	vsub.f32 v5, v2;
	s17 =	smov.u32 s20  }
0x373: {  	s18 =	sor.u32 s18, s21;
	v4 =	vadd.f32 v4, v7  }
0x374: {  	v5 =	vadd.s32 s18, v1;
	v2 =	vand.u32 $0x7FFFFFFF, v2;
	v3 =	vsub.f32 v6, v3  }
0x375: {  	v2 =	vadd.f32 v2, v4  }
0x376: {  	v3 =	vand.u32 $0x7FFFFFFF, v3  }
0x377: {  	v2 =	vadd.f32 v3, v2;
	_ =	sdelay $0x1  }
0x378: {  	[tilespmem:v5+s6+$0x0] =	vst.idx.msk $0xffff, v2  }
0x379: {  	v2 =	vld [tilespmem:s13+$0xFFFFFF80]  }
0x37a: {  	v3 =	vld [tilespmem:s13+$0xFFFFFF90]  }
0x37b: {  	v4 =	vld [tilespmem:s14+$0xFFFFFF90]  }
0x37c: {  	v5 =	vld [tilespmem:s14+$0xFFFFFF80]  }
0x37d: {  	v6 =	vld [tilespmem:s13+$0xFFFFFFA0]  }
0x37e: {  	v7 =	vld [tilespmem:s14+$0xFFFFFFA0]  }
0x37f: {  	v8 =	vld [tilespmem:s14+$0xFFFFFFB0]  }
0x380: {  	v3 =	vsub.f32 v3, v4;
	v4 =	vld [tilespmem:s13+$0xFFFFFFB0]  }
0x381: {  	v2 =	vsub.f32 v2, v5;
	v5 =	vld [tilespmem:s14+$0xFFFFFFC0]  }
0x382: {  	v9 =	vld [tilespmem:s13+$0xFFFFFFC0]  }
0x383: {  	v3 =	vand.u32 $0x7FFFFFFF, v3;
	v2 =	vand.u32 $0x7FFFFFFF, v2;
	v6 =	vsub.f32 v6, v7;
	v7 =	vld [tilespmem:s14+$0xFFFFFFD0]  }
0x384: {  	v2 =	vadd.f32 v3, v2;
	v3 =	vld [tilespmem:s13+$0xFFFFFFD0]  }
0x385: {  	v6 =	vand.u32 $0x7FFFFFFF, v6;
	v4 =	vsub.f32 v4, v8;
	v8 =	vld [tilespmem:s14+$0xFFFFFFE0]  }
0x386: {  	v2 =	vadd.f32 v6, v2;
	v6 =	vld [tilespmem:s13+$0xFFFFFFE0]  }
0x387: {  	v4 =	vand.u32 $0x7FFFFFFF, v4;
	v5 =	vsub.f32 v9, v5;
	v9 =	vld [tilespmem:s14+$0xFFFFFFF0]  }
0x388: {  	v2 =	vadd.f32 v4, v2;
	v4 =	vld [tilespmem:s13+$0xFFFFFFF0]  }
0x389: {  	s18 =	sshrl.u32 s19, $0x3;
	v5 =	vand.u32 $0x7FFFFFFF, v5;
	v3 =	vsub.f32 v3, v7  }
0x38a: {  	s18 =	smul.u32 $0x110, s18;
	v2 =	vadd.f32 v5, v2  }
0x38b: {  	s19 =	sand.u32 $0xE, s15;
	v3 =	vand.u32 $0x7FFFFFFF, v3;
	v5 =	vsub.f32 v6, v8  }
0x38c: {  	s19 =	sor.u32 s19, s18;
	v2 =	vadd.f32 v3, v2  }
0x38d: {  	v3 =	vand.u32 $0x7FFFFFFF, v5;
	v4 =	vsub.f32 v4, v9;
	v5 =	vadd.s32 s19, v1  }
0x38e: {  	v2 =	vadd.f32 v3, v2  }
0x38f: {  	v3 =	vand.u32 $0x7FFFFFFF, v4  }
0x390: {  	v2 =	vadd.f32 v3, v2;
	_ =	sdelay $0x1  }
0x391: {  	[tilespmem:v5+s6+$0x0] =	vst.idx.msk $0xffff, v2  }
0x392: {  	v2 =	vld [tilespmem:s13+$0x0]  }
0x393: {  	v3 =	vld [tilespmem:s14+$0x0]  }
0x394: {  	v4 =	vld [tilespmem:s13+$0x10]  }
0x395: {  	v5 =	vld [tilespmem:s14+$0x10]  }
0x396: {  	v6 =	vld [tilespmem:s14+$0x20]  }
0x397: {  	v7 =	vld [tilespmem:s13+$0x20]  }
0x398: {  	v2 =	vsub.f32 v2, v3;
	v3 =	vld [tilespmem:s14+$0x30]  }
0x399: {  	v8 =	vld [tilespmem:s13+$0x30]  }
0x39a: {  	v2 =	vand.u32 $0x7FFFFFFF, v2;
	v4 =	vsub.f32 v4, v5;
	v9 =	vld [tilespmem:s14+$0x40]  }
0x39b: {  	v10 =	vld [tilespmem:s13+$0x40]  }
0x39c: {  	v5 =	vand.u32 $0x7FFFFFFF, v4;
	v6 =	vsub.f32 v7, v6;
	v4 =	vld [tilespmem:s14+$0x50]  }
.Ltmp6:
0x39d: {  	v5 =	vadd.f32 v5, v2;
	v7 =	vld [tilespmem:s13+$0x50];
	(pc) =	sbr.rel @p0 .LBB2_14-.Ltmp6, $4  }
0x39e: {  	v6 =	vand.u32 $0x7FFFFFFF, v6;
	v3 =	vsub.f32 v8, v3;
	v2 =	vld [tilespmem:s14+$0x60]  }
0x39f: {  	v6 =	vadd.f32 v6, v5;
	v5 =	vld [tilespmem:s13+$0x60]  }
0x3a0: {  	v8 =	vand.u32 $0x7FFFFFFF, v3;
	v9 =	vsub.f32 v10, v9;
	v3 =	vld [tilespmem:s14+$0x70]  }
0x3a1: {  	v8 =	vadd.f32 v8, v6;
	v6 =	vld [tilespmem:s13+$0x70]  }
0x3a2: {  	v9 =	vand.u32 $0x7FFFFFFF, v9;
	v4 =	vsub.f32 v7, v4  }
0x3a3: {  	v39 =	vadd.f32 v9, v8  }
0x3a4: {  	s13 =	sand.u32 $0xF, s17;
	v4 =	vand.u32 $0x7FFFFFFF, v4;
	v2 =	vsub.f32 v5, v2  }
0x3a5: {  	s13 =	sor.u32 s18, s13;
	v4 =	vadd.f32 v4, v39  }
0x3a6: {  	s14 =	simm.s32 $0x0;
	v5 =	vadd.s32 s13, v1;
	v2 =	vand.u32 $0x7FFFFFFF, v2;
	v3 =	vsub.f32 v6, v3  }
0x3a7: {  	v2 =	vadd.f32 v2, v4;
	v4 =	vor.u32 s14, v0  }
0x3a8: {  	s15 =	simm.s32 $0x11;
	v3 =	vand.u32 $0x7FFFFFFF, v3  }
0x3a9: {  	v2 =	vadd.f32 v3, v2;
	v3 =	vadd.s32 s15, v0  }
0x3aa: {  	s16 =	simm.s32 $0x22  }
0x3ab: {  	[tilespmem:v5+s6+$0x0] =	vst.idx.msk $0xffff, v2;
	v2 =	vadd.s32 s16, v0  }
0x3ac: {  	s17 =	simm.s32 $0x33;
	v4 =	vld.idx.msk [tilespmem:v4+s6+$0x0], $0xffff  }
0x3ad: {  	v5 =	vadd.s32 s17, v0  }
0x3ae: {  	s18 =	simm.s32 $0x44;
	v3 =	vld.idx.msk [tilespmem:v3+s6+$0x0], $0xffff  }
0x3af: {  	v40 =	vadd.s32 s18, v0  }
0x3b0: {  	s19 =	simm.s32 $0x55;
	v2 =	vld.idx.msk [tilespmem:v2+s6+$0x0], $0xffff  }
0x3b1: {  	v41 =	vadd.s32 s19, v0;
	v4 =	vadd.f32 $0.0e+00, v4  }
0x3b2: {  	s20 =	simm.s32 $0x66;
	v5 =	vld.idx.msk [tilespmem:v5+s6+$0x0], $0xffff  }
0x3b3: {  	v42 =	vadd.s32 s20, v0;
	v3 =	vadd.f32 v3, v4  }
0x3b4: {  	s21 =	simm.s32 $0x77;
	v4 =	vld.idx.msk [tilespmem:v40+s6+$0x0], $0xffff  }
0x3b5: {  	v43 =	vadd.s32 s21, v0;
	v2 =	vadd.f32 v2, v3  }
0x3b6: {  	s14 =	simm.s32 $0x88;
	v3 =	vld.idx.msk [tilespmem:v41+s6+$0x0], $0xffff  }
0x3b7: {  	v44 =	vadd.s32 s14, v0;
	v2 =	vadd.f32 v5, v2  }
0x3b8: {  	s15 =	simm.s32 $0x99;
	v5 =	vld.idx.msk [tilespmem:v42+s6+$0x0], $0xffff  }
0x3b9: {  	v45 =	vadd.s32 s15, v0;
	v2 =	vadd.f32 v4, v2  }
0x3ba: {  	s16 =	simm.s32 $0xAA;
	v4 =	vld.idx.msk [tilespmem:v43+s6+$0x0], $0xffff  }
0x3bb: {  	v46 =	vadd.s32 s16, v0;
	v2 =	vadd.f32 v3, v2  }
0x3bc: {  	s17 =	simm.s32 $0xBB;
	v3 =	vld.idx.msk [tilespmem:v44+s6+$0x0], $0xffff  }
0x3bd: {  	v47 =	vadd.s32 s17, v0;
	v2 =	vadd.f32 v5, v2  }
0x3be: {  	s18 =	simm.s32 $0xCC;
	v5 =	vld.idx.msk [tilespmem:v45+s6+$0x0], $0xffff  }
0x3bf: {  	v48 =	vadd.s32 s18, v0;
	v2 =	vadd.f32 v4, v2  }
0x3c0: {  	s19 =	simm.s32 $0xDD;
	v4 =	vld.idx.msk [tilespmem:v46+s6+$0x0], $0xffff  }
0x3c1: {  	v49 =	vadd.s32 s19, v0;
	v2 =	vadd.f32 v3, v2  }
0x3c2: {  	s20 =	simm.s32 $0xEE;
	v3 =	vld.idx.msk [tilespmem:v47+s6+$0x0], $0xffff  }
0x3c3: {  	v50 =	vadd.s32 s20, v0;
	v2 =	vadd.f32 v5, v2  }
0x3c4: {  	s21 =	simm.s32 $0xFF;
	v5 =	vld.idx.msk [tilespmem:v48+s6+$0x0], $0xffff  }
0x3c5: {  	v51 =	vadd.s32 s21, v0;
	v2 =	vadd.f32 v4, v2  }
0x3c6: {  	v4 =	vld.idx.msk [tilespmem:v49+s6+$0x0], $0xffff  }
0x3c7: {  	v2 =	vadd.f32 v3, v2  }
0x3c8: {  	v3 =	vld.idx.msk [tilespmem:v50+s6+$0x0], $0xffff  }
0x3c9: {  	v2 =	vadd.f32 v5, v2  }
0x3ca: {  	v5 =	vld.idx.msk [tilespmem:v51+s6+$0x0], $0xffff  }
0x3cb: {  	v2 =	vadd.f32 v4, v2;
	_ =	sdelay $0x1  }
0x3cc: {  	v2 =	vadd.f32 v3, v2  }
0x3cd: {  	s14 =	simm.s32 $0x110  }
0x3ce: {  	v3 =	vor.u32 s14, v0;
	v2 =	vadd.f32 v5, v2  }
0x3cf: {  	s15 =	simm.s32 $0x121  }
0x3d0: {  	v4 =	vadd.s32 s15, v0;
	v2 =	vsub.f32 $1.200000000e+01, v2  }
0x3d1: {  	s13 =	simm.s32 $0x19580;
	s14 =	simm.s32 $0x132  }
0x3d2: {  	v5 =	vadd.s32 s14, v0;
	[tilespmem:s13+$0x0] =	vst v2  }
0x3d3: {  	s16 =	simm.s32 $0x143;
	v2 =	vld.idx.msk [tilespmem:v3+s6+$0x0], $0xffff  }
0x3d4: {  	v3 =	vadd.s32 s16, v0  }
0x3d5: {  	s17 =	simm.s32 $0x154;
	v4 =	vld.idx.msk [tilespmem:v4+s6+$0x0], $0xffff  }
0x3d6: {  	v52 =	vadd.s32 s17, v0  }
0x3d7: {  	s18 =	simm.s32 $0x165;
	v5 =	vld.idx.msk [tilespmem:v5+s6+$0x0], $0xffff  }
0x3d8: {  	v53 =	vadd.s32 s18, v0;
	v2 =	vadd.f32 $0.0e+00, v2  }
0x3d9: {  	s19 =	simm.s32 $0x176;
	v3 =	vld.idx.msk [tilespmem:v3+s6+$0x0], $0xffff  }
0x3da: {  	v54 =	vadd.s32 s19, v0;
	v2 =	vadd.f32 v4, v2  }
0x3db: {  	s20 =	simm.s32 $0x187;
	v4 =	vld.idx.msk [tilespmem:v52+s6+$0x0], $0xffff  }
0x3dc: {  	v55 =	vadd.s32 s20, v0;
	v2 =	vadd.f32 v5, v2  }
0x3dd: {  	s21 =	simm.s32 $0x198;
	v5 =	vld.idx.msk [tilespmem:v53+s6+$0x0], $0xffff  }
0x3de: {  	v56 =	vadd.s32 s21, v0;
	v2 =	vadd.f32 v3, v2  }
0x3df: {  	s15 =	simm.s32 $0x1A9;
	v3 =	vld.idx.msk [tilespmem:v54+s6+$0x0], $0xffff  }
0x3e0: {  	v57 =	vadd.s32 s15, v0;
	v2 =	vadd.f32 v4, v2  }
0x3e1: {  	s16 =	simm.s32 $0x1BA;
	v4 =	vld.idx.msk [tilespmem:v55+s6+$0x0], $0xffff  }
0x3e2: {  	v58 =	vadd.s32 s16, v0;
	v2 =	vadd.f32 v5, v2  }
0x3e3: {  	s17 =	simm.s32 $0x1CB;
	v5 =	vld.idx.msk [tilespmem:v56+s6+$0x0], $0xffff  }
0x3e4: {  	v59 =	vadd.s32 s17, v0;
	v2 =	vadd.f32 v3, v2  }
0x3e5: {  	v3 =	vld.idx.msk [tilespmem:v57+s6+$0x0], $0xffff  }
0x3e6: {  	s18 =	simm.s32 $0x1DC;
	v2 =	vadd.f32 v4, v2  }
0x3e7: {  	v60 =	vadd.s32 s18, v0;
	v4 =	vld.idx.msk [tilespmem:v58+s6+$0x0], $0xffff  }
0x3e8: {  	s19 =	simm.s32 $0x1ED;
	v2 =	vadd.f32 v5, v2  }
0x3e9: {  	v61 =	vadd.s32 s19, v0;
	v5 =	vld.idx.msk [tilespmem:v59+s6+$0x0], $0xffff  }
0x3ea: {  	v2 =	vadd.f32 v3, v2  }
0x3eb: {  	s20 =	simm.s32 $0x1FE  }
0x3ec: {  	v62 =	vadd.s32 s20, v0;
	v3 =	vld.idx.msk [tilespmem:v60+s6+$0x0], $0xffff;
	v2 =	vadd.f32 v4, v2  }
0x3ed: {  	s21 =	simm.s32 $0x20F  }
0x3ee: {  	v4 =	vld.idx.msk [tilespmem:v61+s6+$0x0], $0xffff;
	v2 =	vadd.f32 v5, v2;
	v5 =	vadd.s32 s21, v0;
	_ =	sdelay $0x2  }
0x3ef: {  	v63 =	vld.idx.msk [tilespmem:v62+s6+$0x0], $0xffff;
	v2 =	vadd.f32 v3, v2;
	_ =	sdelay $0x1  }
0x3f0: {  	v3 =	vadd.f32 v4, v2;
	v2 =	vld.idx.msk [tilespmem:v5+s6+$0x0], $0xffff;
	_ =	sdelay $0x2  }
0x3f1: {  	v3 =	vadd.f32 v63, v3  }
0x3f2: {  	s15 =	simm.s32 $0x42F;
	s14 =	simm.s32 $0x31F;
	s16 =	simm.s32 $0x220  }
.LBB2_16:
0x3f3: {  	p0 =	sne.s32 s15, $0x86F;
	v4 =	vor.u32 s16, v0;
	v2 =	vadd.f32 v2, v3  }
0x3f4: {  	s16 =	sadd.s32 $0xFFFFFF12, s14  }
0x3f5: {  	v3 =	vadd.s32 s16, v0;
	v2 =	vsub.f32 $1.200000000e+01, v2  }
0x3f6: {  	s13 =	sadd.s32 $0x10, s13;
	s16 =	sadd.s32 $0xFFFFFF23, s14  }
0x3f7: {  	v5 =	vadd.s32 s16, v0;
	[tilespmem:s13+$0x0] =	vst v2  }
0x3f8: {  	s16 =	sadd.s32 $0xFFFFFF34, s14;
	v2 =	vld.idx.msk [tilespmem:v4+s6+$0x0], $0xffff  }
0x3f9: {  	v4 =	vadd.s32 s16, v0  }
0x3fa: {  	s16 =	sadd.s32 $0xFFFFFF45, s14;
	v3 =	vld.idx.msk [tilespmem:v3+s6+$0x0], $0xffff  }
0x3fb: {  	v6 =	vadd.s32 s16, v0  }
0x3fc: {  	s16 =	sadd.s32 $0xFFFFFF56, s14;
	v5 =	vld.idx.msk [tilespmem:v5+s6+$0x0], $0xffff  }
0x3fd: {  	v7 =	vadd.s32 s16, v0  }
0x3fe: {  	s16 =	sadd.s32 $0xFFFFFF67, s14;
	v2 =	vadd.f32 $0.0e+00, v2;
	v4 =	vld.idx.msk [tilespmem:v4+s6+$0x0], $0xffff  }
0x3ff: {  	v8 =	vadd.s32 s16, v0  }
0x400: {  	s16 =	sadd.s32 $0xFFFFFF78, s14;
	v2 =	vadd.f32 v3, v2;
	v3 =	vld.idx.msk [tilespmem:v6+s6+$0x0], $0xffff  }
0x401: {  	v6 =	vadd.s32 s16, v0  }
0x402: {  	s16 =	sadd.s32 $0xFFFFFF89, s14;
	v2 =	vadd.f32 v5, v2;
	v5 =	vld.idx.msk [tilespmem:v7+s6+$0x0], $0xffff  }
0x403: {  	v7 =	vadd.s32 s16, v0  }
0x404: {  	s16 =	sadd.s32 $0xFFFFFF9A, s14;
	v2 =	vadd.f32 v4, v2;
	v4 =	vld.idx.msk [tilespmem:v8+s6+$0x0], $0xffff  }
0x405: {  	v8 =	vadd.s32 s16, v0  }
0x406: {  	s16 =	sadd.s32 $0xFFFFFFAB, s14;
	v2 =	vadd.f32 v3, v2;
	v3 =	vld.idx.msk [tilespmem:v6+s6+$0x0], $0xffff  }
0x407: {  	v6 =	vadd.s32 s16, v0  }
0x408: {  	s16 =	sadd.s32 $0xFFFFFFBC, s14;
	v2 =	vadd.f32 v5, v2;
	v5 =	vld.idx.msk [tilespmem:v7+s6+$0x0], $0xffff  }
0x409: {  	v7 =	vadd.s32 s16, v0  }
0x40a: {  	s16 =	sadd.s32 $0xFFFFFFCD, s14;
	v2 =	vadd.f32 v4, v2;
	v4 =	vld.idx.msk [tilespmem:v8+s6+$0x0], $0xffff  }
0x40b: {  	v8 =	vadd.s32 s16, v0  }
0x40c: {  	s16 =	sadd.s32 $0xFFFFFFDE, s14;
	v2 =	vadd.f32 v3, v2;
	v3 =	vld.idx.msk [tilespmem:v6+s6+$0x0], $0xffff  }
0x40d: {  	v6 =	vadd.s32 s16, v0  }
0x40e: {  	s16 =	sadd.s32 $0xFFFFFFEF, s14;
	v2 =	vadd.f32 v5, v2;
	v5 =	vld.idx.msk [tilespmem:v7+s6+$0x0], $0xffff  }
0x40f: {  	v7 =	vadd.s32 s16, v0  }
0x410: {  	v2 =	vadd.f32 v4, v2;
	v4 =	vld.idx.msk [tilespmem:v8+s6+$0x0], $0xffff  }
0x411: {  	v8 =	vadd.s32 s14, v0;
	s14 =	smov.u32 s15  }
0x412: {  	v2 =	vadd.f32 v3, v2;
	v3 =	vld.idx.msk [tilespmem:v6+s6+$0x0], $0xffff;
	_ =	sdelay $0x1  }
0x413: {  	v2 =	vadd.f32 v5, v2;
	v5 =	vld.idx.msk [tilespmem:v7+s6+$0x0], $0xffff;
	_ =	sdelay $0x1  }
0x414: {  	v4 =	vadd.f32 v4, v2;
	v2 =	vld.idx.msk [tilespmem:v8+s6+$0x0], $0xffff  }
.Ltmp7:
0x415: {  	(pc) =	sbr.rel @p0 .LBB2_16-.Ltmp7, $3  }
0x416: {  	v3 =	vadd.f32 v3, v4;
	_ =	sdelay $0x1  }
0x417: {  	v3 =	vadd.f32 v5, v3  }
0x418: {  	s15 =	sadd.s32 $0x110, s15;
	s16 =	sadd.s32 $0xFFFFFF01, s14  }
0x419: {  	v4 =	vor.u32 s16, v0;
	v2 =	vadd.f32 v2, v3  }
0x41a: {  	s15 =	sadd.s32 $0xFFFFFF12, s14  }
0x41b: {  	v3 =	vadd.s32 s15, v0;
	v2 =	vsub.f32 $1.200000000e+01, v2  }
0x41c: {  	s16 =	sadd.s32 $0xFFFFFF23, s14;
	s13 =	sadd.s32 $0x10, s13  }
0x41d: {  	v5 =	vadd.s32 s16, v0;
	[tilespmem:s13+$0x0] =	vst v2  }
0x41e: {  	s17 =	sadd.s32 $0xFFFFFF34, s14;
	v2 =	vld.idx.msk [tilespmem:v4+s6+$0x0], $0xffff  }
0x41f: {  	v4 =	vadd.s32 s17, v0  }
0x420: {  	s18 =	sadd.s32 $0xFFFFFF45, s14;
	v3 =	vld.idx.msk [tilespmem:v3+s6+$0x0], $0xffff  }
0x421: {  	v6 =	vadd.s32 s18, v0  }
0x422: {  	s19 =	sadd.s32 $0xFFFFFF56, s14;
	v5 =	vld.idx.msk [tilespmem:v5+s6+$0x0], $0xffff  }
0x423: {  	v7 =	vadd.s32 s19, v0;
	v2 =	vadd.f32 $0.0e+00, v2  }
0x424: {  	s20 =	sadd.s32 $0xFFFFFF67, s14;
	v4 =	vld.idx.msk [tilespmem:v4+s6+$0x0], $0xffff  }
0x425: {  	v8 =	vadd.s32 s20, v0;
	v2 =	vadd.f32 v3, v2  }
0x426: {  	s21 =	sadd.s32 $0xFFFFFF78, s14;
	v3 =	vld.idx.msk [tilespmem:v6+s6+$0x0], $0xffff  }
0x427: {  	v6 =	vadd.s32 s21, v0;
	v2 =	vadd.f32 v5, v2  }
0x428: {  	s16 =	sadd.s32 $0xFFFFFF89, s14;
	v5 =	vld.idx.msk [tilespmem:v7+s6+$0x0], $0xffff  }
0x429: {  	v7 =	vadd.s32 s16, v0;
	v2 =	vadd.f32 v4, v2  }
0x42a: {  	s17 =	sadd.s32 $0xFFFFFF9A, s14;
	v4 =	vld.idx.msk [tilespmem:v8+s6+$0x0], $0xffff  }
0x42b: {  	v59 =	vadd.s32 s17, v0;
	v2 =	vadd.f32 v3, v2  }
0x42c: {  	s18 =	sadd.s32 $0xFFFFFFAB, s14;
	v3 =	vld.idx.msk [tilespmem:v6+s6+$0x0], $0xffff  }
0x42d: {  	v6 =	vadd.s32 s18, v0;
	v2 =	vadd.f32 v5, v2  }
0x42e: {  	s19 =	sadd.s32 $0xFFFFFFBC, s14;
	v5 =	vld.idx.msk [tilespmem:v7+s6+$0x0], $0xffff  }
0x42f: {  	v7 =	vadd.s32 s19, v0;
	v2 =	vadd.f32 v4, v2  }
0x430: {  	s20 =	sadd.s32 $0xFFFFFFCD, s14;
	v4 =	vld.idx.msk [tilespmem:v59+s6+$0x0], $0xffff  }
0x431: {  	v60 =	vadd.s32 s20, v0;
	v2 =	vadd.f32 v3, v2  }
0x432: {  	s21 =	sadd.s32 $0xFFFFFFDE, s14;
	v3 =	vld.idx.msk [tilespmem:v6+s6+$0x0], $0xffff  }
0x433: {  	v6 =	vadd.s32 s21, v0;
	v2 =	vadd.f32 v5, v2  }
0x434: {  	s16 =	sadd.s32 $0xFFFFFFEF, s14;
	v5 =	vld.idx.msk [tilespmem:v7+s6+$0x0], $0xffff  }
0x435: {  	v7 =	vadd.s32 s16, v0;
	v2 =	vadd.f32 v4, v2  }
0x436: {  	v4 =	vld.idx.msk [tilespmem:v60+s6+$0x0], $0xffff  }
0x437: {  	v61 =	vadd.s32 s14, v0;
	v2 =	vadd.f32 v3, v2  }
0x438: {  	v3 =	vld.idx.msk [tilespmem:v6+s6+$0x0], $0xffff  }
0x439: {  	v2 =	vadd.f32 v5, v2  }
0x43a: {  	v5 =	vld.idx.msk [tilespmem:v7+s6+$0x0], $0xffff  }
0x43b: {  	v2 =	vadd.f32 v4, v2  }
0x43c: {  	v4 =	vld.idx.msk [tilespmem:v61+s6+$0x0], $0xffff  }
0x43d: {  	v2 =	vadd.f32 v3, v2;
	_ =	sdelay $0x1  }
0x43e: {  	v2 =	vadd.f32 v5, v2;
	_ =	sdelay $0x1  }
0x43f: {  	v2 =	vadd.f32 v4, v2;
	_ =	sdelay $0x1  }
0x440: {  	v2 =	vsub.f32 $1.200000000e+01, v2  }
0x441: {  	s13 =	sadd.s32 $0x10, s13  }
0x442: {  	[tilespmem:s13+$0x0] =	vst v2  }
0x443: {  	_ =	swait.ge [sflag:s8], $0x3000  }
0x444: {  	[sflag:s8] =	ssyncset.done $0x0  }
0x445: {  	[sflag:s8] =	ssyncadd.s32 $0xFFFFD000  }
0x446: {  	_ =	swait.ge [sflag:s8], $0x3000  }
0x447: {  	[sflag:s8] =	ssyncset.done $0x0  }
0x448: {  	[sflag:s8] =	ssyncadd.s32 $0xFFFFD000  }
0x449: {  	_ =	swait.ge [sflag:s9], $0x1000  }
0x44a: {  	[sflag:s9] =	ssyncset.done $0x0  }
0x44b: {  	s21 =	simm.s32 $0x280;
	[sflag:s9] =	ssyncadd.s32 $0xFFFFF000  }
0x44c: {  	[tilespmem:s7], [sflag:$0x7] =	stream.indirect.gather.add.f32 [hbm:s1], $0x80, s21, s30, $0xb8;
	[tilespmem:$0x19680] =	vst v63  }
0x44d: {  	s17 =	simm.s32 $0xA80;
	s18 =	simm.s32 $0x14C00;
	s13 =	simm.s32 $0x0  }
0x44e: {  	[tilespmem:s18], [sflag:$0x7] =	stream.indirect.gather [hbm4b:s1+s30], $0x80, s17, s30, $0xb8;
	[tilespmem:$0x19680] =	vst v63  }
0x44f: {  	v2 =	vld [tilespmem:s13+$0x4C00]  }
0x450: {  	v3 =	vld [tilespmem:s13+$0x10C10]  }
0x451: {  	v4 =	vld [tilespmem:s13+$0x4C10]  }
0x452: {  	v5 =	vld [tilespmem:s13+$0x10C00]  }
0x453: {  	v6 =	vld [tilespmem:s13+$0x4C20]  }
0x454: {  	v7 =	vld [tilespmem:s13+$0x10C20]  }
0x455: {  	v62 =	vld [tilespmem:s13+$0x10C30]  }
0x456: {  	v9 =	vld [tilespmem:s13+$0x4C30]  }
0x457: {  	v3 =	vsub.f32 v4, v3;
	v2 =	vsub.f32 v2, v5;
	v4 =	vld [tilespmem:s13+$0x10C40]  }
0x458: {  	v5 =	vld [tilespmem:s13+$0x4C40]  }
0x459: {  	v6 =	vsub.f32 v6, v7;
	v7 =	vld [tilespmem:s13+$0x10C50];
	v2 =	vand.u32 $0x7FFFFFFF, v2;
	v3 =	vand.u32 $0x7FFFFFFF, v3  }
0x45a: {  	v2 =	vadd.f32 v3, v2;
	v3 =	vld [tilespmem:s13+$0x4C50]  }
0x45b: {  	v8 =	vsub.f32 v9, v62;
	v6 =	vand.u32 $0x7FFFFFFF, v6  }
0x45c: {  	v2 =	vadd.f32 v6, v2  }
0x45d: {  	v8 =	vand.u32 $0x7FFFFFFF, v8;
	v4 =	vsub.f32 v5, v4  }
0x45e: {  	v63 =	vld [tilespmem:s13+$0x10C60];
	v2 =	vadd.f32 v8, v2  }
0x45f: {  	v6 =	vld [tilespmem:s13+$0x4C60];
	v4 =	vand.u32 $0x7FFFFFFF, v4;
	v3 =	vsub.f32 v3, v7  }
0x460: {  	v4 =	vadd.f32 v4, v2;
	v2 =	vld [tilespmem:s13+$0x10C70]  }
0x461: {  	v7 =	vand.u32 $0x7FFFFFFF, v3;
	v3 =	vld [tilespmem:s13+$0x4C70]  }
0x462: {  	s19 =	simm.s32 $0x0  }
0x463: {  	s20 =	simm.s32 $0x0;
	s14 =	simm.s32 $0x1;
	s17 =	smul.u32 $0x110, s19  }
0x464: {  	s15 =	simm.s32 $0x0;
	s18 =	sand.u32 $0xE, s20;
	s19 =	sand.u32 $0xF, s14;
	v5 =	vsub.f32 v6, v63  }
0x465: {  	s16 =	simm.s32 $0x400;
	s18 =	sor.u32 s18, s17;
	s17 =	sor.u32 s17, s19;
	v4 =	vadd.f32 v7, v4  }
.LBB2_18:
0x466: {  	p0 =	sne.s32 s16, $0xBC00;
	v5 =	vand.u32 $0x7FFFFFFF, v5;
	v2 =	vsub.f32 v3, v2;
	v3 =	vadd.s32 s18, v1;
	s15 =	sadd.s32 $0x1, s15;
	s14 =	sadd.s32 $0x2, s14  }
0x467: {  	s18 =	smov.u32 s16;
	s16 =	sadd.s32 $0x400, s16;
	v4 =	vadd.f32 v5, v4  }
0x468: {  	v2 =	vand.u32 $0x7FFFFFFF, v2  }
0x469: {  	v2 =	vadd.f32 v2, v4;
	_ =	sdelay $0x1  }
0x46a: {  	[tilespmem:v3+s6+$0x0] =	vst.idx.msk $0xffff, v2  }
0x46b: {  	v2 =	vld [tilespmem:s13+$0x4C80]  }
0x46c: {  	s18 =	sshra.s32 s18, $0x2;
	v3 =	vld [tilespmem:s13+$0x10C80]  }
0x46d: {  	v4 =	vld [tilespmem:s13+$0x4CA0]  }
0x46e: {  	v5 =	vld [tilespmem:s13+$0x10C90]  }
0x46f: {  	v6 =	vld [tilespmem:s13+$0x4C90]  }
0x470: {  	v7 =	vld [tilespmem:s13+$0x10CA0]  }
0x471: {  	v2 =	vsub.f32 v2, v3;
	v3 =	vld [tilespmem:s13+$0x4CB0]  }
0x472: {  	v8 =	vld [tilespmem:s13+$0x10CB0]  }
0x473: {  	v9 =	vld [tilespmem:s13+$0x4CC0]  }
0x474: {  	v5 =	vsub.f32 v6, v5;
	v6 =	vld [tilespmem:s13+$0x10CC0]  }
0x475: {  	v4 =	vsub.f32 v4, v7;
	v7 =	vld [tilespmem:s13+$0x4CD0]  }
0x476: {  	v2 =	vand.u32 $0x7FFFFFFF, v2;
	v5 =	vand.u32 $0x7FFFFFFF, v5;
	v10 =	vld [tilespmem:s13+$0x10CD0]  }
0x477: {  	v2 =	vadd.f32 v5, v2;
	v3 =	vsub.f32 v3, v8;
	v5 =	vld [tilespmem:s13+$0x4CE0]  }
0x478: {  	v4 =	vand.u32 $0x7FFFFFFF, v4;
	v8 =	vld [tilespmem:s13+$0x10CE0]  }
0x479: {  	v2 =	vadd.f32 v4, v2;
	v4 =	vsub.f32 v9, v6;
	v6 =	vld [tilespmem:s13+$0x4CF0]  }
0x47a: {  	v3 =	vand.u32 $0x7FFFFFFF, v3;
	v9 =	vld [tilespmem:s13+$0x10CF0];
	s13 =	smov.u32 s18  }
0x47b: {  	v2 =	vadd.f32 v3, v2;
	v3 =	vsub.f32 v7, v10  }
0x47c: {  	v4 =	vand.u32 $0x7FFFFFFF, v4  }
0x47d: {  	v2 =	vadd.f32 v4, v2;
	v4 =	vsub.f32 v5, v8  }
0x47e: {  	v3 =	vand.u32 $0x7FFFFFFF, v3  }
0x47f: {  	v2 =	vadd.f32 v3, v2;
	v3 =	vsub.f32 v6, v9  }
0x480: {  	v5 =	vadd.s32 s17, v1;
	v4 =	vand.u32 $0x7FFFFFFF, v4  }
0x481: {  	v2 =	vadd.f32 v4, v2  }
0x482: {  	v3 =	vand.u32 $0x7FFFFFFF, v3  }
0x483: {  	v2 =	vadd.f32 v3, v2;
	_ =	sdelay $0x1  }
0x484: {  	[tilespmem:v5+s6+$0x0] =	vst.idx.msk $0xffff, v2  }
0x485: {  	v2 =	vld [tilespmem:s13+$0x4C00]  }
0x486: {  	v3 =	vld [tilespmem:s13+$0x10C10]  }
0x487: {  	v4 =	vld [tilespmem:s13+$0x4C10]  }
0x488: {  	v5 =	vld [tilespmem:s13+$0x10C00]  }
0x489: {  	v6 =	vld [tilespmem:s13+$0x4C20]  }
0x48a: {  	v7 =	vld [tilespmem:s13+$0x10C20]  }
0x48b: {  	v8 =	vld [tilespmem:s13+$0x10C30]  }
0x48c: {  	v3 =	vsub.f32 v4, v3;
	v4 =	vld [tilespmem:s13+$0x4C30]  }
0x48d: {  	v2 =	vsub.f32 v2, v5;
	v5 =	vld [tilespmem:s13+$0x10C40]  }
0x48e: {  	v9 =	vld [tilespmem:s13+$0x4C40]  }
0x48f: {  	v3 =	vand.u32 $0x7FFFFFFF, v3;
	v2 =	vand.u32 $0x7FFFFFFF, v2;
	v6 =	vsub.f32 v6, v7;
	v7 =	vld [tilespmem:s13+$0x10C50]  }
0x490: {  	v2 =	vadd.f32 v3, v2;
	v10 =	vld [tilespmem:s13+$0x4C50]  }
0x491: {  	v3 =	vand.u32 $0x7FFFFFFF, v6;
	v4 =	vsub.f32 v4, v8;
	v6 =	vld [tilespmem:s13+$0x10C60]  }
0x492: {  	v3 =	vadd.f32 v3, v2;
	v8 =	vld [tilespmem:s13+$0x4C60]  }
0x493: {  	v4 =	vand.u32 $0x7FFFFFFF, v4;
	v5 =	vsub.f32 v9, v5;
	v2 =	vld [tilespmem:s13+$0x10C70]  }
.Ltmp8:
0x494: {  	v4 =	vadd.f32 v4, v3;
	v3 =	vld [tilespmem:s13+$0x4C70];
	(pc) =	sbr.rel @p0 .LBB2_18-.Ltmp8, $4  }
0x495: {  	s17 =	sshrl.u32 s15, $0x3;
	v5 =	vand.u32 $0x7FFFFFFF, v5;
	v7 =	vsub.f32 v10, v7  }
0x496: {  	s18 =	sadd.s32 $0xFFFFFFFF, s14;
	s17 =	smul.u32 $0x110, s17;
	v4 =	vadd.f32 v5, v4  }
0x497: {  	s19 =	sand.u32 $0xF, s14;
	s18 =	sand.u32 $0xE, s18;
	v7 =	vand.u32 $0x7FFFFFFF, v7;
	v5 =	vsub.f32 v8, v6  }
0x498: {  	s18 =	sor.u32 s18, s17;
	s17 =	sor.u32 s17, s19;
	v4 =	vadd.f32 v7, v4  }
0x499: {  	v5 =	vand.u32 $0x7FFFFFFF, v5;
	v2 =	vsub.f32 v3, v2;
	v3 =	vadd.s32 s18, v1  }
0x49a: {  	v4 =	vadd.f32 v5, v4  }
0x49b: {  	v2 =	vand.u32 $0x7FFFFFFF, v2  }
0x49c: {  	v2 =	vadd.f32 v2, v4;
	_ =	sdelay $0x1  }
0x49d: {  	[tilespmem:v3+s6+$0x0] =	vst.idx.msk $0xffff, v2  }
0x49e: {  	v2 =	vld [tilespmem:s13+$0x4C80]  }
0x49f: {  	v3 =	vld [tilespmem:s13+$0x10C80]  }
0x4a0: {  	v4 =	vld [tilespmem:s13+$0x10C90]  }
0x4a1: {  	v5 =	vld [tilespmem:s13+$0x4C90]  }
0x4a2: {  	v6 =	vld [tilespmem:s13+$0x4CA0]  }
0x4a3: {  	v7 =	vld [tilespmem:s13+$0x10CA0]  }
0x4a4: {  	v8 =	vld [tilespmem:s13+$0x4CB0]  }
0x4a5: {  	v9 =	vld [tilespmem:s13+$0x10CB0]  }
0x4a6: {  	v2 =	vsub.f32 v2, v3;
	v3 =	vld [tilespmem:s13+$0x4CC0];
	v4 =	vsub.f32 v5, v4  }
0x4a7: {  	v5 =	vld [tilespmem:s13+$0x10CC0]  }
0x4a8: {  	v36 =	vld [tilespmem:s13+$0x4CD0];
	v6 =	vsub.f32 v6, v7;
	v2 =	vand.u32 $0x7FFFFFFF, v2;
	v4 =	vand.u32 $0x7FFFFFFF, v4  }
0x4a9: {  	v10 =	vld [tilespmem:s13+$0x10CD0];
	v2 =	vadd.f32 v4, v2  }
0x4aa: {  	v37 =	vld [tilespmem:s13+$0x4CE0];
	v6 =	vand.u32 $0x7FFFFFFF, v6;
	v4 =	vsub.f32 v8, v9  }
0x4ab: {  	v38 =	vld [tilespmem:s13+$0x10CE0];
	v2 =	vadd.f32 v6, v2  }
0x4ac: {  	v39 =	vld [tilespmem:s13+$0x10CF0];
	v3 =	vsub.f32 v3, v5;
	v4 =	vand.u32 $0x7FFFFFFF, v4  }
0x4ad: {  	v5 =	vld [tilespmem:s13+$0x4CF0];
	v2 =	vadd.f32 v4, v2  }
0x4ae: {  	v4 =	vsub.f32 v36, v10;
	v3 =	vand.u32 $0x7FFFFFFF, v3  }
0x4af: {  	v2 =	vadd.f32 v3, v2  }
0x4b0: {  	v3 =	vsub.f32 v37, v38;
	v4 =	vand.u32 $0x7FFFFFFF, v4  }
0x4b1: {  	v2 =	vadd.f32 v4, v2  }
0x4b2: {  	s16 =	simm.s32 $0x0;
	v4 =	vsub.f32 v5, v39;
	v3 =	vand.u32 $0x7FFFFFFF, v3;
	v5 =	vadd.s32 s17, v1  }
0x4b3: {  	v2 =	vadd.f32 v3, v2;
	v3 =	vor.u32 s16, v0  }
0x4b4: {  	s17 =	simm.s32 $0x11;
	v4 =	vand.u32 $0x7FFFFFFF, v4  }
0x4b5: {  	v2 =	vadd.f32 v4, v2;
	v4 =	vadd.s32 s17, v0  }
0x4b6: {  	s18 =	simm.s32 $0x22  }
0x4b7: {  	[tilespmem:v5+s6+$0x0] =	vst.idx.msk $0xffff, v2;
	v2 =	vadd.s32 s18, v0  }
0x4b8: {  	s19 =	simm.s32 $0x33;
	v3 =	vld.idx.msk [tilespmem:v3+s6+$0x0], $0xffff  }
0x4b9: {  	v5 =	vadd.s32 s19, v0  }
0x4ba: {  	s20 =	simm.s32 $0x44;
	v4 =	vld.idx.msk [tilespmem:v4+s6+$0x0], $0xffff  }
0x4bb: {  	v40 =	vadd.s32 s20, v0  }
0x4bc: {  	s14 =	simm.s32 $0x55;
	v2 =	vld.idx.msk [tilespmem:v2+s6+$0x0], $0xffff  }
0x4bd: {  	v41 =	vadd.s32 s14, v0;
	v3 =	vadd.f32 $0.0e+00, v3  }
0x4be: {  	s15 =	simm.s32 $0x66;
	v5 =	vld.idx.msk [tilespmem:v5+s6+$0x0], $0xffff  }
0x4bf: {  	v42 =	vadd.s32 s15, v0;
	v3 =	vadd.f32 v4, v3  }
0x4c0: {  	s16 =	simm.s32 $0x77;
	v4 =	vld.idx.msk [tilespmem:v40+s6+$0x0], $0xffff  }
0x4c1: {  	v43 =	vadd.s32 s16, v0;
	v2 =	vadd.f32 v2, v3  }
0x4c2: {  	s17 =	simm.s32 $0x88;
	v3 =	vld.idx.msk [tilespmem:v41+s6+$0x0], $0xffff  }
0x4c3: {  	v44 =	vadd.s32 s17, v0;
	v2 =	vadd.f32 v5, v2  }
0x4c4: {  	s18 =	simm.s32 $0x99;
	v5 =	vld.idx.msk [tilespmem:v42+s6+$0x0], $0xffff  }
0x4c5: {  	v45 =	vadd.s32 s18, v0;
	v2 =	vadd.f32 v4, v2  }
0x4c6: {  	s19 =	simm.s32 $0xAA;
	v4 =	vld.idx.msk [tilespmem:v43+s6+$0x0], $0xffff  }
0x4c7: {  	v46 =	vadd.s32 s19, v0;
	v2 =	vadd.f32 v3, v2  }
0x4c8: {  	s20 =	simm.s32 $0xBB;
	v3 =	vld.idx.msk [tilespmem:v44+s6+$0x0], $0xffff  }
0x4c9: {  	v47 =	vadd.s32 s20, v0;
	v2 =	vadd.f32 v5, v2  }
0x4ca: {  	s14 =	simm.s32 $0xCC;
	v5 =	vld.idx.msk [tilespmem:v45+s6+$0x0], $0xffff  }
0x4cb: {  	v48 =	vadd.s32 s14, v0;
	v2 =	vadd.f32 v4, v2  }
0x4cc: {  	s15 =	simm.s32 $0xDD;
	v4 =	vld.idx.msk [tilespmem:v46+s6+$0x0], $0xffff  }
0x4cd: {  	v49 =	vadd.s32 s15, v0;
	v2 =	vadd.f32 v3, v2  }
0x4ce: {  	s16 =	simm.s32 $0xEE;
	v3 =	vld.idx.msk [tilespmem:v47+s6+$0x0], $0xffff  }
0x4cf: {  	v50 =	vadd.s32 s16, v0;
	v2 =	vadd.f32 v5, v2  }
0x4d0: {  	s17 =	simm.s32 $0xFF;
	v5 =	vld.idx.msk [tilespmem:v48+s6+$0x0], $0xffff  }
0x4d1: {  	v51 =	vadd.s32 s17, v0;
	v2 =	vadd.f32 v4, v2  }
0x4d2: {  	v4 =	vld.idx.msk [tilespmem:v49+s6+$0x0], $0xffff  }
0x4d3: {  	v2 =	vadd.f32 v3, v2  }
0x4d4: {  	v3 =	vld.idx.msk [tilespmem:v50+s6+$0x0], $0xffff  }
0x4d5: {  	v2 =	vadd.f32 v5, v2  }
0x4d6: {  	v5 =	vld.idx.msk [tilespmem:v51+s6+$0x0], $0xffff  }
0x4d7: {  	v2 =	vadd.f32 v4, v2;
	_ =	sdelay $0x1  }
0x4d8: {  	v2 =	vadd.f32 v3, v2  }
0x4d9: {  	s18 =	simm.s32 $0x110  }
0x4da: {  	v3 =	vor.u32 s18, v0;
	v2 =	vadd.f32 v5, v2  }
0x4db: {  	s19 =	simm.s32 $0x121  }
0x4dc: {  	v4 =	vadd.s32 s19, v0;
	v2 =	vsub.f32 $1.200000000e+01, v2  }
0x4dd: {  	s14 =	simm.s32 $0x132;
	s13 =	simm.s32 $0x19600  }
0x4de: {  	v5 =	vadd.s32 s14, v0;
	[tilespmem:s13+$0x0] =	vst v2  }
0x4df: {  	s20 =	simm.s32 $0x143;
	v2 =	vld.idx.msk [tilespmem:v3+s6+$0x0], $0xffff  }
0x4e0: {  	v3 =	vadd.s32 s20, v0  }
0x4e1: {  	s15 =	simm.s32 $0x154;
	v4 =	vld.idx.msk [tilespmem:v4+s6+$0x0], $0xffff  }
0x4e2: {  	v52 =	vadd.s32 s15, v0  }
0x4e3: {  	s16 =	simm.s32 $0x165;
	v5 =	vld.idx.msk [tilespmem:v5+s6+$0x0], $0xffff  }
0x4e4: {  	v53 =	vadd.s32 s16, v0;
	v2 =	vadd.f32 $0.0e+00, v2  }
0x4e5: {  	s17 =	simm.s32 $0x176;
	v3 =	vld.idx.msk [tilespmem:v3+s6+$0x0], $0xffff  }
0x4e6: {  	v54 =	vadd.s32 s17, v0;
	v2 =	vadd.f32 v4, v2  }
0x4e7: {  	s18 =	simm.s32 $0x187;
	v4 =	vld.idx.msk [tilespmem:v52+s6+$0x0], $0xffff  }
0x4e8: {  	v55 =	vadd.s32 s18, v0;
	v2 =	vadd.f32 v5, v2  }
0x4e9: {  	s19 =	simm.s32 $0x198;
	v5 =	vld.idx.msk [tilespmem:v53+s6+$0x0], $0xffff  }
0x4ea: {  	v56 =	vadd.s32 s19, v0;
	v2 =	vadd.f32 v3, v2  }
0x4eb: {  	s20 =	simm.s32 $0x1A9;
	v3 =	vld.idx.msk [tilespmem:v54+s6+$0x0], $0xffff  }
0x4ec: {  	v57 =	vadd.s32 s20, v0;
	v2 =	vadd.f32 v4, v2  }
0x4ed: {  	s15 =	simm.s32 $0x1BA;
	v4 =	vld.idx.msk [tilespmem:v55+s6+$0x0], $0xffff  }
0x4ee: {  	v58 =	vadd.s32 s15, v0;
	v2 =	vadd.f32 v5, v2  }
0x4ef: {  	s16 =	simm.s32 $0x1CB;
	v5 =	vld.idx.msk [tilespmem:v56+s6+$0x0], $0xffff  }
0x4f0: {  	v59 =	vadd.s32 s16, v0;
	v2 =	vadd.f32 v3, v2  }
0x4f1: {  	v3 =	vld.idx.msk [tilespmem:v57+s6+$0x0], $0xffff  }
0x4f2: {  	s17 =	simm.s32 $0x1DC;
	v2 =	vadd.f32 v4, v2  }
0x4f3: {  	v60 =	vadd.s32 s17, v0;
	v4 =	vld.idx.msk [tilespmem:v58+s6+$0x0], $0xffff  }
0x4f4: {  	s18 =	simm.s32 $0x1ED;
	v2 =	vadd.f32 v5, v2  }
0x4f5: {  	v61 =	vadd.s32 s18, v0;
	v5 =	vld.idx.msk [tilespmem:v59+s6+$0x0], $0xffff  }
0x4f6: {  	v2 =	vadd.f32 v3, v2  }
0x4f7: {  	s19 =	simm.s32 $0x1FE  }
0x4f8: {  	v62 =	vadd.s32 s19, v0;
	v3 =	vld.idx.msk [tilespmem:v60+s6+$0x0], $0xffff;
	v2 =	vadd.f32 v4, v2  }
0x4f9: {  	s20 =	simm.s32 $0x20F  }
0x4fa: {  	v4 =	vld.idx.msk [tilespmem:v61+s6+$0x0], $0xffff;
	v2 =	vadd.f32 v5, v2;
	v5 =	vadd.s32 s20, v0;
	_ =	sdelay $0x2  }
0x4fb: {  	v63 =	vld.idx.msk [tilespmem:v62+s6+$0x0], $0xffff;
	v2 =	vadd.f32 v3, v2;
	_ =	sdelay $0x1  }
0x4fc: {  	v3 =	vadd.f32 v4, v2;
	v2 =	vld.idx.msk [tilespmem:v5+s6+$0x0], $0xffff;
	_ =	sdelay $0x2  }
0x4fd: {  	v3 =	vadd.f32 v63, v3  }
0x4fe: {  	s15 =	simm.s32 $0x42F;
	s16 =	simm.s32 $0x220;
	s14 =	simm.s32 $0x31F  }
.LBB2_20:
0x4ff: {  	p0 =	sne.s32 s15, $0x64F;
	v4 =	vor.u32 s16, v0;
	v2 =	vadd.f32 v2, v3  }
0x500: {  	s16 =	sadd.s32 $0xFFFFFF12, s14  }
0x501: {  	v3 =	vadd.s32 s16, v0;
	v2 =	vsub.f32 $1.200000000e+01, v2  }
0x502: {  	s13 =	sadd.s32 $0x10, s13;
	s16 =	sadd.s32 $0xFFFFFF23, s14  }
0x503: {  	v5 =	vadd.s32 s16, v0;
	[tilespmem:s13+$0x0] =	vst v2  }
0x504: {  	s16 =	sadd.s32 $0xFFFFFF34, s14;
	v2 =	vld.idx.msk [tilespmem:v4+s6+$0x0], $0xffff  }
0x505: {  	v4 =	vadd.s32 s16, v0  }
0x506: {  	s16 =	sadd.s32 $0xFFFFFF45, s14;
	v3 =	vld.idx.msk [tilespmem:v3+s6+$0x0], $0xffff  }
0x507: {  	v6 =	vadd.s32 s16, v0  }
0x508: {  	s16 =	sadd.s32 $0xFFFFFF56, s14;
	v5 =	vld.idx.msk [tilespmem:v5+s6+$0x0], $0xffff  }
0x509: {  	v7 =	vadd.s32 s16, v0  }
0x50a: {  	s16 =	sadd.s32 $0xFFFFFF67, s14;
	v2 =	vadd.f32 $0.0e+00, v2;
	v4 =	vld.idx.msk [tilespmem:v4+s6+$0x0], $0xffff  }
0x50b: {  	v8 =	vadd.s32 s16, v0  }
0x50c: {  	s16 =	sadd.s32 $0xFFFFFF78, s14;
	v2 =	vadd.f32 v3, v2;
	v3 =	vld.idx.msk [tilespmem:v6+s6+$0x0], $0xffff  }
0x50d: {  	v6 =	vadd.s32 s16, v0  }
0x50e: {  	s16 =	sadd.s32 $0xFFFFFF89, s14;
	v2 =	vadd.f32 v5, v2;
	v5 =	vld.idx.msk [tilespmem:v7+s6+$0x0], $0xffff  }
0x50f: {  	v7 =	vadd.s32 s16, v0  }
0x510: {  	s16 =	sadd.s32 $0xFFFFFF9A, s14;
	v2 =	vadd.f32 v4, v2;
	v4 =	vld.idx.msk [tilespmem:v8+s6+$0x0], $0xffff  }
0x511: {  	v8 =	vadd.s32 s16, v0  }
0x512: {  	s16 =	sadd.s32 $0xFFFFFFAB, s14;
	v2 =	vadd.f32 v3, v2;
	v3 =	vld.idx.msk [tilespmem:v6+s6+$0x0], $0xffff  }
0x513: {  	v6 =	vadd.s32 s16, v0  }
0x514: {  	s16 =	sadd.s32 $0xFFFFFFBC, s14;
	v2 =	vadd.f32 v5, v2;
	v5 =	vld.idx.msk [tilespmem:v7+s6+$0x0], $0xffff  }
0x515: {  	v7 =	vadd.s32 s16, v0  }
0x516: {  	s16 =	sadd.s32 $0xFFFFFFCD, s14;
	v2 =	vadd.f32 v4, v2;
	v4 =	vld.idx.msk [tilespmem:v8+s6+$0x0], $0xffff  }
0x517: {  	v8 =	vadd.s32 s16, v0  }
0x518: {  	s16 =	sadd.s32 $0xFFFFFFDE, s14;
	v2 =	vadd.f32 v3, v2;
	v3 =	vld.idx.msk [tilespmem:v6+s6+$0x0], $0xffff  }
0x519: {  	v6 =	vadd.s32 s16, v0  }
0x51a: {  	s16 =	sadd.s32 $0xFFFFFFEF, s14;
	v2 =	vadd.f32 v5, v2;
	v5 =	vld.idx.msk [tilespmem:v7+s6+$0x0], $0xffff  }
0x51b: {  	v7 =	vadd.s32 s16, v0  }
0x51c: {  	v2 =	vadd.f32 v4, v2;
	v4 =	vld.idx.msk [tilespmem:v8+s6+$0x0], $0xffff  }
0x51d: {  	v8 =	vadd.s32 s14, v0;
	s14 =	smov.u32 s15  }
0x51e: {  	v2 =	vadd.f32 v3, v2;
	v3 =	vld.idx.msk [tilespmem:v6+s6+$0x0], $0xffff;
	_ =	sdelay $0x1  }
0x51f: {  	v2 =	vadd.f32 v5, v2;
	v5 =	vld.idx.msk [tilespmem:v7+s6+$0x0], $0xffff;
	_ =	sdelay $0x1  }
0x520: {  	v4 =	vadd.f32 v4, v2;
	v2 =	vld.idx.msk [tilespmem:v8+s6+$0x0], $0xffff  }
.Ltmp9:
0x521: {  	(pc) =	sbr.rel @p0 .LBB2_20-.Ltmp9, $3  }
0x522: {  	v3 =	vadd.f32 v3, v4;
	_ =	sdelay $0x1  }
0x523: {  	v3 =	vadd.f32 v5, v3  }
0x524: {  	s15 =	sadd.s32 $0x110, s15;
	s16 =	sadd.s32 $0xFFFFFF01, s14  }
0x525: {  	v4 =	vor.u32 s16, v0;
	v2 =	vadd.f32 v2, v3  }
0x526: {  	s15 =	sadd.s32 $0xFFFFFF12, s14  }
0x527: {  	v3 =	vadd.s32 s15, v0;
	v2 =	vsub.f32 $1.200000000e+01, v2  }
0x528: {  	s17 =	sadd.s32 $0xFFFFFF23, s14;
	s13 =	sadd.s32 $0x10, s13  }
0x529: {  	v5 =	vadd.s32 s17, v0;
	[tilespmem:s13+$0x0] =	vst v2  }
0x52a: {  	s18 =	sadd.s32 $0xFFFFFF34, s14;
	v2 =	vld.idx.msk [tilespmem:v4+s6+$0x0], $0xffff  }
0x52b: {  	v4 =	vadd.s32 s18, v0  }
0x52c: {  	s19 =	sadd.s32 $0xFFFFFF45, s14;
	v3 =	vld.idx.msk [tilespmem:v3+s6+$0x0], $0xffff  }
0x52d: {  	v6 =	vadd.s32 s19, v0  }
0x52e: {  	s20 =	sadd.s32 $0xFFFFFF56, s14;
	v5 =	vld.idx.msk [tilespmem:v5+s6+$0x0], $0xffff  }
0x52f: {  	v7 =	vadd.s32 s20, v0;
	v2 =	vadd.f32 $0.0e+00, v2  }
0x530: {  	s16 =	sadd.s32 $0xFFFFFF67, s14;
	v4 =	vld.idx.msk [tilespmem:v4+s6+$0x0], $0xffff  }
0x531: {  	v8 =	vadd.s32 s16, v0;
	v2 =	vadd.f32 v3, v2  }
0x532: {  	s17 =	sadd.s32 $0xFFFFFF78, s14;
	v3 =	vld.idx.msk [tilespmem:v6+s6+$0x0], $0xffff  }
0x533: {  	v6 =	vadd.s32 s17, v0;
	v2 =	vadd.f32 v5, v2  }
0x534: {  	s18 =	sadd.s32 $0xFFFFFF89, s14;
	v5 =	vld.idx.msk [tilespmem:v7+s6+$0x0], $0xffff  }
0x535: {  	v7 =	vadd.s32 s18, v0;
	v2 =	vadd.f32 v4, v2  }
0x536: {  	s19 =	sadd.s32 $0xFFFFFF9A, s14;
	v4 =	vld.idx.msk [tilespmem:v8+s6+$0x0], $0xffff  }
0x537: {  	v59 =	vadd.s32 s19, v0;
	v2 =	vadd.f32 v3, v2  }
0x538: {  	s20 =	sadd.s32 $0xFFFFFFAB, s14;
	v3 =	vld.idx.msk [tilespmem:v6+s6+$0x0], $0xffff  }
0x539: {  	v6 =	vadd.s32 s20, v0;
	v2 =	vadd.f32 v5, v2  }
0x53a: {  	s16 =	sadd.s32 $0xFFFFFFBC, s14;
	v5 =	vld.idx.msk [tilespmem:v7+s6+$0x0], $0xffff  }
0x53b: {  	v7 =	vadd.s32 s16, v0;
	v2 =	vadd.f32 v4, v2  }
0x53c: {  	s17 =	sadd.s32 $0xFFFFFFCD, s14;
	v4 =	vld.idx.msk [tilespmem:v59+s6+$0x0], $0xffff  }
0x53d: {  	v60 =	vadd.s32 s17, v0;
	v2 =	vadd.f32 v3, v2  }
0x53e: {  	s18 =	sadd.s32 $0xFFFFFFDE, s14;
	v3 =	vld.idx.msk [tilespmem:v6+s6+$0x0], $0xffff  }
0x53f: {  	v6 =	vadd.s32 s18, v0;
	v2 =	vadd.f32 v5, v2  }
0x540: {  	s19 =	sadd.s32 $0xFFFFFFEF, s14;
	v5 =	vld.idx.msk [tilespmem:v7+s6+$0x0], $0xffff  }
0x541: {  	v7 =	vadd.s32 s19, v0;
	v2 =	vadd.f32 v4, v2  }
0x542: {  	v4 =	vld.idx.msk [tilespmem:v60+s6+$0x0], $0xffff  }
0x543: {  	v61 =	vadd.s32 s14, v0;
	v2 =	vadd.f32 v3, v2  }
0x544: {  	v3 =	vld.idx.msk [tilespmem:v6+s6+$0x0], $0xffff  }
0x545: {  	v2 =	vadd.f32 v5, v2  }
0x546: {  	v5 =	vld.idx.msk [tilespmem:v7+s6+$0x0], $0xffff  }
0x547: {  	v2 =	vadd.f32 v4, v2  }
0x548: {  	v4 =	vld.idx.msk [tilespmem:v61+s6+$0x0], $0xffff  }
0x549: {  	v2 =	vadd.f32 v3, v2;
	_ =	sdelay $0x1  }
0x54a: {  	v2 =	vadd.f32 v5, v2;
	_ =	sdelay $0x1  }
0x54b: {  	v2 =	vadd.f32 v4, v2;
	_ =	sdelay $0x1  }
0x54c: {  	v2 =	vsub.f32 $1.200000000e+01, v2  }
0x54d: {  	s13 =	sadd.s32 $0x10, s13  }
0x54e: {  	[tilespmem:s13+$0x0] =	vst v2  }
0x54f: {  	_ =	swait.ge [sflag:s11], $0x1000  }
0x550: {  	[sflag:s11] =	ssyncset.done $0x0  }
0x551: {  	[sflag:s11] =	ssyncadd.s32 $0xFFFFF000  }
0x552: {  	_ =	swait.ge [sflag:s11], $0x1000  }
0x553: {  	[sflag:s11] =	ssyncset.done $0x0  }
0x554: {  	s14 =	simm.s32 $0x0;
	[sflag:s11] =	ssyncadd.s32 $0xFFFFF000  }
0x555: {  	v2 =	vld [tilespmem:s14+$0x8C00]  }
0x556: {  	v3 =	vld [tilespmem:s14+$0x14C10]  }
0x557: {  	v4 =	vld [tilespmem:s14+$0x8C10]  }
0x558: {  	v5 =	vld [tilespmem:s14+$0x14C00]  }
0x559: {  	v6 =	vld [tilespmem:s14+$0x8C20]  }
0x55a: {  	v7 =	vld [tilespmem:s14+$0x14C20]  }
0x55b: {  	v62 =	vld [tilespmem:s14+$0x14C30]  }
0x55c: {  	v9 =	vld [tilespmem:s14+$0x8C30]  }
0x55d: {  	v3 =	vsub.f32 v4, v3;
	v2 =	vsub.f32 v2, v5;
	v4 =	vld [tilespmem:s14+$0x14C40]  }
0x55e: {  	v5 =	vld [tilespmem:s14+$0x8C40]  }
0x55f: {  	v6 =	vsub.f32 v6, v7;
	v7 =	vld [tilespmem:s14+$0x14C50];
	v2 =	vand.u32 $0x7FFFFFFF, v2;
	v3 =	vand.u32 $0x7FFFFFFF, v3  }
0x560: {  	v2 =	vadd.f32 v3, v2;
	v3 =	vld [tilespmem:s14+$0x8C50]  }
0x561: {  	v8 =	vsub.f32 v9, v62;
	v6 =	vand.u32 $0x7FFFFFFF, v6  }
0x562: {  	v2 =	vadd.f32 v6, v2  }
0x563: {  	v8 =	vand.u32 $0x7FFFFFFF, v8;
	v4 =	vsub.f32 v5, v4  }
0x564: {  	v63 =	vld [tilespmem:s14+$0x14C60];
	v2 =	vadd.f32 v8, v2  }
0x565: {  	v6 =	vld [tilespmem:s14+$0x8C60];
	v4 =	vand.u32 $0x7FFFFFFF, v4;
	v3 =	vsub.f32 v3, v7  }
0x566: {  	v4 =	vadd.f32 v4, v2;
	v2 =	vld [tilespmem:s14+$0x14C70]  }
0x567: {  	s20 =	simm.s32 $0x0;
	v7 =	vand.u32 $0x7FFFFFFF, v3;
	v3 =	vld [tilespmem:s14+$0x8C70]  }
0x568: {  	s17 =	simm.s32 $0x0;
	s18 =	smul.u32 $0x110, s20  }
0x569: {  	s15 =	simm.s32 $0x1;
	s17 =	sand.u32 $0xE, s17  }
0x56a: {  	s16 =	simm.s32 $0x400;
	s20 =	sand.u32 $0xF, s15;
	s19 =	sor.u32 s17, s18;
	v5 =	vsub.f32 v6, v63  }
0x56b: {  	s18 =	sor.u32 s18, s20;
	s17 =	simm.s32 $0x0;
	s13 =	simm.s32 $0x0;
	v4 =	vadd.f32 v7, v4  }
.LBB2_22:
0x56c: {  	p0 =	sne.s32 s16, $0x3C00;
	v5 =	vand.u32 $0x7FFFFFFF, v5;
	v2 =	vsub.f32 v3, v2;
	v3 =	vadd.s32 s19, v1;
	s17 =	sadd.s32 $0x1, s17;
	s15 =	sadd.s32 $0x2, s15  }
0x56d: {  	s19 =	smov.u32 s16;
	s16 =	sadd.s32 $0x400, s16;
	v4 =	vadd.f32 v5, v4  }
0x56e: {  	v2 =	vand.u32 $0x7FFFFFFF, v2  }
0x56f: {  	v2 =	vadd.f32 v2, v4;
	_ =	sdelay $0x1  }
0x570: {  	[tilespmem:v3+s6+$0x0] =	vst.idx.msk $0xffff, v2  }
0x571: {  	v2 =	vld [tilespmem:s14+$0x8C80]  }
0x572: {  	s19 =	sshra.s32 s19, $0x2;
	v3 =	vld [tilespmem:s14+$0x14C80]  }
0x573: {  	v4 =	vld [tilespmem:s14+$0x8CA0]  }
0x574: {  	v5 =	vld [tilespmem:s14+$0x14C90]  }
0x575: {  	v6 =	vld [tilespmem:s14+$0x8C90]  }
0x576: {  	v7 =	vld [tilespmem:s14+$0x14CA0]  }
0x577: {  	v2 =	vsub.f32 v2, v3;
	v3 =	vld [tilespmem:s14+$0x8CB0]  }
0x578: {  	v8 =	vld [tilespmem:s14+$0x14CB0]  }
0x579: {  	v9 =	vld [tilespmem:s14+$0x8CC0]  }
0x57a: {  	v5 =	vsub.f32 v6, v5;
	v6 =	vld [tilespmem:s14+$0x14CC0]  }
0x57b: {  	v4 =	vsub.f32 v4, v7;
	v7 =	vld [tilespmem:s14+$0x8CD0]  }
0x57c: {  	v2 =	vand.u32 $0x7FFFFFFF, v2;
	v5 =	vand.u32 $0x7FFFFFFF, v5;
	v10 =	vld [tilespmem:s14+$0x14CD0]  }
0x57d: {  	v2 =	vadd.f32 v5, v2;
	v3 =	vsub.f32 v3, v8;
	v5 =	vld [tilespmem:s14+$0x8CE0]  }
0x57e: {  	v4 =	vand.u32 $0x7FFFFFFF, v4;
	v8 =	vld [tilespmem:s14+$0x14CE0]  }
0x57f: {  	v2 =	vadd.f32 v4, v2;
	v4 =	vsub.f32 v9, v6;
	v6 =	vld [tilespmem:s14+$0x8CF0]  }
0x580: {  	v3 =	vand.u32 $0x7FFFFFFF, v3;
	v9 =	vld [tilespmem:s14+$0x14CF0];
	s14 =	smov.u32 s19  }
0x581: {  	v2 =	vadd.f32 v3, v2;
	v3 =	vsub.f32 v7, v10  }
0x582: {  	v4 =	vand.u32 $0x7FFFFFFF, v4  }
0x583: {  	v2 =	vadd.f32 v4, v2;
	v4 =	vsub.f32 v5, v8  }
0x584: {  	v3 =	vand.u32 $0x7FFFFFFF, v3  }
0x585: {  	v2 =	vadd.f32 v3, v2;
	v3 =	vsub.f32 v6, v9  }
0x586: {  	v5 =	vadd.s32 s18, v1;
	v4 =	vand.u32 $0x7FFFFFFF, v4  }
0x587: {  	v2 =	vadd.f32 v4, v2  }
0x588: {  	v3 =	vand.u32 $0x7FFFFFFF, v3  }
0x589: {  	v2 =	vadd.f32 v3, v2;
	_ =	sdelay $0x1  }
0x58a: {  	[tilespmem:v5+s6+$0x0] =	vst.idx.msk $0xffff, v2  }
0x58b: {  	v2 =	vld [tilespmem:s14+$0x8C00]  }
0x58c: {  	v3 =	vld [tilespmem:s14+$0x14C10]  }
0x58d: {  	v4 =	vld [tilespmem:s14+$0x8C10]  }
0x58e: {  	v5 =	vld [tilespmem:s14+$0x14C00]  }
0x58f: {  	v6 =	vld [tilespmem:s14+$0x8C20]  }
0x590: {  	v7 =	vld [tilespmem:s14+$0x14C20]  }
0x591: {  	v8 =	vld [tilespmem:s14+$0x14C30]  }
0x592: {  	v3 =	vsub.f32 v4, v3;
	v4 =	vld [tilespmem:s14+$0x8C30]  }
0x593: {  	v2 =	vsub.f32 v2, v5;
	v5 =	vld [tilespmem:s14+$0x14C40]  }
0x594: {  	v9 =	vld [tilespmem:s14+$0x8C40]  }
0x595: {  	v3 =	vand.u32 $0x7FFFFFFF, v3;
	v2 =	vand.u32 $0x7FFFFFFF, v2;
	v6 =	vsub.f32 v6, v7;
	v7 =	vld [tilespmem:s14+$0x14C50]  }
0x596: {  	v2 =	vadd.f32 v3, v2;
	v10 =	vld [tilespmem:s14+$0x8C50]  }
0x597: {  	v3 =	vand.u32 $0x7FFFFFFF, v6;
	v4 =	vsub.f32 v4, v8;
	v6 =	vld [tilespmem:s14+$0x14C60]  }
0x598: {  	v3 =	vadd.f32 v3, v2;
	v8 =	vld [tilespmem:s14+$0x8C60]  }
0x599: {  	v4 =	vand.u32 $0x7FFFFFFF, v4;
	v5 =	vsub.f32 v9, v5;
	v2 =	vld [tilespmem:s14+$0x14C70]  }
.Ltmp10:
0x59a: {  	v4 =	vadd.f32 v4, v3;
	v3 =	vld [tilespmem:s14+$0x8C70];
	(pc) =	sbr.rel @p0 .LBB2_22-.Ltmp10, $4  }
0x59b: {  	s18 =	sshrl.u32 s17, $0x3;
	v5 =	vand.u32 $0x7FFFFFFF, v5;
	v7 =	vsub.f32 v10, v7  }
0x59c: {  	s19 =	sadd.s32 $0xFFFFFFFF, s15;
	s18 =	smul.u32 $0x110, s18;
	v4 =	vadd.f32 v5, v4  }
0x59d: {  	s20 =	sand.u32 $0xF, s15;
	s19 =	sand.u32 $0xE, s19;
	v7 =	vand.u32 $0x7FFFFFFF, v7;
	v5 =	vsub.f32 v8, v6  }
0x59e: {  	s19 =	sor.u32 s19, s18;
	s18 =	sor.u32 s18, s20;
	v4 =	vadd.f32 v7, v4  }
0x59f: {  	v5 =	vand.u32 $0x7FFFFFFF, v5;
	v2 =	vsub.f32 v3, v2;
	v3 =	vadd.s32 s19, v1  }
0x5a0: {  	v4 =	vadd.f32 v5, v4  }
0x5a1: {  	v2 =	vand.u32 $0x7FFFFFFF, v2  }
0x5a2: {  	v2 =	vadd.f32 v2, v4;
	_ =	sdelay $0x1  }
0x5a3: {  	[tilespmem:v3+s6+$0x0] =	vst.idx.msk $0xffff, v2  }
0x5a4: {  	v2 =	vld [tilespmem:s14+$0x8C80]  }
0x5a5: {  	v3 =	vld [tilespmem:s14+$0x14C80]  }
0x5a6: {  	v52 =	vld [tilespmem:s14+$0x14C90]  }
0x5a7: {  	v53 =	vld [tilespmem:s14+$0x8C90]  }
0x5a8: {  	v6 =	vld [tilespmem:s14+$0x8CA0]  }
0x5a9: {  	v7 =	vld [tilespmem:s14+$0x14CA0]  }
0x5aa: {  	v8 =	vld [tilespmem:s14+$0x8CB0]  }
0x5ab: {  	v9 =	vld [tilespmem:s14+$0x14CB0]  }
0x5ac: {  	v54 =	vld [tilespmem:s14+$0x14CC0];
	v2 =	vsub.f32 v2, v3;
	v4 =	vsub.f32 v53, v52  }
0x5ad: {  	v3 =	vld [tilespmem:s14+$0x8CC0]  }
0x5ae: {  	v55 =	vld [tilespmem:s14+$0x8CD0];
	v6 =	vsub.f32 v6, v7;
	v2 =	vand.u32 $0x7FFFFFFF, v2;
	v4 =	vand.u32 $0x7FFFFFFF, v4  }
0x5af: {  	v10 =	vld [tilespmem:s14+$0x14CD0];
	v2 =	vadd.f32 v4, v2  }
0x5b0: {  	v57 =	vld [tilespmem:s14+$0x8CE0];
	v56 =	vsub.f32 v8, v9;
	v6 =	vand.u32 $0x7FFFFFFF, v6  }
0x5b1: {  	v58 =	vld [tilespmem:s14+$0x14CE0];
	v2 =	vadd.f32 v6, v2  }
0x5b2: {  	v59 =	vld [tilespmem:s14+$0x8CF0];
	v4 =	vand.u32 $0x7FFFFFFF, v56;
	v3 =	vsub.f32 v3, v54  }
0x5b3: {  	v60 =	vld [tilespmem:s14+$0x14CF0];
	v2 =	vadd.f32 v4, v2  }
0x5b4: {  	v61 =	vsub.f32 v55, v10;
	v3 =	vand.u32 $0x7FFFFFFF, v3  }
0x5b5: {  	v2 =	vadd.f32 v3, v2  }
0x5b6: {  	v4 =	vand.u32 $0x7FFFFFFF, v61;
	v3 =	vsub.f32 v57, v58  }
0x5b7: {  	v2 =	vadd.f32 v4, v2  }
0x5b8: {  	v63 =	vadd.s32 s18, v1;
	v62 =	vsub.f32 v59, v60;
	v3 =	vand.u32 $0x7FFFFFFF, v3  }
0x5b9: {  	v2 =	vadd.f32 v3, v2  }
0x5ba: {  	v3 =	vand.u32 $0x7FFFFFFF, v62  }
0x5bb: {  	v2 =	vadd.f32 v3, v2;
	_ =	sdelay $0x1  }
0x5bc: {  	p0 =	por $0x1, $0x1;
	[tilespmem:v63+s6+$0x0] =	vst.idx.msk $0xffff, v2  }
.LBB2_24:
0x5bd: {  	s14 =	smul.u32 $0x110, s13;
	_ =	sdelay $0x1  }
0x5be: {  	v2 =	vor.u32 s14, v0  }
0x5bf: {  	s15 =	sadd.s32 $0x11, s14  }
0x5c0: {  	v3 =	vadd.s32 s15, v0  }
0x5c1: {  	s17 =	sadd.s32 $0x22, s14  }
0x5c2: {  	v4 =	vadd.s32 s17, v0  }
0x5c3: {  	s18 =	sadd.s32 $0x33, s14;
	v2 =	vld.idx.msk [tilespmem:v2+s6+$0x0], $0xffff  }
0x5c4: {  	v5 =	vadd.s32 s18, v0  }
0x5c5: {  	s19 =	sadd.s32 $0x44, s14;
	v3 =	vld.idx.msk [tilespmem:v3+s6+$0x0], $0xffff  }
0x5c6: {  	v6 =	vadd.s32 s19, v0  }
0x5c7: {  	s20 =	sadd.s32 $0x55, s14;
	v4 =	vld.idx.msk [tilespmem:v4+s6+$0x0], $0xffff  }
0x5c8: {  	v7 =	vadd.s32 s20, v0;
	v2 =	vadd.f32 $0.0e+00, v2  }
0x5c9: {  	s16 =	sadd.s32 $0x66, s14;
	v5 =	vld.idx.msk [tilespmem:v5+s6+$0x0], $0xffff  }
0x5ca: {  	v2 =	vadd.f32 v3, v2;
	v3 =	vadd.s32 s16, v0  }
0x5cb: {  	s17 =	sadd.s32 $0x77, s14;
	v6 =	vld.idx.msk [tilespmem:v6+s6+$0x0], $0xffff  }
0x5cc: {  	v55 =	vadd.s32 s17, v0;
	v2 =	vadd.f32 v4, v2  }
0x5cd: {  	s18 =	sadd.s32 $0x88, s14;
	v7 =	vld.idx.msk [tilespmem:v7+s6+$0x0], $0xffff  }
0x5ce: {  	v56 =	vadd.s32 s18, v0;
	v2 =	vadd.f32 v5, v2  }
0x5cf: {  	s19 =	sadd.s32 $0x99, s14;
	v3 =	vld.idx.msk [tilespmem:v3+s6+$0x0], $0xffff  }
0x5d0: {  	v57 =	vadd.s32 s19, v0;
	v2 =	vadd.f32 v6, v2  }
0x5d1: {  	s20 =	sadd.s32 $0xAA, s14;
	v4 =	vld.idx.msk [tilespmem:v55+s6+$0x0], $0xffff  }
0x5d2: {  	v58 =	vadd.s32 s20, v0;
	v2 =	vadd.f32 v7, v2  }
0x5d3: {  	s16 =	sadd.s32 $0xBB, s14;
	v5 =	vld.idx.msk [tilespmem:v56+s6+$0x0], $0xffff  }
0x5d4: {  	v2 =	vadd.f32 v3, v2;
	v3 =	vadd.s32 s16, v0  }
0x5d5: {  	s17 =	sadd.s32 $0xCC, s14;
	v6 =	vld.idx.msk [tilespmem:v57+s6+$0x0], $0xffff  }
0x5d6: {  	v59 =	vadd.s32 s17, v0;
	v2 =	vadd.f32 v4, v2  }
0x5d7: {  	s18 =	sadd.s32 $0xDD, s14;
	v7 =	vld.idx.msk [tilespmem:v58+s6+$0x0], $0xffff  }
0x5d8: {  	v60 =	vadd.s32 s18, v0;
	v2 =	vadd.f32 v5, v2  }
0x5d9: {  	s19 =	sadd.s32 $0xEE, s14;
	v3 =	vld.idx.msk [tilespmem:v3+s6+$0x0], $0xffff  }
0x5da: {  	v61 =	vadd.s32 s19, v0;
	v2 =	vadd.f32 v6, v2  }
0x5db: {  	s14 =	sadd.s32 $0xFF, s14;
	v4 =	vld.idx.msk [tilespmem:v59+s6+$0x0], $0xffff  }
0x5dc: {  	v62 =	vadd.s32 s14, v0;
	v2 =	vadd.f32 v7, v2  }
0x5dd: {  	v5 =	vld.idx.msk [tilespmem:v60+s6+$0x0], $0xffff  }
0x5de: {  	v2 =	vadd.f32 v3, v2  }
0x5df: {  	v3 =	vld.idx.msk [tilespmem:v61+s6+$0x0], $0xffff  }
0x5e0: {  	v2 =	vadd.f32 v4, v2  }
0x5e1: {  	v63 =	vld.idx.msk [tilespmem:v62+s6+$0x0], $0xffff  }
0x5e2: {  	v2 =	vadd.f32 v5, v2;
	_ =	sdelay $0x1  }
0x5e3: {  	v2 =	vadd.f32 v3, v2  }
0x5e4: {  	p1 =	por p0, p0  }
.Ltmp11:
0x5e5: {  	v2 =	vadd.f32 v63, v2;
	(pc) =	sbr.rel @p1 .LBB2_24-.Ltmp11, $4  }
0x5e6: {  	_ = 	snop  }
0x5e7: {  	s20 =	sshll.u32 s13, $0x4;
	v2 =	vsub.f32 $1.200000000e+01, v2  }
0x5e8: {  	s13 =	sand.u32 $0x3FFFFFF0, s20  }
0x5e9: {  	p0 =	por $0x0, $0x0;
	[tilespmem:s13+$0x19660] =	vst v2;
	s13 =	simm.s32 $0x1  }
0x5ea: {  	s12 =	sadd.s32 $0x1, s12  }
0x5eb: {  	p0 =	sne.s32 s12, s24  }
.Ltmp12:
0x5ec: {  	s13 =	simm.s32 $0x19480;
	(pc) =	sbr.rel @p0 .LBB2_1-.Ltmp12, $4  }
0x5ed: {  	[hbm4b:s23+s3] =	stream.linear.scatter [tilespmem:s13], [sflag:$0x8], $0x200, $0x38;
	[tilespmem:$0x19680] =	vst v63  }
0x5ee: {  	_ =	swait.ge [sflag:s10], $0x200  }
0x5ef: {  	[sflag:s10] =	ssyncset.done $0x0  }
0x5f0: {  	[sflag:s10] =	ssyncadd.s32 $0xFFFFFE00  }
0x5f1: {  	_ =	sfence.sel $0x180000  }
0x5f2: {  	[bflag:$0x0] =	sbarrier.arrive $0xFFFF  }
0x5f3: {  	_ =	strace $0x90000047  }
0x5f4: {  	s0 =	stileid.u32;
	[bflag:$0x2] =	sbarrier.arrive $0xFFFF  }
0x5f5: {  	p0 =	sne.s32 s0, $0x0;
	s0 =	rddreg [dreg:$0x4]  }
0x5f6: {  	s0 =	sadd.s32 @!p0 $0x100000, s0  }
0x5f7: {  	[sflag:s0] =	ssyncadd.tile.s32 @!p0 $0x1;
	_ =	shalt  }
.Lfunc_end2:
_tile_overlayer_lowered:
.L_overlay_start_2:
0x5f8: {  	(tag) =	ssettag $0x2  }
0x5f9: {  	s0 =	rddreg [dreg:$0x0];
	s2 =	stileid.u32  }
0x5fa: {  	s1 =	rddreg [dreg:$0x1];
	p0 =	sne.s32 s2, $0x0  }
0x5fb: {  	s3 =	rddreg [dreg:$0x2];
	[bflag:$0x3] =	sbarrier.arrive $0xFFFF;
	s2 =	simm.s32 @!p0 $0x1C08  }
0x5fc: {  	[timem:s3], [sflag:s2] =	dma.local @!p0 [hbm:s0], s1  }
0x5fd: {  	s0 =	simm.s32 @!p0 $0x8  }
0x5fe: {  	_ =	swait.ge @!p0 [sflag:s0], s1  }
0x5ff: {  	s1 =	ssub.s32 @!p0 $0x0, s1;
	[sflag:s0] =	ssyncset.done @!p0 $0x0  }
0x600: {  	[sflag:s0] =	ssyncadd.s32 @!p0 s1  }
0x601: {  	[bflag:$0x3] =	sbarrier.arrive $0xFFFF  }
0x602: {  	_ =	shalt  }

</sc_bundles>
